<compile_context>
chip_gen: v7x
topology: tpu7x:2x2x1
jax: 0.10.2.dev20260603
libtpu: 0.0.44.dev20260713+nightly
codegen_flags: <defaults>
</compile_context>

<pallas_src>
import functools

import jax
import jax.numpy as jnp
from jax import lax
from jax.experimental import pallas as pl
from jax.experimental.pallas import tpu as pltpu
from jax.experimental.pallas import tpu_sc as plsc

N = 10000
E = 320000
D = 128
N_PAD = 10240
NC = 2
NS = 16
NW = NC * NS
EW = E // NW
PASS = 25
NBUF = 4
ROWS_PER_TILE = N // NS
ZR = 5
K1C = 80
K1NPASS = 2 * E // (NW * K1C * PASS)
K5C = 80
K5NPASS = EW // (K5C * PASS)
K5RING = 4


@functools.cache
def _mesh_kwargs():
    return dict(
        mesh=plsc.VectorSubcoreMesh(
            core_axis_name="c", subcore_axis_name="s", num_cores=NC, num_subcores=NS
        )
    )


def _zero_fill(ref, nrows, width):
    @pl.loop(0, nrows)
    def _(i):
        for k in range(width // 16):
            ref[i, pl.ds(k * 16, 16)] = jnp.zeros((16,), jnp.float32)


def _k1_body(src_hbm, dst_hbm, out_hbm, sidx, didx, ones_v, zz_v, deg_sh, *sems):
    c = lax.axis_index("c")
    s = lax.axis_index("s")
    wid = c * NS + s
    for k in range(K1C // 16):
        ones_v[pl.ds(k * 16, 16)] = jnp.full((16,), 1.0, jnp.float32)
    nz = 2 * N_PAD // NS
    @pl.loop(0, 10)
    def _(i):
        zz_v[pl.ds(i * 16, 16)] = jnp.zeros((16,), jnp.float32)
    @pl.loop(0, nz // 160)
    def _(i):
        pltpu.sync_copy(zz_v, deg_sh.at[pl.ds(s * nz + i * 160, 160)])
    plsc.subcore_barrier()
    dego = deg_sh.at[pl.ds(0, N_PAD)]
    degi = deg_sh.at[pl.ds(N_PAD, N_PAD)]

    def fire(table, idx, j, b):
        pltpu.async_copy(ones_v, table.at[idx.at[j]], sems[b], add=True)

    def drain(b):
        pltpu.make_async_copy(
            out_hbm.at[0, pl.ds(0, K1C)], ones_v, sems[b]
        ).wait()

    @pl.loop(0, K5NPASS)
    def _(p):
        pltpu.sync_copy(src_hbm.at[wid, p], sidx)
        pltpu.sync_copy(dst_hbm.at[wid, p], didx)
        for j in range(5):
            fire(dego, sidx, j, j)
            fire(degi, didx, j, j + 5)
        @pl.loop(0, PASS // 5 - 1)
        def _(g):
            for i in range(5):
                j = 5 + g * 5 + i
                drain(i)
                fire(dego, sidx, j, i)
                drain(i + 5)
                fire(degi, didx, j, i + 5)
        for b in range(10):
            drain(b)
    plsc.subcore_barrier()
    pltpu.sync_copy(deg_sh.at[pl.ds(s * nz, nz)], out_hbm.at[c, pl.ds(s * nz, nz)])


@functools.cache
def _get_k1():
    return pl.kernel(
        _k1_body,
        out_type=jax.ShapeDtypeStruct((NC, 2 * N_PAD), jnp.float32),
        scratch_types=[
            pltpu.VMEM((PASS, K1C), jnp.int32),
            pltpu.VMEM((PASS, K1C), jnp.int32),
            pltpu.VMEM((K1C,), jnp.float32),
            pltpu.VMEM((160,), jnp.float32),
            pltpu.VMEM_SHARED((2 * N_PAD,), jnp.float32),
        ]
        + [pltpu.SemaphoreType.DMA] * 10,
        compiler_params=pltpu.CompilerParams(use_tc_tiling_on_sc=False),
        **_mesh_kwargs(),
    )


@functools.cache
def _make_seg_kernel(width, chunk, nbuf):
    npass = EW // (chunk * PASS)

    def body(table_hbm, src_hbm, dst_hbm, out_hbm, sidx, didx, zrow, acc_sh, *rest):
        bufs = rest[:nbuf]
        gsems = rest[nbuf:2 * nbuf]
        ssems = rest[2 * nbuf:3 * nbuf]
        c = lax.axis_index("c")
        s = lax.axis_index("s")
        wid = c * NS + s
        _zero_fill(zrow, ZR, width)
        base = s * ROWS_PER_TILE
        @pl.loop(0, ROWS_PER_TILE // ZR)
        def _(i):
            pltpu.sync_copy(zrow, acc_sh.at[pl.ds(base + i * ZR, ZR)])
        plsc.subcore_barrier()

        def wait_g(b):
            pltpu.make_async_copy(table_hbm.at[sidx.at[0]], bufs[b], gsems[b]).wait()

        def wait_s(b):
            pltpu.make_async_copy(table_hbm.at[sidx.at[0]], bufs[b], ssems[b]).wait()

        nsteady = (PASS - nbuf) // nbuf * nbuf
        @pl.loop(0, npass)
        def _(p):
            pltpu.sync_copy(src_hbm.at[wid, p], sidx)
            pltpu.sync_copy(dst_hbm.at[wid, p], didx)
            for b in range(nbuf):
                pltpu.async_copy(table_hbm.at[sidx.at[b]], bufs[b], gsems[b])
            wait_g(0)
            pltpu.async_copy(bufs[0], acc_sh.at[didx.at[0]], ssems[0], add=True)

            def step(j, b, bprev, refire_ok):
                wait_g(b)
                pltpu.async_copy(bufs[b], acc_sh.at[didx.at[j]], ssems[b], add=True)
                wait_s(bprev)
                if refire_ok:
                    pltpu.async_copy(
                        table_hbm.at[sidx.at[j - 1 + nbuf]], bufs[bprev], gsems[bprev]
                    )

            @pl.loop(0, nsteady // nbuf)
            def _(g):
                for i in range(nbuf):
                    step(1 + g * nbuf + i, (1 + i) % nbuf, i % nbuf, True)
            for j in range(1 + nsteady, PASS):
                step(j, j % nbuf, (j - 1) % nbuf, j - 1 + nbuf < PASS)
            wait_s((PASS - 1) % nbuf)
        plsc.subcore_barrier()
        pltpu.sync_copy(
            acc_sh.at[pl.ds(base, ROWS_PER_TILE)],
            out_hbm.at[c, pl.ds(base, ROWS_PER_TILE)],
        )

    return pl.kernel(
        body,
        out_type=jax.ShapeDtypeStruct((NC, N, width), jnp.float32),
        scratch_types=[
            pltpu.VMEM((PASS, chunk), jnp.int32),
            pltpu.VMEM((PASS, chunk), jnp.int32),
            pltpu.VMEM((ZR, width), jnp.float32),
            pltpu.VMEM_SHARED((N, width), jnp.float32),
        ]
        + [pltpu.VMEM((chunk, width), jnp.float32)] * nbuf
        + [pltpu.SemaphoreType.DMA] * (2 * nbuf),
        compiler_params=pltpu.CompilerParams(use_tc_tiling_on_sc=False),
        **_mesh_kwargs(),
    )


def _k5_body(y_hbm, src_hbm, dst_hbm, out_hbm, ytab, sidx, didx, vals, zz_v, acc_sh,
             *ssems):
    c = lax.axis_index("c")
    s = lax.axis_index("s")
    wid = c * NS + s
    @pl.loop(0, 10)
    def _(i):
        zz_v[pl.ds(i * 16, 16)] = jnp.zeros((16,), jnp.float32)
    pltpu.sync_copy(y_hbm, ytab)
    @pl.loop(0, 4)
    def _(i):
        pltpu.sync_copy(zz_v, acc_sh.at[pl.ds(s * 640 + i * 160, 160)])
    plsc.subcore_barrier()

    def wait_s(b):
        pltpu.make_async_copy(y_hbm.at[pl.ds(0, K5C)], vals.at[b], ssems[b]).wait()

    def fill_fire(j, b):
        for k in range(K5C // 16):
            idxv = sidx[j, pl.ds(k * 16, 16)]
            vals[b, pl.ds(k * 16, 16)] = plsc.load_gather(ytab, [idxv])
        pltpu.async_copy(vals.at[b], acc_sh.at[didx.at[j]], ssems[b], add=True)

    @pl.loop(0, K5NPASS)
    def _(p):
        pltpu.sync_copy(src_hbm.at[wid, p], sidx)
        pltpu.sync_copy(dst_hbm.at[wid, p], didx)
        for j in range(K5RING):
            fill_fire(j, j)
        @pl.loop(0, (PASS - K5RING) // K5RING)
        def _(g):
            for i in range(K5RING):
                j = K5RING + g * K5RING + i
                wait_s(i)
                fill_fire(j, i)
        for j in range(K5RING + (PASS - K5RING) // K5RING * K5RING, PASS):
            b = j % K5RING
            wait_s(b)
            fill_fire(j, b)
        for jj in range(PASS - K5RING, PASS):
            wait_s(jj % K5RING)
    plsc.subcore_barrier()
    pltpu.sync_copy(
        acc_sh.at[pl.ds(s * 640, 640)], out_hbm.at[c, pl.ds(s * 640, 640)]
    )


@functools.cache
def _get_k5():
    return pl.kernel(
        _k5_body,
        out_type=jax.ShapeDtypeStruct((NC, N_PAD), jnp.float32),
        scratch_types=[
            pltpu.VMEM((N,), jnp.float32),
            pltpu.VMEM((PASS, K5C), jnp.int32),
            pltpu.VMEM((PASS, K5C), jnp.int32),
            pltpu.VMEM((K5RING, K5C), jnp.float32),
            pltpu.VMEM((160,), jnp.float32),
            pltpu.VMEM_SHARED((N_PAD,), jnp.float32),
        ]
        + [pltpu.SemaphoreType.DMA] * K5RING,
        compiler_params=pltpu.CompilerParams(
            use_tc_tiling_on_sc=False, needs_layout_passes=False
        ),
        **_mesh_kwargs(),
    )


_R = 1000
_G = N // _R


def _k2_body(deg_ref, x_ref, xs_ref, nrm_ref):
    dsrc = deg_ref[0, 0] + deg_ref[1, 0]
    ddst = deg_ref[0, 1] + deg_ref[1, 1]
    ns = lax.rsqrt(jnp.maximum(dsrc, 1.0))
    nd = lax.rsqrt(jnp.maximum(ddst, 1.0))
    nrm_ref[0] = ns
    nrm_ref[1] = nd
    xs_ref[...] = x_ref[...] * ns


def _k2_norms_prescale(deg4, x):
    return pl.pallas_call(
        _k2_body,
        grid=(_G,),
        in_specs=[
            pl.BlockSpec((NC, 2, _R, 1), lambda i: (0, 0, i, 0)),
            pl.BlockSpec((_R, D), lambda i: (i, 0)),
        ],
        out_specs=[
            pl.BlockSpec((_R, D), lambda i: (i, 0)),
            pl.BlockSpec((2, _R, 1), lambda i: (0, i, 0)),
        ],
        out_shape=[
            jax.ShapeDtypeStruct((N, D), jnp.float32),
            jax.ShapeDtypeStruct((2, N, 1), jnp.float32),
        ],
    )(deg4, x)


def _k4_body(aggp_ref, nrm_ref, w0_ref, b0_ref, w1_ref, y16_ref):
    a = (aggp_ref[0] + aggp_ref[1]) * nrm_ref[1]
    h = jnp.dot(a, w0_ref[...], preferred_element_type=jnp.float32) + b0_ref[...]
    h = jnp.maximum(h, 0.0) * nrm_ref[0]
    y16_ref[...] = jnp.dot(h, w1_ref[...], preferred_element_type=jnp.float32)


def _k4_dense(aggp, nrm, W0, b0, W1):
    return pl.pallas_call(
        _k4_body,
        grid=(_G,),
        in_specs=[
            pl.BlockSpec((NC, _R, D), lambda i: (0, i, 0)),
            pl.BlockSpec((2, _R, 1), lambda i: (0, i, 0)),
            pl.BlockSpec((D, D), lambda i: (0, 0)),
            pl.BlockSpec((1, D), lambda i: (0, 0)),
            pl.BlockSpec((D, 1), lambda i: (0, 0)),
        ],
        out_specs=pl.BlockSpec((_R, 1), lambda i: (i, 0)),
        out_shape=jax.ShapeDtypeStruct((N, 1), jnp.float32),
    )(aggp, nrm, W0, b0, W1)


def _k6_body(qp_ref, nrm_ref, b1_ref, out_ref):
    q = qp_ref[0] + qp_ref[1]
    out_ref[...] = jax.nn.sigmoid(q * nrm_ref[1] + b1_ref[0, 0])


def _k6_output(qp, nrm, b1):
    return pl.pallas_call(
        _k6_body,
        grid=(_G,),
        in_specs=[
            pl.BlockSpec((NC, _R, 1), lambda i: (0, i, 0)),
            pl.BlockSpec((2, _R, 1), lambda i: (0, i, 0)),
            pl.BlockSpec((1, 1), lambda i: (0, 0)),
        ],
        out_specs=pl.BlockSpec((_R, 1), lambda i: (i, 0)),
        out_shape=jax.ShapeDtypeStruct((N, 1), jnp.float32),
    )(qp, nrm, b1)


def kernel(inputs, edge_index, W0, b0, W1, b1):
    x = inputs.astype(jnp.float32)
    src = edge_index[0].astype(jnp.int32)
    dst = edge_index[1].astype(jnp.int32)
    src40 = src.reshape(NW, EW // (40 * PASS), PASS, 40)
    dst40 = dst.reshape(NW, EW // (40 * PASS), PASS, 40)
    src80 = src.reshape(NW, EW // (80 * PASS), PASS, 80)
    dst80 = dst.reshape(NW, EW // (80 * PASS), PASS, 80)
    degp = _get_k1()(src80, dst80)
    deg4 = degp.reshape(NC, 2, N_PAD, 1)
    xs, nrm = _k2_norms_prescale(deg4, x)
    aggp = _make_seg_kernel(D, 40, 5)(xs, src40, dst40)
    y = _k4_dense(aggp, nrm, W0, b0.reshape(1, D), W1)
    qp = _get_k5()(y.reshape(N), src80, dst80)
    out = _k6_output(qp.reshape(NC, N_PAD, 1), nrm, b1.reshape(1, 1))
    return out

# --- scband reference (transcript-rebuilt; emitter-appended) ---
"""Pipeline reference for scband-gcn-dev-64690797412352 (READ-ONLY COPY).

The authoritative reference and input builder live on the scoring server;
editing this copy changes nothing except your own understanding.
"""

import jax, jax.numpy as jnp
import numpy as np

N = 10000
E = 320000
D_IN = 128
D_HID = 128
D_OUT = 1


def setup_inputs(seed: int = 0) -> dict:
    key = jax.random.key(seed)
    k1, k2, k3, k4 = jax.random.split(key, 4)
    x = jax.random.normal(k1, (N, D_IN), dtype=jnp.float32)
    edge_index = jax.random.randint(k2, (2, E), 0, N)
    # GraphConv weights (glorot-ish init) and biases per layer
    W0 = jax.random.normal(k3, (D_IN, D_HID), dtype=jnp.float32) * (1.0 / np.sqrt(D_IN))
    b0 = jnp.zeros((D_HID,), dtype=jnp.float32)
    W1 = jax.random.normal(k4, (D_HID, D_OUT), dtype=jnp.float32) * (1.0 / np.sqrt(D_HID))
    b1 = jnp.zeros((D_OUT,), dtype=jnp.float32)
    return {"inputs": x, "edge_index": edge_index, "W0": W0, "b0": b0, "W1": W1, "b1": b1}


def _gcn_conv(h, W, b, src, dst):
    # DGL GraphConv with norm='both':
    # out = D_in^{-1/2} A (D_out^{-1/2} h) W + b, degrees clamped to min 1
    ones = jnp.ones((src.shape[0],), dtype=jnp.float32)
    deg_out = jnp.clip(jax.ops.segment_sum(ones, src, num_segments=N), 1.0)
    deg_in = jnp.clip(jax.ops.segment_sum(ones, dst, num_segments=N), 1.0)
    norm_src = jnp.power(deg_out, -0.5)
    norm_dst = jnp.power(deg_in, -0.5)
    h = h * norm_src[:, None]
    agg = jax.ops.segment_sum(h[src], dst, num_segments=N)
    h = agg * norm_dst[:, None]
    return h @ W + b


def reference(inputs, edge_index, W0, b0, W1, b1):
    src = edge_index[0]
    dst = edge_index[1]
    # layer 0: GraphConv -> relu -> dropout(p=0.0, identity)
    h = _gcn_conv(inputs, W0, b0, src, dst)
    h = jax.nn.relu(h)
    # layer 1 (output layer): GraphConv -> sigmoid
    h = _gcn_conv(h, W1, b1, src, dst)
    h = jax.nn.sigmoid(h)
    return h

if __name__ == "__main__":
    import jax
    _d = setup_inputs()
    print(jax.jit(kernel)(*tuple(_d.values())))

</pallas_src>

<mosaic_0001>
#map = affine_map<(d0, d1) -> (0)>
#map1 = affine_map<(d0, d1) -> (0, 0, 0, 0)>
#map2 = affine_map<(d0, d1) -> (0, 0)>
module attributes {stable_mosaic.version = 14 : i64} {
  func.func @_k5_body(%arg0: i32, %arg1: i32, %arg2: memref<10000xf32, #tpu.memory_space<hbm>>, %arg3: memref<32x5x25x80xi32, #tpu.memory_space<hbm>>, %arg4: memref<32x5x25x80xi32, #tpu.memory_space<hbm>>, %arg5: memref<2x10240xf32, #tpu.memory_space<hbm>>, %arg6: memref<10000xf32, #tpu.memory_space<vmem>>, %arg7: memref<25x80xi32, #tpu.memory_space<vmem>>, %arg8: memref<25x80xi32, #tpu.memory_space<vmem>>, %arg9: memref<4x80xf32, #tpu.memory_space<vmem>>, %arg10: memref<160xf32, #tpu.memory_space<vmem>>, %arg11: memref<10240xf32, #tpu.memory_space<vmem_shared>>, %arg12: memref<!tpu.dma_semaphore, #tpu.memory_space<semaphore_mem>>, %arg13: memref<!tpu.dma_semaphore, #tpu.memory_space<semaphore_mem>>, %arg14: memref<!tpu.dma_semaphore, #tpu.memory_space<semaphore_mem>>, %arg15: memref<!tpu.dma_semaphore, #tpu.memory_space<semaphore_mem>>) attributes {dimension_semantics = [#tpu.dimension_semantics<core_parallel>, #tpu.dimension_semantics<subcore_parallel>], iteration_bounds = array<i64: 2, 16>, scalar_prefetch = 0 : i64, scratch_operands = 10 : i64, tpu.core_type = #tpu.core_type<sc_vector_subcore>, window_params = [{transform_indices = #map}, {transform_indices = #map1}, {transform_indices = #map1}, {transform_indices = #map2}]} {
    %mul3A = arith.constant 16 : i32
    %mul3A_0 = arith.muli %arg0, %mul3A : i32
    %add3A = arith.addi %mul3A_0, %arg1 : i32
    %scan3A = arith.constant 0 : i32
    %scan3A_1 = arith.constant 10 : i32
    %scan3A_2 = arith.addi %scan3A, %scan3A_1 : i32
    %scan3A_3 = arith.constant 1 : i32
    scf.for %scan3A_20 = %scan3A to %scan3A_2 step %scan3A_3  : i32 {
      %mul3A_21 = arith.constant 1 : i32
      %mul3A_22 = arith.muli %scan3A_20, %mul3A_21 : i32
      %add3A_23 = arith.constant 0 : i32
      %add3A_24 = arith.addi %add3A_23, %mul3A_22 : i32
      %broadcast_in_dim3A = arith.constant 0.000000e+00 : f32
      %broadcast_in_dim3A_25 = vector.broadcast %broadcast_in_dim3A : f32 to vector<16xf32>
      %mul3A_26 = arith.constant 16 : i32
      %mul3A_27 = arith.muli %add3A_24, %mul3A_26 : i32
      %swap3A = arith.index_cast %mul3A_27 : i32 to index
      %swap3A_28 = tpu.vector_load %arg10[%swap3A] {strides = array<i32>} : memref<160xf32, #tpu.memory_space<vmem>>, vector<16xf32>,
      %swap3A_29 = vector.shape_cast %swap3A_28 : vector<16xf32> to vector<16xf32>
      %swap3A_30 = vector.shape_cast %broadcast_in_dim3A_25 : vector<16xf32> to vector<16xf32>
      tpu.vector_store %arg10[%swap3A], %swap3A_30 {strides = array<i32>} : memref<160xf32, #tpu.memory_space<vmem>>, vector<16xf32>,
    }
    %scan3A_4 = arith.constant 10 : i32
    "tpu.region"() ({
      %run_scoped3A = tpu.sem_alloc : memref<!tpu.dma_semaphore, #tpu.memory_space<semaphore_mem>>
      tpu.enqueue_dma source(%arg2 : memref<10000xf32, #tpu.memory_space<hbm>>) target(%arg6 : memref<10000xf32, #tpu.memory_space<vmem>>) target_semaphore(%run_scoped3A : memref<!tpu.dma_semaphore, #tpu.memory_space<semaphore_mem>>)
      tpu.wait_dma2 semaphore(%run_scoped3A : memref<!tpu.dma_semaphore, #tpu.memory_space<semaphore_mem>>) src(%arg2 : memref<10000xf32, #tpu.memory_space<hbm>>) dst(%arg6 : memref<10000xf32, #tpu.memory_space<vmem>>)
      tpu.yield
    }) : () -> ()
    %scan3A_5 = arith.constant 0 : i32
    %scan3A_6 = arith.constant 4 : i32
    %scan3A_7 = arith.addi %scan3A_5, %scan3A_6 : i32
    %scan3A_8 = arith.constant 1 : i32
    scf.for %scan3A_20 = %scan3A_5 to %scan3A_7 step %scan3A_8  : i32 {
      %mul3A_21 = arith.constant 1 : i32
      %mul3A_22 = arith.muli %scan3A_20, %mul3A_21 : i32
      %add3A_23 = arith.constant 0 : i32
      %add3A_24 = arith.addi %add3A_23, %mul3A_22 : i32
      %mul3A_25 = arith.constant 640 : i32
      %mul3A_26 = arith.muli %arg1, %mul3A_25 : i32
      %mul3A_27 = arith.constant 160 : i32
      %mul3A_28 = arith.muli %add3A_24, %mul3A_27 : i32
      %add3A_29 = arith.addi %mul3A_26, %mul3A_28 : i32
      "tpu.region"() ({
        %run_scoped3A = tpu.sem_alloc : memref<!tpu.dma_semaphore, #tpu.memory_space<semaphore_mem>>
        %dma_start3A = tpu.memref_slice %arg11[%add3A_29] : memref<10240xf32, #tpu.memory_space<vmem_shared>> -> memref<160xf32, #tpu.memory_space<vmem_shared>>
        %dma_start3A_30 = tpu.memref_slice %arg11[%add3A_29] : memref<10240xf32, #tpu.memory_space<vmem_shared>> -> memref<160xf32, #tpu.memory_space<vmem_shared>>
        tpu.enqueue_dma source(%arg10 : memref<160xf32, #tpu.memory_space<vmem>>) target(%dma_start3A_30 : memref<160xf32, #tpu.memory_space<vmem_shared>>) target_semaphore(%run_scoped3A : memref<!tpu.dma_semaphore, #tpu.memory_space<semaphore_mem>>)
        %dma_wait3A = tpu.memref_slice %arg11[%add3A_29] : memref<10240xf32, #tpu.memory_space<vmem_shared>> -> memref<160xf32, #tpu.memory_space<vmem_shared>>
        %dma_wait3A_31 = tpu.memref_slice %arg11[%add3A_29] : memref<10240xf32, #tpu.memory_space<vmem_shared>> -> memref<160xf32, #tpu.memory_space<vmem_shared>>
        tpu.wait_dma2 semaphore(%run_scoped3A : memref<!tpu.dma_semaphore, #tpu.memory_space<semaphore_mem>>) src(%arg10 : memref<160xf32, #tpu.memory_space<vmem>>) dst(%dma_wait3A_31 : memref<160xf32, #tpu.memory_space<vmem_shared>>)
        tpu.yield
      }) : () -> ()
    }
    %scan3A_9 = arith.constant 4 : i32
    %barrier3A = arith.constant 0 : index
    tpu.barrier barrier_id(%barrier3A)
    %scan3A_10 = arith.constant 0 : i32
    %scan3A_11 = arith.constant 5 : i32
    %scan3A_12 = arith.addi %scan3A_10, %scan3A_11 : i32
    %scan3A_13 = arith.constant 1 : i32
    scf.for %scan3A_20 = %scan3A_10 to %scan3A_12 step %scan3A_13  : i32 {
      %mul3A_21 = arith.constant 1 : i32
      %mul3A_22 = arith.muli %scan3A_20, %mul3A_21 : i32
      %add3A_23 = arith.constant 0 : i32
      %add3A_24 = arith.addi %add3A_23, %mul3A_22 : i32
      "tpu.region"() ({
        %run_scoped3A = tpu.sem_alloc : memref<!tpu.dma_semaphore, #tpu.memory_space<semaphore_mem>>
        %dma_start3A_355 = arith.constant 0 : i32
        %dma_start3A_356 = arith.constant 0 : i32
        %dma_start3A_357 = tpu.memref_slice %arg3[%add3A, %add3A_24, %dma_start3A_355, %dma_start3A_356] : memref<32x5x25x80xi32, #tpu.memory_space<hbm>> -> memref<1x1x25x80xi32, #tpu.memory_space<hbm>>
        %dma_start3A_358 = tpu.memref_squeeze %dma_start3A_357 : memref<1x1x25x80xi32, #tpu.memory_space<hbm>> -> memref<25x80xi32, #tpu.memory_space<hbm>>
        %dma_start3A_359 = arith.constant 0 : i32
        %dma_start3A_360 = arith.constant 0 : i32
        %dma_start3A_361 = tpu.memref_slice %arg3[%add3A, %add3A_24, %dma_start3A_359, %dma_start3A_360] : memref<32x5x25x80xi32, #tpu.memory_space<hbm>> -> memref<1x1x25x80xi32, #tpu.memory_space<hbm>>
        %dma_start3A_362 = tpu.memref_squeeze %dma_start3A_361 : memref<1x1x25x80xi32, #tpu.memory_space<hbm>> -> memref<25x80xi32, #tpu.memory_space<hbm>>
        tpu.enqueue_dma source(%dma_start3A_362 : memref<25x80xi32, #tpu.memory_space<hbm>>) target(%arg7 : memref<25x80xi32, #tpu.memory_space<vmem>>) target_semaphore(%run_scoped3A : memref<!tpu.dma_semaphore, #tpu.memory_space<semaphore_mem>>)
        %dma_wait3A_363 = arith.constant 0 : i32
        %dma_wait3A_364 = arith.constant 0 : i32
        %dma_wait3A_365 = tpu.memref_slice %arg3[%add3A, %add3A_24, %dma_wait3A_363, %dma_wait3A_364] : memref<32x5x25x80xi32, #tpu.memory_space<hbm>> -> memref<1x1x25x80xi32, #tpu.memory_space<hbm>>
        %dma_wait3A_366 = tpu.memref_squeeze %dma_wait3A_365 : memref<1x1x25x80xi32, #tpu.memory_space<hbm>> -> memref<25x80xi32, #tpu.memory_space<hbm>>
        %dma_wait3A_367 = arith.constant 0 : i32
        %dma_wait3A_368 = arith.constant 0 : i32
        %dma_wait3A_369 = tpu.memref_slice %arg3[%add3A, %add3A_24, %dma_wait3A_367, %dma_wait3A_368] : memref<32x5x25x80xi32, #tpu.memory_space<hbm>> -> memref<1x1x25x80xi32, #tpu.memory_space<hbm>>
        %dma_wait3A_370 = tpu.memref_squeeze %dma_wait3A_369 : memref<1x1x25x80xi32, #tpu.memory_space<hbm>> -> memref<25x80xi32, #tpu.memory_space<hbm>>
        tpu.wait_dma2 semaphore(%run_scoped3A : memref<!tpu.dma_semaphore, #tpu.memory_space<semaphore_mem>>) src(%dma_wait3A_370 : memref<25x80xi32, #tpu.memory_space<hbm>>) dst(%arg7 : memref<25x80xi32, #tpu.memory_space<vmem>>)
        tpu.yield
      }) : () -> ()
      "tpu.region"() ({
        %run_scoped3A = tpu.sem_alloc : memref<!tpu.dma_semaphore, #tpu.memory_space<semaphore_mem>>
        %dma_start3A_355 = arith.constant 0 : i32
        %dma_start3A_356 = arith.constant 0 : i32
        %dma_start3A_357 = tpu.memref_slice %arg4[%add3A, %add3A_24, %dma_start3A_355, %dma_start3A_356] : memref<32x5x25x80xi32, #tpu.memory_space<hbm>> -> memref<1x1x25x80xi32, #tpu.memory_space<hbm>>
        %dma_start3A_358 = tpu.memref_squeeze %dma_start3A_357 : memref<1x1x25x80xi32, #tpu.memory_space<hbm>> -> memref<25x80xi32, #tpu.memory_space<hbm>>
        %dma_start3A_359 = arith.constant 0 : i32
        %dma_start3A_360 = arith.constant 0 : i32
        %dma_start3A_361 = tpu.memref_slice %arg4[%add3A, %add3A_24, %dma_start3A_359, %dma_start3A_360] : memref<32x5x25x80xi32, #tpu.memory_space<hbm>> -> memref<1x1x25x80xi32, #tpu.memory_space<hbm>>
        %dma_start3A_362 = tpu.memref_squeeze %dma_start3A_361 : memref<1x1x25x80xi32, #tpu.memory_space<hbm>> -> memref<25x80xi32, #tpu.memory_space<hbm>>
        tpu.enqueue_dma source(%dma_start3A_362 : memref<25x80xi32, #tpu.memory_space<hbm>>) target(%arg8 : memref<25x80xi32, #tpu.memory_space<vmem>>) target_semaphore(%run_scoped3A : memref<!tpu.dma_semaphore, #tpu.memory_space<semaphore_mem>>)
        %dma_wait3A_363 = arith.constant 0 : i32
        %dma_wait3A_364 = arith.constant 0 : i32
        %dma_wait3A_365 = tpu.memref_slice %arg4[%add3A, %add3A_24, %dma_wait3A_363, %dma_wait3A_364] : memref<32x5x25x80xi32, #tpu.memory_space<hbm>> -> memref<1x1x25x80xi32, #tpu.memory_space<hbm>>
        %dma_wait3A_366 = tpu.memref_squeeze %dma_wait3A_365 : memref<1x1x25x80xi32, #tpu.memory_space<hbm>> -> memref<25x80xi32, #tpu.memory_space<hbm>>
        %dma_wait3A_367 = arith.constant 0 : i32
        %dma_wait3A_368 = arith.constant 0 : i32
        %dma_wait3A_369 = tpu.memref_slice %arg4[%add3A, %add3A_24, %dma_wait3A_367, %dma_wait3A_368] : memref<32x5x25x80xi32, #tpu.memory_space<hbm>> -> memref<1x1x25x80xi32, #tpu.memory_space<hbm>>
        %dma_wait3A_370 = tpu.memref_squeeze %dma_wait3A_369 : memref<1x1x25x80xi32, #tpu.memory_space<hbm>> -> memref<25x80xi32, #tpu.memory_space<hbm>>
        tpu.wait_dma2 semaphore(%run_scoped3A : memref<!tpu.dma_semaphore, #tpu.memory_space<semaphore_mem>>) src(%dma_wait3A_370 : memref<25x80xi32, #tpu.memory_space<hbm>>) dst(%arg8 : memref<25x80xi32, #tpu.memory_space<vmem>>)
        tpu.yield
      }) : () -> ()
      %get3A = arith.constant 0 : i32
      %get3A_25 = arith.index_cast %get3A : i32 to index
      %get3A_26 = arith.constant 0 : index
      %get3A_27 = tpu.vector_load %arg7[%get3A_25, %get3A_26] {strides = array<i32>} : memref<25x80xi32, #tpu.memory_space<vmem>>, vector<16xi32>,
      %gather3A = tpu.vector_load_idx %arg6[%get3A_27] : memref<10000xf32, #tpu.memory_space<vmem>>[vector<16xi32>], vector<16xf32>,
      %swap3A = arith.constant 0 : i32
      %swap3A_28 = arith.index_cast %swap3A : i32 to index
      %swap3A_29 = arith.constant 0 : index
      %swap3A_30 = tpu.vector_load %arg9[%swap3A_28, %swap3A_29] {strides = array<i32>} : memref<4x80xf32, #tpu.memory_space<vmem>>, vector<16xf32>,
      tpu.vector_store %arg9[%swap3A_28, %swap3A_29], %gather3A {strides = array<i32>} : memref<4x80xf32, #tpu.memory_space<vmem>>, vector<16xf32>,
      %get3A_31 = arith.constant 0 : i32
      %get3A_32 = arith.index_cast %get3A_31 : i32 to index
      %get3A_33 = arith.constant 16 : index
      %get3A_34 = tpu.vector_load %arg7[%get3A_32, %get3A_33] {strides = array<i32>} : memref<25x80xi32, #tpu.memory_space<vmem>>, vector<16xi32>,
      %gather3A_35 = tpu.vector_load_idx %arg6[%get3A_34] : memref<10000xf32, #tpu.memory_space<vmem>>[vector<16xi32>], vector<16xf32>,
      %swap3A_36 = arith.constant 0 : i32
      %swap3A_37 = arith.index_cast %swap3A_36 : i32 to index
      %swap3A_38 = arith.constant 16 : index
      %swap3A_39 = tpu.vector_load %arg9[%swap3A_37, %swap3A_38] {strides = array<i32>} : memref<4x80xf32, #tpu.memory_space<vmem>>, vector<16xf32>,
      tpu.vector_store %arg9[%swap3A_37, %swap3A_38], %gather3A_35 {strides = array<i32>} : memref<4x80xf32, #tpu.memory_space<vmem>>, vector<16xf32>,
      %get3A_40 = arith.constant 0 : i32
      %get3A_41 = arith.index_cast %get3A_40 : i32 to index
      %get3A_42 = arith.constant 32 : index
      %get3A_43 = tpu.vector_load %arg7[%get3A_41, %get3A_42] {strides = array<i32>} : memref<25x80xi32, #tpu.memory_space<vmem>>, vector<16xi32>,
      %gather3A_44 = tpu.vector_load_idx %arg6[%get3A_43] : memref<10000xf32, #tpu.memory_space<vmem>>[vector<16xi32>], vector<16xf32>,
      %swap3A_45 = arith.constant 0 : i32
      %swap3A_46 = arith.index_cast %swap3A_45 : i32 to index
      %swap3A_47 = arith.constant 32 : index
      %swap3A_48 = tpu.vector_load %arg9[%swap3A_46, %swap3A_47] {strides = array<i32>} : memref<4x80xf32, #tpu.memory_space<vmem>>, vector<16xf32>,
      tpu.vector_store %arg9[%swap3A_46, %swap3A_47], %gather3A_44 {strides = array<i32>} : memref<4x80xf32, #tpu.memory_space<vmem>>, vector<16xf32>,
      %get3A_49 = arith.constant 0 : i32
      %get3A_50 = arith.index_cast %get3A_49 : i32 to index
      %get3A_51 = arith.constant 48 : index
      %get3A_52 = tpu.vector_load %arg7[%get3A_50, %get3A_51] {strides = array<i32>} : memref<25x80xi32, #tpu.memory_space<vmem>>, vector<16xi32>,
      %gather3A_53 = tpu.vector_load_idx %arg6[%get3A_52] : memref<10000xf32, #tpu.memory_space<vmem>>[vector<16xi32>], vector<16xf32>,
      %swap3A_54 = arith.constant 0 : i32
      %swap3A_55 = arith.index_cast %swap3A_54 : i32 to index
      %swap3A_56 = arith.constant 48 : index
      %swap3A_57 = tpu.vector_load %arg9[%swap3A_55, %swap3A_56] {strides = array<i32>} : memref<4x80xf32, #tpu.memory_space<vmem>>, vector<16xf32>,
      tpu.vector_store %arg9[%swap3A_55, %swap3A_56], %gather3A_53 {strides = array<i32>} : memref<4x80xf32, #tpu.memory_space<vmem>>, vector<16xf32>,
      %get3A_58 = arith.constant 0 : i32
      %get3A_59 = arith.index_cast %get3A_58 : i32 to index
      %get3A_60 = arith.constant 64 : index
      %get3A_61 = tpu.vector_load %arg7[%get3A_59, %get3A_60] {strides = array<i32>} : memref<25x80xi32, #tpu.memory_space<vmem>>, vector<16xi32>,
      %gather3A_62 = tpu.vector_load_idx %arg6[%get3A_61] : memref<10000xf32, #tpu.memory_space<vmem>>[vector<16xi32>], vector<16xf32>,
      %swap3A_63 = arith.constant 0 : i32
      %swap3A_64 = arith.index_cast %swap3A_63 : i32 to index
      %swap3A_65 = arith.constant 64 : index
      %swap3A_66 = tpu.vector_load %arg9[%swap3A_64, %swap3A_65] {strides = array<i32>} : memref<4x80xf32, #tpu.memory_space<vmem>>, vector<16xf32>,
      tpu.vector_store %arg9[%swap3A_64, %swap3A_65], %gather3A_62 {strides = array<i32>} : memref<4x80xf32, #tpu.memory_space<vmem>>, vector<16xf32>,
      %dma_start3A = arith.constant 0 : i32
      %dma_start3A_67 = arith.constant 0 : i32
      %dma_start3A_68 = arith.constant 0 : i32
      %dma_start3A_69 = tpu.memref_slice %arg9[%dma_start3A, %dma_start3A_68] : memref<4x80xf32, #tpu.memory_space<vmem>> -> memref<1x80xf32, #tpu.memory_space<vmem>>
      %dma_start3A_70 = tpu.memref_squeeze %dma_start3A_69 : memref<1x80xf32, #tpu.memory_space<vmem>> -> memref<80xf32, #tpu.memory_space<vmem>>
      %dma_start3A_71 = arith.constant 0 : i32
      %dma_start3A_72 = tpu.memref_slice %arg8[%dma_start3A_67, %dma_start3A_71] : memref<25x80xi32, #tpu.memory_space<vmem>> -> memref<1x80xi32, #tpu.memory_space<vmem>>
      %dma_start3A_73 = tpu.memref_squeeze %dma_start3A_72 : memref<1x80xi32, #tpu.memory_space<vmem>> -> memref<80xi32, #tpu.memory_space<vmem>>
      %dma_start3A_74 = arith.constant 0 : i32
      %dma_start3A_75 = tpu.memref_slice %arg11[%dma_start3A_74] : memref<10240xf32, #tpu.memory_space<vmem_shared>> -> memref<10240xf32, #tpu.memory_space<vmem_shared>>
      tpu.enqueue_indirect_dma source(%dma_start3A_70 : memref<80xf32, #tpu.memory_space<vmem>>) target(%dma_start3A_75 : memref<10240xf32, #tpu.memory_space<vmem_shared>>) offsets(%dma_start3A_73 : memref<80xi32, #tpu.memory_space<vmem>>) semaphore(%arg12 : memref<!tpu.dma_semaphore, #tpu.memory_space<semaphore_mem>>) {add = true}
      %get3A_76 = arith.constant 1 : i32
      %get3A_77 = arith.index_cast %get3A_76 : i32 to index
      %get3A_78 = arith.constant 0 : index
      %get3A_79 = tpu.vector_load %arg7[%get3A_77, %get3A_78] {strides = array<i32>} : memref<25x80xi32, #tpu.memory_space<vmem>>, vector<16xi32>,
      %gather3A_80 = tpu.vector_load_idx %arg6[%get3A_79] : memref<10000xf32, #tpu.memory_space<vmem>>[vector<16xi32>], vector<16xf32>,
      %swap3A_81 = arith.constant 1 : i32
      %swap3A_82 = arith.index_cast %swap3A_81 : i32 to index
      %swap3A_83 = arith.constant 0 : index
      %swap3A_84 = tpu.vector_load %arg9[%swap3A_82, %swap3A_83] {strides = array<i32>} : memref<4x80xf32, #tpu.memory_space<vmem>>, vector<16xf32>,
      tpu.vector_store %arg9[%swap3A_82, %swap3A_83], %gather3A_80 {strides = array<i32>} : memref<4x80xf32, #tpu.memory_space<vmem>>, vector<16xf32>,
      %get3A_85 = arith.constant 1 : i32
      %get3A_86 = arith.index_cast %get3A_85 : i32 to index
      %get3A_87 = arith.constant 16 : index
      %get3A_88 = tpu.vector_load %arg7[%get3A_86, %get3A_87] {strides = array<i32>} : memref<25x80xi32, #tpu.memory_space<vmem>>, vector<16xi32>,
      %gather3A_89 = tpu.vector_load_idx %arg6[%get3A_88] : memref<10000xf32, #tpu.memory_space<vmem>>[vector<16xi32>], vector<16xf32>,
      %swap3A_90 = arith.constant 1 : i32
      %swap3A_91 = arith.index_cast %swap3A_90 : i32 to index
      %swap3A_92 = arith.constant 16 : index
      %swap3A_93 = tpu.vector_load %arg9[%swap3A_91, %swap3A_92] {strides = array<i32>} : memref<4x80xf32, #tpu.memory_space<vmem>>, vector<16xf32>,
      tpu.vector_store %arg9[%swap3A_91, %swap3A_92], %gather3A_89 {strides = array<i32>} : memref<4x80xf32, #tpu.memory_space<vmem>>, vector<16xf32>,
      %get3A_94 = arith.constant 1 : i32
      %get3A_95 = arith.index_cast %get3A_94 : i32 to index
      %get3A_96 = arith.constant 32 : index
      %get3A_97 = tpu.vector_load %arg7[%get3A_95, %get3A_96] {strides = array<i32>} : memref<25x80xi32, #tpu.memory_space<vmem>>, vector<16xi32>,
      %gather3A_98 = tpu.vector_load_idx %arg6[%get3A_97] : memref<10000xf32, #tpu.memory_space<vmem>>[vector<16xi32>], vector<16xf32>,
      %swap3A_99 = arith.constant 1 : i32
      %swap3A_100 = arith.index_cast %swap3A_99 : i32 to index
      %swap3A_101 = arith.constant 32 : index
      %swap3A_102 = tpu.vector_load %arg9[%swap3A_100, %swap3A_101] {strides = array<i32>} : memref<4x80xf32, #tpu.memory_space<vmem>>, vector<16xf32>,
      tpu.vector_store %arg9[%swap3A_100, %swap3A_101], %gather3A_98 {strides = array<i32>} : memref<4x80xf32, #tpu.memory_space<vmem>>, vector<16xf32>,
      %get3A_103 = arith.constant 1 : i32
      %get3A_104 = arith.index_cast %get3A_103 : i32 to index
      %get3A_105 = arith.constant 48 : index
      %get3A_106 = tpu.vector_load %arg7[%get3A_104, %get3A_105] {strides = array<i32>} : memref<25x80xi32, #tpu.memory_space<vmem>>, vector<16xi32>,
      %gather3A_107 = tpu.vector_load_idx %arg6[%get3A_106] : memref<10000xf32, #tpu.memory_space<vmem>>[vector<16xi32>], vector<16xf32>,
      %swap3A_108 = arith.constant 1 : i32
      %swap3A_109 = arith.index_cast %swap3A_108 : i32 to index
      %swap3A_110 = arith.constant 48 : index
      %swap3A_111 = tpu.vector_load %arg9[%swap3A_109, %swap3A_110] {strides = array<i32>} : memref<4x80xf32, #tpu.memory_space<vmem>>, vector<16xf32>,
      tpu.vector_store %arg9[%swap3A_109, %swap3A_110], %gather3A_107 {strides = array<i32>} : memref<4x80xf32, #tpu.memory_space<vmem>>, vector<16xf32>,
      %get3A_112 = arith.constant 1 : i32
      %get3A_113 = arith.index_cast %get3A_112 : i32 to index
      %get3A_114 = arith.constant 64 : index
      %get3A_115 = tpu.vector_load %arg7[%get3A_113, %get3A_114] {strides = array<i32>} : memref<25x80xi32, #tpu.memory_space<vmem>>, vector<16xi32>,
      %gather3A_116 = tpu.vector_load_idx %arg6[%get3A_115] : memref<10000xf32, #tpu.memory_space<vmem>>[vector<16xi32>], vector<16xf32>,
      %swap3A_117 = arith.constant 1 : i32
      %swap3A_118 = arith.index_cast %swap3A_117 : i32 to index
      %swap3A_119 = arith.constant 64 : index
      %swap3A_120 = tpu.vector_load %arg9[%swap3A_118, %swap3A_119] {strides = array<i32>} : memref<4x80xf32, #tpu.memory_space<vmem>>, vector<16xf32>,
      tpu.vector_store %arg9[%swap3A_118, %swap3A_119], %gather3A_116 {strides = array<i32>} : memref<4x80xf32, #tpu.memory_space<vmem>>, vector<16xf32>,
      %dma_start3A_121 = arith.constant 1 : i32
      %dma_start3A_122 = arith.constant 1 : i32
      %dma_start3A_123 = arith.constant 0 : i32
      %dma_start3A_124 = tpu.memref_slice %arg9[%dma_start3A_121, %dma_start3A_123] : memref<4x80xf32, #tpu.memory_space<vmem>> -> memref<1x80xf32, #tpu.memory_space<vmem>>
      %dma_start3A_125 = tpu.memref_squeeze %dma_start3A_124 : memref<1x80xf32, #tpu.memory_space<vmem>> -> memref<80xf32, #tpu.memory_space<vmem>>
      %dma_start3A_126 = arith.constant 0 : i32
      %dma_start3A_127 = tpu.memref_slice %arg8[%dma_start3A_122, %dma_start3A_126] : memref<25x80xi32, #tpu.memory_space<vmem>> -> memref<1x80xi32, #tpu.memory_space<vmem>>
      %dma_start3A_128 = tpu.memref_squeeze %dma_start3A_127 : memref<1x80xi32, #tpu.memory_space<vmem>> -> memref<80xi32, #tpu.memory_space<vmem>>
      %dma_start3A_129 = arith.constant 0 : i32
      %dma_start3A_130 = tpu.memref_slice %arg11[%dma_start3A_129] : memref<10240xf32, #tpu.memory_space<vmem_shared>> -> memref<10240xf32, #tpu.memory_space<vmem_shared>>
      tpu.enqueue_indirect_dma source(%dma_start3A_125 : memref<80xf32, #tpu.memory_space<vmem>>) target(%dma_start3A_130 : memref<10240xf32, #tpu.memory_space<vmem_shared>>) offsets(%dma_start3A_128 : memref<80xi32, #tpu.memory_space<vmem>>) semaphore(%arg13 : memref<!tpu.dma_semaphore, #tpu.memory_space<semaphore_mem>>) {add = true}
      %get3A_131 = arith.constant 2 : i32
      %get3A_132 = arith.index_cast %get3A_131 : i32 to index
      %get3A_133 = arith.constant 0 : index
      %get3A_134 = tpu.vector_load %arg7[%get3A_132, %get3A_133] {strides = array<i32>} : memref<25x80xi32, #tpu.memory_space<vmem>>, vector<16xi32>,
      %gather3A_135 = tpu.vector_load_idx %arg6[%get3A_134] : memref<10000xf32, #tpu.memory_space<vmem>>[vector<16xi32>], vector<16xf32>,
      %swap3A_136 = arith.constant 2 : i32
      %swap3A_137 = arith.index_cast %swap3A_136 : i32 to index
      %swap3A_138 = arith.constant 0 : index
      %swap3A_139 = tpu.vector_load %arg9[%swap3A_137, %swap3A_138] {strides = array<i32>} : memref<4x80xf32, #tpu.memory_space<vmem>>, vector<16xf32>,
      tpu.vector_store %arg9[%swap3A_137, %swap3A_138], %gather3A_135 {strides = array<i32>} : memref<4x80xf32, #tpu.memory_space<vmem>>, vector<16xf32>,
      %get3A_140 = arith.constant 2 : i32
      %get3A_141 = arith.index_cast %get3A_140 : i32 to index
      %get3A_142 = arith.constant 16 : index
      %get3A_143 = tpu.vector_load %arg7[%get3A_141, %get3A_142] {strides = array<i32>} : memref<25x80xi32, #tpu.memory_space<vmem>>, vector<16xi32>,
      %gather3A_144 = tpu.vector_load_idx %arg6[%get3A_143] : memref<10000xf32, #tpu.memory_space<vmem>>[vector<16xi32>], vector<16xf32>,
      %swap3A_145 = arith.constant 2 : i32
      %swap3A_146 = arith.index_cast %swap3A_145 : i32 to index
      %swap3A_147 = arith.constant 16 : index
      %swap3A_148 = tpu.vector_load %arg9[%swap3A_146, %swap3A_147] {strides = array<i32>} : memref<4x80xf32, #tpu.memory_space<vmem>>, vector<16xf32>,
      tpu.vector_store %arg9[%swap3A_146, %swap3A_147], %gather3A_144 {strides = array<i32>} : memref<4x80xf32, #tpu.memory_space<vmem>>, vector<16xf32>,
      %get3A_149 = arith.constant 2 : i32
      %get3A_150 = arith.index_cast %get3A_149 : i32 to index
      %get3A_151 = arith.constant 32 : index
      %get3A_152 = tpu.vector_load %arg7[%get3A_150, %get3A_151] {strides = array<i32>} : memref<25x80xi32, #tpu.memory_space<vmem>>, vector<16xi32>,
      %gather3A_153 = tpu.vector_load_idx %arg6[%get3A_152] : memref<10000xf32, #tpu.memory_space<vmem>>[vector<16xi32>], vector<16xf32>,
      %swap3A_154 = arith.constant 2 : i32
      %swap3A_155 = arith.index_cast %swap3A_154 : i32 to index
      %swap3A_156 = arith.constant 32 : index
      %swap3A_157 = tpu.vector_load %arg9[%swap3A_155, %swap3A_156] {strides = array<i32>} : memref<4x80xf32, #tpu.memory_space<vmem>>, vector<16xf32>,
      tpu.vector_store %arg9[%swap3A_155, %swap3A_156], %gather3A_153 {strides = array<i32>} : memref<4x80xf32, #tpu.memory_space<vmem>>, vector<16xf32>,
      %get3A_158 = arith.constant 2 : i32
      %get3A_159 = arith.index_cast %get3A_158 : i32 to index
      %get3A_160 = arith.constant 48 : index
      %get3A_161 = tpu.vector_load %arg7[%get3A_159, %get3A_160] {strides = array<i32>} : memref<25x80xi32, #tpu.memory_space<vmem>>, vector<16xi32>,
      %gather3A_162 = tpu.vector_load_idx %arg6[%get3A_161] : memref<10000xf32, #tpu.memory_space<vmem>>[vector<16xi32>], vector<16xf32>,
      %swap3A_163 = arith.constant 2 : i32
      %swap3A_164 = arith.index_cast %swap3A_163 : i32 to index
      %swap3A_165 = arith.constant 48 : index
      %swap3A_166 = tpu.vector_load %arg9[%swap3A_164, %swap3A_165] {strides = array<i32>} : memref<4x80xf32, #tpu.memory_space<vmem>>, vector<16xf32>,
      tpu.vector_store %arg9[%swap3A_164, %swap3A_165], %gather3A_162 {strides = array<i32>} : memref<4x80xf32, #tpu.memory_space<vmem>>, vector<16xf32>,
      %get3A_167 = arith.constant 2 : i32
      %get3A_168 = arith.index_cast %get3A_167 : i32 to index
      %get3A_169 = arith.constant 64 : index
      %get3A_170 = tpu.vector_load %arg7[%get3A_168, %get3A_169] {strides = array<i32>} : memref<25x80xi32, #tpu.memory_space<vmem>>, vector<16xi32>,
      %gather3A_171 = tpu.vector_load_idx %arg6[%get3A_170] : memref<10000xf32, #tpu.memory_space<vmem>>[vector<16xi32>], vector<16xf32>,
      %swap3A_172 = arith.constant 2 : i32
      %swap3A_173 = arith.index_cast %swap3A_172 : i32 to index
      %swap3A_174 = arith.constant 64 : index
      %swap3A_175 = tpu.vector_load %arg9[%swap3A_173, %swap3A_174] {strides = array<i32>} : memref<4x80xf32, #tpu.memory_space<vmem>>, vector<16xf32>,
      tpu.vector_store %arg9[%swap3A_173, %swap3A_174], %gather3A_171 {strides = array<i32>} : memref<4x80xf32, #tpu.memory_space<vmem>>, vector<16xf32>,
      %dma_start3A_176 = arith.constant 2 : i32
      %dma_start3A_177 = arith.constant 2 : i32
      %dma_start3A_178 = arith.constant 0 : i32
      %dma_start3A_179 = tpu.memref_slice %arg9[%dma_start3A_176, %dma_start3A_178] : memref<4x80xf32, #tpu.memory_space<vmem>> -> memref<1x80xf32, #tpu.memory_space<vmem>>
      %dma_start3A_180 = tpu.memref_squeeze %dma_start3A_179 : memref<1x80xf32, #tpu.memory_space<vmem>> -> memref<80xf32, #tpu.memory_space<vmem>>
      %dma_start3A_181 = arith.constant 0 : i32
      %dma_start3A_182 = tpu.memref_slice %arg8[%dma_start3A_177, %dma_start3A_181] : memref<25x80xi32, #tpu.memory_space<vmem>> -> memref<1x80xi32, #tpu.memory_space<vmem>>
      %dma_start3A_183 = tpu.memref_squeeze %dma_start3A_182 : memref<1x80xi32, #tpu.memory_space<vmem>> -> memref<80xi32, #tpu.memory_space<vmem>>
      %dma_start3A_184 = arith.constant 0 : i32
      %dma_start3A_185 = tpu.memref_slice %arg11[%dma_start3A_184] : memref<10240xf32, #tpu.memory_space<vmem_shared>> -> memref<10240xf32, #tpu.memory_space<vmem_shared>>
      tpu.enqueue_indirect_dma source(%dma_start3A_180 : memref<80xf32, #tpu.memory_space<vmem>>) target(%dma_start3A_185 : memref<10240xf32, #tpu.memory_space<vmem_shared>>) offsets(%dma_start3A_183 : memref<80xi32, #tpu.memory_space<vmem>>) semaphore(%arg14 : memref<!tpu.dma_semaphore, #tpu.memory_space<semaphore_mem>>) {add = true}
      %get3A_186 = arith.constant 3 : i32
      %get3A_187 = arith.index_cast %get3A_186 : i32 to index
      %get3A_188 = arith.constant 0 : index
      %get3A_189 = tpu.vector_load %arg7[%get3A_187, %get3A_188] {strides = array<i32>} : memref<25x80xi32, #tpu.memory_space<vmem>>, vector<16xi32>,
      %gather3A_190 = tpu.vector_load_idx %arg6[%get3A_189] : memref<10000xf32, #tpu.memory_space<vmem>>[vector<16xi32>], vector<16xf32>,
      %swap3A_191 = arith.constant 3 : i32
      %swap3A_192 = arith.index_cast %swap3A_191 : i32 to index
      %swap3A_193 = arith.constant 0 : index
      %swap3A_194 = tpu.vector_load %arg9[%swap3A_192, %swap3A_193] {strides = array<i32>} : memref<4x80xf32, #tpu.memory_space<vmem>>, vector<16xf32>,
      tpu.vector_store %arg9[%swap3A_192, %swap3A_193], %gather3A_190 {strides = array<i32>} : memref<4x80xf32, #tpu.memory_space<vmem>>, vector<16xf32>,
      %get3A_195 = arith.constant 3 : i32
      %get3A_196 = arith.index_cast %get3A_195 : i32 to index
      %get3A_197 = arith.constant 16 : index
      %get3A_198 = tpu.vector_load %arg7[%get3A_196, %get3A_197] {strides = array<i32>} : memref<25x80xi32, #tpu.memory_space<vmem>>, vector<16xi32>,
      %gather3A_199 = tpu.vector_load_idx %arg6[%get3A_198] : memref<10000xf32, #tpu.memory_space<vmem>>[vector<16xi32>], vector<16xf32>,
      %swap3A_200 = arith.constant 3 : i32
      %swap3A_201 = arith.index_cast %swap3A_200 : i32 to index
      %swap3A_202 = arith.constant 16 : index
      %swap3A_203 = tpu.vector_load %arg9[%swap3A_201, %swap3A_202] {strides = array<i32>} : memref<4x80xf32, #tpu.memory_space<vmem>>, vector<16xf32>,
      tpu.vector_store %arg9[%swap3A_201, %swap3A_202], %gather3A_199 {strides = array<i32>} : memref<4x80xf32, #tpu.memory_space<vmem>>, vector<16xf32>,
      %get3A_204 = arith.constant 3 : i32
      %get3A_205 = arith.index_cast %get3A_204 : i32 to index
      %get3A_206 = arith.constant 32 : index
      %get3A_207 = tpu.vector_load %arg7[%get3A_205, %get3A_206] {strides = array<i32>} : memref<25x80xi32, #tpu.memory_space<vmem>>, vector<16xi32>,
      %gather3A_208 = tpu.vector_load_idx %arg6[%get3A_207] : memref<10000xf32, #tpu.memory_space<vmem>>[vector<16xi32>], vector<16xf32>,
      %swap3A_209 = arith.constant 3 : i32
      %swap3A_210 = arith.index_cast %swap3A_209 : i32 to index
      %swap3A_211 = arith.constant 32 : index
      %swap3A_212 = tpu.vector_load %arg9[%swap3A_210, %swap3A_211] {strides = array<i32>} : memref<4x80xf32, #tpu.memory_space<vmem>>, vector<16xf32>,
      tpu.vector_store %arg9[%swap3A_210, %swap3A_211], %gather3A_208 {strides = array<i32>} : memref<4x80xf32, #tpu.memory_space<vmem>>, vector<16xf32>,
      %get3A_213 = arith.constant 3 : i32
      %get3A_214 = arith.index_cast %get3A_213 : i32 to index
      %get3A_215 = arith.constant 48 : index
      %get3A_216 = tpu.vector_load %arg7[%get3A_214, %get3A_215] {strides = array<i32>} : memref<25x80xi32, #tpu.memory_space<vmem>>, vector<16xi32>,
      %gather3A_217 = tpu.vector_load_idx %arg6[%get3A_216] : memref<10000xf32, #tpu.memory_space<vmem>>[vector<16xi32>], vector<16xf32>,
      %swap3A_218 = arith.constant 3 : i32
      %swap3A_219 = arith.index_cast %swap3A_218 : i32 to index
      %swap3A_220 = arith.constant 48 : index
      %swap3A_221 = tpu.vector_load %arg9[%swap3A_219, %swap3A_220] {strides = array<i32>} : memref<4x80xf32, #tpu.memory_space<vmem>>, vector<16xf32>,
      tpu.vector_store %arg9[%swap3A_219, %swap3A_220], %gather3A_217 {strides = array<i32>} : memref<4x80xf32, #tpu.memory_space<vmem>>, vector<16xf32>,
      %get3A_222 = arith.constant 3 : i32
      %get3A_223 = arith.index_cast %get3A_222 : i32 to index
      %get3A_224 = arith.constant 64 : index
      %get3A_225 = tpu.vector_load %arg7[%get3A_223, %get3A_224] {strides = array<i32>} : memref<25x80xi32, #tpu.memory_space<vmem>>, vector<16xi32>,
      %gather3A_226 = tpu.vector_load_idx %arg6[%get3A_225] : memref<10000xf32, #tpu.memory_space<vmem>>[vector<16xi32>], vector<16xf32>,
      %swap3A_227 = arith.constant 3 : i32
      %swap3A_228 = arith.index_cast %swap3A_227 : i32 to index
      %swap3A_229 = arith.constant 64 : index
      %swap3A_230 = tpu.vector_load %arg9[%swap3A_228, %swap3A_229] {strides = array<i32>} : memref<4x80xf32, #tpu.memory_space<vmem>>, vector<16xf32>,
      tpu.vector_store %arg9[%swap3A_228, %swap3A_229], %gather3A_226 {strides = array<i32>} : memref<4x80xf32, #tpu.memory_space<vmem>>, vector<16xf32>,
      %dma_start3A_231 = arith.constant 3 : i32
      %dma_start3A_232 = arith.constant 3 : i32
      %dma_start3A_233 = arith.constant 0 : i32
      %dma_start3A_234 = tpu.memref_slice %arg9[%dma_start3A_231, %dma_start3A_233] : memref<4x80xf32, #tpu.memory_space<vmem>> -> memref<1x80xf32, #tpu.memory_space<vmem>>
      %dma_start3A_235 = tpu.memref_squeeze %dma_start3A_234 : memref<1x80xf32, #tpu.memory_space<vmem>> -> memref<80xf32, #tpu.memory_space<vmem>>
      %dma_start3A_236 = arith.constant 0 : i32
      %dma_start3A_237 = tpu.memref_slice %arg8[%dma_start3A_232, %dma_start3A_236] : memref<25x80xi32, #tpu.memory_space<vmem>> -> memref<1x80xi32, #tpu.memory_space<vmem>>
      %dma_start3A_238 = tpu.memref_squeeze %dma_start3A_237 : memref<1x80xi32, #tpu.memory_space<vmem>> -> memref<80xi32, #tpu.memory_space<vmem>>
      %dma_start3A_239 = arith.constant 0 : i32
      %dma_start3A_240 = tpu.memref_slice %arg11[%dma_start3A_239] : memref<10240xf32, #tpu.memory_space<vmem_shared>> -> memref<10240xf32, #tpu.memory_space<vmem_shared>>
      tpu.enqueue_indirect_dma source(%dma_start3A_235 : memref<80xf32, #tpu.memory_space<vmem>>) target(%dma_start3A_240 : memref<10240xf32, #tpu.memory_space<vmem_shared>>) offsets(%dma_start3A_238 : memref<80xi32, #tpu.memory_space<vmem>>) semaphore(%arg15 : memref<!tpu.dma_semaphore, #tpu.memory_space<semaphore_mem>>) {add = true}
      %scan3A_241 = arith.constant 0 : i32
      %scan3A_242 = arith.constant 5 : i32
      %scan3A_243 = arith.addi %scan3A_241, %scan3A_242 : i32
      %scan3A_244 = arith.constant 1 : i32
      scf.for %scan3A_355 = %scan3A_241 to %scan3A_243 step %scan3A_244  : i32 {
        %mul3A_356 = arith.constant 1 : i32
        %mul3A_357 = arith.muli %scan3A_355, %mul3A_356 : i32
        %add3A_358 = arith.constant 0 : i32
        %add3A_359 = arith.addi %add3A_358, %mul3A_357 : i32
        %mul3A_360 = arith.constant 4 : i32
        %mul3A_361 = arith.muli %add3A_359, %mul3A_360 : i32
        %add3A_362 = arith.constant 4 : i32
        %add3A_363 = arith.addi %add3A_362, %mul3A_361 : i32
        %add3A_364 = arith.constant 0 : i32
        %add3A_365 = arith.addi %add3A_363, %add3A_364 : i32
        %dma_wait3A_366 = arith.constant 0 : i32
        %dma_wait3A_367 = arith.constant 0 : i32
        %dma_wait3A_368 = tpu.memref_slice %arg9[%dma_wait3A_366, %dma_wait3A_367] : memref<4x80xf32, #tpu.memory_space<vmem>> -> memref<1x80xf32, #tpu.memory_space<vmem>>
        %dma_wait3A_369 = tpu.memref_squeeze %dma_wait3A_368 : memref<1x80xf32, #tpu.memory_space<vmem>> -> memref<80xf32, #tpu.memory_space<vmem>>
        %dma_wait3A_370 = arith.constant 0 : i32
        %dma_wait3A_371 = tpu.memref_slice %arg2[%dma_wait3A_370] : memref<10000xf32, #tpu.memory_space<hbm>> -> memref<80xf32, #tpu.memory_space<hbm>>
        %dma_wait3A_372 = arith.constant 0 : i32
        %dma_wait3A_373 = tpu.memref_slice %arg9[%dma_wait3A_366, %dma_wait3A_372] : memref<4x80xf32, #tpu.memory_space<vmem>> -> memref<1x80xf32, #tpu.memory_space<vmem>>
        %dma_wait3A_374 = tpu.memref_squeeze %dma_wait3A_373 : memref<1x80xf32, #tpu.memory_space<vmem>> -> memref<80xf32, #tpu.memory_space<vmem>>
        %dma_wait3A_375 = arith.constant 0 : i32
        %dma_wait3A_376 = tpu.memref_slice %arg2[%dma_wait3A_375] : memref<10000xf32, #tpu.memory_space<hbm>> -> memref<80xf32, #tpu.memory_space<hbm>>
        tpu.wait_dma2 semaphore(%arg12 : memref<!tpu.dma_semaphore, #tpu.memory_space<semaphore_mem>>) src(%dma_wait3A_376 : memref<80xf32, #tpu.memory_space<hbm>>) dst(%dma_wait3A_374 : memref<80xf32, #tpu.memory_space<vmem>>)
        %get3A_377 = arith.index_cast %add3A_365 : i32 to index
        %get3A_378 = arith.constant 0 : index
        %get3A_379 = tpu.vector_load %arg7[%get3A_377, %get3A_378] {strides = array<i32>} : memref<25x80xi32, #tpu.memory_space<vmem>>, vector<16xi32>,
        %gather3A_380 = tpu.vector_load_idx %arg6[%get3A_379] : memref<10000xf32, #tpu.memory_space<vmem>>[vector<16xi32>], vector<16xf32>,
        %swap3A_381 = arith.constant 0 : i32
        %swap3A_382 = arith.index_cast %swap3A_381 : i32 to index
        %swap3A_383 = arith.constant 0 : index
        %swap3A_384 = tpu.vector_load %arg9[%swap3A_382, %swap3A_383] {strides = array<i32>} : memref<4x80xf32, #tpu.memory_space<vmem>>, vector<16xf32>,
        tpu.vector_store %arg9[%swap3A_382, %swap3A_383], %gather3A_380 {strides = array<i32>} : memref<4x80xf32, #tpu.memory_space<vmem>>, vector<16xf32>,
        %get3A_385 = arith.index_cast %add3A_365 : i32 to index
        %get3A_386 = arith.constant 16 : index
        %get3A_387 = tpu.vector_load %arg7[%get3A_385, %get3A_386] {strides = array<i32>} : memref<25x80xi32, #tpu.memory_space<vmem>>, vector<16xi32>,
        %gather3A_388 = tpu.vector_load_idx %arg6[%get3A_387] : memref<10000xf32, #tpu.memory_space<vmem>>[vector<16xi32>], vector<16xf32>,
        %swap3A_389 = arith.constant 0 : i32
        %swap3A_390 = arith.index_cast %swap3A_389 : i32 to index
        %swap3A_391 = arith.constant 16 : index
        %swap3A_392 = tpu.vector_load %arg9[%swap3A_390, %swap3A_391] {strides = array<i32>} : memref<4x80xf32, #tpu.memory_space<vmem>>, vector<16xf32>,
        tpu.vector_store %arg9[%swap3A_390, %swap3A_391], %gather3A_388 {strides = array<i32>} : memref<4x80xf32, #tpu.memory_space<vmem>>, vector<16xf32>,
        %get3A_393 = arith.index_cast %add3A_365 : i32 to index
        %get3A_394 = arith.constant 32 : index
        %get3A_395 = tpu.vector_load %arg7[%get3A_393, %get3A_394] {strides = array<i32>} : memref<25x80xi32, #tpu.memory_space<vmem>>, vector<16xi32>,
        %gather3A_396 = tpu.vector_load_idx %arg6[%get3A_395] : memref<10000xf32, #tpu.memory_space<vmem>>[vector<16xi32>], vector<16xf32>,
        %swap3A_397 = arith.constant 0 : i32
        %swap3A_398 = arith.index_cast %swap3A_397 : i32 to index
        %swap3A_399 = arith.constant 32 : index
        %swap3A_400 = tpu.vector_load %arg9[%swap3A_398, %swap3A_399] {strides = array<i32>} : memref<4x80xf32, #tpu.memory_space<vmem>>, vector<16xf32>,
        tpu.vector_store %arg9[%swap3A_398, %swap3A_399], %gather3A_396 {strides = array<i32>} : memref<4x80xf32, #tpu.memory_space<vmem>>, vector<16xf32>,
        %get3A_401 = arith.index_cast %add3A_365 : i32 to index
        %get3A_402 = arith.constant 48 : index
        %get3A_403 = tpu.vector_load %arg7[%get3A_401, %get3A_402] {strides = array<i32>} : memref<25x80xi32, #tpu.memory_space<vmem>>, vector<16xi32>,
        %gather3A_404 = tpu.vector_load_idx %arg6[%get3A_403] : memref<10000xf32, #tpu.memory_space<vmem>>[vector<16xi32>], vector<16xf32>,
        %swap3A_405 = arith.constant 0 : i32
        %swap3A_406 = arith.index_cast %swap3A_405 : i32 to index
        %swap3A_407 = arith.constant 48 : index
        %swap3A_408 = tpu.vector_load %arg9[%swap3A_406, %swap3A_407] {strides = array<i32>} : memref<4x80xf32, #tpu.memory_space<vmem>>, vector<16xf32>,
        tpu.vector_store %arg9[%swap3A_406, %swap3A_407], %gather3A_404 {strides = array<i32>} : memref<4x80xf32, #tpu.memory_space<vmem>>, vector<16xf32>,
        %get3A_409 = arith.index_cast %add3A_365 : i32 to index
        %get3A_410 = arith.constant 64 : index
        %get3A_411 = tpu.vector_load %arg7[%get3A_409, %get3A_410] {strides = array<i32>} : memref<25x80xi32, #tpu.memory_space<vmem>>, vector<16xi32>,
        %gather3A_412 = tpu.vector_load_idx %arg6[%get3A_411] : memref<10000xf32, #tpu.memory_space<vmem>>[vector<16xi32>], vector<16xf32>,
        %swap3A_413 = arith.constant 0 : i32
        %swap3A_414 = arith.index_cast %swap3A_413 : i32 to index
        %swap3A_415 = arith.constant 64 : index
        %swap3A_416 = tpu.vector_load %arg9[%swap3A_414, %swap3A_415] {strides = array<i32>} : memref<4x80xf32, #tpu.memory_space<vmem>>, vector<16xf32>,
        tpu.vector_store %arg9[%swap3A_414, %swap3A_415], %gather3A_412 {strides = array<i32>} : memref<4x80xf32, #tpu.memory_space<vmem>>, vector<16xf32>,
        %dma_start3A_417 = arith.constant 0 : i32
        %dma_start3A_418 = arith.constant 0 : i32
        %dma_start3A_419 = tpu.memref_slice %arg9[%dma_start3A_417, %dma_start3A_418] : memref<4x80xf32, #tpu.memory_space<vmem>> -> memref<1x80xf32, #tpu.memory_space<vmem>>
        %dma_start3A_420 = tpu.memref_squeeze %dma_start3A_419 : memref<1x80xf32, #tpu.memory_space<vmem>> -> memref<80xf32, #tpu.memory_space<vmem>>
        %dma_start3A_421 = arith.constant 0 : i32
        %dma_start3A_422 = tpu.memref_slice %arg8[%add3A_365, %dma_start3A_421] : memref<25x80xi32, #tpu.memory_space<vmem>> -> memref<1x80xi32, #tpu.memory_space<vmem>>
        %dma_start3A_423 = tpu.memref_squeeze %dma_start3A_422 : memref<1x80xi32, #tpu.memory_space<vmem>> -> memref<80xi32, #tpu.memory_space<vmem>>
        %dma_start3A_424 = arith.constant 0 : i32
        %dma_start3A_425 = tpu.memref_slice %arg11[%dma_start3A_424] : memref<10240xf32, #tpu.memory_space<vmem_shared>> -> memref<10240xf32, #tpu.memory_space<vmem_shared>>
        tpu.enqueue_indirect_dma source(%dma_start3A_420 : memref<80xf32, #tpu.memory_space<vmem>>) target(%dma_start3A_425 : memref<10240xf32, #tpu.memory_space<vmem_shared>>) offsets(%dma_start3A_423 : memref<80xi32, #tpu.memory_space<vmem>>) semaphore(%arg12 : memref<!tpu.dma_semaphore, #tpu.memory_space<semaphore_mem>>) {add = true}
        %mul3A_426 = arith.constant 4 : i32
        %mul3A_427 = arith.muli %add3A_359, %mul3A_426 : i32
        %add3A_428 = arith.constant 4 : i32
        %add3A_429 = arith.addi %add3A_428, %mul3A_427 : i32
        %add3A_430 = arith.constant 1 : i32
        %add3A_431 = arith.addi %add3A_429, %add3A_430 : i32
        %dma_wait3A_432 = arith.constant 1 : i32
        %dma_wait3A_433 = arith.constant 0 : i32
        %dma_wait3A_434 = tpu.memref_slice %arg9[%dma_wait3A_432, %dma_wait3A_433] : memref<4x80xf32, #tpu.memory_space<vmem>> -> memref<1x80xf32, #tpu.memory_space<vmem>>
        %dma_wait3A_435 = tpu.memref_squeeze %dma_wait3A_434 : memref<1x80xf32, #tpu.memory_space<vmem>> -> memref<80xf32, #tpu.memory_space<vmem>>
        %dma_wait3A_436 = arith.constant 0 : i32
        %dma_wait3A_437 = tpu.memref_slice %arg2[%dma_wait3A_436] : memref<10000xf32, #tpu.memory_space<hbm>> -> memref<80xf32, #tpu.memory_space<hbm>>
        %dma_wait3A_438 = arith.constant 0 : i32
        %dma_wait3A_439 = tpu.memref_slice %arg9[%dma_wait3A_432, %dma_wait3A_438] : memref<4x80xf32, #tpu.memory_space<vmem>> -> memref<1x80xf32, #tpu.memory_space<vmem>>
        %dma_wait3A_440 = tpu.memref_squeeze %dma_wait3A_439 : memref<1x80xf32, #tpu.memory_space<vmem>> -> memref<80xf32, #tpu.memory_space<vmem>>
        %dma_wait3A_441 = arith.constant 0 : i32
        %dma_wait3A_442 = tpu.memref_slice %arg2[%dma_wait3A_441] : memref<10000xf32, #tpu.memory_space<hbm>> -> memref<80xf32, #tpu.memory_space<hbm>>
        tpu.wait_dma2 semaphore(%arg13 : memref<!tpu.dma_semaphore, #tpu.memory_space<semaphore_mem>>) src(%dma_wait3A_442 : memref<80xf32, #tpu.memory_space<hbm>>) dst(%dma_wait3A_440 : memref<80xf32, #tpu.memory_space<vmem>>)
        %get3A_443 = arith.index_cast %add3A_431 : i32 to index
        %get3A_444 = arith.constant 0 : index
        %get3A_445 = tpu.vector_load %arg7[%get3A_443, %get3A_444] {strides = array<i32>} : memref<25x80xi32, #tpu.memory_space<vmem>>, vector<16xi32>,
        %gather3A_446 = tpu.vector_load_idx %arg6[%get3A_445] : memref<10000xf32, #tpu.memory_space<vmem>>[vector<16xi32>], vector<16xf32>,
        %swap3A_447 = arith.constant 1 : i32
        %swap3A_448 = arith.index_cast %swap3A_447 : i32 to index
        %swap3A_449 = arith.constant 0 : index
        %swap3A_450 = tpu.vector_load %arg9[%swap3A_448, %swap3A_449] {strides = array<i32>} : memref<4x80xf32, #tpu.memory_space<vmem>>, vector<16xf32>,
        tpu.vector_store %arg9[%swap3A_448, %swap3A_449], %gather3A_446 {strides = array<i32>} : memref<4x80xf32, #tpu.memory_space<vmem>>, vector<16xf32>,
        %get3A_451 = arith.index_cast %add3A_431 : i32 to index
        %get3A_452 = arith.constant 16 : index
        %get3A_453 = tpu.vector_load %arg7[%get3A_451, %get3A_452] {strides = array<i32>} : memref<25x80xi32, #tpu.memory_space<vmem>>, vector<16xi32>,
        %gather3A_454 = tpu.vector_load_idx %arg6[%get3A_453] : memref<10000xf32, #tpu.memory_space<vmem>>[vector<16xi32>], vector<16xf32>,
        %swap3A_455 = arith.constant 1 : i32
        %swap3A_456 = arith.index_cast %swap3A_455 : i32 to index
        %swap3A_457 = arith.constant 16 : index
        %swap3A_458 = tpu.vector_load %arg9[%swap3A_456, %swap3A_457] {strides = array<i32>} : memref<4x80xf32, #tpu.memory_space<vmem>>, vector<16xf32>,
        tpu.vector_store %arg9[%swap3A_456, %swap3A_457], %gather3A_454 {strides = array<i32>} : memref<4x80xf32, #tpu.memory_space<vmem>>, vector<16xf32>,
        %get3A_459 = arith.index_cast %add3A_431 : i32 to index
        %get3A_460 = arith.constant 32 : index
        %get3A_461 = tpu.vector_load %arg7[%get3A_459, %get3A_460] {strides = array<i32>} : memref<25x80xi32, #tpu.memory_space<vmem>>, vector<16xi32>,
        %gather3A_462 = tpu.vector_load_idx %arg6[%get3A_461] : memref<10000xf32, #tpu.memory_space<vmem>>[vector<16xi32>], vector<16xf32>,
        %swap3A_463 = arith.constant 1 : i32
        %swap3A_464 = arith.index_cast %swap3A_463 : i32 to index
        %swap3A_465 = arith.constant 32 : index
        %swap3A_466 = tpu.vector_load %arg9[%swap3A_464, %swap3A_465] {strides = array<i32>} : memref<4x80xf32, #tpu.memory_space<vmem>>, vector<16xf32>,
        tpu.vector_store %arg9[%swap3A_464, %swap3A_465], %gather3A_462 {strides = array<i32>} : memref<4x80xf32, #tpu.memory_space<vmem>>, vector<16xf32>,
        %get3A_467 = arith.index_cast %add3A_431 : i32 to index
        %get3A_468 = arith.constant 48 : index
        %get3A_469 = tpu.vector_load %arg7[%get3A_467, %get3A_468] {strides = array<i32>} : memref<25x80xi32, #tpu.memory_space<vmem>>, vector<16xi32>,
        %gather3A_470 = tpu.vector_load_idx %arg6[%get3A_469] : memref<10000xf32, #tpu.memory_space<vmem>>[vector<16xi32>], vector<16xf32>,
        %swap3A_471 = arith.constant 1 : i32
        %swap3A_472 = arith.index_cast %swap3A_471 : i32 to index
        %swap3A_473 = arith.constant 48 : index
        %swap3A_474 = tpu.vector_load %arg9[%swap3A_472, %swap3A_473] {strides = array<i32>} : memref<4x80xf32, #tpu.memory_space<vmem>>, vector<16xf32>,
        tpu.vector_store %arg9[%swap3A_472, %swap3A_473], %gather3A_470 {strides = array<i32>} : memref<4x80xf32, #tpu.memory_space<vmem>>, vector<16xf32>,
        %get3A_475 = arith.index_cast %add3A_431 : i32 to index
        %get3A_476 = arith.constant 64 : index
        %get3A_477 = tpu.vector_load %arg7[%get3A_475, %get3A_476] {strides = array<i32>} : memref<25x80xi32, #tpu.memory_space<vmem>>, vector<16xi32>,
        %gather3A_478 = tpu.vector_load_idx %arg6[%get3A_477] : memref<10000xf32, #tpu.memory_space<vmem>>[vector<16xi32>], vector<16xf32>,
        %swap3A_479 = arith.constant 1 : i32
        %swap3A_480 = arith.index_cast %swap3A_479 : i32 to index
        %swap3A_481 = arith.constant 64 : index
        %swap3A_482 = tpu.vector_load %arg9[%swap3A_480, %swap3A_481] {strides = array<i32>} : memref<4x80xf32, #tpu.memory_space<vmem>>, vector<16xf32>,
        tpu.vector_store %arg9[%swap3A_480, %swap3A_481], %gather3A_478 {strides = array<i32>} : memref<4x80xf32, #tpu.memory_space<vmem>>, vector<16xf32>,
        %dma_start3A_483 = arith.constant 1 : i32
        %dma_start3A_484 = arith.constant 0 : i32
        %dma_start3A_485 = tpu.memref_slice %arg9[%dma_start3A_483, %dma_start3A_484] : memref<4x80xf32, #tpu.memory_space<vmem>> -> memref<1x80xf32, #tpu.memory_space<vmem>>
        %dma_start3A_486 = tpu.memref_squeeze %dma_start3A_485 : memref<1x80xf32, #tpu.memory_space<vmem>> -> memref<80xf32, #tpu.memory_space<vmem>>
        %dma_start3A_487 = arith.constant 0 : i32
        %dma_start3A_488 = tpu.memref_slice %arg8[%add3A_431, %dma_start3A_487] : memref<25x80xi32, #tpu.memory_space<vmem>> -> memref<1x80xi32, #tpu.memory_space<vmem>>
        %dma_start3A_489 = tpu.memref_squeeze %dma_start3A_488 : memref<1x80xi32, #tpu.memory_space<vmem>> -> memref<80xi32, #tpu.memory_space<vmem>>
        %dma_start3A_490 = arith.constant 0 : i32
        %dma_start3A_491 = tpu.memref_slice %arg11[%dma_start3A_490] : memref<10240xf32, #tpu.memory_space<vmem_shared>> -> memref<10240xf32, #tpu.memory_space<vmem_shared>>
        tpu.enqueue_indirect_dma source(%dma_start3A_486 : memref<80xf32, #tpu.memory_space<vmem>>) target(%dma_start3A_491 : memref<10240xf32, #tpu.memory_space<vmem_shared>>) offsets(%dma_start3A_489 : memref<80xi32, #tpu.memory_space<vmem>>) semaphore(%arg13 : memref<!tpu.dma_semaphore, #tpu.memory_space<semaphore_mem>>) {add = true}
        %mul3A_492 = arith.constant 4 : i32
        %mul3A_493 = arith.muli %add3A_359, %mul3A_492 : i32
        %add3A_494 = arith.constant 4 : i32
        %add3A_495 = arith.addi %add3A_494, %mul3A_493 : i32
        %add3A_496 = arith.constant 2 : i32
        %add3A_497 = arith.addi %add3A_495, %add3A_496 : i32
        %dma_wait3A_498 = arith.constant 2 : i32
        %dma_wait3A_499 = arith.constant 0 : i32
        %dma_wait3A_500 = tpu.memref_slice %arg9[%dma_wait3A_498, %dma_wait3A_499] : memref<4x80xf32, #tpu.memory_space<vmem>> -> memref<1x80xf32, #tpu.memory_space<vmem>>
        %dma_wait3A_501 = tpu.memref_squeeze %dma_wait3A_500 : memref<1x80xf32, #tpu.memory_space<vmem>> -> memref<80xf32, #tpu.memory_space<vmem>>
        %dma_wait3A_502 = arith.constant 0 : i32
        %dma_wait3A_503 = tpu.memref_slice %arg2[%dma_wait3A_502] : memref<10000xf32, #tpu.memory_space<hbm>> -> memref<80xf32, #tpu.memory_space<hbm>>
        %dma_wait3A_504 = arith.constant 0 : i32
        %dma_wait3A_505 = tpu.memref_slice %arg9[%dma_wait3A_498, %dma_wait3A_504] : memref<4x80xf32, #tpu.memory_space<vmem>> -> memref<1x80xf32, #tpu.memory_space<vmem>>
        %dma_wait3A_506 = tpu.memref_squeeze %dma_wait3A_505 : memref<1x80xf32, #tpu.memory_space<vmem>> -> memref<80xf32, #tpu.memory_space<vmem>>
        %dma_wait3A_507 = arith.constant 0 : i32
        %dma_wait3A_508 = tpu.memref_slice %arg2[%dma_wait3A_507] : memref<10000xf32, #tpu.memory_space<hbm>> -> memref<80xf32, #tpu.memory_space<hbm>>
        tpu.wait_dma2 semaphore(%arg14 : memref<!tpu.dma_semaphore, #tpu.memory_space<semaphore_mem>>) src(%dma_wait3A_508 : memref<80xf32, #tpu.memory_space<hbm>>) dst(%dma_wait3A_506 : memref<80xf32, #tpu.memory_space<vmem>>)
        %get3A_509 = arith.index_cast %add3A_497 : i32 to index
        %get3A_510 = arith.constant 0 : index
        %get3A_511 = tpu.vector_load %arg7[%get3A_509, %get3A_510] {strides = array<i32>} : memref<25x80xi32, #tpu.memory_space<vmem>>, vector<16xi32>,
        %gather3A_512 = tpu.vector_load_idx %arg6[%get3A_511] : memref<10000xf32, #tpu.memory_space<vmem>>[vector<16xi32>], vector<16xf32>,
        %swap3A_513 = arith.constant 2 : i32
        %swap3A_514 = arith.index_cast %swap3A_513 : i32 to index
        %swap3A_515 = arith.constant 0 : index
        %swap3A_516 = tpu.vector_load %arg9[%swap3A_514, %swap3A_515] {strides = array<i32>} : memref<4x80xf32, #tpu.memory_space<vmem>>, vector<16xf32>,
        tpu.vector_store %arg9[%swap3A_514, %swap3A_515], %gather3A_512 {strides = array<i32>} : memref<4x80xf32, #tpu.memory_space<vmem>>, vector<16xf32>,
        %get3A_517 = arith.index_cast %add3A_497 : i32 to index
        %get3A_518 = arith.constant 16 : index
        %get3A_519 = tpu.vector_load %arg7[%get3A_517, %get3A_518] {strides = array<i32>} : memref<25x80xi32, #tpu.memory_space<vmem>>, vector<16xi32>,
        %gather3A_520 = tpu.vector_load_idx %arg6[%get3A_519] : memref<10000xf32, #tpu.memory_space<vmem>>[vector<16xi32>], vector<16xf32>,
        %swap3A_521 = arith.constant 2 : i32
        %swap3A_522 = arith.index_cast %swap3A_521 : i32 to index
        %swap3A_523 = arith.constant 16 : index
        %swap3A_524 = tpu.vector_load %arg9[%swap3A_522, %swap3A_523] {strides = array<i32>} : memref<4x80xf32, #tpu.memory_space<vmem>>, vector<16xf32>,
        tpu.vector_store %arg9[%swap3A_522, %swap3A_523], %gather3A_520 {strides = array<i32>} : memref<4x80xf32, #tpu.memory_space<vmem>>, vector<16xf32>,
        %get3A_525 = arith.index_cast %add3A_497 : i32 to index
        %get3A_526 = arith.constant 32 : index
        %get3A_527 = tpu.vector_load %arg7[%get3A_525, %get3A_526] {strides = array<i32>} : memref<25x80xi32, #tpu.memory_space<vmem>>, vector<16xi32>,
        %gather3A_528 = tpu.vector_load_idx %arg6[%get3A_527] : memref<10000xf32, #tpu.memory_space<vmem>>[vector<16xi32>], vector<16xf32>,
        %swap3A_529 = arith.constant 2 : i32
        %swap3A_530 = arith.index_cast %swap3A_529 : i32 to index
        %swap3A_531 = arith.constant 32 : index
        %swap3A_532 = tpu.vector_load %arg9[%swap3A_530, %swap3A_531] {strides = array<i32>} : memref<4x80xf32, #tpu.memory_space<vmem>>, vector<16xf32>,
        tpu.vector_store %arg9[%swap3A_530, %swap3A_531], %gather3A_528 {strides = array<i32>} : memref<4x80xf32, #tpu.memory_space<vmem>>, vector<16xf32>,
        %get3A_533 = arith.index_cast %add3A_497 : i32 to index
        %get3A_534 = arith.constant 48 : index
        %get3A_535 = tpu.vector_load %arg7[%get3A_533, %get3A_534] {strides = array<i32>} : memref<25x80xi32, #tpu.memory_space<vmem>>, vector<16xi32>,
        %gather3A_536 = tpu.vector_load_idx %arg6[%get3A_535] : memref<10000xf32, #tpu.memory_space<vmem>>[vector<16xi32>], vector<16xf32>,
        %swap3A_537 = arith.constant 2 : i32
        %swap3A_538 = arith.index_cast %swap3A_537 : i32 to index
        %swap3A_539 = arith.constant 48 : index
        %swap3A_540 = tpu.vector_load %arg9[%swap3A_538, %swap3A_539] {strides = array<i32>} : memref<4x80xf32, #tpu.memory_space<vmem>>, vector<16xf32>,
        tpu.vector_store %arg9[%swap3A_538, %swap3A_539], %gather3A_536 {strides = array<i32>} : memref<4x80xf32, #tpu.memory_space<vmem>>, vector<16xf32>,
        %get3A_541 = arith.index_cast %add3A_497 : i32 to index
        %get3A_542 = arith.constant 64 : index
        %get3A_543 = tpu.vector_load %arg7[%get3A_541, %get3A_542] {strides = array<i32>} : memref<25x80xi32, #tpu.memory_space<vmem>>, vector<16xi32>,
        %gather3A_544 = tpu.vector_load_idx %arg6[%get3A_543] : memref<10000xf32, #tpu.memory_space<vmem>>[vector<16xi32>], vector<16xf32>,
        %swap3A_545 = arith.constant 2 : i32
        %swap3A_546 = arith.index_cast %swap3A_545 : i32 to index
        %swap3A_547 = arith.constant 64 : index
        %swap3A_548 = tpu.vector_load %arg9[%swap3A_546, %swap3A_547] {strides = array<i32>} : memref<4x80xf32, #tpu.memory_space<vmem>>, vector<16xf32>,
        tpu.vector_store %arg9[%swap3A_546, %swap3A_547], %gather3A_544 {strides = array<i32>} : memref<4x80xf32, #tpu.memory_space<vmem>>, vector<16xf32>,
        %dma_start3A_549 = arith.constant 2 : i32
        %dma_start3A_550 = arith.constant 0 : i32
        %dma_start3A_551 = tpu.memref_slice %arg9[%dma_start3A_549, %dma_start3A_550] : memref<4x80xf32, #tpu.memory_space<vmem>> -> memref<1x80xf32, #tpu.memory_space<vmem>>
        %dma_start3A_552 = tpu.memref_squeeze %dma_start3A_551 : memref<1x80xf32, #tpu.memory_space<vmem>> -> memref<80xf32, #tpu.memory_space<vmem>>
        %dma_start3A_553 = arith.constant 0 : i32
        %dma_start3A_554 = tpu.memref_slice %arg8[%add3A_497, %dma_start3A_553] : memref<25x80xi32, #tpu.memory_space<vmem>> -> memref<1x80xi32, #tpu.memory_space<vmem>>
        %dma_start3A_555 = tpu.memref_squeeze %dma_start3A_554 : memref<1x80xi32, #tpu.memory_space<vmem>> -> memref<80xi32, #tpu.memory_space<vmem>>
        %dma_start3A_556 = arith.constant 0 : i32
        %dma_start3A_557 = tpu.memref_slice %arg11[%dma_start3A_556] : memref<10240xf32, #tpu.memory_space<vmem_shared>> -> memref<10240xf32, #tpu.memory_space<vmem_shared>>
        tpu.enqueue_indirect_dma source(%dma_start3A_552 : memref<80xf32, #tpu.memory_space<vmem>>) target(%dma_start3A_557 : memref<10240xf32, #tpu.memory_space<vmem_shared>>) offsets(%dma_start3A_555 : memref<80xi32, #tpu.memory_space<vmem>>) semaphore(%arg14 : memref<!tpu.dma_semaphore, #tpu.memory_space<semaphore_mem>>) {add = true}
        %mul3A_558 = arith.constant 4 : i32
        %mul3A_559 = arith.muli %add3A_359, %mul3A_558 : i32
        %add3A_560 = arith.constant 4 : i32
        %add3A_561 = arith.addi %add3A_560, %mul3A_559 : i32
        %add3A_562 = arith.constant 3 : i32
        %add3A_563 = arith.addi %add3A_561, %add3A_562 : i32
        %dma_wait3A_564 = arith.constant 3 : i32
        %dma_wait3A_565 = arith.constant 0 : i32
        %dma_wait3A_566 = tpu.memref_slice %arg9[%dma_wait3A_564, %dma_wait3A_565] : memref<4x80xf32, #tpu.memory_space<vmem>> -> memref<1x80xf32, #tpu.memory_space<vmem>>
        %dma_wait3A_567 = tpu.memref_squeeze %dma_wait3A_566 : memref<1x80xf32, #tpu.memory_space<vmem>> -> memref<80xf32, #tpu.memory_space<vmem>>
        %dma_wait3A_568 = arith.constant 0 : i32
        %dma_wait3A_569 = tpu.memref_slice %arg2[%dma_wait3A_568] : memref<10000xf32, #tpu.memory_space<hbm>> -> memref<80xf32, #tpu.memory_space<hbm>>
        %dma_wait3A_570 = arith.constant 0 : i32
        %dma_wait3A_571 = tpu.memref_slice %arg9[%dma_wait3A_564, %dma_wait3A_570] : memref<4x80xf32, #tpu.memory_space<vmem>> -> memref<1x80xf32, #tpu.memory_space<vmem>>
        %dma_wait3A_572 = tpu.memref_squeeze %dma_wait3A_571 : memref<1x80xf32, #tpu.memory_space<vmem>> -> memref<80xf32, #tpu.memory_space<vmem>>
        %dma_wait3A_573 = arith.constant 0 : i32
        %dma_wait3A_574 = tpu.memref_slice %arg2[%dma_wait3A_573] : memref<10000xf32, #tpu.memory_space<hbm>> -> memref<80xf32, #tpu.memory_space<hbm>>
        tpu.wait_dma2 semaphore(%arg15 : memref<!tpu.dma_semaphore, #tpu.memory_space<semaphore_mem>>) src(%dma_wait3A_574 : memref<80xf32, #tpu.memory_space<hbm>>) dst(%dma_wait3A_572 : memref<80xf32, #tpu.memory_space<vmem>>)
        %get3A_575 = arith.index_cast %add3A_563 : i32 to index
        %get3A_576 = arith.constant 0 : index
        %get3A_577 = tpu.vector_load %arg7[%get3A_575, %get3A_576] {strides = array<i32>} : memref<25x80xi32, #tpu.memory_space<vmem>>, vector<16xi32>,
        %gather3A_578 = tpu.vector_load_idx %arg6[%get3A_577] : memref<10000xf32, #tpu.memory_space<vmem>>[vector<16xi32>], vector<16xf32>,
        %swap3A_579 = arith.constant 3 : i32
        %swap3A_580 = arith.index_cast %swap3A_579 : i32 to index
        %swap3A_581 = arith.constant 0 : index
        %swap3A_582 = tpu.vector_load %arg9[%swap3A_580, %swap3A_581] {strides = array<i32>} : memref<4x80xf32, #tpu.memory_space<vmem>>, vector<16xf32>,
        tpu.vector_store %arg9[%swap3A_580, %swap3A_581], %gather3A_578 {strides = array<i32>} : memref<4x80xf32, #tpu.memory_space<vmem>>, vector<16xf32>,
        %get3A_583 = arith.index_cast %add3A_563 : i32 to index
        %get3A_584 = arith.constant 16 : index
        %get3A_585 = tpu.vector_load %arg7[%get3A_583, %get3A_584] {strides = array<i32>} : memref<25x80xi32, #tpu.memory_space<vmem>>, vector<16xi32>,
        %gather3A_586 = tpu.vector_load_idx %arg6[%get3A_585] : memref<10000xf32, #tpu.memory_space<vmem>>[vector<16xi32>], vector<16xf32>,
        %swap3A_587 = arith.constant 3 : i32
        %swap3A_588 = arith.index_cast %swap3A_587 : i32 to index
        %swap3A_589 = arith.constant 16 : index
        %swap3A_590 = tpu.vector_load %arg9[%swap3A_588, %swap3A_589] {strides = array<i32>} : memref<4x80xf32, #tpu.memory_space<vmem>>, vector<16xf32>,
        tpu.vector_store %arg9[%swap3A_588, %swap3A_589], %gather3A_586 {strides = array<i32>} : memref<4x80xf32, #tpu.memory_space<vmem>>, vector<16xf32>,
        %get3A_591 = arith.index_cast %add3A_563 : i32 to index
        %get3A_592 = arith.constant 32 : index
        %get3A_593 = tpu.vector_load %arg7[%get3A_591, %get3A_592] {strides = array<i32>} : memref<25x80xi32, #tpu.memory_space<vmem>>, vector<16xi32>,
        %gather3A_594 = tpu.vector_load_idx %arg6[%get3A_593] : memref<10000xf32, #tpu.memory_space<vmem>>[vector<16xi32>], vector<16xf32>,
        %swap3A_595 = arith.constant 3 : i32
        %swap3A_596 = arith.index_cast %swap3A_595 : i32 to index
        %swap3A_597 = arith.constant 32 : index
        %swap3A_598 = tpu.vector_load %arg9[%swap3A_596, %swap3A_597] {strides = array<i32>} : memref<4x80xf32, #tpu.memory_space<vmem>>, vector<16xf32>,
        tpu.vector_store %arg9[%swap3A_596, %swap3A_597], %gather3A_594 {strides = array<i32>} : memref<4x80xf32, #tpu.memory_space<vmem>>, vector<16xf32>,
        %get3A_599 = arith.index_cast %add3A_563 : i32 to index
        %get3A_600 = arith.constant 48 : index
        %get3A_601 = tpu.vector_load %arg7[%get3A_599, %get3A_600] {strides = array<i32>} : memref<25x80xi32, #tpu.memory_space<vmem>>, vector<16xi32>,
        %gather3A_602 = tpu.vector_load_idx %arg6[%get3A_601] : memref<10000xf32, #tpu.memory_space<vmem>>[vector<16xi32>], vector<16xf32>,
        %swap3A_603 = arith.constant 3 : i32
        %swap3A_604 = arith.index_cast %swap3A_603 : i32 to index
        %swap3A_605 = arith.constant 48 : index
        %swap3A_606 = tpu.vector_load %arg9[%swap3A_604, %swap3A_605] {strides = array<i32>} : memref<4x80xf32, #tpu.memory_space<vmem>>, vector<16xf32>,
        tpu.vector_store %arg9[%swap3A_604, %swap3A_605], %gather3A_602 {strides = array<i32>} : memref<4x80xf32, #tpu.memory_space<vmem>>, vector<16xf32>,
        %get3A_607 = arith.index_cast %add3A_563 : i32 to index
        %get3A_608 = arith.constant 64 : index
        %get3A_609 = tpu.vector_load %arg7[%get3A_607, %get3A_608] {strides = array<i32>} : memref<25x80xi32, #tpu.memory_space<vmem>>, vector<16xi32>,
        %gather3A_610 = tpu.vector_load_idx %arg6[%get3A_609] : memref<10000xf32, #tpu.memory_space<vmem>>[vector<16xi32>], vector<16xf32>,
        %swap3A_611 = arith.constant 3 : i32
        %swap3A_612 = arith.index_cast %swap3A_611 : i32 to index
        %swap3A_613 = arith.constant 64 : index
        %swap3A_614 = tpu.vector_load %arg9[%swap3A_612, %swap3A_613] {strides = array<i32>} : memref<4x80xf32, #tpu.memory_space<vmem>>, vector<16xf32>,
        tpu.vector_store %arg9[%swap3A_612, %swap3A_613], %gather3A_610 {strides = array<i32>} : memref<4x80xf32, #tpu.memory_space<vmem>>, vector<16xf32>,
        %dma_start3A_615 = arith.constant 3 : i32
        %dma_start3A_616 = arith.constant 0 : i32
        %dma_start3A_617 = tpu.memref_slice %arg9[%dma_start3A_615, %dma_start3A_616] : memref<4x80xf32, #tpu.memory_space<vmem>> -> memref<1x80xf32, #tpu.memory_space<vmem>>
        %dma_start3A_618 = tpu.memref_squeeze %dma_start3A_617 : memref<1x80xf32, #tpu.memory_space<vmem>> -> memref<80xf32, #tpu.memory_space<vmem>>
        %dma_start3A_619 = arith.constant 0 : i32
        %dma_start3A_620 = tpu.memref_slice %arg8[%add3A_563, %dma_start3A_619] : memref<25x80xi32, #tpu.memory_space<vmem>> -> memref<1x80xi32, #tpu.memory_space<vmem>>
        %dma_start3A_621 = tpu.memref_squeeze %dma_start3A_620 : memref<1x80xi32, #tpu.memory_space<vmem>> -> memref<80xi32, #tpu.memory_space<vmem>>
        %dma_start3A_622 = arith.constant 0 : i32
        %dma_start3A_623 = tpu.memref_slice %arg11[%dma_start3A_622] : memref<10240xf32, #tpu.memory_space<vmem_shared>> -> memref<10240xf32, #tpu.memory_space<vmem_shared>>
        tpu.enqueue_indirect_dma source(%dma_start3A_618 : memref<80xf32, #tpu.memory_space<vmem>>) target(%dma_start3A_623 : memref<10240xf32, #tpu.memory_space<vmem_shared>>) offsets(%dma_start3A_621 : memref<80xi32, #tpu.memory_space<vmem>>) semaphore(%arg15 : memref<!tpu.dma_semaphore, #tpu.memory_space<semaphore_mem>>) {add = true}
      }
      %scan3A_245 = arith.constant 5 : i32
      %dma_wait3A = arith.constant 0 : i32
      %dma_wait3A_246 = arith.constant 0 : i32
      %dma_wait3A_247 = tpu.memref_slice %arg9[%dma_wait3A, %dma_wait3A_246] : memref<4x80xf32, #tpu.memory_space<vmem>> -> memref<1x80xf32, #tpu.memory_space<vmem>>
      %dma_wait3A_248 = tpu.memref_squeeze %dma_wait3A_247 : memref<1x80xf32, #tpu.memory_space<vmem>> -> memref<80xf32, #tpu.memory_space<vmem>>
      %dma_wait3A_249 = arith.constant 0 : i32
      %dma_wait3A_250 = tpu.memref_slice %arg2[%dma_wait3A_249] : memref<10000xf32, #tpu.memory_space<hbm>> -> memref<80xf32, #tpu.memory_space<hbm>>
      %dma_wait3A_251 = arith.constant 0 : i32
      %dma_wait3A_252 = tpu.memref_slice %arg9[%dma_wait3A, %dma_wait3A_251] : memref<4x80xf32, #tpu.memory_space<vmem>> -> memref<1x80xf32, #tpu.memory_space<vmem>>
      %dma_wait3A_253 = tpu.memref_squeeze %dma_wait3A_252 : memref<1x80xf32, #tpu.memory_space<vmem>> -> memref<80xf32, #tpu.memory_space<vmem>>
      %dma_wait3A_254 = arith.constant 0 : i32
      %dma_wait3A_255 = tpu.memref_slice %arg2[%dma_wait3A_254] : memref<10000xf32, #tpu.memory_space<hbm>> -> memref<80xf32, #tpu.memory_space<hbm>>
      tpu.wait_dma2 semaphore(%arg12 : memref<!tpu.dma_semaphore, #tpu.memory_space<semaphore_mem>>) src(%dma_wait3A_255 : memref<80xf32, #tpu.memory_space<hbm>>) dst(%dma_wait3A_253 : memref<80xf32, #tpu.memory_space<vmem>>)
      %get3A_256 = arith.constant 24 : i32
      %get3A_257 = arith.index_cast %get3A_256 : i32 to index
      %get3A_258 = arith.constant 0 : index
      %get3A_259 = tpu.vector_load %arg7[%get3A_257, %get3A_258] {strides = array<i32>} : memref<25x80xi32, #tpu.memory_space<vmem>>, vector<16xi32>,
      %gather3A_260 = tpu.vector_load_idx %arg6[%get3A_259] : memref<10000xf32, #tpu.memory_space<vmem>>[vector<16xi32>], vector<16xf32>,
      %swap3A_261 = arith.constant 0 : i32
      %swap3A_262 = arith.index_cast %swap3A_261 : i32 to index
      %swap3A_263 = arith.constant 0 : index
      %swap3A_264 = tpu.vector_load %arg9[%swap3A_262, %swap3A_263] {strides = array<i32>} : memref<4x80xf32, #tpu.memory_space<vmem>>, vector<16xf32>,
      tpu.vector_store %arg9[%swap3A_262, %swap3A_263], %gather3A_260 {strides = array<i32>} : memref<4x80xf32, #tpu.memory_space<vmem>>, vector<16xf32>,
      %get3A_265 = arith.constant 24 : i32
      %get3A_266 = arith.index_cast %get3A_265 : i32 to index
      %get3A_267 = arith.constant 16 : index
      %get3A_268 = tpu.vector_load %arg7[%get3A_266, %get3A_267] {strides = array<i32>} : memref<25x80xi32, #tpu.memory_space<vmem>>, vector<16xi32>,
      %gather3A_269 = tpu.vector_load_idx %arg6[%get3A_268] : memref<10000xf32, #tpu.memory_space<vmem>>[vector<16xi32>], vector<16xf32>,
      %swap3A_270 = arith.constant 0 : i32
      %swap3A_271 = arith.index_cast %swap3A_270 : i32 to index
      %swap3A_272 = arith.constant 16 : index
      %swap3A_273 = tpu.vector_load %arg9[%swap3A_271, %swap3A_272] {strides = array<i32>} : memref<4x80xf32, #tpu.memory_space<vmem>>, vector<16xf32>,
      tpu.vector_store %arg9[%swap3A_271, %swap3A_272], %gather3A_269 {strides = array<i32>} : memref<4x80xf32, #tpu.memory_space<vmem>>, vector<16xf32>,
      %get3A_274 = arith.constant 24 : i32
      %get3A_275 = arith.index_cast %get3A_274 : i32 to index
      %get3A_276 = arith.constant 32 : index
      %get3A_277 = tpu.vector_load %arg7[%get3A_275, %get3A_276] {strides = array<i32>} : memref<25x80xi32, #tpu.memory_space<vmem>>, vector<16xi32>,
      %gather3A_278 = tpu.vector_load_idx %arg6[%get3A_277] : memref<10000xf32, #tpu.memory_space<vmem>>[vector<16xi32>], vector<16xf32>,
      %swap3A_279 = arith.constant 0 : i32
      %swap3A_280 = arith.index_cast %swap3A_279 : i32 to index
      %swap3A_281 = arith.constant 32 : index
      %swap3A_282 = tpu.vector_load %arg9[%swap3A_280, %swap3A_281] {strides = array<i32>} : memref<4x80xf32, #tpu.memory_space<vmem>>, vector<16xf32>,
      tpu.vector_store %arg9[%swap3A_280, %swap3A_281], %gather3A_278 {strides = array<i32>} : memref<4x80xf32, #tpu.memory_space<vmem>>, vector<16xf32>,
      %get3A_283 = arith.constant 24 : i32
      %get3A_284 = arith.index_cast %get3A_283 : i32 to index
      %get3A_285 = arith.constant 48 : index
      %get3A_286 = tpu.vector_load %arg7[%get3A_284, %get3A_285] {strides = array<i32>} : memref<25x80xi32, #tpu.memory_space<vmem>>, vector<16xi32>,
      %gather3A_287 = tpu.vector_load_idx %arg6[%get3A_286] : memref<10000xf32, #tpu.memory_space<vmem>>[vector<16xi32>], vector<16xf32>,
      %swap3A_288 = arith.constant 0 : i32
      %swap3A_289 = arith.index_cast %swap3A_288 : i32 to index
      %swap3A_290 = arith.constant 48 : index
      %swap3A_291 = tpu.vector_load %arg9[%swap3A_289, %swap3A_290] {strides = array<i32>} : memref<4x80xf32, #tpu.memory_space<vmem>>, vector<16xf32>,
      tpu.vector_store %arg9[%swap3A_289, %swap3A_290], %gather3A_287 {strides = array<i32>} : memref<4x80xf32, #tpu.memory_space<vmem>>, vector<16xf32>,
      %get3A_292 = arith.constant 24 : i32
      %get3A_293 = arith.index_cast %get3A_292 : i32 to index
      %get3A_294 = arith.constant 64 : index
      %get3A_295 = tpu.vector_load %arg7[%get3A_293, %get3A_294] {strides = array<i32>} : memref<25x80xi32, #tpu.memory_space<vmem>>, vector<16xi32>,
      %gather3A_296 = tpu.vector_load_idx %arg6[%get3A_295] : memref<10000xf32, #tpu.memory_space<vmem>>[vector<16xi32>], vector<16xf32>,
      %swap3A_297 = arith.constant 0 : i32
      %swap3A_298 = arith.index_cast %swap3A_297 : i32 to index
      %swap3A_299 = arith.constant 64 : index
      %swap3A_300 = tpu.vector_load %arg9[%swap3A_298, %swap3A_299] {strides = array<i32>} : memref<4x80xf32, #tpu.memory_space<vmem>>, vector<16xf32>,
      tpu.vector_store %arg9[%swap3A_298, %swap3A_299], %gather3A_296 {strides = array<i32>} : memref<4x80xf32, #tpu.memory_space<vmem>>, vector<16xf32>,
      %dma_start3A_301 = arith.constant 0 : i32
      %dma_start3A_302 = arith.constant 24 : i32
      %dma_start3A_303 = arith.constant 0 : i32
      %dma_start3A_304 = tpu.memref_slice %arg9[%dma_start3A_301, %dma_start3A_303] : memref<4x80xf32, #tpu.memory_space<vmem>> -> memref<1x80xf32, #tpu.memory_space<vmem>>
      %dma_start3A_305 = tpu.memref_squeeze %dma_start3A_304 : memref<1x80xf32, #tpu.memory_space<vmem>> -> memref<80xf32, #tpu.memory_space<vmem>>
      %dma_start3A_306 = arith.constant 0 : i32
      %dma_start3A_307 = tpu.memref_slice %arg8[%dma_start3A_302, %dma_start3A_306] : memref<25x80xi32, #tpu.memory_space<vmem>> -> memref<1x80xi32, #tpu.memory_space<vmem>>
      %dma_start3A_308 = tpu.memref_squeeze %dma_start3A_307 : memref<1x80xi32, #tpu.memory_space<vmem>> -> memref<80xi32, #tpu.memory_space<vmem>>
      %dma_start3A_309 = arith.constant 0 : i32
      %dma_start3A_310 = tpu.memref_slice %arg11[%dma_start3A_309] : memref<10240xf32, #tpu.memory_space<vmem_shared>> -> memref<10240xf32, #tpu.memory_space<vmem_shared>>
      tpu.enqueue_indirect_dma source(%dma_start3A_305 : memref<80xf32, #tpu.memory_space<vmem>>) target(%dma_start3A_310 : memref<10240xf32, #tpu.memory_space<vmem_shared>>) offsets(%dma_start3A_308 : memref<80xi32, #tpu.memory_space<vmem>>) semaphore(%arg12 : memref<!tpu.dma_semaphore, #tpu.memory_space<semaphore_mem>>) {add = true}
      %dma_wait3A_311 = arith.constant 1 : i32
      %dma_wait3A_312 = arith.constant 0 : i32
      %dma_wait3A_313 = tpu.memref_slice %arg9[%dma_wait3A_311, %dma_wait3A_312] : memref<4x80xf32, #tpu.memory_space<vmem>> -> memref<1x80xf32, #tpu.memory_space<vmem>>
      %dma_wait3A_314 = tpu.memref_squeeze %dma_wait3A_313 : memref<1x80xf32, #tpu.memory_space<vmem>> -> memref<80xf32, #tpu.memory_space<vmem>>
      %dma_wait3A_315 = arith.constant 0 : i32
      %dma_wait3A_316 = tpu.memref_slice %arg2[%dma_wait3A_315] : memref<10000xf32, #tpu.memory_space<hbm>> -> memref<80xf32, #tpu.memory_space<hbm>>
      %dma_wait3A_317 = arith.constant 0 : i32
      %dma_wait3A_318 = tpu.memref_slice %arg9[%dma_wait3A_311, %dma_wait3A_317] : memref<4x80xf32, #tpu.memory_space<vmem>> -> memref<1x80xf32, #tpu.memory_space<vmem>>
      %dma_wait3A_319 = tpu.memref_squeeze %dma_wait3A_318 : memref<1x80xf32, #tpu.memory_space<vmem>> -> memref<80xf32, #tpu.memory_space<vmem>>
      %dma_wait3A_320 = arith.constant 0 : i32
      %dma_wait3A_321 = tpu.memref_slice %arg2[%dma_wait3A_320] : memref<10000xf32, #tpu.memory_space<hbm>> -> memref<80xf32, #tpu.memory_space<hbm>>
      tpu.wait_dma2 semaphore(%arg13 : memref<!tpu.dma_semaphore, #tpu.memory_space<semaphore_mem>>) src(%dma_wait3A_321 : memref<80xf32, #tpu.memory_space<hbm>>) dst(%dma_wait3A_319 : memref<80xf32, #tpu.memory_space<vmem>>)
      %dma_wait3A_322 = arith.constant 2 : i32
      %dma_wait3A_323 = arith.constant 0 : i32
      %dma_wait3A_324 = tpu.memref_slice %arg9[%dma_wait3A_322, %dma_wait3A_323] : memref<4x80xf32, #tpu.memory_space<vmem>> -> memref<1x80xf32, #tpu.memory_space<vmem>>
      %dma_wait3A_325 = tpu.memref_squeeze %dma_wait3A_324 : memref<1x80xf32, #tpu.memory_space<vmem>> -> memref<80xf32, #tpu.memory_space<vmem>>
      %dma_wait3A_326 = arith.constant 0 : i32
      %dma_wait3A_327 = tpu.memref_slice %arg2[%dma_wait3A_326] : memref<10000xf32, #tpu.memory_space<hbm>> -> memref<80xf32, #tpu.memory_space<hbm>>
      %dma_wait3A_328 = arith.constant 0 : i32
      %dma_wait3A_329 = tpu.memref_slice %arg9[%dma_wait3A_322, %dma_wait3A_328] : memref<4x80xf32, #tpu.memory_space<vmem>> -> memref<1x80xf32, #tpu.memory_space<vmem>>
      %dma_wait3A_330 = tpu.memref_squeeze %dma_wait3A_329 : memref<1x80xf32, #tpu.memory_space<vmem>> -> memref<80xf32, #tpu.memory_space<vmem>>
      %dma_wait3A_331 = arith.constant 0 : i32
      %dma_wait3A_332 = tpu.memref_slice %arg2[%dma_wait3A_331] : memref<10000xf32, #tpu.memory_space<hbm>> -> memref<80xf32, #tpu.memory_space<hbm>>
      tpu.wait_dma2 semaphore(%arg14 : memref<!tpu.dma_semaphore, #tpu.memory_space<semaphore_mem>>) src(%dma_wait3A_332 : memref<80xf32, #tpu.memory_space<hbm>>) dst(%dma_wait3A_330 : memref<80xf32, #tpu.memory_space<vmem>>)
      %dma_wait3A_333 = arith.constant 3 : i32
      %dma_wait3A_334 = arith.constant 0 : i32
      %dma_wait3A_335 = tpu.memref_slice %arg9[%dma_wait3A_333, %dma_wait3A_334] : memref<4x80xf32, #tpu.memory_space<vmem>> -> memref<1x80xf32, #tpu.memory_space<vmem>>
      %dma_wait3A_336 = tpu.memref_squeeze %dma_wait3A_335 : memref<1x80xf32, #tpu.memory_space<vmem>> -> memref<80xf32, #tpu.memory_space<vmem>>
      %dma_wait3A_337 = arith.constant 0 : i32
      %dma_wait3A_338 = tpu.memref_slice %arg2[%dma_wait3A_337] : memref<10000xf32, #tpu.memory_space<hbm>> -> memref<80xf32, #tpu.memory_space<hbm>>
      %dma_wait3A_339 = arith.constant 0 : i32
      %dma_wait3A_340 = tpu.memref_slice %arg9[%dma_wait3A_333, %dma_wait3A_339] : memref<4x80xf32, #tpu.memory_space<vmem>> -> memref<1x80xf32, #tpu.memory_space<vmem>>
      %dma_wait3A_341 = tpu.memref_squeeze %dma_wait3A_340 : memref<1x80xf32, #tpu.memory_space<vmem>> -> memref<80xf32, #tpu.memory_space<vmem>>
      %dma_wait3A_342 = arith.constant 0 : i32
      %dma_wait3A_343 = tpu.memref_slice %arg2[%dma_wait3A_342] : memref<10000xf32, #tpu.memory_space<hbm>> -> memref<80xf32, #tpu.memory_space<hbm>>
      tpu.wait_dma2 semaphore(%arg15 : memref<!tpu.dma_semaphore, #tpu.memory_space<semaphore_mem>>) src(%dma_wait3A_343 : memref<80xf32, #tpu.memory_space<hbm>>) dst(%dma_wait3A_341 : memref<80xf32, #tpu.memory_space<vmem>>)
      %dma_wait3A_344 = arith.constant 0 : i32
      %dma_wait3A_345 = arith.constant 0 : i32
      %dma_wait3A_346 = tpu.memref_slice %arg9[%dma_wait3A_344, %dma_wait3A_345] : memref<4x80xf32, #tpu.memory_space<vmem>> -> memref<1x80xf32, #tpu.memory_space<vmem>>
      %dma_wait3A_347 = tpu.memref_squeeze %dma_wait3A_346 : memref<1x80xf32, #tpu.memory_space<vmem>> -> memref<80xf32, #tpu.memory_space<vmem>>
      %dma_wait3A_348 = arith.constant 0 : i32
      %dma_wait3A_349 = tpu.memref_slice %arg2[%dma_wait3A_348] : memref<10000xf32, #tpu.memory_space<hbm>> -> memref<80xf32, #tpu.memory_space<hbm>>
      %dma_wait3A_350 = arith.constant 0 : i32
      %dma_wait3A_351 = tpu.memref_slice %arg9[%dma_wait3A_344, %dma_wait3A_350] : memref<4x80xf32, #tpu.memory_space<vmem>> -> memref<1x80xf32, #tpu.memory_space<vmem>>
      %dma_wait3A_352 = tpu.memref_squeeze %dma_wait3A_351 : memref<1x80xf32, #tpu.memory_space<vmem>> -> memref<80xf32, #tpu.memory_space<vmem>>
      %dma_wait3A_353 = arith.constant 0 : i32
      %dma_wait3A_354 = tpu.memref_slice %arg2[%dma_wait3A_353] : memref<10000xf32, #tpu.memory_space<hbm>> -> memref<80xf32, #tpu.memory_space<hbm>>
      tpu.wait_dma2 semaphore(%arg12 : memref<!tpu.dma_semaphore, #tpu.memory_space<semaphore_mem>>) src(%dma_wait3A_354 : memref<80xf32, #tpu.memory_space<hbm>>) dst(%dma_wait3A_352 : memref<80xf32, #tpu.memory_space<vmem>>)
    }
    %scan3A_14 = arith.constant 5 : i32
    %barrier3A_15 = arith.constant 0 : index
    tpu.barrier barrier_id(%barrier3A_15)
    %mul3A_16 = arith.constant 640 : i32
    %mul3A_17 = arith.muli %arg1, %mul3A_16 : i32
    %mul3A_18 = arith.constant 640 : i32
    %mul3A_19 = arith.muli %arg1, %mul3A_18 : i32
    "tpu.region"() ({
      %run_scoped3A = tpu.sem_alloc : memref<!tpu.dma_semaphore, #tpu.memory_space<semaphore_mem>>
      %dma_start3A = tpu.memref_slice %arg5[%arg0, %mul3A_19] : memref<2x10240xf32, #tpu.memory_space<hbm>> -> memref<1x640xf32, #tpu.memory_space<hbm>>
      %dma_start3A_20 = tpu.memref_squeeze %dma_start3A : memref<1x640xf32, #tpu.memory_space<hbm>> -> memref<640xf32, #tpu.memory_space<hbm>>
      %dma_start3A_21 = tpu.memref_slice %arg11[%mul3A_17] : memref<10240xf32, #tpu.memory_space<vmem_shared>> -> memref<640xf32, #tpu.memory_space<vmem_shared>>
      tpu.enqueue_dma source(%dma_start3A_21 : memref<640xf32, #tpu.memory_space<vmem_shared>>) target(%dma_start3A_20 : memref<640xf32, #tpu.memory_space<hbm>>) target_semaphore(%run_scoped3A : memref<!tpu.dma_semaphore, #tpu.memory_space<semaphore_mem>>)
      %dma_wait3A = tpu.memref_slice %arg5[%arg0, %mul3A_19] : memref<2x10240xf32, #tpu.memory_space<hbm>> -> memref<1x640xf32, #tpu.memory_space<hbm>>
      %dma_wait3A_22 = tpu.memref_squeeze %dma_wait3A : memref<1x640xf32, #tpu.memory_space<hbm>> -> memref<640xf32, #tpu.memory_space<hbm>>
      %dma_wait3A_23 = tpu.memref_slice %arg11[%mul3A_17] : memref<10240xf32, #tpu.memory_space<vmem_shared>> -> memref<640xf32, #tpu.memory_space<vmem_shared>>
      tpu.wait_dma2 semaphore(%run_scoped3A : memref<!tpu.dma_semaphore, #tpu.memory_space<semaphore_mem>>) src(%dma_wait3A_23 : memref<640xf32, #tpu.memory_space<vmem_shared>>) dst(%dma_wait3A_22 : memref<640xf32, #tpu.memory_space<hbm>>)
      tpu.yield
    }) : () -> ()
    return
  }
}

#map = affine_map<(d0, d1) -> (0, 0, 0, 0)>
#map1 = affine_map<(d0, d1) -> (0, 0)>
module attributes {stable_mosaic.version = 14 : i64} {
  func.func @_k1_body(%arg0: i32, %arg1: i32, %arg2: memref<32x5x25x80xi32, #tpu.memory_space<hbm>>, %arg3: memref<32x5x25x80xi32, #tpu.memory_space<hbm>>, %arg4: memref<2x20480xf32, #tpu.memory_space<hbm>>, %arg5: memref<25x80xi32, #tpu.memory_space<vmem>>, %arg6: memref<25x80xi32, #tpu.memory_space<vmem>>, %arg7: memref<80xf32, #tpu.memory_space<vmem>>, %arg8: memref<160xf32, #tpu.memory_space<vmem>>, %arg9: memref<20480xf32, #tpu.memory_space<vmem_shared>>, %arg10: memref<!tpu.dma_semaphore, #tpu.memory_space<semaphore_mem>>, %arg11: memref<!tpu.dma_semaphore, #tpu.memory_space<semaphore_mem>>, %arg12: memref<!tpu.dma_semaphore, #tpu.memory_space<semaphore_mem>>, %arg13: memref<!tpu.dma_semaphore, #tpu.memory_space<semaphore_mem>>, %arg14: memref<!tpu.dma_semaphore, #tpu.memory_space<semaphore_mem>>, %arg15: memref<!tpu.dma_semaphore, #tpu.memory_space<semaphore_mem>>, %arg16: memref<!tpu.dma_semaphore, #tpu.memory_space<semaphore_mem>>, %arg17: memref<!tpu.dma_semaphore, #tpu.memory_space<semaphore_mem>>, %arg18: memref<!tpu.dma_semaphore, #tpu.memory_space<semaphore_mem>>, %arg19: memref<!tpu.dma_semaphore, #tpu.memory_space<semaphore_mem>>) attributes {dimension_semantics = [#tpu.dimension_semantics<core_parallel>, #tpu.dimension_semantics<subcore_parallel>], iteration_bounds = array<i64: 2, 16>, scalar_prefetch = 0 : i64, scratch_operands = 15 : i64, tpu.core_type = #tpu.core_type<sc_vector_subcore>, window_params = [{transform_indices = #map}, {transform_indices = #map}, {transform_indices = #map1}]} {
    %mul3A = arith.constant 16 : i32
    %mul3A_0 = arith.muli %arg0, %mul3A : i32
    %add3A = arith.addi %mul3A_0, %arg1 : i32
    %broadcast_in_dim3A = arith.constant 1.000000e+00 : f32
    %broadcast_in_dim3A_1 = vector.broadcast %broadcast_in_dim3A : f32 to vector<16xf32>
    %swap3A = arith.constant 0 : index
    %swap3A_2 = tpu.vector_load %arg7[%swap3A] {strides = array<i32>} : memref<80xf32, #tpu.memory_space<vmem>>, vector<16xf32>,
    %swap3A_3 = vector.shape_cast %swap3A_2 : vector<16xf32> to vector<16xf32>
    %swap3A_4 = vector.shape_cast %broadcast_in_dim3A_1 : vector<16xf32> to vector<16xf32>
    tpu.vector_store %arg7[%swap3A], %swap3A_4 {strides = array<i32>} : memref<80xf32, #tpu.memory_space<vmem>>, vector<16xf32>,
    %broadcast_in_dim3A_5 = arith.constant 1.000000e+00 : f32
    %broadcast_in_dim3A_6 = vector.broadcast %broadcast_in_dim3A_5 : f32 to vector<16xf32>
    %swap3A_7 = arith.constant 16 : index
    %swap3A_8 = tpu.vector_load %arg7[%swap3A_7] {strides = array<i32>} : memref<80xf32, #tpu.memory_space<vmem>>, vector<16xf32>,
    %swap3A_9 = vector.shape_cast %swap3A_8 : vector<16xf32> to vector<16xf32>
    %swap3A_10 = vector.shape_cast %broadcast_in_dim3A_6 : vector<16xf32> to vector<16xf32>
    tpu.vector_store %arg7[%swap3A_7], %swap3A_10 {strides = array<i32>} : memref<80xf32, #tpu.memory_space<vmem>>, vector<16xf32>,
    %broadcast_in_dim3A_11 = arith.constant 1.000000e+00 : f32
    %broadcast_in_dim3A_12 = vector.broadcast %broadcast_in_dim3A_11 : f32 to vector<16xf32>
    %swap3A_13 = arith.constant 32 : index
    %swap3A_14 = tpu.vector_load %arg7[%swap3A_13] {strides = array<i32>} : memref<80xf32, #tpu.memory_space<vmem>>, vector<16xf32>,
    %swap3A_15 = vector.shape_cast %swap3A_14 : vector<16xf32> to vector<16xf32>
    %swap3A_16 = vector.shape_cast %broadcast_in_dim3A_12 : vector<16xf32> to vector<16xf32>
    tpu.vector_store %arg7[%swap3A_13], %swap3A_16 {strides = array<i32>} : memref<80xf32, #tpu.memory_space<vmem>>, vector<16xf32>,
    %broadcast_in_dim3A_17 = arith.constant 1.000000e+00 : f32
    %broadcast_in_dim3A_18 = vector.broadcast %broadcast_in_dim3A_17 : f32 to vector<16xf32>
    %swap3A_19 = arith.constant 48 : index
    %swap3A_20 = tpu.vector_load %arg7[%swap3A_19] {strides = array<i32>} : memref<80xf32, #tpu.memory_space<vmem>>, vector<16xf32>,
    %swap3A_21 = vector.shape_cast %swap3A_20 : vector<16xf32> to vector<16xf32>
    %swap3A_22 = vector.shape_cast %broadcast_in_dim3A_18 : vector<16xf32> to vector<16xf32>
    tpu.vector_store %arg7[%swap3A_19], %swap3A_22 {strides = array<i32>} : memref<80xf32, #tpu.memory_space<vmem>>, vector<16xf32>,
    %broadcast_in_dim3A_23 = arith.constant 1.000000e+00 : f32
    %broadcast_in_dim3A_24 = vector.broadcast %broadcast_in_dim3A_23 : f32 to vector<16xf32>
    %swap3A_25 = arith.constant 64 : index
    %swap3A_26 = tpu.vector_load %arg7[%swap3A_25] {strides = array<i32>} : memref<80xf32, #tpu.memory_space<vmem>>, vector<16xf32>,
    %swap3A_27 = vector.shape_cast %swap3A_26 : vector<16xf32> to vector<16xf32>
    %swap3A_28 = vector.shape_cast %broadcast_in_dim3A_24 : vector<16xf32> to vector<16xf32>
    tpu.vector_store %arg7[%swap3A_25], %swap3A_28 {strides = array<i32>} : memref<80xf32, #tpu.memory_space<vmem>>, vector<16xf32>,
    %scan3A = arith.constant 0 : i32
    %scan3A_29 = arith.constant 10 : i32
    %scan3A_30 = arith.addi %scan3A, %scan3A_29 : i32
    %scan3A_31 = arith.constant 1 : i32
    scf.for %scan3A_48 = %scan3A to %scan3A_30 step %scan3A_31  : i32 {
      %mul3A_49 = arith.constant 1 : i32
      %mul3A_50 = arith.muli %scan3A_48, %mul3A_49 : i32
      %add3A_51 = arith.constant 0 : i32
      %add3A_52 = arith.addi %add3A_51, %mul3A_50 : i32
      %broadcast_in_dim3A_53 = arith.constant 0.000000e+00 : f32
      %broadcast_in_dim3A_54 = vector.broadcast %broadcast_in_dim3A_53 : f32 to vector<16xf32>
      %mul3A_55 = arith.constant 16 : i32
      %mul3A_56 = arith.muli %add3A_52, %mul3A_55 : i32
      %swap3A_57 = arith.index_cast %mul3A_56 : i32 to index
      %swap3A_58 = tpu.vector_load %arg8[%swap3A_57] {strides = array<i32>} : memref<160xf32, #tpu.memory_space<vmem>>, vector<16xf32>,
      %swap3A_59 = vector.shape_cast %swap3A_58 : vector<16xf32> to vector<16xf32>
      %swap3A_60 = vector.shape_cast %broadcast_in_dim3A_54 : vector<16xf32> to vector<16xf32>
      tpu.vector_store %arg8[%swap3A_57], %swap3A_60 {strides = array<i32>} : memref<160xf32, #tpu.memory_space<vmem>>, vector<16xf32>,
    }
    %scan3A_32 = arith.constant 10 : i32
    %scan3A_33 = arith.constant 0 : i32
    %scan3A_34 = arith.constant 8 : i32
    %scan3A_35 = arith.addi %scan3A_33, %scan3A_34 : i32
    %scan3A_36 = arith.constant 1 : i32
    scf.for %scan3A_48 = %scan3A_33 to %scan3A_35 step %scan3A_36  : i32 {
      %mul3A_49 = arith.constant 1 : i32
      %mul3A_50 = arith.muli %scan3A_48, %mul3A_49 : i32
      %add3A_51 = arith.constant 0 : i32
      %add3A_52 = arith.addi %add3A_51, %mul3A_50 : i32
      %mul3A_53 = arith.constant 1280 : i32
      %mul3A_54 = arith.muli %arg1, %mul3A_53 : i32
      %mul3A_55 = arith.constant 160 : i32
      %mul3A_56 = arith.muli %add3A_52, %mul3A_55 : i32
      %add3A_57 = arith.addi %mul3A_54, %mul3A_56 : i32
      "tpu.region"() ({
        %run_scoped3A = tpu.sem_alloc : memref<!tpu.dma_semaphore, #tpu.memory_space<semaphore_mem>>
        %dma_start3A = tpu.memref_slice %arg9[%add3A_57] : memref<20480xf32, #tpu.memory_space<vmem_shared>> -> memref<160xf32, #tpu.memory_space<vmem_shared>>
        %dma_start3A_58 = tpu.memref_slice %arg9[%add3A_57] : memref<20480xf32, #tpu.memory_space<vmem_shared>> -> memref<160xf32, #tpu.memory_space<vmem_shared>>
        tpu.enqueue_dma source(%arg8 : memref<160xf32, #tpu.memory_space<vmem>>) target(%dma_start3A_58 : memref<160xf32, #tpu.memory_space<vmem_shared>>) target_semaphore(%run_scoped3A : memref<!tpu.dma_semaphore, #tpu.memory_space<semaphore_mem>>)
        %dma_wait3A = tpu.memref_slice %arg9[%add3A_57] : memref<20480xf32, #tpu.memory_space<vmem_shared>> -> memref<160xf32, #tpu.memory_space<vmem_shared>>
        %dma_wait3A_59 = tpu.memref_slice %arg9[%add3A_57] : memref<20480xf32, #tpu.memory_space<vmem_shared>> -> memref<160xf32, #tpu.memory_space<vmem_shared>>
        tpu.wait_dma2 semaphore(%run_scoped3A : memref<!tpu.dma_semaphore, #tpu.memory_space<semaphore_mem>>) src(%arg8 : memref<160xf32, #tpu.memory_space<vmem>>) dst(%dma_wait3A_59 : memref<160xf32, #tpu.memory_space<vmem_shared>>)
        tpu.yield
      }) : () -> ()
    }
    %scan3A_37 = arith.constant 8 : i32
    %barrier3A = arith.constant 0 : index
    tpu.barrier barrier_id(%barrier3A)
    %scan3A_38 = arith.constant 0 : i32
    %scan3A_39 = arith.constant 5 : i32
    %scan3A_40 = arith.addi %scan3A_38, %scan3A_39 : i32
    %scan3A_41 = arith.constant 1 : i32
    scf.for %scan3A_48 = %scan3A_38 to %scan3A_40 step %scan3A_41  : i32 {
      %mul3A_49 = arith.constant 1 : i32
      %mul3A_50 = arith.muli %scan3A_48, %mul3A_49 : i32
      %add3A_51 = arith.constant 0 : i32
      %add3A_52 = arith.addi %add3A_51, %mul3A_50 : i32
      "tpu.region"() ({
        %run_scoped3A = tpu.sem_alloc : memref<!tpu.dma_semaphore, #tpu.memory_space<semaphore_mem>>
        %dma_start3A_206 = arith.constant 0 : i32
        %dma_start3A_207 = arith.constant 0 : i32
        %dma_start3A_208 = tpu.memref_slice %arg2[%add3A, %add3A_52, %dma_start3A_206, %dma_start3A_207] : memref<32x5x25x80xi32, #tpu.memory_space<hbm>> -> memref<1x1x25x80xi32, #tpu.memory_space<hbm>>
        %dma_start3A_209 = tpu.memref_squeeze %dma_start3A_208 : memref<1x1x25x80xi32, #tpu.memory_space<hbm>> -> memref<25x80xi32, #tpu.memory_space<hbm>>
        %dma_start3A_210 = arith.constant 0 : i32
        %dma_start3A_211 = arith.constant 0 : i32
        %dma_start3A_212 = tpu.memref_slice %arg2[%add3A, %add3A_52, %dma_start3A_210, %dma_start3A_211] : memref<32x5x25x80xi32, #tpu.memory_space<hbm>> -> memref<1x1x25x80xi32, #tpu.memory_space<hbm>>
        %dma_start3A_213 = tpu.memref_squeeze %dma_start3A_212 : memref<1x1x25x80xi32, #tpu.memory_space<hbm>> -> memref<25x80xi32, #tpu.memory_space<hbm>>
        tpu.enqueue_dma source(%dma_start3A_213 : memref<25x80xi32, #tpu.memory_space<hbm>>) target(%arg5 : memref<25x80xi32, #tpu.memory_space<vmem>>) target_semaphore(%run_scoped3A : memref<!tpu.dma_semaphore, #tpu.memory_space<semaphore_mem>>)
        %dma_wait3A_214 = arith.constant 0 : i32
        %dma_wait3A_215 = arith.constant 0 : i32
        %dma_wait3A_216 = tpu.memref_slice %arg2[%add3A, %add3A_52, %dma_wait3A_214, %dma_wait3A_215] : memref<32x5x25x80xi32, #tpu.memory_space<hbm>> -> memref<1x1x25x80xi32, #tpu.memory_space<hbm>>
        %dma_wait3A_217 = tpu.memref_squeeze %dma_wait3A_216 : memref<1x1x25x80xi32, #tpu.memory_space<hbm>> -> memref<25x80xi32, #tpu.memory_space<hbm>>
        %dma_wait3A_218 = arith.constant 0 : i32
        %dma_wait3A_219 = arith.constant 0 : i32
        %dma_wait3A_220 = tpu.memref_slice %arg2[%add3A, %add3A_52, %dma_wait3A_218, %dma_wait3A_219] : memref<32x5x25x80xi32, #tpu.memory_space<hbm>> -> memref<1x1x25x80xi32, #tpu.memory_space<hbm>>
        %dma_wait3A_221 = tpu.memref_squeeze %dma_wait3A_220 : memref<1x1x25x80xi32, #tpu.memory_space<hbm>> -> memref<25x80xi32, #tpu.memory_space<hbm>>
        tpu.wait_dma2 semaphore(%run_scoped3A : memref<!tpu.dma_semaphore, #tpu.memory_space<semaphore_mem>>) src(%dma_wait3A_221 : memref<25x80xi32, #tpu.memory_space<hbm>>) dst(%arg5 : memref<25x80xi32, #tpu.memory_space<vmem>>)
        tpu.yield
      }) : () -> ()
      "tpu.region"() ({
        %run_scoped3A = tpu.sem_alloc : memref<!tpu.dma_semaphore, #tpu.memory_space<semaphore_mem>>
        %dma_start3A_206 = arith.constant 0 : i32
        %dma_start3A_207 = arith.constant 0 : i32
        %dma_start3A_208 = tpu.memref_slice %arg3[%add3A, %add3A_52, %dma_start3A_206, %dma_start3A_207] : memref<32x5x25x80xi32, #tpu.memory_space<hbm>> -> memref<1x1x25x80xi32, #tpu.memory_space<hbm>>
        %dma_start3A_209 = tpu.memref_squeeze %dma_start3A_208 : memref<1x1x25x80xi32, #tpu.memory_space<hbm>> -> memref<25x80xi32, #tpu.memory_space<hbm>>
        %dma_start3A_210 = arith.constant 0 : i32
        %dma_start3A_211 = arith.constant 0 : i32
        %dma_start3A_212 = tpu.memref_slice %arg3[%add3A, %add3A_52, %dma_start3A_210, %dma_start3A_211] : memref<32x5x25x80xi32, #tpu.memory_space<hbm>> -> memref<1x1x25x80xi32, #tpu.memory_space<hbm>>
        %dma_start3A_213 = tpu.memref_squeeze %dma_start3A_212 : memref<1x1x25x80xi32, #tpu.memory_space<hbm>> -> memref<25x80xi32, #tpu.memory_space<hbm>>
        tpu.enqueue_dma source(%dma_start3A_213 : memref<25x80xi32, #tpu.memory_space<hbm>>) target(%arg6 : memref<25x80xi32, #tpu.memory_space<vmem>>) target_semaphore(%run_scoped3A : memref<!tpu.dma_semaphore, #tpu.memory_space<semaphore_mem>>)
        %dma_wait3A_214 = arith.constant 0 : i32
        %dma_wait3A_215 = arith.constant 0 : i32
        %dma_wait3A_216 = tpu.memref_slice %arg3[%add3A, %add3A_52, %dma_wait3A_214, %dma_wait3A_215] : memref<32x5x25x80xi32, #tpu.memory_space<hbm>> -> memref<1x1x25x80xi32, #tpu.memory_space<hbm>>
        %dma_wait3A_217 = tpu.memref_squeeze %dma_wait3A_216 : memref<1x1x25x80xi32, #tpu.memory_space<hbm>> -> memref<25x80xi32, #tpu.memory_space<hbm>>
        %dma_wait3A_218 = arith.constant 0 : i32
        %dma_wait3A_219 = arith.constant 0 : i32
        %dma_wait3A_220 = tpu.memref_slice %arg3[%add3A, %add3A_52, %dma_wait3A_218, %dma_wait3A_219] : memref<32x5x25x80xi32, #tpu.memory_space<hbm>> -> memref<1x1x25x80xi32, #tpu.memory_space<hbm>>
        %dma_wait3A_221 = tpu.memref_squeeze %dma_wait3A_220 : memref<1x1x25x80xi32, #tpu.memory_space<hbm>> -> memref<25x80xi32, #tpu.memory_space<hbm>>
        tpu.wait_dma2 semaphore(%run_scoped3A : memref<!tpu.dma_semaphore, #tpu.memory_space<semaphore_mem>>) src(%dma_wait3A_221 : memref<25x80xi32, #tpu.memory_space<hbm>>) dst(%arg6 : memref<25x80xi32, #tpu.memory_space<vmem>>)
        tpu.yield
      }) : () -> ()
      %dma_start3A = arith.constant 0 : i32
      %dma_start3A_53 = arith.constant 0 : i32
      %dma_start3A_54 = tpu.memref_slice %arg5[%dma_start3A, %dma_start3A_53] : memref<25x80xi32, #tpu.memory_space<vmem>> -> memref<1x80xi32, #tpu.memory_space<vmem>>
      %dma_start3A_55 = tpu.memref_squeeze %dma_start3A_54 : memref<1x80xi32, #tpu.memory_space<vmem>> -> memref<80xi32, #tpu.memory_space<vmem>>
      %dma_start3A_56 = arith.constant 0 : i32
      %dma_start3A_57 = tpu.memref_slice %arg9[%dma_start3A_56] : memref<20480xf32, #tpu.memory_space<vmem_shared>> -> memref<10240xf32, #tpu.memory_space<vmem_shared>>
      %dma_start3A_58 = arith.constant 0 : i32
      %dma_start3A_59 = tpu.memref_slice %dma_start3A_57[%dma_start3A_58] : memref<10240xf32, #tpu.memory_space<vmem_shared>> -> memref<10240xf32, #tpu.memory_space<vmem_shared>>
      tpu.enqueue_indirect_dma source(%arg7 : memref<80xf32, #tpu.memory_space<vmem>>) target(%dma_start3A_59 : memref<10240xf32, #tpu.memory_space<vmem_shared>>) offsets(%dma_start3A_55 : memref<80xi32, #tpu.memory_space<vmem>>) semaphore(%arg10 : memref<!tpu.dma_semaphore, #tpu.memory_space<semaphore_mem>>) {add = true}
      %dma_start3A_60 = arith.constant 0 : i32
      %dma_start3A_61 = arith.constant 0 : i32
      %dma_start3A_62 = tpu.memref_slice %arg6[%dma_start3A_60, %dma_start3A_61] : memref<25x80xi32, #tpu.memory_space<vmem>> -> memref<1x80xi32, #tpu.memory_space<vmem>>
      %dma_start3A_63 = tpu.memref_squeeze %dma_start3A_62 : memref<1x80xi32, #tpu.memory_space<vmem>> -> memref<80xi32, #tpu.memory_space<vmem>>
      %dma_start3A_64 = arith.constant 10240 : i32
      %dma_start3A_65 = tpu.memref_slice %arg9[%dma_start3A_64] : memref<20480xf32, #tpu.memory_space<vmem_shared>> -> memref<10240xf32, #tpu.memory_space<vmem_shared>>
      %dma_start3A_66 = arith.constant 0 : i32
      %dma_start3A_67 = tpu.memref_slice %dma_start3A_65[%dma_start3A_66] : memref<10240xf32, #tpu.memory_space<vmem_shared>> -> memref<10240xf32, #tpu.memory_space<vmem_shared>>
      tpu.enqueue_indirect_dma source(%arg7 : memref<80xf32, #tpu.memory_space<vmem>>) target(%dma_start3A_67 : memref<10240xf32, #tpu.memory_space<vmem_shared>>) offsets(%dma_start3A_63 : memref<80xi32, #tpu.memory_space<vmem>>) semaphore(%arg15 : memref<!tpu.dma_semaphore, #tpu.memory_space<semaphore_mem>>) {add = true}
      %dma_start3A_68 = arith.constant 1 : i32
      %dma_start3A_69 = arith.constant 0 : i32
      %dma_start3A_70 = tpu.memref_slice %arg5[%dma_start3A_68, %dma_start3A_69] : memref<25x80xi32, #tpu.memory_space<vmem>> -> memref<1x80xi32, #tpu.memory_space<vmem>>
      %dma_start3A_71 = tpu.memref_squeeze %dma_start3A_70 : memref<1x80xi32, #tpu.memory_space<vmem>> -> memref<80xi32, #tpu.memory_space<vmem>>
      %dma_start3A_72 = arith.constant 0 : i32
      %dma_start3A_73 = tpu.memref_slice %arg9[%dma_start3A_72] : memref<20480xf32, #tpu.memory_space<vmem_shared>> -> memref<10240xf32, #tpu.memory_space<vmem_shared>>
      %dma_start3A_74 = arith.constant 0 : i32
      %dma_start3A_75 = tpu.memref_slice %dma_start3A_73[%dma_start3A_74] : memref<10240xf32, #tpu.memory_space<vmem_shared>> -> memref<10240xf32, #tpu.memory_space<vmem_shared>>
      tpu.enqueue_indirect_dma source(%arg7 : memref<80xf32, #tpu.memory_space<vmem>>) target(%dma_start3A_75 : memref<10240xf32, #tpu.memory_space<vmem_shared>>) offsets(%dma_start3A_71 : memref<80xi32, #tpu.memory_space<vmem>>) semaphore(%arg11 : memref<!tpu.dma_semaphore, #tpu.memory_space<semaphore_mem>>) {add = true}
      %dma_start3A_76 = arith.constant 1 : i32
      %dma_start3A_77 = arith.constant 0 : i32
      %dma_start3A_78 = tpu.memref_slice %arg6[%dma_start3A_76, %dma_start3A_77] : memref<25x80xi32, #tpu.memory_space<vmem>> -> memref<1x80xi32, #tpu.memory_space<vmem>>
      %dma_start3A_79 = tpu.memref_squeeze %dma_start3A_78 : memref<1x80xi32, #tpu.memory_space<vmem>> -> memref<80xi32, #tpu.memory_space<vmem>>
      %dma_start3A_80 = arith.constant 10240 : i32
      %dma_start3A_81 = tpu.memref_slice %arg9[%dma_start3A_80] : memref<20480xf32, #tpu.memory_space<vmem_shared>> -> memref<10240xf32, #tpu.memory_space<vmem_shared>>
      %dma_start3A_82 = arith.constant 0 : i32
      %dma_start3A_83 = tpu.memref_slice %dma_start3A_81[%dma_start3A_82] : memref<10240xf32, #tpu.memory_space<vmem_shared>> -> memref<10240xf32, #tpu.memory_space<vmem_shared>>
      tpu.enqueue_indirect_dma source(%arg7 : memref<80xf32, #tpu.memory_space<vmem>>) target(%dma_start3A_83 : memref<10240xf32, #tpu.memory_space<vmem_shared>>) offsets(%dma_start3A_79 : memref<80xi32, #tpu.memory_space<vmem>>) semaphore(%arg16 : memref<!tpu.dma_semaphore, #tpu.memory_space<semaphore_mem>>) {add = true}
      %dma_start3A_84 = arith.constant 2 : i32
      %dma_start3A_85 = arith.constant 0 : i32
      %dma_start3A_86 = tpu.memref_slice %arg5[%dma_start3A_84, %dma_start3A_85] : memref<25x80xi32, #tpu.memory_space<vmem>> -> memref<1x80xi32, #tpu.memory_space<vmem>>
      %dma_start3A_87 = tpu.memref_squeeze %dma_start3A_86 : memref<1x80xi32, #tpu.memory_space<vmem>> -> memref<80xi32, #tpu.memory_space<vmem>>
      %dma_start3A_88 = arith.constant 0 : i32
      %dma_start3A_89 = tpu.memref_slice %arg9[%dma_start3A_88] : memref<20480xf32, #tpu.memory_space<vmem_shared>> -> memref<10240xf32, #tpu.memory_space<vmem_shared>>
      %dma_start3A_90 = arith.constant 0 : i32
      %dma_start3A_91 = tpu.memref_slice %dma_start3A_89[%dma_start3A_90] : memref<10240xf32, #tpu.memory_space<vmem_shared>> -> memref<10240xf32, #tpu.memory_space<vmem_shared>>
      tpu.enqueue_indirect_dma source(%arg7 : memref<80xf32, #tpu.memory_space<vmem>>) target(%dma_start3A_91 : memref<10240xf32, #tpu.memory_space<vmem_shared>>) offsets(%dma_start3A_87 : memref<80xi32, #tpu.memory_space<vmem>>) semaphore(%arg12 : memref<!tpu.dma_semaphore, #tpu.memory_space<semaphore_mem>>) {add = true}
      %dma_start3A_92 = arith.constant 2 : i32
      %dma_start3A_93 = arith.constant 0 : i32
      %dma_start3A_94 = tpu.memref_slice %arg6[%dma_start3A_92, %dma_start3A_93] : memref<25x80xi32, #tpu.memory_space<vmem>> -> memref<1x80xi32, #tpu.memory_space<vmem>>
      %dma_start3A_95 = tpu.memref_squeeze %dma_start3A_94 : memref<1x80xi32, #tpu.memory_space<vmem>> -> memref<80xi32, #tpu.memory_space<vmem>>
      %dma_start3A_96 = arith.constant 10240 : i32
      %dma_start3A_97 = tpu.memref_slice %arg9[%dma_start3A_96] : memref<20480xf32, #tpu.memory_space<vmem_shared>> -> memref<10240xf32, #tpu.memory_space<vmem_shared>>
      %dma_start3A_98 = arith.constant 0 : i32
      %dma_start3A_99 = tpu.memref_slice %dma_start3A_97[%dma_start3A_98] : memref<10240xf32, #tpu.memory_space<vmem_shared>> -> memref<10240xf32, #tpu.memory_space<vmem_shared>>
      tpu.enqueue_indirect_dma source(%arg7 : memref<80xf32, #tpu.memory_space<vmem>>) target(%dma_start3A_99 : memref<10240xf32, #tpu.memory_space<vmem_shared>>) offsets(%dma_start3A_95 : memref<80xi32, #tpu.memory_space<vmem>>) semaphore(%arg17 : memref<!tpu.dma_semaphore, #tpu.memory_space<semaphore_mem>>) {add = true}
      %dma_start3A_100 = arith.constant 3 : i32
      %dma_start3A_101 = arith.constant 0 : i32
      %dma_start3A_102 = tpu.memref_slice %arg5[%dma_start3A_100, %dma_start3A_101] : memref<25x80xi32, #tpu.memory_space<vmem>> -> memref<1x80xi32, #tpu.memory_space<vmem>>
      %dma_start3A_103 = tpu.memref_squeeze %dma_start3A_102 : memref<1x80xi32, #tpu.memory_space<vmem>> -> memref<80xi32, #tpu.memory_space<vmem>>
      %dma_start3A_104 = arith.constant 0 : i32
      %dma_start3A_105 = tpu.memref_slice %arg9[%dma_start3A_104] : memref<20480xf32, #tpu.memory_space<vmem_shared>> -> memref<10240xf32, #tpu.memory_space<vmem_shared>>
      %dma_start3A_106 = arith.constant 0 : i32
      %dma_start3A_107 = tpu.memref_slice %dma_start3A_105[%dma_start3A_106] : memref<10240xf32, #tpu.memory_space<vmem_shared>> -> memref<10240xf32, #tpu.memory_space<vmem_shared>>
      tpu.enqueue_indirect_dma source(%arg7 : memref<80xf32, #tpu.memory_space<vmem>>) target(%dma_start3A_107 : memref<10240xf32, #tpu.memory_space<vmem_shared>>) offsets(%dma_start3A_103 : memref<80xi32, #tpu.memory_space<vmem>>) semaphore(%arg13 : memref<!tpu.dma_semaphore, #tpu.memory_space<semaphore_mem>>) {add = true}
      %dma_start3A_108 = arith.constant 3 : i32
      %dma_start3A_109 = arith.constant 0 : i32
      %dma_start3A_110 = tpu.memref_slice %arg6[%dma_start3A_108, %dma_start3A_109] : memref<25x80xi32, #tpu.memory_space<vmem>> -> memref<1x80xi32, #tpu.memory_space<vmem>>
      %dma_start3A_111 = tpu.memref_squeeze %dma_start3A_110 : memref<1x80xi32, #tpu.memory_space<vmem>> -> memref<80xi32, #tpu.memory_space<vmem>>
      %dma_start3A_112 = arith.constant 10240 : i32
      %dma_start3A_113 = tpu.memref_slice %arg9[%dma_start3A_112] : memref<20480xf32, #tpu.memory_space<vmem_shared>> -> memref<10240xf32, #tpu.memory_space<vmem_shared>>
      %dma_start3A_114 = arith.constant 0 : i32
      %dma_start3A_115 = tpu.memref_slice %dma_start3A_113[%dma_start3A_114] : memref<10240xf32, #tpu.memory_space<vmem_shared>> -> memref<10240xf32, #tpu.memory_space<vmem_shared>>
      tpu.enqueue_indirect_dma source(%arg7 : memref<80xf32, #tpu.memory_space<vmem>>) target(%dma_start3A_115 : memref<10240xf32, #tpu.memory_space<vmem_shared>>) offsets(%dma_start3A_111 : memref<80xi32, #tpu.memory_space<vmem>>) semaphore(%arg18 : memref<!tpu.dma_semaphore, #tpu.memory_space<semaphore_mem>>) {add = true}
      %dma_start3A_116 = arith.constant 4 : i32
      %dma_start3A_117 = arith.constant 0 : i32
      %dma_start3A_118 = tpu.memref_slice %arg5[%dma_start3A_116, %dma_start3A_117] : memref<25x80xi32, #tpu.memory_space<vmem>> -> memref<1x80xi32, #tpu.memory_space<vmem>>
      %dma_start3A_119 = tpu.memref_squeeze %dma_start3A_118 : memref<1x80xi32, #tpu.memory_space<vmem>> -> memref<80xi32, #tpu.memory_space<vmem>>
      %dma_start3A_120 = arith.constant 0 : i32
      %dma_start3A_121 = tpu.memref_slice %arg9[%dma_start3A_120] : memref<20480xf32, #tpu.memory_space<vmem_shared>> -> memref<10240xf32, #tpu.memory_space<vmem_shared>>
      %dma_start3A_122 = arith.constant 0 : i32
      %dma_start3A_123 = tpu.memref_slice %dma_start3A_121[%dma_start3A_122] : memref<10240xf32, #tpu.memory_space<vmem_shared>> -> memref<10240xf32, #tpu.memory_space<vmem_shared>>
      tpu.enqueue_indirect_dma source(%arg7 : memref<80xf32, #tpu.memory_space<vmem>>) target(%dma_start3A_123 : memref<10240xf32, #tpu.memory_space<vmem_shared>>) offsets(%dma_start3A_119 : memref<80xi32, #tpu.memory_space<vmem>>) semaphore(%arg14 : memref<!tpu.dma_semaphore, #tpu.memory_space<semaphore_mem>>) {add = true}
      %dma_start3A_124 = arith.constant 4 : i32
      %dma_start3A_125 = arith.constant 0 : i32
      %dma_start3A_126 = tpu.memref_slice %arg6[%dma_start3A_124, %dma_start3A_125] : memref<25x80xi32, #tpu.memory_space<vmem>> -> memref<1x80xi32, #tpu.memory_space<vmem>>
      %dma_start3A_127 = tpu.memref_squeeze %dma_start3A_126 : memref<1x80xi32, #tpu.memory_space<vmem>> -> memref<80xi32, #tpu.memory_space<vmem>>
      %dma_start3A_128 = arith.constant 10240 : i32
      %dma_start3A_129 = tpu.memref_slice %arg9[%dma_start3A_128] : memref<20480xf32, #tpu.memory_space<vmem_shared>> -> memref<10240xf32, #tpu.memory_space<vmem_shared>>
      %dma_start3A_130 = arith.constant 0 : i32
      %dma_start3A_131 = tpu.memref_slice %dma_start3A_129[%dma_start3A_130] : memref<10240xf32, #tpu.memory_space<vmem_shared>> -> memref<10240xf32, #tpu.memory_space<vmem_shared>>
      tpu.enqueue_indirect_dma source(%arg7 : memref<80xf32, #tpu.memory_space<vmem>>) target(%dma_start3A_131 : memref<10240xf32, #tpu.memory_space<vmem_shared>>) offsets(%dma_start3A_127 : memref<80xi32, #tpu.memory_space<vmem>>) semaphore(%arg19 : memref<!tpu.dma_semaphore, #tpu.memory_space<semaphore_mem>>) {add = true}
      %scan3A_132 = arith.constant 0 : i32
      %scan3A_133 = arith.constant 4 : i32
      %scan3A_134 = arith.addi %scan3A_132, %scan3A_133 : i32
      %scan3A_135 = arith.constant 1 : i32
      scf.for %scan3A_206 = %scan3A_132 to %scan3A_134 step %scan3A_135  : i32 {
        %mul3A_207 = arith.constant 1 : i32
        %mul3A_208 = arith.muli %scan3A_206, %mul3A_207 : i32
        %add3A_209 = arith.constant 0 : i32
        %add3A_210 = arith.addi %add3A_209, %mul3A_208 : i32
        %mul3A_211 = arith.constant 5 : i32
        %mul3A_212 = arith.muli %add3A_210, %mul3A_211 : i32
        %add3A_213 = arith.constant 5 : i32
        %add3A_214 = arith.addi %add3A_213, %mul3A_212 : i32
        %add3A_215 = arith.constant 0 : i32
        %add3A_216 = arith.addi %add3A_214, %add3A_215 : i32
        %dma_wait3A_217 = arith.constant 0 : i32
        %dma_wait3A_218 = arith.constant 0 : i32
        %dma_wait3A_219 = tpu.memref_slice %arg4[%dma_wait3A_217, %dma_wait3A_218] : memref<2x20480xf32, #tpu.memory_space<hbm>> -> memref<1x80xf32, #tpu.memory_space<hbm>>
        %dma_wait3A_220 = tpu.memref_squeeze %dma_wait3A_219 : memref<1x80xf32, #tpu.memory_space<hbm>> -> memref<80xf32, #tpu.memory_space<hbm>>
        %dma_wait3A_221 = arith.constant 0 : i32
        %dma_wait3A_222 = tpu.memref_slice %arg4[%dma_wait3A_217, %dma_wait3A_221] : memref<2x20480xf32, #tpu.memory_space<hbm>> -> memref<1x80xf32, #tpu.memory_space<hbm>>
        %dma_wait3A_223 = tpu.memref_squeeze %dma_wait3A_222 : memref<1x80xf32, #tpu.memory_space<hbm>> -> memref<80xf32, #tpu.memory_space<hbm>>
        tpu.wait_dma2 semaphore(%arg10 : memref<!tpu.dma_semaphore, #tpu.memory_space<semaphore_mem>>) src(%dma_wait3A_223 : memref<80xf32, #tpu.memory_space<hbm>>) dst(%arg7 : memref<80xf32, #tpu.memory_space<vmem>>)
        %dma_start3A_224 = arith.constant 0 : i32
        %dma_start3A_225 = tpu.memref_slice %arg5[%add3A_216, %dma_start3A_224] : memref<25x80xi32, #tpu.memory_space<vmem>> -> memref<1x80xi32, #tpu.memory_space<vmem>>
        %dma_start3A_226 = tpu.memref_squeeze %dma_start3A_225 : memref<1x80xi32, #tpu.memory_space<vmem>> -> memref<80xi32, #tpu.memory_space<vmem>>
        %dma_start3A_227 = arith.constant 0 : i32
        %dma_start3A_228 = tpu.memref_slice %arg9[%dma_start3A_227] : memref<20480xf32, #tpu.memory_space<vmem_shared>> -> memref<10240xf32, #tpu.memory_space<vmem_shared>>
        %dma_start3A_229 = arith.constant 0 : i32
        %dma_start3A_230 = tpu.memref_slice %dma_start3A_228[%dma_start3A_229] : memref<10240xf32, #tpu.memory_space<vmem_shared>> -> memref<10240xf32, #tpu.memory_space<vmem_shared>>
        tpu.enqueue_indirect_dma source(%arg7 : memref<80xf32, #tpu.memory_space<vmem>>) target(%dma_start3A_230 : memref<10240xf32, #tpu.memory_space<vmem_shared>>) offsets(%dma_start3A_226 : memref<80xi32, #tpu.memory_space<vmem>>) semaphore(%arg10 : memref<!tpu.dma_semaphore, #tpu.memory_space<semaphore_mem>>) {add = true}
        %dma_wait3A_231 = arith.constant 0 : i32
        %dma_wait3A_232 = arith.constant 0 : i32
        %dma_wait3A_233 = tpu.memref_slice %arg4[%dma_wait3A_231, %dma_wait3A_232] : memref<2x20480xf32, #tpu.memory_space<hbm>> -> memref<1x80xf32, #tpu.memory_space<hbm>>
        %dma_wait3A_234 = tpu.memref_squeeze %dma_wait3A_233 : memref<1x80xf32, #tpu.memory_space<hbm>> -> memref<80xf32, #tpu.memory_space<hbm>>
        %dma_wait3A_235 = arith.constant 0 : i32
        %dma_wait3A_236 = tpu.memref_slice %arg4[%dma_wait3A_231, %dma_wait3A_235] : memref<2x20480xf32, #tpu.memory_space<hbm>> -> memref<1x80xf32, #tpu.memory_space<hbm>>
        %dma_wait3A_237 = tpu.memref_squeeze %dma_wait3A_236 : memref<1x80xf32, #tpu.memory_space<hbm>> -> memref<80xf32, #tpu.memory_space<hbm>>
        tpu.wait_dma2 semaphore(%arg15 : memref<!tpu.dma_semaphore, #tpu.memory_space<semaphore_mem>>) src(%dma_wait3A_237 : memref<80xf32, #tpu.memory_space<hbm>>) dst(%arg7 : memref<80xf32, #tpu.memory_space<vmem>>)
        %dma_start3A_238 = arith.constant 0 : i32
        %dma_start3A_239 = tpu.memref_slice %arg6[%add3A_216, %dma_start3A_238] : memref<25x80xi32, #tpu.memory_space<vmem>> -> memref<1x80xi32, #tpu.memory_space<vmem>>
        %dma_start3A_240 = tpu.memref_squeeze %dma_start3A_239 : memref<1x80xi32, #tpu.memory_space<vmem>> -> memref<80xi32, #tpu.memory_space<vmem>>
        %dma_start3A_241 = arith.constant 10240 : i32
        %dma_start3A_242 = tpu.memref_slice %arg9[%dma_start3A_241] : memref<20480xf32, #tpu.memory_space<vmem_shared>> -> memref<10240xf32, #tpu.memory_space<vmem_shared>>
        %dma_start3A_243 = arith.constant 0 : i32
        %dma_start3A_244 = tpu.memref_slice %dma_start3A_242[%dma_start3A_243] : memref<10240xf32, #tpu.memory_space<vmem_shared>> -> memref<10240xf32, #tpu.memory_space<vmem_shared>>
        tpu.enqueue_indirect_dma source(%arg7 : memref<80xf32, #tpu.memory_space<vmem>>) target(%dma_start3A_244 : memref<10240xf32, #tpu.memory_space<vmem_shared>>) offsets(%dma_start3A_240 : memref<80xi32, #tpu.memory_space<vmem>>) semaphore(%arg15 : memref<!tpu.dma_semaphore, #tpu.memory_space<semaphore_mem>>) {add = true}
        %mul3A_245 = arith.constant 5 : i32
        %mul3A_246 = arith.muli %add3A_210, %mul3A_245 : i32
        %add3A_247 = arith.constant 5 : i32
        %add3A_248 = arith.addi %add3A_247, %mul3A_246 : i32
        %add3A_249 = arith.constant 1 : i32
        %add3A_250 = arith.addi %add3A_248, %add3A_249 : i32
        %dma_wait3A_251 = arith.constant 0 : i32
        %dma_wait3A_252 = arith.constant 0 : i32
        %dma_wait3A_253 = tpu.memref_slice %arg4[%dma_wait3A_251, %dma_wait3A_252] : memref<2x20480xf32, #tpu.memory_space<hbm>> -> memref<1x80xf32, #tpu.memory_space<hbm>>
        %dma_wait3A_254 = tpu.memref_squeeze %dma_wait3A_253 : memref<1x80xf32, #tpu.memory_space<hbm>> -> memref<80xf32, #tpu.memory_space<hbm>>
        %dma_wait3A_255 = arith.constant 0 : i32
        %dma_wait3A_256 = tpu.memref_slice %arg4[%dma_wait3A_251, %dma_wait3A_255] : memref<2x20480xf32, #tpu.memory_space<hbm>> -> memref<1x80xf32, #tpu.memory_space<hbm>>
        %dma_wait3A_257 = tpu.memref_squeeze %dma_wait3A_256 : memref<1x80xf32, #tpu.memory_space<hbm>> -> memref<80xf32, #tpu.memory_space<hbm>>
        tpu.wait_dma2 semaphore(%arg11 : memref<!tpu.dma_semaphore, #tpu.memory_space<semaphore_mem>>) src(%dma_wait3A_257 : memref<80xf32, #tpu.memory_space<hbm>>) dst(%arg7 : memref<80xf32, #tpu.memory_space<vmem>>)
        %dma_start3A_258 = arith.constant 0 : i32
        %dma_start3A_259 = tpu.memref_slice %arg5[%add3A_250, %dma_start3A_258] : memref<25x80xi32, #tpu.memory_space<vmem>> -> memref<1x80xi32, #tpu.memory_space<vmem>>
        %dma_start3A_260 = tpu.memref_squeeze %dma_start3A_259 : memref<1x80xi32, #tpu.memory_space<vmem>> -> memref<80xi32, #tpu.memory_space<vmem>>
        %dma_start3A_261 = arith.constant 0 : i32
        %dma_start3A_262 = tpu.memref_slice %arg9[%dma_start3A_261] : memref<20480xf32, #tpu.memory_space<vmem_shared>> -> memref<10240xf32, #tpu.memory_space<vmem_shared>>
        %dma_start3A_263 = arith.constant 0 : i32
        %dma_start3A_264 = tpu.memref_slice %dma_start3A_262[%dma_start3A_263] : memref<10240xf32, #tpu.memory_space<vmem_shared>> -> memref<10240xf32, #tpu.memory_space<vmem_shared>>
        tpu.enqueue_indirect_dma source(%arg7 : memref<80xf32, #tpu.memory_space<vmem>>) target(%dma_start3A_264 : memref<10240xf32, #tpu.memory_space<vmem_shared>>) offsets(%dma_start3A_260 : memref<80xi32, #tpu.memory_space<vmem>>) semaphore(%arg11 : memref<!tpu.dma_semaphore, #tpu.memory_space<semaphore_mem>>) {add = true}
        %dma_wait3A_265 = arith.constant 0 : i32
        %dma_wait3A_266 = arith.constant 0 : i32
        %dma_wait3A_267 = tpu.memref_slice %arg4[%dma_wait3A_265, %dma_wait3A_266] : memref<2x20480xf32, #tpu.memory_space<hbm>> -> memref<1x80xf32, #tpu.memory_space<hbm>>
        %dma_wait3A_268 = tpu.memref_squeeze %dma_wait3A_267 : memref<1x80xf32, #tpu.memory_space<hbm>> -> memref<80xf32, #tpu.memory_space<hbm>>
        %dma_wait3A_269 = arith.constant 0 : i32
        %dma_wait3A_270 = tpu.memref_slice %arg4[%dma_wait3A_265, %dma_wait3A_269] : memref<2x20480xf32, #tpu.memory_space<hbm>> -> memref<1x80xf32, #tpu.memory_space<hbm>>
        %dma_wait3A_271 = tpu.memref_squeeze %dma_wait3A_270 : memref<1x80xf32, #tpu.memory_space<hbm>> -> memref<80xf32, #tpu.memory_space<hbm>>
        tpu.wait_dma2 semaphore(%arg16 : memref<!tpu.dma_semaphore, #tpu.memory_space<semaphore_mem>>) src(%dma_wait3A_271 : memref<80xf32, #tpu.memory_space<hbm>>) dst(%arg7 : memref<80xf32, #tpu.memory_space<vmem>>)
        %dma_start3A_272 = arith.constant 0 : i32
        %dma_start3A_273 = tpu.memref_slice %arg6[%add3A_250, %dma_start3A_272] : memref<25x80xi32, #tpu.memory_space<vmem>> -> memref<1x80xi32, #tpu.memory_space<vmem>>
        %dma_start3A_274 = tpu.memref_squeeze %dma_start3A_273 : memref<1x80xi32, #tpu.memory_space<vmem>> -> memref<80xi32, #tpu.memory_space<vmem>>
        %dma_start3A_275 = arith.constant 10240 : i32
        %dma_start3A_276 = tpu.memref_slice %arg9[%dma_start3A_275] : memref<20480xf32, #tpu.memory_space<vmem_shared>> -> memref<10240xf32, #tpu.memory_space<vmem_shared>>
        %dma_start3A_277 = arith.constant 0 : i32
        %dma_start3A_278 = tpu.memref_slice %dma_start3A_276[%dma_start3A_277] : memref<10240xf32, #tpu.memory_space<vmem_shared>> -> memref<10240xf32, #tpu.memory_space<vmem_shared>>
        tpu.enqueue_indirect_dma source(%arg7 : memref<80xf32, #tpu.memory_space<vmem>>) target(%dma_start3A_278 : memref<10240xf32, #tpu.memory_space<vmem_shared>>) offsets(%dma_start3A_274 : memref<80xi32, #tpu.memory_space<vmem>>) semaphore(%arg16 : memref<!tpu.dma_semaphore, #tpu.memory_space<semaphore_mem>>) {add = true}
        %mul3A_279 = arith.constant 5 : i32
        %mul3A_280 = arith.muli %add3A_210, %mul3A_279 : i32
        %add3A_281 = arith.constant 5 : i32
        %add3A_282 = arith.addi %add3A_281, %mul3A_280 : i32
        %add3A_283 = arith.constant 2 : i32
        %add3A_284 = arith.addi %add3A_282, %add3A_283 : i32
        %dma_wait3A_285 = arith.constant 0 : i32
        %dma_wait3A_286 = arith.constant 0 : i32
        %dma_wait3A_287 = tpu.memref_slice %arg4[%dma_wait3A_285, %dma_wait3A_286] : memref<2x20480xf32, #tpu.memory_space<hbm>> -> memref<1x80xf32, #tpu.memory_space<hbm>>
        %dma_wait3A_288 = tpu.memref_squeeze %dma_wait3A_287 : memref<1x80xf32, #tpu.memory_space<hbm>> -> memref<80xf32, #tpu.memory_space<hbm>>
        %dma_wait3A_289 = arith.constant 0 : i32
        %dma_wait3A_290 = tpu.memref_slice %arg4[%dma_wait3A_285, %dma_wait3A_289] : memref<2x20480xf32, #tpu.memory_space<hbm>> -> memref<1x80xf32, #tpu.memory_space<hbm>>
        %dma_wait3A_291 = tpu.memref_squeeze %dma_wait3A_290 : memref<1x80xf32, #tpu.memory_space<hbm>> -> memref<80xf32, #tpu.memory_space<hbm>>
        tpu.wait_dma2 semaphore(%arg12 : memref<!tpu.dma_semaphore, #tpu.memory_space<semaphore_mem>>) src(%dma_wait3A_291 : memref<80xf32, #tpu.memory_space<hbm>>) dst(%arg7 : memref<80xf32, #tpu.memory_space<vmem>>)
        %dma_start3A_292 = arith.constant 0 : i32
        %dma_start3A_293 = tpu.memref_slice %arg5[%add3A_284, %dma_start3A_292] : memref<25x80xi32, #tpu.memory_space<vmem>> -> memref<1x80xi32, #tpu.memory_space<vmem>>
        %dma_start3A_294 = tpu.memref_squeeze %dma_start3A_293 : memref<1x80xi32, #tpu.memory_space<vmem>> -> memref<80xi32, #tpu.memory_space<vmem>>
        %dma_start3A_295 = arith.constant 0 : i32
        %dma_start3A_296 = tpu.memref_slice %arg9[%dma_start3A_295] : memref<20480xf32, #tpu.memory_space<vmem_shared>> -> memref<10240xf32, #tpu.memory_space<vmem_shared>>
        %dma_start3A_297 = arith.constant 0 : i32
        %dma_start3A_298 = tpu.memref_slice %dma_start3A_296[%dma_start3A_297] : memref<10240xf32, #tpu.memory_space<vmem_shared>> -> memref<10240xf32, #tpu.memory_space<vmem_shared>>
        tpu.enqueue_indirect_dma source(%arg7 : memref<80xf32, #tpu.memory_space<vmem>>) target(%dma_start3A_298 : memref<10240xf32, #tpu.memory_space<vmem_shared>>) offsets(%dma_start3A_294 : memref<80xi32, #tpu.memory_space<vmem>>) semaphore(%arg12 : memref<!tpu.dma_semaphore, #tpu.memory_space<semaphore_mem>>) {add = true}
        %dma_wait3A_299 = arith.constant 0 : i32
        %dma_wait3A_300 = arith.constant 0 : i32
        %dma_wait3A_301 = tpu.memref_slice %arg4[%dma_wait3A_299, %dma_wait3A_300] : memref<2x20480xf32, #tpu.memory_space<hbm>> -> memref<1x80xf32, #tpu.memory_space<hbm>>
        %dma_wait3A_302 = tpu.memref_squeeze %dma_wait3A_301 : memref<1x80xf32, #tpu.memory_space<hbm>> -> memref<80xf32, #tpu.memory_space<hbm>>
        %dma_wait3A_303 = arith.constant 0 : i32
        %dma_wait3A_304 = tpu.memref_slice %arg4[%dma_wait3A_299, %dma_wait3A_303] : memref<2x20480xf32, #tpu.memory_space<hbm>> -> memref<1x80xf32, #tpu.memory_space<hbm>>
        %dma_wait3A_305 = tpu.memref_squeeze %dma_wait3A_304 : memref<1x80xf32, #tpu.memory_space<hbm>> -> memref<80xf32, #tpu.memory_space<hbm>>
        tpu.wait_dma2 semaphore(%arg17 : memref<!tpu.dma_semaphore, #tpu.memory_space<semaphore_mem>>) src(%dma_wait3A_305 : memref<80xf32, #tpu.memory_space<hbm>>) dst(%arg7 : memref<80xf32, #tpu.memory_space<vmem>>)
        %dma_start3A_306 = arith.constant 0 : i32
        %dma_start3A_307 = tpu.memref_slice %arg6[%add3A_284, %dma_start3A_306] : memref<25x80xi32, #tpu.memory_space<vmem>> -> memref<1x80xi32, #tpu.memory_space<vmem>>
        %dma_start3A_308 = tpu.memref_squeeze %dma_start3A_307 : memref<1x80xi32, #tpu.memory_space<vmem>> -> memref<80xi32, #tpu.memory_space<vmem>>
        %dma_start3A_309 = arith.constant 10240 : i32
        %dma_start3A_310 = tpu.memref_slice %arg9[%dma_start3A_309] : memref<20480xf32, #tpu.memory_space<vmem_shared>> -> memref<10240xf32, #tpu.memory_space<vmem_shared>>
        %dma_start3A_311 = arith.constant 0 : i32
        %dma_start3A_312 = tpu.memref_slice %dma_start3A_310[%dma_start3A_311] : memref<10240xf32, #tpu.memory_space<vmem_shared>> -> memref<10240xf32, #tpu.memory_space<vmem_shared>>
        tpu.enqueue_indirect_dma source(%arg7 : memref<80xf32, #tpu.memory_space<vmem>>) target(%dma_start3A_312 : memref<10240xf32, #tpu.memory_space<vmem_shared>>) offsets(%dma_start3A_308 : memref<80xi32, #tpu.memory_space<vmem>>) semaphore(%arg17 : memref<!tpu.dma_semaphore, #tpu.memory_space<semaphore_mem>>) {add = true}
        %mul3A_313 = arith.constant 5 : i32
        %mul3A_314 = arith.muli %add3A_210, %mul3A_313 : i32
        %add3A_315 = arith.constant 5 : i32
        %add3A_316 = arith.addi %add3A_315, %mul3A_314 : i32
        %add3A_317 = arith.constant 3 : i32
        %add3A_318 = arith.addi %add3A_316, %add3A_317 : i32
        %dma_wait3A_319 = arith.constant 0 : i32
        %dma_wait3A_320 = arith.constant 0 : i32
        %dma_wait3A_321 = tpu.memref_slice %arg4[%dma_wait3A_319, %dma_wait3A_320] : memref<2x20480xf32, #tpu.memory_space<hbm>> -> memref<1x80xf32, #tpu.memory_space<hbm>>
        %dma_wait3A_322 = tpu.memref_squeeze %dma_wait3A_321 : memref<1x80xf32, #tpu.memory_space<hbm>> -> memref<80xf32, #tpu.memory_space<hbm>>
        %dma_wait3A_323 = arith.constant 0 : i32
        %dma_wait3A_324 = tpu.memref_slice %arg4[%dma_wait3A_319, %dma_wait3A_323] : memref<2x20480xf32, #tpu.memory_space<hbm>> -> memref<1x80xf32, #tpu.memory_space<hbm>>
        %dma_wait3A_325 = tpu.memref_squeeze %dma_wait3A_324 : memref<1x80xf32, #tpu.memory_space<hbm>> -> memref<80xf32, #tpu.memory_space<hbm>>
        tpu.wait_dma2 semaphore(%arg13 : memref<!tpu.dma_semaphore, #tpu.memory_space<semaphore_mem>>) src(%dma_wait3A_325 : memref<80xf32, #tpu.memory_space<hbm>>) dst(%arg7 : memref<80xf32, #tpu.memory_space<vmem>>)
        %dma_start3A_326 = arith.constant 0 : i32
        %dma_start3A_327 = tpu.memref_slice %arg5[%add3A_318, %dma_start3A_326] : memref<25x80xi32, #tpu.memory_space<vmem>> -> memref<1x80xi32, #tpu.memory_space<vmem>>
        %dma_start3A_328 = tpu.memref_squeeze %dma_start3A_327 : memref<1x80xi32, #tpu.memory_space<vmem>> -> memref<80xi32, #tpu.memory_space<vmem>>
        %dma_start3A_329 = arith.constant 0 : i32
        %dma_start3A_330 = tpu.memref_slice %arg9[%dma_start3A_329] : memref<20480xf32, #tpu.memory_space<vmem_shared>> -> memref<10240xf32, #tpu.memory_space<vmem_shared>>
        %dma_start3A_331 = arith.constant 0 : i32
        %dma_start3A_332 = tpu.memref_slice %dma_start3A_330[%dma_start3A_331] : memref<10240xf32, #tpu.memory_space<vmem_shared>> -> memref<10240xf32, #tpu.memory_space<vmem_shared>>
        tpu.enqueue_indirect_dma source(%arg7 : memref<80xf32, #tpu.memory_space<vmem>>) target(%dma_start3A_332 : memref<10240xf32, #tpu.memory_space<vmem_shared>>) offsets(%dma_start3A_328 : memref<80xi32, #tpu.memory_space<vmem>>) semaphore(%arg13 : memref<!tpu.dma_semaphore, #tpu.memory_space<semaphore_mem>>) {add = true}
        %dma_wait3A_333 = arith.constant 0 : i32
        %dma_wait3A_334 = arith.constant 0 : i32
        %dma_wait3A_335 = tpu.memref_slice %arg4[%dma_wait3A_333, %dma_wait3A_334] : memref<2x20480xf32, #tpu.memory_space<hbm>> -> memref<1x80xf32, #tpu.memory_space<hbm>>
        %dma_wait3A_336 = tpu.memref_squeeze %dma_wait3A_335 : memref<1x80xf32, #tpu.memory_space<hbm>> -> memref<80xf32, #tpu.memory_space<hbm>>
        %dma_wait3A_337 = arith.constant 0 : i32
        %dma_wait3A_338 = tpu.memref_slice %arg4[%dma_wait3A_333, %dma_wait3A_337] : memref<2x20480xf32, #tpu.memory_space<hbm>> -> memref<1x80xf32, #tpu.memory_space<hbm>>
        %dma_wait3A_339 = tpu.memref_squeeze %dma_wait3A_338 : memref<1x80xf32, #tpu.memory_space<hbm>> -> memref<80xf32, #tpu.memory_space<hbm>>
        tpu.wait_dma2 semaphore(%arg18 : memref<!tpu.dma_semaphore, #tpu.memory_space<semaphore_mem>>) src(%dma_wait3A_339 : memref<80xf32, #tpu.memory_space<hbm>>) dst(%arg7 : memref<80xf32, #tpu.memory_space<vmem>>)
        %dma_start3A_340 = arith.constant 0 : i32
        %dma_start3A_341 = tpu.memref_slice %arg6[%add3A_318, %dma_start3A_340] : memref<25x80xi32, #tpu.memory_space<vmem>> -> memref<1x80xi32, #tpu.memory_space<vmem>>
        %dma_start3A_342 = tpu.memref_squeeze %dma_start3A_341 : memref<1x80xi32, #tpu.memory_space<vmem>> -> memref<80xi32, #tpu.memory_space<vmem>>
        %dma_start3A_343 = arith.constant 10240 : i32
        %dma_start3A_344 = tpu.memref_slice %arg9[%dma_start3A_343] : memref<20480xf32, #tpu.memory_space<vmem_shared>> -> memref<10240xf32, #tpu.memory_space<vmem_shared>>
        %dma_start3A_345 = arith.constant 0 : i32
        %dma_start3A_346 = tpu.memref_slice %dma_start3A_344[%dma_start3A_345] : memref<10240xf32, #tpu.memory_space<vmem_shared>> -> memref<10240xf32, #tpu.memory_space<vmem_shared>>
        tpu.enqueue_indirect_dma source(%arg7 : memref<80xf32, #tpu.memory_space<vmem>>) target(%dma_start3A_346 : memref<10240xf32, #tpu.memory_space<vmem_shared>>) offsets(%dma_start3A_342 : memref<80xi32, #tpu.memory_space<vmem>>) semaphore(%arg18 : memref<!tpu.dma_semaphore, #tpu.memory_space<semaphore_mem>>) {add = true}
        %mul3A_347 = arith.constant 5 : i32
        %mul3A_348 = arith.muli %add3A_210, %mul3A_347 : i32
        %add3A_349 = arith.constant 5 : i32
        %add3A_350 = arith.addi %add3A_349, %mul3A_348 : i32
        %add3A_351 = arith.constant 4 : i32
        %add3A_352 = arith.addi %add3A_350, %add3A_351 : i32
        %dma_wait3A_353 = arith.constant 0 : i32
        %dma_wait3A_354 = arith.constant 0 : i32
        %dma_wait3A_355 = tpu.memref_slice %arg4[%dma_wait3A_353, %dma_wait3A_354] : memref<2x20480xf32, #tpu.memory_space<hbm>> -> memref<1x80xf32, #tpu.memory_space<hbm>>
        %dma_wait3A_356 = tpu.memref_squeeze %dma_wait3A_355 : memref<1x80xf32, #tpu.memory_space<hbm>> -> memref<80xf32, #tpu.memory_space<hbm>>
        %dma_wait3A_357 = arith.constant 0 : i32
        %dma_wait3A_358 = tpu.memref_slice %arg4[%dma_wait3A_353, %dma_wait3A_357] : memref<2x20480xf32, #tpu.memory_space<hbm>> -> memref<1x80xf32, #tpu.memory_space<hbm>>
        %dma_wait3A_359 = tpu.memref_squeeze %dma_wait3A_358 : memref<1x80xf32, #tpu.memory_space<hbm>> -> memref<80xf32, #tpu.memory_space<hbm>>
        tpu.wait_dma2 semaphore(%arg14 : memref<!tpu.dma_semaphore, #tpu.memory_space<semaphore_mem>>) src(%dma_wait3A_359 : memref<80xf32, #tpu.memory_space<hbm>>) dst(%arg7 : memref<80xf32, #tpu.memory_space<vmem>>)
        %dma_start3A_360 = arith.constant 0 : i32
        %dma_start3A_361 = tpu.memref_slice %arg5[%add3A_352, %dma_start3A_360] : memref<25x80xi32, #tpu.memory_space<vmem>> -> memref<1x80xi32, #tpu.memory_space<vmem>>
        %dma_start3A_362 = tpu.memref_squeeze %dma_start3A_361 : memref<1x80xi32, #tpu.memory_space<vmem>> -> memref<80xi32, #tpu.memory_space<vmem>>
        %dma_start3A_363 = arith.constant 0 : i32
        %dma_start3A_364 = tpu.memref_slice %arg9[%dma_start3A_363] : memref<20480xf32, #tpu.memory_space<vmem_shared>> -> memref<10240xf32, #tpu.memory_space<vmem_shared>>
        %dma_start3A_365 = arith.constant 0 : i32
        %dma_start3A_366 = tpu.memref_slice %dma_start3A_364[%dma_start3A_365] : memref<10240xf32, #tpu.memory_space<vmem_shared>> -> memref<10240xf32, #tpu.memory_space<vmem_shared>>
        tpu.enqueue_indirect_dma source(%arg7 : memref<80xf32, #tpu.memory_space<vmem>>) target(%dma_start3A_366 : memref<10240xf32, #tpu.memory_space<vmem_shared>>) offsets(%dma_start3A_362 : memref<80xi32, #tpu.memory_space<vmem>>) semaphore(%arg14 : memref<!tpu.dma_semaphore, #tpu.memory_space<semaphore_mem>>) {add = true}
        %dma_wait3A_367 = arith.constant 0 : i32
        %dma_wait3A_368 = arith.constant 0 : i32
        %dma_wait3A_369 = tpu.memref_slice %arg4[%dma_wait3A_367, %dma_wait3A_368] : memref<2x20480xf32, #tpu.memory_space<hbm>> -> memref<1x80xf32, #tpu.memory_space<hbm>>
        %dma_wait3A_370 = tpu.memref_squeeze %dma_wait3A_369 : memref<1x80xf32, #tpu.memory_space<hbm>> -> memref<80xf32, #tpu.memory_space<hbm>>
        %dma_wait3A_371 = arith.constant 0 : i32
        %dma_wait3A_372 = tpu.memref_slice %arg4[%dma_wait3A_367, %dma_wait3A_371] : memref<2x20480xf32, #tpu.memory_space<hbm>> -> memref<1x80xf32, #tpu.memory_space<hbm>>
        %dma_wait3A_373 = tpu.memref_squeeze %dma_wait3A_372 : memref<1x80xf32, #tpu.memory_space<hbm>> -> memref<80xf32, #tpu.memory_space<hbm>>
        tpu.wait_dma2 semaphore(%arg19 : memref<!tpu.dma_semaphore, #tpu.memory_space<semaphore_mem>>) src(%dma_wait3A_373 : memref<80xf32, #tpu.memory_space<hbm>>) dst(%arg7 : memref<80xf32, #tpu.memory_space<vmem>>)
        %dma_start3A_374 = arith.constant 0 : i32
        %dma_start3A_375 = tpu.memref_slice %arg6[%add3A_352, %dma_start3A_374] : memref<25x80xi32, #tpu.memory_space<vmem>> -> memref<1x80xi32, #tpu.memory_space<vmem>>
        %dma_start3A_376 = tpu.memref_squeeze %dma_start3A_375 : memref<1x80xi32, #tpu.memory_space<vmem>> -> memref<80xi32, #tpu.memory_space<vmem>>
        %dma_start3A_377 = arith.constant 10240 : i32
        %dma_start3A_378 = tpu.memref_slice %arg9[%dma_start3A_377] : memref<20480xf32, #tpu.memory_space<vmem_shared>> -> memref<10240xf32, #tpu.memory_space<vmem_shared>>
        %dma_start3A_379 = arith.constant 0 : i32
        %dma_start3A_380 = tpu.memref_slice %dma_start3A_378[%dma_start3A_379] : memref<10240xf32, #tpu.memory_space<vmem_shared>> -> memref<10240xf32, #tpu.memory_space<vmem_shared>>
        tpu.enqueue_indirect_dma source(%arg7 : memref<80xf32, #tpu.memory_space<vmem>>) target(%dma_start3A_380 : memref<10240xf32, #tpu.memory_space<vmem_shared>>) offsets(%dma_start3A_376 : memref<80xi32, #tpu.memory_space<vmem>>) semaphore(%arg19 : memref<!tpu.dma_semaphore, #tpu.memory_space<semaphore_mem>>) {add = true}
      }
      %scan3A_136 = arith.constant 4 : i32
      %dma_wait3A = arith.constant 0 : i32
      %dma_wait3A_137 = arith.constant 0 : i32
      %dma_wait3A_138 = tpu.memref_slice %arg4[%dma_wait3A, %dma_wait3A_137] : memref<2x20480xf32, #tpu.memory_space<hbm>> -> memref<1x80xf32, #tpu.memory_space<hbm>>
      %dma_wait3A_139 = tpu.memref_squeeze %dma_wait3A_138 : memref<1x80xf32, #tpu.memory_space<hbm>> -> memref<80xf32, #tpu.memory_space<hbm>>
      %dma_wait3A_140 = arith.constant 0 : i32
      %dma_wait3A_141 = tpu.memref_slice %arg4[%dma_wait3A, %dma_wait3A_140] : memref<2x20480xf32, #tpu.memory_space<hbm>> -> memref<1x80xf32, #tpu.memory_space<hbm>>
      %dma_wait3A_142 = tpu.memref_squeeze %dma_wait3A_141 : memref<1x80xf32, #tpu.memory_space<hbm>> -> memref<80xf32, #tpu.memory_space<hbm>>
      tpu.wait_dma2 semaphore(%arg10 : memref<!tpu.dma_semaphore, #tpu.memory_space<semaphore_mem>>) src(%dma_wait3A_142 : memref<80xf32, #tpu.memory_space<hbm>>) dst(%arg7 : memref<80xf32, #tpu.memory_space<vmem>>)
      %dma_wait3A_143 = arith.constant 0 : i32
      %dma_wait3A_144 = arith.constant 0 : i32
      %dma_wait3A_145 = tpu.memref_slice %arg4[%dma_wait3A_143, %dma_wait3A_144] : memref<2x20480xf32, #tpu.memory_space<hbm>> -> memref<1x80xf32, #tpu.memory_space<hbm>>
      %dma_wait3A_146 = tpu.memref_squeeze %dma_wait3A_145 : memref<1x80xf32, #tpu.memory_space<hbm>> -> memref<80xf32, #tpu.memory_space<hbm>>
      %dma_wait3A_147 = arith.constant 0 : i32
      %dma_wait3A_148 = tpu.memref_slice %arg4[%dma_wait3A_143, %dma_wait3A_147] : memref<2x20480xf32, #tpu.memory_space<hbm>> -> memref<1x80xf32, #tpu.memory_space<hbm>>
      %dma_wait3A_149 = tpu.memref_squeeze %dma_wait3A_148 : memref<1x80xf32, #tpu.memory_space<hbm>> -> memref<80xf32, #tpu.memory_space<hbm>>
      tpu.wait_dma2 semaphore(%arg11 : memref<!tpu.dma_semaphore, #tpu.memory_space<semaphore_mem>>) src(%dma_wait3A_149 : memref<80xf32, #tpu.memory_space<hbm>>) dst(%arg7 : memref<80xf32, #tpu.memory_space<vmem>>)
      %dma_wait3A_150 = arith.constant 0 : i32
      %dma_wait3A_151 = arith.constant 0 : i32
      %dma_wait3A_152 = tpu.memref_slice %arg4[%dma_wait3A_150, %dma_wait3A_151] : memref<2x20480xf32, #tpu.memory_space<hbm>> -> memref<1x80xf32, #tpu.memory_space<hbm>>
      %dma_wait3A_153 = tpu.memref_squeeze %dma_wait3A_152 : memref<1x80xf32, #tpu.memory_space<hbm>> -> memref<80xf32, #tpu.memory_space<hbm>>
      %dma_wait3A_154 = arith.constant 0 : i32
      %dma_wait3A_155 = tpu.memref_slice %arg4[%dma_wait3A_150, %dma_wait3A_154] : memref<2x20480xf32, #tpu.memory_space<hbm>> -> memref<1x80xf32, #tpu.memory_space<hbm>>
      %dma_wait3A_156 = tpu.memref_squeeze %dma_wait3A_155 : memref<1x80xf32, #tpu.memory_space<hbm>> -> memref<80xf32, #tpu.memory_space<hbm>>
      tpu.wait_dma2 semaphore(%arg12 : memref<!tpu.dma_semaphore, #tpu.memory_space<semaphore_mem>>) src(%dma_wait3A_156 : memref<80xf32, #tpu.memory_space<hbm>>) dst(%arg7 : memref<80xf32, #tpu.memory_space<vmem>>)
      %dma_wait3A_157 = arith.constant 0 : i32
      %dma_wait3A_158 = arith.constant 0 : i32
      %dma_wait3A_159 = tpu.memref_slice %arg4[%dma_wait3A_157, %dma_wait3A_158] : memref<2x20480xf32, #tpu.memory_space<hbm>> -> memref<1x80xf32, #tpu.memory_space<hbm>>
      %dma_wait3A_160 = tpu.memref_squeeze %dma_wait3A_159 : memref<1x80xf32, #tpu.memory_space<hbm>> -> memref<80xf32, #tpu.memory_space<hbm>>
      %dma_wait3A_161 = arith.constant 0 : i32
      %dma_wait3A_162 = tpu.memref_slice %arg4[%dma_wait3A_157, %dma_wait3A_161] : memref<2x20480xf32, #tpu.memory_space<hbm>> -> memref<1x80xf32, #tpu.memory_space<hbm>>
      %dma_wait3A_163 = tpu.memref_squeeze %dma_wait3A_162 : memref<1x80xf32, #tpu.memory_space<hbm>> -> memref<80xf32, #tpu.memory_space<hbm>>
      tpu.wait_dma2 semaphore(%arg13 : memref<!tpu.dma_semaphore, #tpu.memory_space<semaphore_mem>>) src(%dma_wait3A_163 : memref<80xf32, #tpu.memory_space<hbm>>) dst(%arg7 : memref<80xf32, #tpu.memory_space<vmem>>)
      %dma_wait3A_164 = arith.constant 0 : i32
      %dma_wait3A_165 = arith.constant 0 : i32
      %dma_wait3A_166 = tpu.memref_slice %arg4[%dma_wait3A_164, %dma_wait3A_165] : memref<2x20480xf32, #tpu.memory_space<hbm>> -> memref<1x80xf32, #tpu.memory_space<hbm>>
      %dma_wait3A_167 = tpu.memref_squeeze %dma_wait3A_166 : memref<1x80xf32, #tpu.memory_space<hbm>> -> memref<80xf32, #tpu.memory_space<hbm>>
      %dma_wait3A_168 = arith.constant 0 : i32
      %dma_wait3A_169 = tpu.memref_slice %arg4[%dma_wait3A_164, %dma_wait3A_168] : memref<2x20480xf32, #tpu.memory_space<hbm>> -> memref<1x80xf32, #tpu.memory_space<hbm>>
      %dma_wait3A_170 = tpu.memref_squeeze %dma_wait3A_169 : memref<1x80xf32, #tpu.memory_space<hbm>> -> memref<80xf32, #tpu.memory_space<hbm>>
      tpu.wait_dma2 semaphore(%arg14 : memref<!tpu.dma_semaphore, #tpu.memory_space<semaphore_mem>>) src(%dma_wait3A_170 : memref<80xf32, #tpu.memory_space<hbm>>) dst(%arg7 : memref<80xf32, #tpu.memory_space<vmem>>)
      %dma_wait3A_171 = arith.constant 0 : i32
      %dma_wait3A_172 = arith.constant 0 : i32
      %dma_wait3A_173 = tpu.memref_slice %arg4[%dma_wait3A_171, %dma_wait3A_172] : memref<2x20480xf32, #tpu.memory_space<hbm>> -> memref<1x80xf32, #tpu.memory_space<hbm>>
      %dma_wait3A_174 = tpu.memref_squeeze %dma_wait3A_173 : memref<1x80xf32, #tpu.memory_space<hbm>> -> memref<80xf32, #tpu.memory_space<hbm>>
      %dma_wait3A_175 = arith.constant 0 : i32
      %dma_wait3A_176 = tpu.memref_slice %arg4[%dma_wait3A_171, %dma_wait3A_175] : memref<2x20480xf32, #tpu.memory_space<hbm>> -> memref<1x80xf32, #tpu.memory_space<hbm>>
      %dma_wait3A_177 = tpu.memref_squeeze %dma_wait3A_176 : memref<1x80xf32, #tpu.memory_space<hbm>> -> memref<80xf32, #tpu.memory_space<hbm>>
      tpu.wait_dma2 semaphore(%arg15 : memref<!tpu.dma_semaphore, #tpu.memory_space<semaphore_mem>>) src(%dma_wait3A_177 : memref<80xf32, #tpu.memory_space<hbm>>) dst(%arg7 : memref<80xf32, #tpu.memory_space<vmem>>)
      %dma_wait3A_178 = arith.constant 0 : i32
      %dma_wait3A_179 = arith.constant 0 : i32
      %dma_wait3A_180 = tpu.memref_slice %arg4[%dma_wait3A_178, %dma_wait3A_179] : memref<2x20480xf32, #tpu.memory_space<hbm>> -> memref<1x80xf32, #tpu.memory_space<hbm>>
      %dma_wait3A_181 = tpu.memref_squeeze %dma_wait3A_180 : memref<1x80xf32, #tpu.memory_space<hbm>> -> memref<80xf32, #tpu.memory_space<hbm>>
      %dma_wait3A_182 = arith.constant 0 : i32
      %dma_wait3A_183 = tpu.memref_slice %arg4[%dma_wait3A_178, %dma_wait3A_182] : memref<2x20480xf32, #tpu.memory_space<hbm>> -> memref<1x80xf32, #tpu.memory_space<hbm>>
      %dma_wait3A_184 = tpu.memref_squeeze %dma_wait3A_183 : memref<1x80xf32, #tpu.memory_space<hbm>> -> memref<80xf32, #tpu.memory_space<hbm>>
      tpu.wait_dma2 semaphore(%arg16 : memref<!tpu.dma_semaphore, #tpu.memory_space<semaphore_mem>>) src(%dma_wait3A_184 : memref<80xf32, #tpu.memory_space<hbm>>) dst(%arg7 : memref<80xf32, #tpu.memory_space<vmem>>)
      %dma_wait3A_185 = arith.constant 0 : i32
      %dma_wait3A_186 = arith.constant 0 : i32
      %dma_wait3A_187 = tpu.memref_slice %arg4[%dma_wait3A_185, %dma_wait3A_186] : memref<2x20480xf32, #tpu.memory_space<hbm>> -> memref<1x80xf32, #tpu.memory_space<hbm>>
      %dma_wait3A_188 = tpu.memref_squeeze %dma_wait3A_187 : memref<1x80xf32, #tpu.memory_space<hbm>> -> memref<80xf32, #tpu.memory_space<hbm>>
      %dma_wait3A_189 = arith.constant 0 : i32
      %dma_wait3A_190 = tpu.memref_slice %arg4[%dma_wait3A_185, %dma_wait3A_189] : memref<2x20480xf32, #tpu.memory_space<hbm>> -> memref<1x80xf32, #tpu.memory_space<hbm>>
      %dma_wait3A_191 = tpu.memref_squeeze %dma_wait3A_190 : memref<1x80xf32, #tpu.memory_space<hbm>> -> memref<80xf32, #tpu.memory_space<hbm>>
      tpu.wait_dma2 semaphore(%arg17 : memref<!tpu.dma_semaphore, #tpu.memory_space<semaphore_mem>>) src(%dma_wait3A_191 : memref<80xf32, #tpu.memory_space<hbm>>) dst(%arg7 : memref<80xf32, #tpu.memory_space<vmem>>)
      %dma_wait3A_192 = arith.constant 0 : i32
      %dma_wait3A_193 = arith.constant 0 : i32
      %dma_wait3A_194 = tpu.memref_slice %arg4[%dma_wait3A_192, %dma_wait3A_193] : memref<2x20480xf32, #tpu.memory_space<hbm>> -> memref<1x80xf32, #tpu.memory_space<hbm>>
      %dma_wait3A_195 = tpu.memref_squeeze %dma_wait3A_194 : memref<1x80xf32, #tpu.memory_space<hbm>> -> memref<80xf32, #tpu.memory_space<hbm>>
      %dma_wait3A_196 = arith.constant 0 : i32
      %dma_wait3A_197 = tpu.memref_slice %arg4[%dma_wait3A_192, %dma_wait3A_196] : memref<2x20480xf32, #tpu.memory_space<hbm>> -> memref<1x80xf32, #tpu.memory_space<hbm>>
      %dma_wait3A_198 = tpu.memref_squeeze %dma_wait3A_197 : memref<1x80xf32, #tpu.memory_space<hbm>> -> memref<80xf32, #tpu.memory_space<hbm>>
      tpu.wait_dma2 semaphore(%arg18 : memref<!tpu.dma_semaphore, #tpu.memory_space<semaphore_mem>>) src(%dma_wait3A_198 : memref<80xf32, #tpu.memory_space<hbm>>) dst(%arg7 : memref<80xf32, #tpu.memory_space<vmem>>)
      %dma_wait3A_199 = arith.constant 0 : i32
      %dma_wait3A_200 = arith.constant 0 : i32
      %dma_wait3A_201 = tpu.memref_slice %arg4[%dma_wait3A_199, %dma_wait3A_200] : memref<2x20480xf32, #tpu.memory_space<hbm>> -> memref<1x80xf32, #tpu.memory_space<hbm>>
      %dma_wait3A_202 = tpu.memref_squeeze %dma_wait3A_201 : memref<1x80xf32, #tpu.memory_space<hbm>> -> memref<80xf32, #tpu.memory_space<hbm>>
      %dma_wait3A_203 = arith.constant 0 : i32
      %dma_wait3A_204 = tpu.memref_slice %arg4[%dma_wait3A_199, %dma_wait3A_203] : memref<2x20480xf32, #tpu.memory_space<hbm>> -> memref<1x80xf32, #tpu.memory_space<hbm>>
      %dma_wait3A_205 = tpu.memref_squeeze %dma_wait3A_204 : memref<1x80xf32, #tpu.memory_space<hbm>> -> memref<80xf32, #tpu.memory_space<hbm>>
      tpu.wait_dma2 semaphore(%arg19 : memref<!tpu.dma_semaphore, #tpu.memory_space<semaphore_mem>>) src(%dma_wait3A_205 : memref<80xf32, #tpu.memory_space<hbm>>) dst(%arg7 : memref<80xf32, #tpu.memory_space<vmem>>)
    }
    %scan3A_42 = arith.constant 5 : i32
    %barrier3A_43 = arith.constant 0 : index
    tpu.barrier barrier_id(%barrier3A_43)
    %mul3A_44 = arith.constant 1280 : i32
    %mul3A_45 = arith.muli %arg1, %mul3A_44 : i32
    %mul3A_46 = arith.constant 1280 : i32
    %mul3A_47 = arith.muli %arg1, %mul3A_46 : i32
    "tpu.region"() ({
      %run_scoped3A = tpu.sem_alloc : memref<!tpu.dma_semaphore, #tpu.memory_space<semaphore_mem>>
      %dma_start3A = tpu.memref_slice %arg4[%arg0, %mul3A_47] : memref<2x20480xf32, #tpu.memory_space<hbm>> -> memref<1x1280xf32, #tpu.memory_space<hbm>>
      %dma_start3A_48 = tpu.memref_squeeze %dma_start3A : memref<1x1280xf32, #tpu.memory_space<hbm>> -> memref<1280xf32, #tpu.memory_space<hbm>>
      %dma_start3A_49 = tpu.memref_slice %arg9[%mul3A_45] : memref<20480xf32, #tpu.memory_space<vmem_shared>> -> memref<1280xf32, #tpu.memory_space<vmem_shared>>
      tpu.enqueue_dma source(%dma_start3A_49 : memref<1280xf32, #tpu.memory_space<vmem_shared>>) target(%dma_start3A_48 : memref<1280xf32, #tpu.memory_space<hbm>>) target_semaphore(%run_scoped3A : memref<!tpu.dma_semaphore, #tpu.memory_space<semaphore_mem>>)
      %dma_wait3A = tpu.memref_slice %arg4[%arg0, %mul3A_47] : memref<2x20480xf32, #tpu.memory_space<hbm>> -> memref<1x1280xf32, #tpu.memory_space<hbm>>
      %dma_wait3A_50 = tpu.memref_squeeze %dma_wait3A : memref<1x1280xf32, #tpu.memory_space<hbm>> -> memref<1280xf32, #tpu.memory_space<hbm>>
      %dma_wait3A_51 = tpu.memref_slice %arg9[%mul3A_45] : memref<20480xf32, #tpu.memory_space<vmem_shared>> -> memref<1280xf32, #tpu.memory_space<vmem_shared>>
      tpu.wait_dma2 semaphore(%run_scoped3A : memref<!tpu.dma_semaphore, #tpu.memory_space<semaphore_mem>>) src(%dma_wait3A_51 : memref<1280xf32, #tpu.memory_space<vmem_shared>>) dst(%dma_wait3A_50 : memref<1280xf32, #tpu.memory_space<hbm>>)
      tpu.yield
    }) : () -> ()
    return
  }
}

#map = affine_map<(d0, d1) -> (0, 0)>
#map1 = affine_map<(d0, d1) -> (0, 0, 0, 0)>
#map2 = affine_map<(d0, d1) -> (0, 0, 0)>
module attributes {stable_mosaic.version = 14 : i64} {
  func.func @body(%arg0: i32, %arg1: i32, %arg2: memref<10000x128xf32, #tpu.memory_space<hbm>>, %arg3: memref<32x10x25x40xi32, #tpu.memory_space<hbm>>, %arg4: memref<32x10x25x40xi32, #tpu.memory_space<hbm>>, %arg5: memref<2x10000x128xf32, #tpu.memory_space<hbm>>, %arg6: memref<25x40xi32, #tpu.memory_space<vmem>>, %arg7: memref<25x40xi32, #tpu.memory_space<vmem>>, %arg8: memref<5x128xf32, #tpu.memory_space<vmem>>, %arg9: memref<10000x128xf32, #tpu.memory_space<vmem_shared>>, %arg10: memref<40x128xf32, #tpu.memory_space<vmem>>, %arg11: memref<40x128xf32, #tpu.memory_space<vmem>>, %arg12: memref<40x128xf32, #tpu.memory_space<vmem>>, %arg13: memref<40x128xf32, #tpu.memory_space<vmem>>, %arg14: memref<40x128xf32, #tpu.memory_space<vmem>>, %arg15: memref<!tpu.dma_semaphore, #tpu.memory_space<semaphore_mem>>, %arg16: memref<!tpu.dma_semaphore, #tpu.memory_space<semaphore_mem>>, %arg17: memref<!tpu.dma_semaphore, #tpu.memory_space<semaphore_mem>>, %arg18: memref<!tpu.dma_semaphore, #tpu.memory_space<semaphore_mem>>, %arg19: memref<!tpu.dma_semaphore, #tpu.memory_space<semaphore_mem>>, %arg20: memref<!tpu.dma_semaphore, #tpu.memory_space<semaphore_mem>>, %arg21: memref<!tpu.dma_semaphore, #tpu.memory_space<semaphore_mem>>, %arg22: memref<!tpu.dma_semaphore, #tpu.memory_space<semaphore_mem>>, %arg23: memref<!tpu.dma_semaphore, #tpu.memory_space<semaphore_mem>>, %arg24: memref<!tpu.dma_semaphore, #tpu.memory_space<semaphore_mem>>) attributes {dimension_semantics = [#tpu.dimension_semantics<core_parallel>, #tpu.dimension_semantics<subcore_parallel>], iteration_bounds = array<i64: 2, 16>, scalar_prefetch = 0 : i64, scratch_operands = 19 : i64, tpu.core_type = #tpu.core_type<sc_vector_subcore>, window_params = [{transform_indices = #map}, {transform_indices = #map1}, {transform_indices = #map1}, {transform_indices = #map2}]} {
    %mul3A = arith.constant 16 : i32
    %mul3A_0 = arith.muli %arg0, %mul3A : i32
    %add3A = arith.addi %mul3A_0, %arg1 : i32
    %scan3A = arith.constant 0 : i32
    %scan3A_1 = arith.constant 5 : i32
    %scan3A_2 = arith.addi %scan3A, %scan3A_1 : i32
    %scan3A_3 = arith.constant 1 : i32
    scf.for %scan3A_18 = %scan3A to %scan3A_2 step %scan3A_3  : i32 {
      %mul3A_19 = arith.constant 1 : i32
      %mul3A_20 = arith.muli %scan3A_18, %mul3A_19 : i32
      %add3A_21 = arith.constant 0 : i32
      %add3A_22 = arith.addi %add3A_21, %mul3A_20 : i32
      %broadcast_in_dim3A = arith.constant 0.000000e+00 : f32
      %broadcast_in_dim3A_23 = vector.broadcast %broadcast_in_dim3A : f32 to vector<16xf32>
      %swap3A = arith.index_cast %add3A_22 : i32 to index
      %swap3A_24 = arith.constant 0 : index
      %swap3A_25 = tpu.vector_load %arg8[%swap3A, %swap3A_24] {strides = array<i32>} : memref<5x128xf32, #tpu.memory_space<vmem>>, vector<1x16xf32>,
      %swap3A_26 = vector.shape_cast %swap3A_25 : vector<1x16xf32> to vector<16xf32>
      %swap3A_27 = vector.shape_cast %broadcast_in_dim3A_23 : vector<16xf32> to vector<1x16xf32>
      tpu.vector_store %arg8[%swap3A, %swap3A_24], %swap3A_27 {strides = array<i32>} : memref<5x128xf32, #tpu.memory_space<vmem>>, vector<1x16xf32>,
      %broadcast_in_dim3A_28 = arith.constant 0.000000e+00 : f32
      %broadcast_in_dim3A_29 = vector.broadcast %broadcast_in_dim3A_28 : f32 to vector<16xf32>
      %swap3A_30 = arith.index_cast %add3A_22 : i32 to index
      %swap3A_31 = arith.constant 16 : index
      %swap3A_32 = tpu.vector_load %arg8[%swap3A_30, %swap3A_31] {strides = array<i32>} : memref<5x128xf32, #tpu.memory_space<vmem>>, vector<1x16xf32>,
      %swap3A_33 = vector.shape_cast %swap3A_32 : vector<1x16xf32> to vector<16xf32>
      %swap3A_34 = vector.shape_cast %broadcast_in_dim3A_29 : vector<16xf32> to vector<1x16xf32>
      tpu.vector_store %arg8[%swap3A_30, %swap3A_31], %swap3A_34 {strides = array<i32>} : memref<5x128xf32, #tpu.memory_space<vmem>>, vector<1x16xf32>,
      %broadcast_in_dim3A_35 = arith.constant 0.000000e+00 : f32
      %broadcast_in_dim3A_36 = vector.broadcast %broadcast_in_dim3A_35 : f32 to vector<16xf32>
      %swap3A_37 = arith.index_cast %add3A_22 : i32 to index
      %swap3A_38 = arith.constant 32 : index
      %swap3A_39 = tpu.vector_load %arg8[%swap3A_37, %swap3A_38] {strides = array<i32>} : memref<5x128xf32, #tpu.memory_space<vmem>>, vector<1x16xf32>,
      %swap3A_40 = vector.shape_cast %swap3A_39 : vector<1x16xf32> to vector<16xf32>
      %swap3A_41 = vector.shape_cast %broadcast_in_dim3A_36 : vector<16xf32> to vector<1x16xf32>
      tpu.vector_store %arg8[%swap3A_37, %swap3A_38], %swap3A_41 {strides = array<i32>} : memref<5x128xf32, #tpu.memory_space<vmem>>, vector<1x16xf32>,
      %broadcast_in_dim3A_42 = arith.constant 0.000000e+00 : f32
      %broadcast_in_dim3A_43 = vector.broadcast %broadcast_in_dim3A_42 : f32 to vector<16xf32>
      %swap3A_44 = arith.index_cast %add3A_22 : i32 to index
      %swap3A_45 = arith.constant 48 : index
      %swap3A_46 = tpu.vector_load %arg8[%swap3A_44, %swap3A_45] {strides = array<i32>} : memref<5x128xf32, #tpu.memory_space<vmem>>, vector<1x16xf32>,
      %swap3A_47 = vector.shape_cast %swap3A_46 : vector<1x16xf32> to vector<16xf32>
      %swap3A_48 = vector.shape_cast %broadcast_in_dim3A_43 : vector<16xf32> to vector<1x16xf32>
      tpu.vector_store %arg8[%swap3A_44, %swap3A_45], %swap3A_48 {strides = array<i32>} : memref<5x128xf32, #tpu.memory_space<vmem>>, vector<1x16xf32>,
      %broadcast_in_dim3A_49 = arith.constant 0.000000e+00 : f32
      %broadcast_in_dim3A_50 = vector.broadcast %broadcast_in_dim3A_49 : f32 to vector<16xf32>
      %swap3A_51 = arith.index_cast %add3A_22 : i32 to index
      %swap3A_52 = arith.constant 64 : index
      %swap3A_53 = tpu.vector_load %arg8[%swap3A_51, %swap3A_52] {strides = array<i32>} : memref<5x128xf32, #tpu.memory_space<vmem>>, vector<1x16xf32>,
      %swap3A_54 = vector.shape_cast %swap3A_53 : vector<1x16xf32> to vector<16xf32>
      %swap3A_55 = vector.shape_cast %broadcast_in_dim3A_50 : vector<16xf32> to vector<1x16xf32>
      tpu.vector_store %arg8[%swap3A_51, %swap3A_52], %swap3A_55 {strides = array<i32>} : memref<5x128xf32, #tpu.memory_space<vmem>>, vector<1x16xf32>,
      %broadcast_in_dim3A_56 = arith.constant 0.000000e+00 : f32
      %broadcast_in_dim3A_57 = vector.broadcast %broadcast_in_dim3A_56 : f32 to vector<16xf32>
      %swap3A_58 = arith.index_cast %add3A_22 : i32 to index
      %swap3A_59 = arith.constant 80 : index
      %swap3A_60 = tpu.vector_load %arg8[%swap3A_58, %swap3A_59] {strides = array<i32>} : memref<5x128xf32, #tpu.memory_space<vmem>>, vector<1x16xf32>,
      %swap3A_61 = vector.shape_cast %swap3A_60 : vector<1x16xf32> to vector<16xf32>
      %swap3A_62 = vector.shape_cast %broadcast_in_dim3A_57 : vector<16xf32> to vector<1x16xf32>
      tpu.vector_store %arg8[%swap3A_58, %swap3A_59], %swap3A_62 {strides = array<i32>} : memref<5x128xf32, #tpu.memory_space<vmem>>, vector<1x16xf32>,
      %broadcast_in_dim3A_63 = arith.constant 0.000000e+00 : f32
      %broadcast_in_dim3A_64 = vector.broadcast %broadcast_in_dim3A_63 : f32 to vector<16xf32>
      %swap3A_65 = arith.index_cast %add3A_22 : i32 to index
      %swap3A_66 = arith.constant 96 : index
      %swap3A_67 = tpu.vector_load %arg8[%swap3A_65, %swap3A_66] {strides = array<i32>} : memref<5x128xf32, #tpu.memory_space<vmem>>, vector<1x16xf32>,
      %swap3A_68 = vector.shape_cast %swap3A_67 : vector<1x16xf32> to vector<16xf32>
      %swap3A_69 = vector.shape_cast %broadcast_in_dim3A_64 : vector<16xf32> to vector<1x16xf32>
      tpu.vector_store %arg8[%swap3A_65, %swap3A_66], %swap3A_69 {strides = array<i32>} : memref<5x128xf32, #tpu.memory_space<vmem>>, vector<1x16xf32>,
      %broadcast_in_dim3A_70 = arith.constant 0.000000e+00 : f32
      %broadcast_in_dim3A_71 = vector.broadcast %broadcast_in_dim3A_70 : f32 to vector<16xf32>
      %swap3A_72 = arith.index_cast %add3A_22 : i32 to index
      %swap3A_73 = arith.constant 112 : index
      %swap3A_74 = tpu.vector_load %arg8[%swap3A_72, %swap3A_73] {strides = array<i32>} : memref<5x128xf32, #tpu.memory_space<vmem>>, vector<1x16xf32>,
      %swap3A_75 = vector.shape_cast %swap3A_74 : vector<1x16xf32> to vector<16xf32>
      %swap3A_76 = vector.shape_cast %broadcast_in_dim3A_71 : vector<16xf32> to vector<1x16xf32>
      tpu.vector_store %arg8[%swap3A_72, %swap3A_73], %swap3A_76 {strides = array<i32>} : memref<5x128xf32, #tpu.memory_space<vmem>>, vector<1x16xf32>,
    }
    %scan3A_4 = arith.constant 5 : i32
    %mul3A_5 = arith.constant 625 : i32
    %mul3A_6 = arith.muli %arg1, %mul3A_5 : i32
    %scan3A_7 = arith.constant 0 : i32
    %scan3A_8 = arith.constant 125 : i32
    %scan3A_9 = arith.addi %scan3A_7, %scan3A_8 : i32
    %scan3A_10 = arith.constant 1 : i32
    scf.for %scan3A_18 = %scan3A_7 to %scan3A_9 step %scan3A_10  : i32 {
      %mul3A_19 = arith.constant 1 : i32
      %mul3A_20 = arith.muli %scan3A_18, %mul3A_19 : i32
      %add3A_21 = arith.constant 0 : i32
      %add3A_22 = arith.addi %add3A_21, %mul3A_20 : i32
      %mul3A_23 = arith.constant 5 : i32
      %mul3A_24 = arith.muli %add3A_22, %mul3A_23 : i32
      %add3A_25 = arith.addi %mul3A_6, %mul3A_24 : i32
      "tpu.region"() ({
        %run_scoped3A = tpu.sem_alloc : memref<!tpu.dma_semaphore, #tpu.memory_space<semaphore_mem>>
        %dma_start3A = arith.constant 0 : i32
        %dma_start3A_26 = tpu.memref_slice %arg9[%add3A_25, %dma_start3A] : memref<10000x128xf32, #tpu.memory_space<vmem_shared>> -> memref<5x128xf32, #tpu.memory_space<vmem_shared>>
        %dma_start3A_27 = arith.constant 0 : i32
        %dma_start3A_28 = tpu.memref_slice %arg9[%add3A_25, %dma_start3A_27] : memref<10000x128xf32, #tpu.memory_space<vmem_shared>> -> memref<5x128xf32, #tpu.memory_space<vmem_shared>>
        tpu.enqueue_dma source(%arg8 : memref<5x128xf32, #tpu.memory_space<vmem>>) target(%dma_start3A_28 : memref<5x128xf32, #tpu.memory_space<vmem_shared>>) target_semaphore(%run_scoped3A : memref<!tpu.dma_semaphore, #tpu.memory_space<semaphore_mem>>)
        %dma_wait3A = arith.constant 0 : i32
        %dma_wait3A_29 = tpu.memref_slice %arg9[%add3A_25, %dma_wait3A] : memref<10000x128xf32, #tpu.memory_space<vmem_shared>> -> memref<5x128xf32, #tpu.memory_space<vmem_shared>>
        %dma_wait3A_30 = arith.constant 0 : i32
        %dma_wait3A_31 = tpu.memref_slice %arg9[%add3A_25, %dma_wait3A_30] : memref<10000x128xf32, #tpu.memory_space<vmem_shared>> -> memref<5x128xf32, #tpu.memory_space<vmem_shared>>
        tpu.wait_dma2 semaphore(%run_scoped3A : memref<!tpu.dma_semaphore, #tpu.memory_space<semaphore_mem>>) src(%arg8 : memref<5x128xf32, #tpu.memory_space<vmem>>) dst(%dma_wait3A_31 : memref<5x128xf32, #tpu.memory_space<vmem_shared>>)
        tpu.yield
      }) : () -> ()
    }
    %scan3A_11 = arith.constant 125 : i32
    %barrier3A = arith.constant 0 : index
    tpu.barrier barrier_id(%barrier3A)
    %scan3A_12 = arith.constant 0 : i32
    %scan3A_13 = arith.constant 10 : i32
    %scan3A_14 = arith.addi %scan3A_12, %scan3A_13 : i32
    %scan3A_15 = arith.constant 1 : i32
    scf.for %scan3A_18 = %scan3A_12 to %scan3A_14 step %scan3A_15  : i32 {
      %mul3A_19 = arith.constant 1 : i32
      %mul3A_20 = arith.muli %scan3A_18, %mul3A_19 : i32
      %add3A_21 = arith.constant 0 : i32
      %add3A_22 = arith.addi %add3A_21, %mul3A_20 : i32
      "tpu.region"() ({
        %run_scoped3A = tpu.sem_alloc : memref<!tpu.dma_semaphore, #tpu.memory_space<semaphore_mem>>
        %dma_start3A_166 = arith.constant 0 : i32
        %dma_start3A_167 = arith.constant 0 : i32
        %dma_start3A_168 = tpu.memref_slice %arg3[%add3A, %add3A_22, %dma_start3A_166, %dma_start3A_167] : memref<32x10x25x40xi32, #tpu.memory_space<hbm>> -> memref<1x1x25x40xi32, #tpu.memory_space<hbm>>
        %dma_start3A_169 = tpu.memref_squeeze %dma_start3A_168 : memref<1x1x25x40xi32, #tpu.memory_space<hbm>> -> memref<25x40xi32, #tpu.memory_space<hbm>>
        %dma_start3A_170 = arith.constant 0 : i32
        %dma_start3A_171 = arith.constant 0 : i32
        %dma_start3A_172 = tpu.memref_slice %arg3[%add3A, %add3A_22, %dma_start3A_170, %dma_start3A_171] : memref<32x10x25x40xi32, #tpu.memory_space<hbm>> -> memref<1x1x25x40xi32, #tpu.memory_space<hbm>>
        %dma_start3A_173 = tpu.memref_squeeze %dma_start3A_172 : memref<1x1x25x40xi32, #tpu.memory_space<hbm>> -> memref<25x40xi32, #tpu.memory_space<hbm>>
        tpu.enqueue_dma source(%dma_start3A_173 : memref<25x40xi32, #tpu.memory_space<hbm>>) target(%arg6 : memref<25x40xi32, #tpu.memory_space<vmem>>) target_semaphore(%run_scoped3A : memref<!tpu.dma_semaphore, #tpu.memory_space<semaphore_mem>>)
        %dma_wait3A_174 = arith.constant 0 : i32
        %dma_wait3A_175 = arith.constant 0 : i32
        %dma_wait3A_176 = tpu.memref_slice %arg3[%add3A, %add3A_22, %dma_wait3A_174, %dma_wait3A_175] : memref<32x10x25x40xi32, #tpu.memory_space<hbm>> -> memref<1x1x25x40xi32, #tpu.memory_space<hbm>>
        %dma_wait3A_177 = tpu.memref_squeeze %dma_wait3A_176 : memref<1x1x25x40xi32, #tpu.memory_space<hbm>> -> memref<25x40xi32, #tpu.memory_space<hbm>>
        %dma_wait3A_178 = arith.constant 0 : i32
        %dma_wait3A_179 = arith.constant 0 : i32
        %dma_wait3A_180 = tpu.memref_slice %arg3[%add3A, %add3A_22, %dma_wait3A_178, %dma_wait3A_179] : memref<32x10x25x40xi32, #tpu.memory_space<hbm>> -> memref<1x1x25x40xi32, #tpu.memory_space<hbm>>
        %dma_wait3A_181 = tpu.memref_squeeze %dma_wait3A_180 : memref<1x1x25x40xi32, #tpu.memory_space<hbm>> -> memref<25x40xi32, #tpu.memory_space<hbm>>
        tpu.wait_dma2 semaphore(%run_scoped3A : memref<!tpu.dma_semaphore, #tpu.memory_space<semaphore_mem>>) src(%dma_wait3A_181 : memref<25x40xi32, #tpu.memory_space<hbm>>) dst(%arg6 : memref<25x40xi32, #tpu.memory_space<vmem>>)
        tpu.yield
      }) : () -> ()
      "tpu.region"() ({
        %run_scoped3A = tpu.sem_alloc : memref<!tpu.dma_semaphore, #tpu.memory_space<semaphore_mem>>
        %dma_start3A_166 = arith.constant 0 : i32
        %dma_start3A_167 = arith.constant 0 : i32
        %dma_start3A_168 = tpu.memref_slice %arg4[%add3A, %add3A_22, %dma_start3A_166, %dma_start3A_167] : memref<32x10x25x40xi32, #tpu.memory_space<hbm>> -> memref<1x1x25x40xi32, #tpu.memory_space<hbm>>
        %dma_start3A_169 = tpu.memref_squeeze %dma_start3A_168 : memref<1x1x25x40xi32, #tpu.memory_space<hbm>> -> memref<25x40xi32, #tpu.memory_space<hbm>>
        %dma_start3A_170 = arith.constant 0 : i32
        %dma_start3A_171 = arith.constant 0 : i32
        %dma_start3A_172 = tpu.memref_slice %arg4[%add3A, %add3A_22, %dma_start3A_170, %dma_start3A_171] : memref<32x10x25x40xi32, #tpu.memory_space<hbm>> -> memref<1x1x25x40xi32, #tpu.memory_space<hbm>>
        %dma_start3A_173 = tpu.memref_squeeze %dma_start3A_172 : memref<1x1x25x40xi32, #tpu.memory_space<hbm>> -> memref<25x40xi32, #tpu.memory_space<hbm>>
        tpu.enqueue_dma source(%dma_start3A_173 : memref<25x40xi32, #tpu.memory_space<hbm>>) target(%arg7 : memref<25x40xi32, #tpu.memory_space<vmem>>) target_semaphore(%run_scoped3A : memref<!tpu.dma_semaphore, #tpu.memory_space<semaphore_mem>>)
        %dma_wait3A_174 = arith.constant 0 : i32
        %dma_wait3A_175 = arith.constant 0 : i32
        %dma_wait3A_176 = tpu.memref_slice %arg4[%add3A, %add3A_22, %dma_wait3A_174, %dma_wait3A_175] : memref<32x10x25x40xi32, #tpu.memory_space<hbm>> -> memref<1x1x25x40xi32, #tpu.memory_space<hbm>>
        %dma_wait3A_177 = tpu.memref_squeeze %dma_wait3A_176 : memref<1x1x25x40xi32, #tpu.memory_space<hbm>> -> memref<25x40xi32, #tpu.memory_space<hbm>>
        %dma_wait3A_178 = arith.constant 0 : i32
        %dma_wait3A_179 = arith.constant 0 : i32
        %dma_wait3A_180 = tpu.memref_slice %arg4[%add3A, %add3A_22, %dma_wait3A_178, %dma_wait3A_179] : memref<32x10x25x40xi32, #tpu.memory_space<hbm>> -> memref<1x1x25x40xi32, #tpu.memory_space<hbm>>
        %dma_wait3A_181 = tpu.memref_squeeze %dma_wait3A_180 : memref<1x1x25x40xi32, #tpu.memory_space<hbm>> -> memref<25x40xi32, #tpu.memory_space<hbm>>
        tpu.wait_dma2 semaphore(%run_scoped3A : memref<!tpu.dma_semaphore, #tpu.memory_space<semaphore_mem>>) src(%dma_wait3A_181 : memref<25x40xi32, #tpu.memory_space<hbm>>) dst(%arg7 : memref<25x40xi32, #tpu.memory_space<vmem>>)
        tpu.yield
      }) : () -> ()
      %dma_start3A = arith.constant 0 : i32
      %dma_start3A_23 = arith.constant 0 : i32
      %dma_start3A_24 = tpu.memref_slice %arg6[%dma_start3A, %dma_start3A_23] : memref<25x40xi32, #tpu.memory_space<vmem>> -> memref<1x40xi32, #tpu.memory_space<vmem>>
      %dma_start3A_25 = tpu.memref_squeeze %dma_start3A_24 : memref<1x40xi32, #tpu.memory_space<vmem>> -> memref<40xi32, #tpu.memory_space<vmem>>
      %dma_start3A_26 = arith.constant 0 : i32
      %dma_start3A_27 = arith.constant 0 : i32
      %dma_start3A_28 = tpu.memref_slice %arg2[%dma_start3A_26, %dma_start3A_27] : memref<10000x128xf32, #tpu.memory_space<hbm>> -> memref<10000x128xf32, #tpu.memory_space<hbm>>
      tpu.enqueue_indirect_dma source(%dma_start3A_28 : memref<10000x128xf32, #tpu.memory_space<hbm>>) target(%arg10 : memref<40x128xf32, #tpu.memory_space<vmem>>) offsets(%dma_start3A_25 : memref<40xi32, #tpu.memory_space<vmem>>) semaphore(%arg15 : memref<!tpu.dma_semaphore, #tpu.memory_space<semaphore_mem>>)
      %dma_start3A_29 = arith.constant 1 : i32
      %dma_start3A_30 = arith.constant 0 : i32
      %dma_start3A_31 = tpu.memref_slice %arg6[%dma_start3A_29, %dma_start3A_30] : memref<25x40xi32, #tpu.memory_space<vmem>> -> memref<1x40xi32, #tpu.memory_space<vmem>>
      %dma_start3A_32 = tpu.memref_squeeze %dma_start3A_31 : memref<1x40xi32, #tpu.memory_space<vmem>> -> memref<40xi32, #tpu.memory_space<vmem>>
      %dma_start3A_33 = arith.constant 0 : i32
      %dma_start3A_34 = arith.constant 0 : i32
      %dma_start3A_35 = tpu.memref_slice %arg2[%dma_start3A_33, %dma_start3A_34] : memref<10000x128xf32, #tpu.memory_space<hbm>> -> memref<10000x128xf32, #tpu.memory_space<hbm>>
      tpu.enqueue_indirect_dma source(%dma_start3A_35 : memref<10000x128xf32, #tpu.memory_space<hbm>>) target(%arg11 : memref<40x128xf32, #tpu.memory_space<vmem>>) offsets(%dma_start3A_32 : memref<40xi32, #tpu.memory_space<vmem>>) semaphore(%arg16 : memref<!tpu.dma_semaphore, #tpu.memory_space<semaphore_mem>>)
      %dma_start3A_36 = arith.constant 2 : i32
      %dma_start3A_37 = arith.constant 0 : i32
      %dma_start3A_38 = tpu.memref_slice %arg6[%dma_start3A_36, %dma_start3A_37] : memref<25x40xi32, #tpu.memory_space<vmem>> -> memref<1x40xi32, #tpu.memory_space<vmem>>
      %dma_start3A_39 = tpu.memref_squeeze %dma_start3A_38 : memref<1x40xi32, #tpu.memory_space<vmem>> -> memref<40xi32, #tpu.memory_space<vmem>>
      %dma_start3A_40 = arith.constant 0 : i32
      %dma_start3A_41 = arith.constant 0 : i32
      %dma_start3A_42 = tpu.memref_slice %arg2[%dma_start3A_40, %dma_start3A_41] : memref<10000x128xf32, #tpu.memory_space<hbm>> -> memref<10000x128xf32, #tpu.memory_space<hbm>>
      tpu.enqueue_indirect_dma source(%dma_start3A_42 : memref<10000x128xf32, #tpu.memory_space<hbm>>) target(%arg12 : memref<40x128xf32, #tpu.memory_space<vmem>>) offsets(%dma_start3A_39 : memref<40xi32, #tpu.memory_space<vmem>>) semaphore(%arg17 : memref<!tpu.dma_semaphore, #tpu.memory_space<semaphore_mem>>)
      %dma_start3A_43 = arith.constant 3 : i32
      %dma_start3A_44 = arith.constant 0 : i32
      %dma_start3A_45 = tpu.memref_slice %arg6[%dma_start3A_43, %dma_start3A_44] : memref<25x40xi32, #tpu.memory_space<vmem>> -> memref<1x40xi32, #tpu.memory_space<vmem>>
      %dma_start3A_46 = tpu.memref_squeeze %dma_start3A_45 : memref<1x40xi32, #tpu.memory_space<vmem>> -> memref<40xi32, #tpu.memory_space<vmem>>
      %dma_start3A_47 = arith.constant 0 : i32
      %dma_start3A_48 = arith.constant 0 : i32
      %dma_start3A_49 = tpu.memref_slice %arg2[%dma_start3A_47, %dma_start3A_48] : memref<10000x128xf32, #tpu.memory_space<hbm>> -> memref<10000x128xf32, #tpu.memory_space<hbm>>
      tpu.enqueue_indirect_dma source(%dma_start3A_49 : memref<10000x128xf32, #tpu.memory_space<hbm>>) target(%arg13 : memref<40x128xf32, #tpu.memory_space<vmem>>) offsets(%dma_start3A_46 : memref<40xi32, #tpu.memory_space<vmem>>) semaphore(%arg18 : memref<!tpu.dma_semaphore, #tpu.memory_space<semaphore_mem>>)
      %dma_start3A_50 = arith.constant 4 : i32
      %dma_start3A_51 = arith.constant 0 : i32
      %dma_start3A_52 = tpu.memref_slice %arg6[%dma_start3A_50, %dma_start3A_51] : memref<25x40xi32, #tpu.memory_space<vmem>> -> memref<1x40xi32, #tpu.memory_space<vmem>>
      %dma_start3A_53 = tpu.memref_squeeze %dma_start3A_52 : memref<1x40xi32, #tpu.memory_space<vmem>> -> memref<40xi32, #tpu.memory_space<vmem>>
      %dma_start3A_54 = arith.constant 0 : i32
      %dma_start3A_55 = arith.constant 0 : i32
      %dma_start3A_56 = tpu.memref_slice %arg2[%dma_start3A_54, %dma_start3A_55] : memref<10000x128xf32, #tpu.memory_space<hbm>> -> memref<10000x128xf32, #tpu.memory_space<hbm>>
      tpu.enqueue_indirect_dma source(%dma_start3A_56 : memref<10000x128xf32, #tpu.memory_space<hbm>>) target(%arg14 : memref<40x128xf32, #tpu.memory_space<vmem>>) offsets(%dma_start3A_53 : memref<40xi32, #tpu.memory_space<vmem>>) semaphore(%arg19 : memref<!tpu.dma_semaphore, #tpu.memory_space<semaphore_mem>>)
      %dma_wait3A = arith.constant 0 : i32
      %dma_wait3A_57 = arith.constant 0 : i32
      %dma_wait3A_58 = tpu.memref_slice %arg6[%dma_wait3A, %dma_wait3A_57] : memref<25x40xi32, #tpu.memory_space<vmem>> -> memref<1x40xi32, #tpu.memory_space<vmem>>
      %dma_wait3A_59 = tpu.memref_squeeze %dma_wait3A_58 : memref<1x40xi32, #tpu.memory_space<vmem>> -> memref<40xi32, #tpu.memory_space<vmem>>
      %dma_wait3A_60 = arith.constant 0 : i32
      %dma_wait3A_61 = arith.constant 0 : i32
      %dma_wait3A_62 = tpu.memref_slice %arg2[%dma_wait3A_60, %dma_wait3A_61] : memref<10000x128xf32, #tpu.memory_space<hbm>> -> memref<10000x128xf32, #tpu.memory_space<hbm>>
      tpu.wait_indirect_dma semaphore(%arg15 : memref<!tpu.dma_semaphore, #tpu.memory_space<semaphore_mem>>) src(%dma_wait3A_62 : memref<10000x128xf32, #tpu.memory_space<hbm>>) dst(%arg10 : memref<40x128xf32, #tpu.memory_space<vmem>>)
      %dma_start3A_63 = arith.constant 0 : i32
      %dma_start3A_64 = arith.constant 0 : i32
      %dma_start3A_65 = tpu.memref_slice %arg7[%dma_start3A_63, %dma_start3A_64] : memref<25x40xi32, #tpu.memory_space<vmem>> -> memref<1x40xi32, #tpu.memory_space<vmem>>
      %dma_start3A_66 = tpu.memref_squeeze %dma_start3A_65 : memref<1x40xi32, #tpu.memory_space<vmem>> -> memref<40xi32, #tpu.memory_space<vmem>>
      %dma_start3A_67 = arith.constant 0 : i32
      %dma_start3A_68 = arith.constant 0 : i32
      %dma_start3A_69 = tpu.memref_slice %arg9[%dma_start3A_67, %dma_start3A_68] : memref<10000x128xf32, #tpu.memory_space<vmem_shared>> -> memref<10000x128xf32, #tpu.memory_space<vmem_shared>>
      tpu.enqueue_indirect_dma source(%arg10 : memref<40x128xf32, #tpu.memory_space<vmem>>) target(%dma_start3A_69 : memref<10000x128xf32, #tpu.memory_space<vmem_shared>>) offsets(%dma_start3A_66 : memref<40xi32, #tpu.memory_space<vmem>>) semaphore(%arg20 : memref<!tpu.dma_semaphore, #tpu.memory_space<semaphore_mem>>) {add = true}
      %scan3A_70 = arith.constant 0 : i32
      %scan3A_71 = arith.constant 4 : i32
      %scan3A_72 = arith.addi %scan3A_70, %scan3A_71 : i32
      %scan3A_73 = arith.constant 1 : i32
      scf.for %scan3A_166 = %scan3A_70 to %scan3A_72 step %scan3A_73  : i32 {
        %mul3A_167 = arith.constant 1 : i32
        %mul3A_168 = arith.muli %scan3A_166, %mul3A_167 : i32
        %add3A_169 = arith.constant 0 : i32
        %add3A_170 = arith.addi %add3A_169, %mul3A_168 : i32
        %mul3A_171 = arith.constant 5 : i32
        %mul3A_172 = arith.muli %add3A_170, %mul3A_171 : i32
        %add3A_173 = arith.constant 1 : i32
        %add3A_174 = arith.addi %add3A_173, %mul3A_172 : i32
        %add3A_175 = arith.constant 0 : i32
        %add3A_176 = arith.addi %add3A_174, %add3A_175 : i32
        %dma_wait3A_177 = arith.constant 0 : i32
        %dma_wait3A_178 = arith.constant 0 : i32
        %dma_wait3A_179 = tpu.memref_slice %arg6[%dma_wait3A_177, %dma_wait3A_178] : memref<25x40xi32, #tpu.memory_space<vmem>> -> memref<1x40xi32, #tpu.memory_space<vmem>>
        %dma_wait3A_180 = tpu.memref_squeeze %dma_wait3A_179 : memref<1x40xi32, #tpu.memory_space<vmem>> -> memref<40xi32, #tpu.memory_space<vmem>>
        %dma_wait3A_181 = arith.constant 0 : i32
        %dma_wait3A_182 = arith.constant 0 : i32
        %dma_wait3A_183 = tpu.memref_slice %arg2[%dma_wait3A_181, %dma_wait3A_182] : memref<10000x128xf32, #tpu.memory_space<hbm>> -> memref<10000x128xf32, #tpu.memory_space<hbm>>
        tpu.wait_indirect_dma semaphore(%arg16 : memref<!tpu.dma_semaphore, #tpu.memory_space<semaphore_mem>>) src(%dma_wait3A_183 : memref<10000x128xf32, #tpu.memory_space<hbm>>) dst(%arg11 : memref<40x128xf32, #tpu.memory_space<vmem>>)
        %dma_start3A_184 = arith.constant 0 : i32
        %dma_start3A_185 = tpu.memref_slice %arg7[%add3A_176, %dma_start3A_184] : memref<25x40xi32, #tpu.memory_space<vmem>> -> memref<1x40xi32, #tpu.memory_space<vmem>>
        %dma_start3A_186 = tpu.memref_squeeze %dma_start3A_185 : memref<1x40xi32, #tpu.memory_space<vmem>> -> memref<40xi32, #tpu.memory_space<vmem>>
        %dma_start3A_187 = arith.constant 0 : i32
        %dma_start3A_188 = arith.constant 0 : i32
        %dma_start3A_189 = tpu.memref_slice %arg9[%dma_start3A_187, %dma_start3A_188] : memref<10000x128xf32, #tpu.memory_space<vmem_shared>> -> memref<10000x128xf32, #tpu.memory_space<vmem_shared>>
        tpu.enqueue_indirect_dma source(%arg11 : memref<40x128xf32, #tpu.memory_space<vmem>>) target(%dma_start3A_189 : memref<10000x128xf32, #tpu.memory_space<vmem_shared>>) offsets(%dma_start3A_186 : memref<40xi32, #tpu.memory_space<vmem>>) semaphore(%arg21 : memref<!tpu.dma_semaphore, #tpu.memory_space<semaphore_mem>>) {add = true}
        %dma_wait3A_190 = arith.constant 0 : i32
        %dma_wait3A_191 = arith.constant 0 : i32
        %dma_wait3A_192 = tpu.memref_slice %arg6[%dma_wait3A_190, %dma_wait3A_191] : memref<25x40xi32, #tpu.memory_space<vmem>> -> memref<1x40xi32, #tpu.memory_space<vmem>>
        %dma_wait3A_193 = tpu.memref_squeeze %dma_wait3A_192 : memref<1x40xi32, #tpu.memory_space<vmem>> -> memref<40xi32, #tpu.memory_space<vmem>>
        %dma_wait3A_194 = arith.constant 0 : i32
        %dma_wait3A_195 = arith.constant 0 : i32
        %dma_wait3A_196 = tpu.memref_slice %arg2[%dma_wait3A_194, %dma_wait3A_195] : memref<10000x128xf32, #tpu.memory_space<hbm>> -> memref<10000x128xf32, #tpu.memory_space<hbm>>
        tpu.wait_indirect_dma semaphore(%arg20 : memref<!tpu.dma_semaphore, #tpu.memory_space<semaphore_mem>>) src(%dma_wait3A_196 : memref<10000x128xf32, #tpu.memory_space<hbm>>) dst(%arg10 : memref<40x128xf32, #tpu.memory_space<vmem>>)
        %sub3A = arith.constant 1 : i32
        %sub3A_197 = arith.subi %add3A_176, %sub3A : i32
        %add3A_198 = arith.constant 5 : i32
        %add3A_199 = arith.addi %sub3A_197, %add3A_198 : i32
        %dma_start3A_200 = arith.constant 0 : i32
        %dma_start3A_201 = tpu.memref_slice %arg6[%add3A_199, %dma_start3A_200] : memref<25x40xi32, #tpu.memory_space<vmem>> -> memref<1x40xi32, #tpu.memory_space<vmem>>
        %dma_start3A_202 = tpu.memref_squeeze %dma_start3A_201 : memref<1x40xi32, #tpu.memory_space<vmem>> -> memref<40xi32, #tpu.memory_space<vmem>>
        %dma_start3A_203 = arith.constant 0 : i32
        %dma_start3A_204 = arith.constant 0 : i32
        %dma_start3A_205 = tpu.memref_slice %arg2[%dma_start3A_203, %dma_start3A_204] : memref<10000x128xf32, #tpu.memory_space<hbm>> -> memref<10000x128xf32, #tpu.memory_space<hbm>>
        tpu.enqueue_indirect_dma source(%dma_start3A_205 : memref<10000x128xf32, #tpu.memory_space<hbm>>) target(%arg10 : memref<40x128xf32, #tpu.memory_space<vmem>>) offsets(%dma_start3A_202 : memref<40xi32, #tpu.memory_space<vmem>>) semaphore(%arg15 : memref<!tpu.dma_semaphore, #tpu.memory_space<semaphore_mem>>)
        %mul3A_206 = arith.constant 5 : i32
        %mul3A_207 = arith.muli %add3A_170, %mul3A_206 : i32
        %add3A_208 = arith.constant 1 : i32
        %add3A_209 = arith.addi %add3A_208, %mul3A_207 : i32
        %add3A_210 = arith.constant 1 : i32
        %add3A_211 = arith.addi %add3A_209, %add3A_210 : i32
        %dma_wait3A_212 = arith.constant 0 : i32
        %dma_wait3A_213 = arith.constant 0 : i32
        %dma_wait3A_214 = tpu.memref_slice %arg6[%dma_wait3A_212, %dma_wait3A_213] : memref<25x40xi32, #tpu.memory_space<vmem>> -> memref<1x40xi32, #tpu.memory_space<vmem>>
        %dma_wait3A_215 = tpu.memref_squeeze %dma_wait3A_214 : memref<1x40xi32, #tpu.memory_space<vmem>> -> memref<40xi32, #tpu.memory_space<vmem>>
        %dma_wait3A_216 = arith.constant 0 : i32
        %dma_wait3A_217 = arith.constant 0 : i32
        %dma_wait3A_218 = tpu.memref_slice %arg2[%dma_wait3A_216, %dma_wait3A_217] : memref<10000x128xf32, #tpu.memory_space<hbm>> -> memref<10000x128xf32, #tpu.memory_space<hbm>>
        tpu.wait_indirect_dma semaphore(%arg17 : memref<!tpu.dma_semaphore, #tpu.memory_space<semaphore_mem>>) src(%dma_wait3A_218 : memref<10000x128xf32, #tpu.memory_space<hbm>>) dst(%arg12 : memref<40x128xf32, #tpu.memory_space<vmem>>)
        %dma_start3A_219 = arith.constant 0 : i32
        %dma_start3A_220 = tpu.memref_slice %arg7[%add3A_211, %dma_start3A_219] : memref<25x40xi32, #tpu.memory_space<vmem>> -> memref<1x40xi32, #tpu.memory_space<vmem>>
        %dma_start3A_221 = tpu.memref_squeeze %dma_start3A_220 : memref<1x40xi32, #tpu.memory_space<vmem>> -> memref<40xi32, #tpu.memory_space<vmem>>
        %dma_start3A_222 = arith.constant 0 : i32
        %dma_start3A_223 = arith.constant 0 : i32
        %dma_start3A_224 = tpu.memref_slice %arg9[%dma_start3A_222, %dma_start3A_223] : memref<10000x128xf32, #tpu.memory_space<vmem_shared>> -> memref<10000x128xf32, #tpu.memory_space<vmem_shared>>
        tpu.enqueue_indirect_dma source(%arg12 : memref<40x128xf32, #tpu.memory_space<vmem>>) target(%dma_start3A_224 : memref<10000x128xf32, #tpu.memory_space<vmem_shared>>) offsets(%dma_start3A_221 : memref<40xi32, #tpu.memory_space<vmem>>) semaphore(%arg22 : memref<!tpu.dma_semaphore, #tpu.memory_space<semaphore_mem>>) {add = true}
        %dma_wait3A_225 = arith.constant 0 : i32
        %dma_wait3A_226 = arith.constant 0 : i32
        %dma_wait3A_227 = tpu.memref_slice %arg6[%dma_wait3A_225, %dma_wait3A_226] : memref<25x40xi32, #tpu.memory_space<vmem>> -> memref<1x40xi32, #tpu.memory_space<vmem>>
        %dma_wait3A_228 = tpu.memref_squeeze %dma_wait3A_227 : memref<1x40xi32, #tpu.memory_space<vmem>> -> memref<40xi32, #tpu.memory_space<vmem>>
        %dma_wait3A_229 = arith.constant 0 : i32
        %dma_wait3A_230 = arith.constant 0 : i32
        %dma_wait3A_231 = tpu.memref_slice %arg2[%dma_wait3A_229, %dma_wait3A_230] : memref<10000x128xf32, #tpu.memory_space<hbm>> -> memref<10000x128xf32, #tpu.memory_space<hbm>>
        tpu.wait_indirect_dma semaphore(%arg21 : memref<!tpu.dma_semaphore, #tpu.memory_space<semaphore_mem>>) src(%dma_wait3A_231 : memref<10000x128xf32, #tpu.memory_space<hbm>>) dst(%arg11 : memref<40x128xf32, #tpu.memory_space<vmem>>)
        %sub3A_232 = arith.constant 1 : i32
        %sub3A_233 = arith.subi %add3A_211, %sub3A_232 : i32
        %add3A_234 = arith.constant 5 : i32
        %add3A_235 = arith.addi %sub3A_233, %add3A_234 : i32
        %dma_start3A_236 = arith.constant 0 : i32
        %dma_start3A_237 = tpu.memref_slice %arg6[%add3A_235, %dma_start3A_236] : memref<25x40xi32, #tpu.memory_space<vmem>> -> memref<1x40xi32, #tpu.memory_space<vmem>>
        %dma_start3A_238 = tpu.memref_squeeze %dma_start3A_237 : memref<1x40xi32, #tpu.memory_space<vmem>> -> memref<40xi32, #tpu.memory_space<vmem>>
        %dma_start3A_239 = arith.constant 0 : i32
        %dma_start3A_240 = arith.constant 0 : i32
        %dma_start3A_241 = tpu.memref_slice %arg2[%dma_start3A_239, %dma_start3A_240] : memref<10000x128xf32, #tpu.memory_space<hbm>> -> memref<10000x128xf32, #tpu.memory_space<hbm>>
        tpu.enqueue_indirect_dma source(%dma_start3A_241 : memref<10000x128xf32, #tpu.memory_space<hbm>>) target(%arg11 : memref<40x128xf32, #tpu.memory_space<vmem>>) offsets(%dma_start3A_238 : memref<40xi32, #tpu.memory_space<vmem>>) semaphore(%arg16 : memref<!tpu.dma_semaphore, #tpu.memory_space<semaphore_mem>>)
        %mul3A_242 = arith.constant 5 : i32
        %mul3A_243 = arith.muli %add3A_170, %mul3A_242 : i32
        %add3A_244 = arith.constant 1 : i32
        %add3A_245 = arith.addi %add3A_244, %mul3A_243 : i32
        %add3A_246 = arith.constant 2 : i32
        %add3A_247 = arith.addi %add3A_245, %add3A_246 : i32
        %dma_wait3A_248 = arith.constant 0 : i32
        %dma_wait3A_249 = arith.constant 0 : i32
        %dma_wait3A_250 = tpu.memref_slice %arg6[%dma_wait3A_248, %dma_wait3A_249] : memref<25x40xi32, #tpu.memory_space<vmem>> -> memref<1x40xi32, #tpu.memory_space<vmem>>
        %dma_wait3A_251 = tpu.memref_squeeze %dma_wait3A_250 : memref<1x40xi32, #tpu.memory_space<vmem>> -> memref<40xi32, #tpu.memory_space<vmem>>
        %dma_wait3A_252 = arith.constant 0 : i32
        %dma_wait3A_253 = arith.constant 0 : i32
        %dma_wait3A_254 = tpu.memref_slice %arg2[%dma_wait3A_252, %dma_wait3A_253] : memref<10000x128xf32, #tpu.memory_space<hbm>> -> memref<10000x128xf32, #tpu.memory_space<hbm>>
        tpu.wait_indirect_dma semaphore(%arg18 : memref<!tpu.dma_semaphore, #tpu.memory_space<semaphore_mem>>) src(%dma_wait3A_254 : memref<10000x128xf32, #tpu.memory_space<hbm>>) dst(%arg13 : memref<40x128xf32, #tpu.memory_space<vmem>>)
        %dma_start3A_255 = arith.constant 0 : i32
        %dma_start3A_256 = tpu.memref_slice %arg7[%add3A_247, %dma_start3A_255] : memref<25x40xi32, #tpu.memory_space<vmem>> -> memref<1x40xi32, #tpu.memory_space<vmem>>
        %dma_start3A_257 = tpu.memref_squeeze %dma_start3A_256 : memref<1x40xi32, #tpu.memory_space<vmem>> -> memref<40xi32, #tpu.memory_space<vmem>>
        %dma_start3A_258 = arith.constant 0 : i32
        %dma_start3A_259 = arith.constant 0 : i32
        %dma_start3A_260 = tpu.memref_slice %arg9[%dma_start3A_258, %dma_start3A_259] : memref<10000x128xf32, #tpu.memory_space<vmem_shared>> -> memref<10000x128xf32, #tpu.memory_space<vmem_shared>>
        tpu.enqueue_indirect_dma source(%arg13 : memref<40x128xf32, #tpu.memory_space<vmem>>) target(%dma_start3A_260 : memref<10000x128xf32, #tpu.memory_space<vmem_shared>>) offsets(%dma_start3A_257 : memref<40xi32, #tpu.memory_space<vmem>>) semaphore(%arg23 : memref<!tpu.dma_semaphore, #tpu.memory_space<semaphore_mem>>) {add = true}
        %dma_wait3A_261 = arith.constant 0 : i32
        %dma_wait3A_262 = arith.constant 0 : i32
        %dma_wait3A_263 = tpu.memref_slice %arg6[%dma_wait3A_261, %dma_wait3A_262] : memref<25x40xi32, #tpu.memory_space<vmem>> -> memref<1x40xi32, #tpu.memory_space<vmem>>
        %dma_wait3A_264 = tpu.memref_squeeze %dma_wait3A_263 : memref<1x40xi32, #tpu.memory_space<vmem>> -> memref<40xi32, #tpu.memory_space<vmem>>
        %dma_wait3A_265 = arith.constant 0 : i32
        %dma_wait3A_266 = arith.constant 0 : i32
        %dma_wait3A_267 = tpu.memref_slice %arg2[%dma_wait3A_265, %dma_wait3A_266] : memref<10000x128xf32, #tpu.memory_space<hbm>> -> memref<10000x128xf32, #tpu.memory_space<hbm>>
        tpu.wait_indirect_dma semaphore(%arg22 : memref<!tpu.dma_semaphore, #tpu.memory_space<semaphore_mem>>) src(%dma_wait3A_267 : memref<10000x128xf32, #tpu.memory_space<hbm>>) dst(%arg12 : memref<40x128xf32, #tpu.memory_space<vmem>>)
        %sub3A_268 = arith.constant 1 : i32
        %sub3A_269 = arith.subi %add3A_247, %sub3A_268 : i32
        %add3A_270 = arith.constant 5 : i32
        %add3A_271 = arith.addi %sub3A_269, %add3A_270 : i32
        %dma_start3A_272 = arith.constant 0 : i32
        %dma_start3A_273 = tpu.memref_slice %arg6[%add3A_271, %dma_start3A_272] : memref<25x40xi32, #tpu.memory_space<vmem>> -> memref<1x40xi32, #tpu.memory_space<vmem>>
        %dma_start3A_274 = tpu.memref_squeeze %dma_start3A_273 : memref<1x40xi32, #tpu.memory_space<vmem>> -> memref<40xi32, #tpu.memory_space<vmem>>
        %dma_start3A_275 = arith.constant 0 : i32
        %dma_start3A_276 = arith.constant 0 : i32
        %dma_start3A_277 = tpu.memref_slice %arg2[%dma_start3A_275, %dma_start3A_276] : memref<10000x128xf32, #tpu.memory_space<hbm>> -> memref<10000x128xf32, #tpu.memory_space<hbm>>
        tpu.enqueue_indirect_dma source(%dma_start3A_277 : memref<10000x128xf32, #tpu.memory_space<hbm>>) target(%arg12 : memref<40x128xf32, #tpu.memory_space<vmem>>) offsets(%dma_start3A_274 : memref<40xi32, #tpu.memory_space<vmem>>) semaphore(%arg17 : memref<!tpu.dma_semaphore, #tpu.memory_space<semaphore_mem>>)
        %mul3A_278 = arith.constant 5 : i32
        %mul3A_279 = arith.muli %add3A_170, %mul3A_278 : i32
        %add3A_280 = arith.constant 1 : i32
        %add3A_281 = arith.addi %add3A_280, %mul3A_279 : i32
        %add3A_282 = arith.constant 3 : i32
        %add3A_283 = arith.addi %add3A_281, %add3A_282 : i32
        %dma_wait3A_284 = arith.constant 0 : i32
        %dma_wait3A_285 = arith.constant 0 : i32
        %dma_wait3A_286 = tpu.memref_slice %arg6[%dma_wait3A_284, %dma_wait3A_285] : memref<25x40xi32, #tpu.memory_space<vmem>> -> memref<1x40xi32, #tpu.memory_space<vmem>>
        %dma_wait3A_287 = tpu.memref_squeeze %dma_wait3A_286 : memref<1x40xi32, #tpu.memory_space<vmem>> -> memref<40xi32, #tpu.memory_space<vmem>>
        %dma_wait3A_288 = arith.constant 0 : i32
        %dma_wait3A_289 = arith.constant 0 : i32
        %dma_wait3A_290 = tpu.memref_slice %arg2[%dma_wait3A_288, %dma_wait3A_289] : memref<10000x128xf32, #tpu.memory_space<hbm>> -> memref<10000x128xf32, #tpu.memory_space<hbm>>
        tpu.wait_indirect_dma semaphore(%arg19 : memref<!tpu.dma_semaphore, #tpu.memory_space<semaphore_mem>>) src(%dma_wait3A_290 : memref<10000x128xf32, #tpu.memory_space<hbm>>) dst(%arg14 : memref<40x128xf32, #tpu.memory_space<vmem>>)
        %dma_start3A_291 = arith.constant 0 : i32
        %dma_start3A_292 = tpu.memref_slice %arg7[%add3A_283, %dma_start3A_291] : memref<25x40xi32, #tpu.memory_space<vmem>> -> memref<1x40xi32, #tpu.memory_space<vmem>>
        %dma_start3A_293 = tpu.memref_squeeze %dma_start3A_292 : memref<1x40xi32, #tpu.memory_space<vmem>> -> memref<40xi32, #tpu.memory_space<vmem>>
        %dma_start3A_294 = arith.constant 0 : i32
        %dma_start3A_295 = arith.constant 0 : i32
        %dma_start3A_296 = tpu.memref_slice %arg9[%dma_start3A_294, %dma_start3A_295] : memref<10000x128xf32, #tpu.memory_space<vmem_shared>> -> memref<10000x128xf32, #tpu.memory_space<vmem_shared>>
        tpu.enqueue_indirect_dma source(%arg14 : memref<40x128xf32, #tpu.memory_space<vmem>>) target(%dma_start3A_296 : memref<10000x128xf32, #tpu.memory_space<vmem_shared>>) offsets(%dma_start3A_293 : memref<40xi32, #tpu.memory_space<vmem>>) semaphore(%arg24 : memref<!tpu.dma_semaphore, #tpu.memory_space<semaphore_mem>>) {add = true}
        %dma_wait3A_297 = arith.constant 0 : i32
        %dma_wait3A_298 = arith.constant 0 : i32
        %dma_wait3A_299 = tpu.memref_slice %arg6[%dma_wait3A_297, %dma_wait3A_298] : memref<25x40xi32, #tpu.memory_space<vmem>> -> memref<1x40xi32, #tpu.memory_space<vmem>>
        %dma_wait3A_300 = tpu.memref_squeeze %dma_wait3A_299 : memref<1x40xi32, #tpu.memory_space<vmem>> -> memref<40xi32, #tpu.memory_space<vmem>>
        %dma_wait3A_301 = arith.constant 0 : i32
        %dma_wait3A_302 = arith.constant 0 : i32
        %dma_wait3A_303 = tpu.memref_slice %arg2[%dma_wait3A_301, %dma_wait3A_302] : memref<10000x128xf32, #tpu.memory_space<hbm>> -> memref<10000x128xf32, #tpu.memory_space<hbm>>
        tpu.wait_indirect_dma semaphore(%arg23 : memref<!tpu.dma_semaphore, #tpu.memory_space<semaphore_mem>>) src(%dma_wait3A_303 : memref<10000x128xf32, #tpu.memory_space<hbm>>) dst(%arg13 : memref<40x128xf32, #tpu.memory_space<vmem>>)
        %sub3A_304 = arith.constant 1 : i32
        %sub3A_305 = arith.subi %add3A_283, %sub3A_304 : i32
        %add3A_306 = arith.constant 5 : i32
        %add3A_307 = arith.addi %sub3A_305, %add3A_306 : i32
        %dma_start3A_308 = arith.constant 0 : i32
        %dma_start3A_309 = tpu.memref_slice %arg6[%add3A_307, %dma_start3A_308] : memref<25x40xi32, #tpu.memory_space<vmem>> -> memref<1x40xi32, #tpu.memory_space<vmem>>
        %dma_start3A_310 = tpu.memref_squeeze %dma_start3A_309 : memref<1x40xi32, #tpu.memory_space<vmem>> -> memref<40xi32, #tpu.memory_space<vmem>>
        %dma_start3A_311 = arith.constant 0 : i32
        %dma_start3A_312 = arith.constant 0 : i32
        %dma_start3A_313 = tpu.memref_slice %arg2[%dma_start3A_311, %dma_start3A_312] : memref<10000x128xf32, #tpu.memory_space<hbm>> -> memref<10000x128xf32, #tpu.memory_space<hbm>>
        tpu.enqueue_indirect_dma source(%dma_start3A_313 : memref<10000x128xf32, #tpu.memory_space<hbm>>) target(%arg13 : memref<40x128xf32, #tpu.memory_space<vmem>>) offsets(%dma_start3A_310 : memref<40xi32, #tpu.memory_space<vmem>>) semaphore(%arg18 : memref<!tpu.dma_semaphore, #tpu.memory_space<semaphore_mem>>)
        %mul3A_314 = arith.constant 5 : i32
        %mul3A_315 = arith.muli %add3A_170, %mul3A_314 : i32
        %add3A_316 = arith.constant 1 : i32
        %add3A_317 = arith.addi %add3A_316, %mul3A_315 : i32
        %add3A_318 = arith.constant 4 : i32
        %add3A_319 = arith.addi %add3A_317, %add3A_318 : i32
        %dma_wait3A_320 = arith.constant 0 : i32
        %dma_wait3A_321 = arith.constant 0 : i32
        %dma_wait3A_322 = tpu.memref_slice %arg6[%dma_wait3A_320, %dma_wait3A_321] : memref<25x40xi32, #tpu.memory_space<vmem>> -> memref<1x40xi32, #tpu.memory_space<vmem>>
        %dma_wait3A_323 = tpu.memref_squeeze %dma_wait3A_322 : memref<1x40xi32, #tpu.memory_space<vmem>> -> memref<40xi32, #tpu.memory_space<vmem>>
        %dma_wait3A_324 = arith.constant 0 : i32
        %dma_wait3A_325 = arith.constant 0 : i32
        %dma_wait3A_326 = tpu.memref_slice %arg2[%dma_wait3A_324, %dma_wait3A_325] : memref<10000x128xf32, #tpu.memory_space<hbm>> -> memref<10000x128xf32, #tpu.memory_space<hbm>>
        tpu.wait_indirect_dma semaphore(%arg15 : memref<!tpu.dma_semaphore, #tpu.memory_space<semaphore_mem>>) src(%dma_wait3A_326 : memref<10000x128xf32, #tpu.memory_space<hbm>>) dst(%arg10 : memref<40x128xf32, #tpu.memory_space<vmem>>)
        %dma_start3A_327 = arith.constant 0 : i32
        %dma_start3A_328 = tpu.memref_slice %arg7[%add3A_319, %dma_start3A_327] : memref<25x40xi32, #tpu.memory_space<vmem>> -> memref<1x40xi32, #tpu.memory_space<vmem>>
        %dma_start3A_329 = tpu.memref_squeeze %dma_start3A_328 : memref<1x40xi32, #tpu.memory_space<vmem>> -> memref<40xi32, #tpu.memory_space<vmem>>
        %dma_start3A_330 = arith.constant 0 : i32
        %dma_start3A_331 = arith.constant 0 : i32
        %dma_start3A_332 = tpu.memref_slice %arg9[%dma_start3A_330, %dma_start3A_331] : memref<10000x128xf32, #tpu.memory_space<vmem_shared>> -> memref<10000x128xf32, #tpu.memory_space<vmem_shared>>
        tpu.enqueue_indirect_dma source(%arg10 : memref<40x128xf32, #tpu.memory_space<vmem>>) target(%dma_start3A_332 : memref<10000x128xf32, #tpu.memory_space<vmem_shared>>) offsets(%dma_start3A_329 : memref<40xi32, #tpu.memory_space<vmem>>) semaphore(%arg20 : memref<!tpu.dma_semaphore, #tpu.memory_space<semaphore_mem>>) {add = true}
        %dma_wait3A_333 = arith.constant 0 : i32
        %dma_wait3A_334 = arith.constant 0 : i32
        %dma_wait3A_335 = tpu.memref_slice %arg6[%dma_wait3A_333, %dma_wait3A_334] : memref<25x40xi32, #tpu.memory_space<vmem>> -> memref<1x40xi32, #tpu.memory_space<vmem>>
        %dma_wait3A_336 = tpu.memref_squeeze %dma_wait3A_335 : memref<1x40xi32, #tpu.memory_space<vmem>> -> memref<40xi32, #tpu.memory_space<vmem>>
        %dma_wait3A_337 = arith.constant 0 : i32
        %dma_wait3A_338 = arith.constant 0 : i32
        %dma_wait3A_339 = tpu.memref_slice %arg2[%dma_wait3A_337, %dma_wait3A_338] : memref<10000x128xf32, #tpu.memory_space<hbm>> -> memref<10000x128xf32, #tpu.memory_space<hbm>>
        tpu.wait_indirect_dma semaphore(%arg24 : memref<!tpu.dma_semaphore, #tpu.memory_space<semaphore_mem>>) src(%dma_wait3A_339 : memref<10000x128xf32, #tpu.memory_space<hbm>>) dst(%arg14 : memref<40x128xf32, #tpu.memory_space<vmem>>)
        %sub3A_340 = arith.constant 1 : i32
        %sub3A_341 = arith.subi %add3A_319, %sub3A_340 : i32
        %add3A_342 = arith.constant 5 : i32
        %add3A_343 = arith.addi %sub3A_341, %add3A_342 : i32
        %dma_start3A_344 = arith.constant 0 : i32
        %dma_start3A_345 = tpu.memref_slice %arg6[%add3A_343, %dma_start3A_344] : memref<25x40xi32, #tpu.memory_space<vmem>> -> memref<1x40xi32, #tpu.memory_space<vmem>>
        %dma_start3A_346 = tpu.memref_squeeze %dma_start3A_345 : memref<1x40xi32, #tpu.memory_space<vmem>> -> memref<40xi32, #tpu.memory_space<vmem>>
        %dma_start3A_347 = arith.constant 0 : i32
        %dma_start3A_348 = arith.constant 0 : i32
        %dma_start3A_349 = tpu.memref_slice %arg2[%dma_start3A_347, %dma_start3A_348] : memref<10000x128xf32, #tpu.memory_space<hbm>> -> memref<10000x128xf32, #tpu.memory_space<hbm>>
        tpu.enqueue_indirect_dma source(%dma_start3A_349 : memref<10000x128xf32, #tpu.memory_space<hbm>>) target(%arg14 : memref<40x128xf32, #tpu.memory_space<vmem>>) offsets(%dma_start3A_346 : memref<40xi32, #tpu.memory_space<vmem>>) semaphore(%arg19 : memref<!tpu.dma_semaphore, #tpu.memory_space<semaphore_mem>>)
      }
      %scan3A_74 = arith.constant 4 : i32
      %dma_wait3A_75 = arith.constant 0 : i32
      %dma_wait3A_76 = arith.constant 0 : i32
      %dma_wait3A_77 = tpu.memref_slice %arg6[%dma_wait3A_75, %dma_wait3A_76] : memref<25x40xi32, #tpu.memory_space<vmem>> -> memref<1x40xi32, #tpu.memory_space<vmem>>
      %dma_wait3A_78 = tpu.memref_squeeze %dma_wait3A_77 : memref<1x40xi32, #tpu.memory_space<vmem>> -> memref<40xi32, #tpu.memory_space<vmem>>
      %dma_wait3A_79 = arith.constant 0 : i32
      %dma_wait3A_80 = arith.constant 0 : i32
      %dma_wait3A_81 = tpu.memref_slice %arg2[%dma_wait3A_79, %dma_wait3A_80] : memref<10000x128xf32, #tpu.memory_space<hbm>> -> memref<10000x128xf32, #tpu.memory_space<hbm>>
      tpu.wait_indirect_dma semaphore(%arg16 : memref<!tpu.dma_semaphore, #tpu.memory_space<semaphore_mem>>) src(%dma_wait3A_81 : memref<10000x128xf32, #tpu.memory_space<hbm>>) dst(%arg11 : memref<40x128xf32, #tpu.memory_space<vmem>>)
      %dma_start3A_82 = arith.constant 21 : i32
      %dma_start3A_83 = arith.constant 0 : i32
      %dma_start3A_84 = tpu.memref_slice %arg7[%dma_start3A_82, %dma_start3A_83] : memref<25x40xi32, #tpu.memory_space<vmem>> -> memref<1x40xi32, #tpu.memory_space<vmem>>
      %dma_start3A_85 = tpu.memref_squeeze %dma_start3A_84 : memref<1x40xi32, #tpu.memory_space<vmem>> -> memref<40xi32, #tpu.memory_space<vmem>>
      %dma_start3A_86 = arith.constant 0 : i32
      %dma_start3A_87 = arith.constant 0 : i32
      %dma_start3A_88 = tpu.memref_slice %arg9[%dma_start3A_86, %dma_start3A_87] : memref<10000x128xf32, #tpu.memory_space<vmem_shared>> -> memref<10000x128xf32, #tpu.memory_space<vmem_shared>>
      tpu.enqueue_indirect_dma source(%arg11 : memref<40x128xf32, #tpu.memory_space<vmem>>) target(%dma_start3A_88 : memref<10000x128xf32, #tpu.memory_space<vmem_shared>>) offsets(%dma_start3A_85 : memref<40xi32, #tpu.memory_space<vmem>>) semaphore(%arg21 : memref<!tpu.dma_semaphore, #tpu.memory_space<semaphore_mem>>) {add = true}
      %dma_wait3A_89 = arith.constant 0 : i32
      %dma_wait3A_90 = arith.constant 0 : i32
      %dma_wait3A_91 = tpu.memref_slice %arg6[%dma_wait3A_89, %dma_wait3A_90] : memref<25x40xi32, #tpu.memory_space<vmem>> -> memref<1x40xi32, #tpu.memory_space<vmem>>
      %dma_wait3A_92 = tpu.memref_squeeze %dma_wait3A_91 : memref<1x40xi32, #tpu.memory_space<vmem>> -> memref<40xi32, #tpu.memory_space<vmem>>
      %dma_wait3A_93 = arith.constant 0 : i32
      %dma_wait3A_94 = arith.constant 0 : i32
      %dma_wait3A_95 = tpu.memref_slice %arg2[%dma_wait3A_93, %dma_wait3A_94] : memref<10000x128xf32, #tpu.memory_space<hbm>> -> memref<10000x128xf32, #tpu.memory_space<hbm>>
      tpu.wait_indirect_dma semaphore(%arg20 : memref<!tpu.dma_semaphore, #tpu.memory_space<semaphore_mem>>) src(%dma_wait3A_95 : memref<10000x128xf32, #tpu.memory_space<hbm>>) dst(%arg10 : memref<40x128xf32, #tpu.memory_space<vmem>>)
      %dma_wait3A_96 = arith.constant 0 : i32
      %dma_wait3A_97 = arith.constant 0 : i32
      %dma_wait3A_98 = tpu.memref_slice %arg6[%dma_wait3A_96, %dma_wait3A_97] : memref<25x40xi32, #tpu.memory_space<vmem>> -> memref<1x40xi32, #tpu.memory_space<vmem>>
      %dma_wait3A_99 = tpu.memref_squeeze %dma_wait3A_98 : memref<1x40xi32, #tpu.memory_space<vmem>> -> memref<40xi32, #tpu.memory_space<vmem>>
      %dma_wait3A_100 = arith.constant 0 : i32
      %dma_wait3A_101 = arith.constant 0 : i32
      %dma_wait3A_102 = tpu.memref_slice %arg2[%dma_wait3A_100, %dma_wait3A_101] : memref<10000x128xf32, #tpu.memory_space<hbm>> -> memref<10000x128xf32, #tpu.memory_space<hbm>>
      tpu.wait_indirect_dma semaphore(%arg17 : memref<!tpu.dma_semaphore, #tpu.memory_space<semaphore_mem>>) src(%dma_wait3A_102 : memref<10000x128xf32, #tpu.memory_space<hbm>>) dst(%arg12 : memref<40x128xf32, #tpu.memory_space<vmem>>)
      %dma_start3A_103 = arith.constant 22 : i32
      %dma_start3A_104 = arith.constant 0 : i32
      %dma_start3A_105 = tpu.memref_slice %arg7[%dma_start3A_103, %dma_start3A_104] : memref<25x40xi32, #tpu.memory_space<vmem>> -> memref<1x40xi32, #tpu.memory_space<vmem>>
      %dma_start3A_106 = tpu.memref_squeeze %dma_start3A_105 : memref<1x40xi32, #tpu.memory_space<vmem>> -> memref<40xi32, #tpu.memory_space<vmem>>
      %dma_start3A_107 = arith.constant 0 : i32
      %dma_start3A_108 = arith.constant 0 : i32
      %dma_start3A_109 = tpu.memref_slice %arg9[%dma_start3A_107, %dma_start3A_108] : memref<10000x128xf32, #tpu.memory_space<vmem_shared>> -> memref<10000x128xf32, #tpu.memory_space<vmem_shared>>
      tpu.enqueue_indirect_dma source(%arg12 : memref<40x128xf32, #tpu.memory_space<vmem>>) target(%dma_start3A_109 : memref<10000x128xf32, #tpu.memory_space<vmem_shared>>) offsets(%dma_start3A_106 : memref<40xi32, #tpu.memory_space<vmem>>) semaphore(%arg22 : memref<!tpu.dma_semaphore, #tpu.memory_space<semaphore_mem>>) {add = true}
      %dma_wait3A_110 = arith.constant 0 : i32
      %dma_wait3A_111 = arith.constant 0 : i32
      %dma_wait3A_112 = tpu.memref_slice %arg6[%dma_wait3A_110, %dma_wait3A_111] : memref<25x40xi32, #tpu.memory_space<vmem>> -> memref<1x40xi32, #tpu.memory_space<vmem>>
      %dma_wait3A_113 = tpu.memref_squeeze %dma_wait3A_112 : memref<1x40xi32, #tpu.memory_space<vmem>> -> memref<40xi32, #tpu.memory_space<vmem>>
      %dma_wait3A_114 = arith.constant 0 : i32
      %dma_wait3A_115 = arith.constant 0 : i32
      %dma_wait3A_116 = tpu.memref_slice %arg2[%dma_wait3A_114, %dma_wait3A_115] : memref<10000x128xf32, #tpu.memory_space<hbm>> -> memref<10000x128xf32, #tpu.memory_space<hbm>>
      tpu.wait_indirect_dma semaphore(%arg21 : memref<!tpu.dma_semaphore, #tpu.memory_space<semaphore_mem>>) src(%dma_wait3A_116 : memref<10000x128xf32, #tpu.memory_space<hbm>>) dst(%arg11 : memref<40x128xf32, #tpu.memory_space<vmem>>)
      %dma_wait3A_117 = arith.constant 0 : i32
      %dma_wait3A_118 = arith.constant 0 : i32
      %dma_wait3A_119 = tpu.memref_slice %arg6[%dma_wait3A_117, %dma_wait3A_118] : memref<25x40xi32, #tpu.memory_space<vmem>> -> memref<1x40xi32, #tpu.memory_space<vmem>>
      %dma_wait3A_120 = tpu.memref_squeeze %dma_wait3A_119 : memref<1x40xi32, #tpu.memory_space<vmem>> -> memref<40xi32, #tpu.memory_space<vmem>>
      %dma_wait3A_121 = arith.constant 0 : i32
      %dma_wait3A_122 = arith.constant 0 : i32
      %dma_wait3A_123 = tpu.memref_slice %arg2[%dma_wait3A_121, %dma_wait3A_122] : memref<10000x128xf32, #tpu.memory_space<hbm>> -> memref<10000x128xf32, #tpu.memory_space<hbm>>
      tpu.wait_indirect_dma semaphore(%arg18 : memref<!tpu.dma_semaphore, #tpu.memory_space<semaphore_mem>>) src(%dma_wait3A_123 : memref<10000x128xf32, #tpu.memory_space<hbm>>) dst(%arg13 : memref<40x128xf32, #tpu.memory_space<vmem>>)
      %dma_start3A_124 = arith.constant 23 : i32
      %dma_start3A_125 = arith.constant 0 : i32
      %dma_start3A_126 = tpu.memref_slice %arg7[%dma_start3A_124, %dma_start3A_125] : memref<25x40xi32, #tpu.memory_space<vmem>> -> memref<1x40xi32, #tpu.memory_space<vmem>>
      %dma_start3A_127 = tpu.memref_squeeze %dma_start3A_126 : memref<1x40xi32, #tpu.memory_space<vmem>> -> memref<40xi32, #tpu.memory_space<vmem>>
      %dma_start3A_128 = arith.constant 0 : i32
      %dma_start3A_129 = arith.constant 0 : i32
      %dma_start3A_130 = tpu.memref_slice %arg9[%dma_start3A_128, %dma_start3A_129] : memref<10000x128xf32, #tpu.memory_space<vmem_shared>> -> memref<10000x128xf32, #tpu.memory_space<vmem_shared>>
      tpu.enqueue_indirect_dma source(%arg13 : memref<40x128xf32, #tpu.memory_space<vmem>>) target(%dma_start3A_130 : memref<10000x128xf32, #tpu.memory_space<vmem_shared>>) offsets(%dma_start3A_127 : memref<40xi32, #tpu.memory_space<vmem>>) semaphore(%arg23 : memref<!tpu.dma_semaphore, #tpu.memory_space<semaphore_mem>>) {add = true}
      %dma_wait3A_131 = arith.constant 0 : i32
      %dma_wait3A_132 = arith.constant 0 : i32
      %dma_wait3A_133 = tpu.memref_slice %arg6[%dma_wait3A_131, %dma_wait3A_132] : memref<25x40xi32, #tpu.memory_space<vmem>> -> memref<1x40xi32, #tpu.memory_space<vmem>>
      %dma_wait3A_134 = tpu.memref_squeeze %dma_wait3A_133 : memref<1x40xi32, #tpu.memory_space<vmem>> -> memref<40xi32, #tpu.memory_space<vmem>>
      %dma_wait3A_135 = arith.constant 0 : i32
      %dma_wait3A_136 = arith.constant 0 : i32
      %dma_wait3A_137 = tpu.memref_slice %arg2[%dma_wait3A_135, %dma_wait3A_136] : memref<10000x128xf32, #tpu.memory_space<hbm>> -> memref<10000x128xf32, #tpu.memory_space<hbm>>
      tpu.wait_indirect_dma semaphore(%arg22 : memref<!tpu.dma_semaphore, #tpu.memory_space<semaphore_mem>>) src(%dma_wait3A_137 : memref<10000x128xf32, #tpu.memory_space<hbm>>) dst(%arg12 : memref<40x128xf32, #tpu.memory_space<vmem>>)
      %dma_wait3A_138 = arith.constant 0 : i32
      %dma_wait3A_139 = arith.constant 0 : i32
      %dma_wait3A_140 = tpu.memref_slice %arg6[%dma_wait3A_138, %dma_wait3A_139] : memref<25x40xi32, #tpu.memory_space<vmem>> -> memref<1x40xi32, #tpu.memory_space<vmem>>
      %dma_wait3A_141 = tpu.memref_squeeze %dma_wait3A_140 : memref<1x40xi32, #tpu.memory_space<vmem>> -> memref<40xi32, #tpu.memory_space<vmem>>
      %dma_wait3A_142 = arith.constant 0 : i32
      %dma_wait3A_143 = arith.constant 0 : i32
      %dma_wait3A_144 = tpu.memref_slice %arg2[%dma_wait3A_142, %dma_wait3A_143] : memref<10000x128xf32, #tpu.memory_space<hbm>> -> memref<10000x128xf32, #tpu.memory_space<hbm>>
      tpu.wait_indirect_dma semaphore(%arg19 : memref<!tpu.dma_semaphore, #tpu.memory_space<semaphore_mem>>) src(%dma_wait3A_144 : memref<10000x128xf32, #tpu.memory_space<hbm>>) dst(%arg14 : memref<40x128xf32, #tpu.memory_space<vmem>>)
      %dma_start3A_145 = arith.constant 24 : i32
      %dma_start3A_146 = arith.constant 0 : i32
      %dma_start3A_147 = tpu.memref_slice %arg7[%dma_start3A_145, %dma_start3A_146] : memref<25x40xi32, #tpu.memory_space<vmem>> -> memref<1x40xi32, #tpu.memory_space<vmem>>
      %dma_start3A_148 = tpu.memref_squeeze %dma_start3A_147 : memref<1x40xi32, #tpu.memory_space<vmem>> -> memref<40xi32, #tpu.memory_space<vmem>>
      %dma_start3A_149 = arith.constant 0 : i32
      %dma_start3A_150 = arith.constant 0 : i32
      %dma_start3A_151 = tpu.memref_slice %arg9[%dma_start3A_149, %dma_start3A_150] : memref<10000x128xf32, #tpu.memory_space<vmem_shared>> -> memref<10000x128xf32, #tpu.memory_space<vmem_shared>>
      tpu.enqueue_indirect_dma source(%arg14 : memref<40x128xf32, #tpu.memory_space<vmem>>) target(%dma_start3A_151 : memref<10000x128xf32, #tpu.memory_space<vmem_shared>>) offsets(%dma_start3A_148 : memref<40xi32, #tpu.memory_space<vmem>>) semaphore(%arg24 : memref<!tpu.dma_semaphore, #tpu.memory_space<semaphore_mem>>) {add = true}
      %dma_wait3A_152 = arith.constant 0 : i32
      %dma_wait3A_153 = arith.constant 0 : i32
      %dma_wait3A_154 = tpu.memref_slice %arg6[%dma_wait3A_152, %dma_wait3A_153] : memref<25x40xi32, #tpu.memory_space<vmem>> -> memref<1x40xi32, #tpu.memory_space<vmem>>
      %dma_wait3A_155 = tpu.memref_squeeze %dma_wait3A_154 : memref<1x40xi32, #tpu.memory_space<vmem>> -> memref<40xi32, #tpu.memory_space<vmem>>
      %dma_wait3A_156 = arith.constant 0 : i32
      %dma_wait3A_157 = arith.constant 0 : i32
      %dma_wait3A_158 = tpu.memref_slice %arg2[%dma_wait3A_156, %dma_wait3A_157] : memref<10000x128xf32, #tpu.memory_space<hbm>> -> memref<10000x128xf32, #tpu.memory_space<hbm>>
      tpu.wait_indirect_dma semaphore(%arg23 : memref<!tpu.dma_semaphore, #tpu.memory_space<semaphore_mem>>) src(%dma_wait3A_158 : memref<10000x128xf32, #tpu.memory_space<hbm>>) dst(%arg13 : memref<40x128xf32, #tpu.memory_space<vmem>>)
      %dma_wait3A_159 = arith.constant 0 : i32
      %dma_wait3A_160 = arith.constant 0 : i32
      %dma_wait3A_161 = tpu.memref_slice %arg6[%dma_wait3A_159, %dma_wait3A_160] : memref<25x40xi32, #tpu.memory_space<vmem>> -> memref<1x40xi32, #tpu.memory_space<vmem>>
      %dma_wait3A_162 = tpu.memref_squeeze %dma_wait3A_161 : memref<1x40xi32, #tpu.memory_space<vmem>> -> memref<40xi32, #tpu.memory_space<vmem>>
      %dma_wait3A_163 = arith.constant 0 : i32
      %dma_wait3A_164 = arith.constant 0 : i32
      %dma_wait3A_165 = tpu.memref_slice %arg2[%dma_wait3A_163, %dma_wait3A_164] : memref<10000x128xf32, #tpu.memory_space<hbm>> -> memref<10000x128xf32, #tpu.memory_space<hbm>>
      tpu.wait_indirect_dma semaphore(%arg24 : memref<!tpu.dma_semaphore, #tpu.memory_space<semaphore_mem>>) src(%dma_wait3A_165 : memref<10000x128xf32, #tpu.memory_space<hbm>>) dst(%arg14 : memref<40x128xf32, #tpu.memory_space<vmem>>)
    }
    %scan3A_16 = arith.constant 10 : i32
    %barrier3A_17 = arith.constant 0 : index
    tpu.barrier barrier_id(%barrier3A_17)
    "tpu.region"() ({
      %run_scoped3A = tpu.sem_alloc : memref<!tpu.dma_semaphore, #tpu.memory_space<semaphore_mem>>
      %dma_start3A = arith.constant 0 : i32
      %dma_start3A_18 = tpu.memref_slice %arg5[%arg0, %mul3A_6, %dma_start3A] : memref<2x10000x128xf32, #tpu.memory_space<hbm>> -> memref<1x625x128xf32, #tpu.memory_space<hbm>>
      %dma_start3A_19 = tpu.memref_squeeze %dma_start3A_18 : memref<1x625x128xf32, #tpu.memory_space<hbm>> -> memref<625x128xf32, #tpu.memory_space<hbm>>
      %dma_start3A_20 = arith.constant 0 : i32
      %dma_start3A_21 = tpu.memref_slice %arg9[%mul3A_6, %dma_start3A_20] : memref<10000x128xf32, #tpu.memory_space<vmem_shared>> -> memref<625x128xf32, #tpu.memory_space<vmem_shared>>
      tpu.enqueue_dma source(%dma_start3A_21 : memref<625x128xf32, #tpu.memory_space<vmem_shared>>) target(%dma_start3A_19 : memref<625x128xf32, #tpu.memory_space<hbm>>) target_semaphore(%run_scoped3A : memref<!tpu.dma_semaphore, #tpu.memory_space<semaphore_mem>>)
      %dma_wait3A = arith.constant 0 : i32
      %dma_wait3A_22 = tpu.memref_slice %arg5[%arg0, %mul3A_6, %dma_wait3A] : memref<2x10000x128xf32, #tpu.memory_space<hbm>> -> memref<1x625x128xf32, #tpu.memory_space<hbm>>
      %dma_wait3A_23 = tpu.memref_squeeze %dma_wait3A_22 : memref<1x625x128xf32, #tpu.memory_space<hbm>> -> memref<625x128xf32, #tpu.memory_space<hbm>>
      %dma_wait3A_24 = arith.constant 0 : i32
      %dma_wait3A_25 = tpu.memref_slice %arg9[%mul3A_6, %dma_wait3A_24] : memref<10000x128xf32, #tpu.memory_space<vmem_shared>> -> memref<625x128xf32, #tpu.memory_space<vmem_shared>>
      tpu.wait_dma2 semaphore(%run_scoped3A : memref<!tpu.dma_semaphore, #tpu.memory_space<semaphore_mem>>) src(%dma_wait3A_25 : memref<625x128xf32, #tpu.memory_space<vmem_shared>>) dst(%dma_wait3A_23 : memref<625x128xf32, #tpu.memory_space<hbm>>)
      tpu.yield
    }) : () -> ()
    return
  }
}

module attributes {stable_mosaic.version = 14 : i64} {
  func.func @_k2_body(%arg0: i32, %arg1: memref<2x2x1000x1xf32, #tpu.memory_space<vmem>>, %arg2: memref<1000x128xf32, #tpu.memory_space<vmem>>, %arg3: memref<1000x128xf32, #tpu.memory_space<vmem>>, %arg4: memref<2x1000x1xf32, #tpu.memory_space<vmem>>) attributes {dimension_semantics = [#tpu.dimension_semantics<arbitrary>], iteration_bounds = array<i64: 10>, scalar_prefetch = 0 : i64, scratch_operands = 0 : i64, tpu.core_type = #tpu.core_type<tc>, window_params = [{transform_indices = @transform_0, window_bounds = array<i64: 2, 2, 1000, 1>}, {transform_indices = @transform_1, window_bounds = array<i64: 1000, 128>}, {transform_indices = @transform_2, window_bounds = array<i64: 1000, 128>}, {transform_indices = @transform_3, window_bounds = array<i64: 2, 1000, 1>}]} {
    %get3A = arith.constant 0 : index
    %get3A_0 = arith.constant 0 : index
    %get3A_1 = arith.constant 0 : index
    %get3A_2 = arith.constant 0 : index
    %get3A_3 = vector.load %arg1[%get3A, %get3A_0, %get3A_1, %get3A_2] : memref<2x2x1000x1xf32, #tpu.memory_space<vmem>>, vector<1x1x1000x1xf32>
    %get3A_4 = vector.shape_cast %get3A_3 : vector<1x1x1000x1xf32> to vector<1000x1xf32>
    %get3A_5 = arith.constant 1 : index
    %get3A_6 = arith.constant 0 : index
    %get3A_7 = arith.constant 0 : index
    %get3A_8 = arith.constant 0 : index
    %get3A_9 = vector.load %arg1[%get3A_5, %get3A_6, %get3A_7, %get3A_8] : memref<2x2x1000x1xf32, #tpu.memory_space<vmem>>, vector<1x1x1000x1xf32>
    %get3A_10 = vector.shape_cast %get3A_9 : vector<1x1x1000x1xf32> to vector<1000x1xf32>
    %add3A = arith.addf %get3A_4, %get3A_10 : vector<1000x1xf32>
    %get3A_11 = arith.constant 0 : index
    %get3A_12 = arith.constant 1 : index
    %get3A_13 = arith.constant 0 : index
    %get3A_14 = arith.constant 0 : index
    %get3A_15 = vector.load %arg1[%get3A_11, %get3A_12, %get3A_13, %get3A_14] : memref<2x2x1000x1xf32, #tpu.memory_space<vmem>>, vector<1x1x1000x1xf32>
    %get3A_16 = vector.shape_cast %get3A_15 : vector<1x1x1000x1xf32> to vector<1000x1xf32>
    %get3A_17 = arith.constant 1 : index
    %get3A_18 = arith.constant 1 : index
    %get3A_19 = arith.constant 0 : index
    %get3A_20 = arith.constant 0 : index
    %get3A_21 = vector.load %arg1[%get3A_17, %get3A_18, %get3A_19, %get3A_20] : memref<2x2x1000x1xf32, #tpu.memory_space<vmem>>, vector<1x1x1000x1xf32>
    %get3A_22 = vector.shape_cast %get3A_21 : vector<1x1x1000x1xf32> to vector<1000x1xf32>
    %add3A_23 = arith.addf %get3A_16, %get3A_22 : vector<1000x1xf32>
    %max3A = arith.constant 1.000000e+00 : f32
    %max3A_24 = vector.broadcast %max3A : f32 to vector<1000x1xf32>
    %max3A_25 = arith.maximumf %add3A, %max3A_24 : vector<1000x1xf32>
    %rsqrt3A = math.rsqrt %max3A_25 : vector<1000x1xf32>
    %max3A_26 = arith.constant 1.000000e+00 : f32
    %max3A_27 = vector.broadcast %max3A_26 : f32 to vector<1000x1xf32>
    %max3A_28 = arith.maximumf %add3A_23, %max3A_27 : vector<1000x1xf32>
    %rsqrt3A_29 = math.rsqrt %max3A_28 : vector<1000x1xf32>
    %swap3A = arith.constant 0 : index
    %swap3A_30 = arith.constant 0 : index
    %swap3A_31 = arith.constant 0 : index
    %swap3A_32 = vector.load %arg4[%swap3A, %swap3A_30, %swap3A_31] : memref<2x1000x1xf32, #tpu.memory_space<vmem>>, vector<1x1000x1xf32>
    %swap3A_33 = vector.shape_cast %swap3A_32 : vector<1x1000x1xf32> to vector<1000x1xf32>
    %swap3A_34 = vector.shape_cast %rsqrt3A : vector<1000x1xf32> to vector<1x1000x1xf32>
    tpu.vector_store %arg4[%swap3A, %swap3A_30, %swap3A_31], %swap3A_34 {strides = array<i32>} : memref<2x1000x1xf32, #tpu.memory_space<vmem>>, vector<1x1000x1xf32>,
    %swap3A_35 = arith.constant 1 : index
    %swap3A_36 = arith.constant 0 : index
    %swap3A_37 = arith.constant 0 : index
    %swap3A_38 = vector.load %arg4[%swap3A_35, %swap3A_36, %swap3A_37] : memref<2x1000x1xf32, #tpu.memory_space<vmem>>, vector<1x1000x1xf32>
    %swap3A_39 = vector.shape_cast %swap3A_38 : vector<1x1000x1xf32> to vector<1000x1xf32>
    %swap3A_40 = vector.shape_cast %rsqrt3A_29 : vector<1000x1xf32> to vector<1x1000x1xf32>
    tpu.vector_store %arg4[%swap3A_35, %swap3A_36, %swap3A_37], %swap3A_40 {strides = array<i32>} : memref<2x1000x1xf32, #tpu.memory_space<vmem>>, vector<1x1000x1xf32>,
    %get3A_41 = arith.constant 0 : index
    %get3A_42 = arith.constant 0 : index
    %get3A_43 = vector.load %arg2[%get3A_41, %get3A_42] : memref<1000x128xf32, #tpu.memory_space<vmem>>, vector<1000x128xf32>
    %mul3A = vector.broadcast %rsqrt3A : vector<1000x1xf32> to vector<1000x128xf32>
    %mul3A_44 = arith.mulf %get3A_43, %mul3A : vector<1000x128xf32>
    %swap3A_45 = arith.constant 0 : index
    %swap3A_46 = arith.constant 0 : index
    %swap3A_47 = vector.load %arg3[%swap3A_45, %swap3A_46] : memref<1000x128xf32, #tpu.memory_space<vmem>>, vector<1000x128xf32>
    tpu.vector_store %arg3[%swap3A_45, %swap3A_46], %mul3A_44 {strides = array<i32>} : memref<1000x128xf32, #tpu.memory_space<vmem>>, vector<1000x128xf32>,
    return
  }
  func.func @transform_0(%arg0: i32) -> (i32, i32, i32, i32) {
    %c0_i32 = arith.constant 0 : i32
    %c0_i32_0 = arith.constant 0 : i32
    %c0_i32_1 = arith.constant 0 : i32
    %c0_i32_2 = arith.constant 0 : i32
    return %c0_i32, %c0_i32_0, %arg0, %c0_i32_1 : i32, i32, i32, i32
  }
  func.func @transform_1(%arg0: i32) -> (i32, i32) {
    %c0_i32 = arith.constant 0 : i32
    %c0_i32_0 = arith.constant 0 : i32
    return %arg0, %c0_i32 : i32, i32
  }
  func.func @transform_2(%arg0: i32) -> (i32, i32) {
    %c0_i32 = arith.constant 0 : i32
    %c0_i32_0 = arith.constant 0 : i32
    return %arg0, %c0_i32 : i32, i32
  }
  func.func @transform_3(%arg0: i32) -> (i32, i32, i32) {
    %c0_i32 = arith.constant 0 : i32
    %c0_i32_0 = arith.constant 0 : i32
    %c0_i32_1 = arith.constant 0 : i32
    return %c0_i32, %arg0, %c0_i32_0 : i32, i32, i32
  }
}

module attributes {stable_mosaic.version = 14 : i64} {
  func.func @_k4_body(%arg0: i32, %arg1: memref<2x1000x128xf32, #tpu.memory_space<vmem>>, %arg2: memref<2x1000x1xf32, #tpu.memory_space<vmem>>, %arg3: memref<128x128xf32, #tpu.memory_space<vmem>>, %arg4: memref<1x128xf32, #tpu.memory_space<vmem>>, %arg5: memref<128x1xf32, #tpu.memory_space<vmem>>, %arg6: memref<1000x1xf32, #tpu.memory_space<vmem>>) attributes {dimension_semantics = [#tpu.dimension_semantics<arbitrary>], iteration_bounds = array<i64: 10>, scalar_prefetch = 0 : i64, scratch_operands = 0 : i64, tpu.core_type = #tpu.core_type<tc>, window_params = [{transform_indices = @transform_0, window_bounds = array<i64: 2, 1000, 128>}, {transform_indices = @transform_1, window_bounds = array<i64: 2, 1000, 1>}, {pipeline_mode = #tpu.pipeline_mode<synchronous>, transform_indices = @transform_2, window_bounds = array<i64: 128, 128>}, {pipeline_mode = #tpu.pipeline_mode<synchronous>, transform_indices = @transform_3, window_bounds = array<i64: 1, 128>}, {pipeline_mode = #tpu.pipeline_mode<synchronous>, transform_indices = @transform_4, window_bounds = array<i64: 128, 1>}, {transform_indices = @transform_5, window_bounds = array<i64: 1000, 1>}]} {
    %get3A = arith.constant 0 : index
    %get3A_0 = arith.constant 0 : index
    %get3A_1 = arith.constant 0 : index
    %get3A_2 = vector.load %arg1[%get3A, %get3A_0, %get3A_1] : memref<2x1000x128xf32, #tpu.memory_space<vmem>>, vector<1x1000x128xf32>
    %get3A_3 = vector.shape_cast %get3A_2 : vector<1x1000x128xf32> to vector<1000x128xf32>
    %get3A_4 = arith.constant 1 : index
    %get3A_5 = arith.constant 0 : index
    %get3A_6 = arith.constant 0 : index
    %get3A_7 = vector.load %arg1[%get3A_4, %get3A_5, %get3A_6] : memref<2x1000x128xf32, #tpu.memory_space<vmem>>, vector<1x1000x128xf32>
    %get3A_8 = vector.shape_cast %get3A_7 : vector<1x1000x128xf32> to vector<1000x128xf32>
    %add3A = arith.addf %get3A_3, %get3A_8 : vector<1000x128xf32>
    %get3A_9 = arith.constant 1 : index
    %get3A_10 = arith.constant 0 : index
    %get3A_11 = arith.constant 0 : index
    %get3A_12 = vector.load %arg2[%get3A_9, %get3A_10, %get3A_11] : memref<2x1000x1xf32, #tpu.memory_space<vmem>>, vector<1x1000x1xf32>
    %get3A_13 = vector.shape_cast %get3A_12 : vector<1x1000x1xf32> to vector<1000x1xf32>
    %mul3A = vector.broadcast %get3A_13 : vector<1000x1xf32> to vector<1000x128xf32>
    %mul3A_14 = arith.mulf %add3A, %mul3A : vector<1000x128xf32>
    %get3A_15 = arith.constant 0 : index
    %get3A_16 = arith.constant 0 : index
    %get3A_17 = vector.load %arg3[%get3A_15, %get3A_16] : memref<128x128xf32, #tpu.memory_space<vmem>>, vector<128x128xf32>
    %dot_general3A = arith.constant dense<0.000000e+00> : vector<1000x128xf32>
    %dot_general3A_18 = tpu.matmul %mul3A_14, %get3A_17, %dot_general3A {dimension_numbers = #tpu.dot_dimension_numbers<[1], [0], [0], [1], [0, 0, 1, 1], [], []>, transpose_lhs_hint = false} : vector<1000x128xf32>, vector<128x128xf32>, vector<1000x128xf32> -> vector<1000x128xf32>
    %get3A_19 = arith.constant 0 : index
    %get3A_20 = arith.constant 0 : index
    %get3A_21 = vector.load %arg4[%get3A_19, %get3A_20] : memref<1x128xf32, #tpu.memory_space<vmem>>, vector<1x128xf32>
    %add3A_22 = vector.broadcast %get3A_21 : vector<1x128xf32> to vector<1000x128xf32>
    %add3A_23 = arith.addf %dot_general3A_18, %add3A_22 : vector<1000x128xf32>
    %max3A = arith.constant 0.000000e+00 : f32
    %max3A_24 = vector.broadcast %max3A : f32 to vector<1000x128xf32>
    %max3A_25 = arith.maximumf %add3A_23, %max3A_24 : vector<1000x128xf32>
    %get3A_26 = arith.constant 0 : index
    %get3A_27 = arith.constant 0 : index
    %get3A_28 = arith.constant 0 : index
    %get3A_29 = vector.load %arg2[%get3A_26, %get3A_27, %get3A_28] : memref<2x1000x1xf32, #tpu.memory_space<vmem>>, vector<1x1000x1xf32>
    %get3A_30 = vector.shape_cast %get3A_29 : vector<1x1000x1xf32> to vector<1000x1xf32>
    %mul3A_31 = vector.broadcast %get3A_30 : vector<1000x1xf32> to vector<1000x128xf32>
    %mul3A_32 = arith.mulf %max3A_25, %mul3A_31 : vector<1000x128xf32>
    %get3A_33 = arith.constant 0 : index
    %get3A_34 = arith.constant 0 : index
    %get3A_35 = vector.load %arg5[%get3A_33, %get3A_34] : memref<128x1xf32, #tpu.memory_space<vmem>>, vector<128x1xf32>
    %dot_general3A_36 = arith.constant dense<0.000000e+00> : vector<1000x1xf32>
    %dot_general3A_37 = tpu.matmul %mul3A_32, %get3A_35, %dot_general3A_36 {dimension_numbers = #tpu.dot_dimension_numbers<[1], [0], [0], [1], [0, 0, 1, 1], [], []>, transpose_lhs_hint = false} : vector<1000x128xf32>, vector<128x1xf32>, vector<1000x1xf32> -> vector<1000x1xf32>
    %swap3A = arith.constant 0 : index
    %swap3A_38 = arith.constant 0 : index
    %swap3A_39 = vector.load %arg6[%swap3A, %swap3A_38] : memref<1000x1xf32, #tpu.memory_space<vmem>>, vector<1000x1xf32>
    tpu.vector_store %arg6[%swap3A, %swap3A_38], %dot_general3A_37 {strides = array<i32>} : memref<1000x1xf32, #tpu.memory_space<vmem>>, vector<1000x1xf32>,
    return
  }
  func.func @transform_0(%arg0: i32) -> (i32, i32, i32) {
    %c0_i32 = arith.constant 0 : i32
    %c0_i32_0 = arith.constant 0 : i32
    %c0_i32_1 = arith.constant 0 : i32
    return %c0_i32, %arg0, %c0_i32_0 : i32, i32, i32
  }
  func.func @transform_1(%arg0: i32) -> (i32, i32, i32) {
    %c0_i32 = arith.constant 0 : i32
    %c0_i32_0 = arith.constant 0 : i32
    %c0_i32_1 = arith.constant 0 : i32
    return %c0_i32, %arg0, %c0_i32_0 : i32, i32, i32
  }
  func.func @transform_2(%arg0: i32) -> (i32, i32) {
    %c0_i32 = arith.constant 0 : i32
    %c0_i32_0 = arith.constant 0 : i32
    %c0_i32_1 = arith.constant 0 : i32
    return %c0_i32, %c0_i32_0 : i32, i32
  }
  func.func @transform_3(%arg0: i32) -> (i32, i32) {
    %c0_i32 = arith.constant 0 : i32
    %c0_i32_0 = arith.constant 0 : i32
    %c0_i32_1 = arith.constant 0 : i32
    return %c0_i32, %c0_i32_0 : i32, i32
  }
  func.func @transform_4(%arg0: i32) -> (i32, i32) {
    %c0_i32 = arith.constant 0 : i32
    %c0_i32_0 = arith.constant 0 : i32
    %c0_i32_1 = arith.constant 0 : i32
    return %c0_i32, %c0_i32_0 : i32, i32
  }
  func.func @transform_5(%arg0: i32) -> (i32, i32) {
    %c0_i32 = arith.constant 0 : i32
    %c0_i32_0 = arith.constant 0 : i32
    return %arg0, %c0_i32 : i32, i32
  }
}

module attributes {stable_mosaic.version = 14 : i64} {
  func.func @_k6_body(%arg0: i32, %arg1: memref<2x1000x1xf32, #tpu.memory_space<vmem>>, %arg2: memref<2x1000x1xf32, #tpu.memory_space<vmem>>, %arg3: memref<1x1xf32, #tpu.memory_space<vmem>>, %arg4: memref<1000x1xf32, #tpu.memory_space<vmem>>) attributes {dimension_semantics = [#tpu.dimension_semantics<arbitrary>], iteration_bounds = array<i64: 10>, scalar_prefetch = 0 : i64, scratch_operands = 0 : i64, tpu.core_type = #tpu.core_type<tc>, window_params = [{transform_indices = @transform_0, window_bounds = array<i64: 2, 1000, 1>}, {transform_indices = @transform_1, window_bounds = array<i64: 2, 1000, 1>}, {pipeline_mode = #tpu.pipeline_mode<synchronous>, transform_indices = @transform_2, window_bounds = array<i64: 1, 1>}, {transform_indices = @transform_3, window_bounds = array<i64: 1000, 1>}]} {
    %get3A = arith.constant 0 : index
    %get3A_0 = arith.constant 0 : index
    %get3A_1 = arith.constant 0 : index
    %get3A_2 = vector.load %arg1[%get3A, %get3A_0, %get3A_1] : memref<2x1000x1xf32, #tpu.memory_space<vmem>>, vector<1x1000x1xf32>
    %get3A_3 = vector.shape_cast %get3A_2 : vector<1x1000x1xf32> to vector<1000x1xf32>
    %get3A_4 = arith.constant 1 : index
    %get3A_5 = arith.constant 0 : index
    %get3A_6 = arith.constant 0 : index
    %get3A_7 = vector.load %arg1[%get3A_4, %get3A_5, %get3A_6] : memref<2x1000x1xf32, #tpu.memory_space<vmem>>, vector<1x1000x1xf32>
    %get3A_8 = vector.shape_cast %get3A_7 : vector<1x1000x1xf32> to vector<1000x1xf32>
    %add3A = arith.addf %get3A_3, %get3A_8 : vector<1000x1xf32>
    %get3A_9 = arith.constant 1 : index
    %get3A_10 = arith.constant 0 : index
    %get3A_11 = arith.constant 0 : index
    %get3A_12 = vector.load %arg2[%get3A_9, %get3A_10, %get3A_11] : memref<2x1000x1xf32, #tpu.memory_space<vmem>>, vector<1x1000x1xf32>
    %get3A_13 = vector.shape_cast %get3A_12 : vector<1x1000x1xf32> to vector<1000x1xf32>
    %mul3A = arith.mulf %add3A, %get3A_13 : vector<1000x1xf32>
    %get3A_14 = arith.constant 0 : index
    %get3A_15 = arith.constant 0 : index
    %get3A_16 = vector.load %arg3[%get3A_14, %get3A_15] : memref<1x1xf32, #tpu.memory_space<vmem>>, vector<1x1xf32>
    %get3A_17 = vector.extract %get3A_16[0, 0] : f32 from vector<1x1xf32>
    %add3A_18 = vector.broadcast %get3A_17 : f32 to vector<1000x1xf32>
    %add3A_19 = arith.addf %mul3A, %add3A_18 : vector<1000x1xf32>
    %logistic3A = arith.negf %add3A_19 : vector<1000x1xf32>
    %logistic3A_20 = math.exp %logistic3A : vector<1000x1xf32>
    %logistic3A_21 = arith.constant 1.000000e+00 : f32
    %logistic3A_22 = vector.broadcast %logistic3A_21 : f32 to vector<1000x1xf32>
    %logistic3A_23 = arith.addf %logistic3A_22, %logistic3A_20 : vector<1000x1xf32>
    %logistic3A_24 = arith.divf %logistic3A_22, %logistic3A_23 : vector<1000x1xf32>
    %swap3A = arith.constant 0 : index
    %swap3A_25 = arith.constant 0 : index
    %swap3A_26 = vector.load %arg4[%swap3A, %swap3A_25] : memref<1000x1xf32, #tpu.memory_space<vmem>>, vector<1000x1xf32>
    tpu.vector_store %arg4[%swap3A, %swap3A_25], %logistic3A_24 {strides = array<i32>} : memref<1000x1xf32, #tpu.memory_space<vmem>>, vector<1000x1xf32>,
    return
  }
  func.func @transform_0(%arg0: i32) -> (i32, i32, i32) {
    %c0_i32 = arith.constant 0 : i32
    %c0_i32_0 = arith.constant 0 : i32
    %c0_i32_1 = arith.constant 0 : i32
    return %c0_i32, %arg0, %c0_i32_0 : i32, i32, i32
  }
  func.func @transform_1(%arg0: i32) -> (i32, i32, i32) {
    %c0_i32 = arith.constant 0 : i32
    %c0_i32_0 = arith.constant 0 : i32
    %c0_i32_1 = arith.constant 0 : i32
    return %c0_i32, %arg0, %c0_i32_0 : i32, i32, i32
  }
  func.func @transform_2(%arg0: i32) -> (i32, i32) {
    %c0_i32 = arith.constant 0 : i32
    %c0_i32_0 = arith.constant 0 : i32
    %c0_i32_1 = arith.constant 0 : i32
    return %c0_i32, %c0_i32_0 : i32, i32
  }
  func.func @transform_3(%arg0: i32) -> (i32, i32) {
    %c0_i32 = arith.constant 0 : i32
    %c0_i32_0 = arith.constant 0 : i32
    return %arg0, %c0_i32 : i32, i32
  }
}

</mosaic_0001>

<sc_bundles>
// kernel: kernel.11.cloned.1.call-start
scs
__scs_entry_jumppad:
0x0: {  	(pc) =	sbr.rel $0x88, $3  }
0x1: {  	(tag) =	ssettag $0x0;
	lr =	simm.s32 $0x1  }
0x2: {  	[smem:$0x3F9B] =	sst lr;
	_ =	strace $0xD0000000  }
0x3: {  	_ = 	snop  }
0x4: {  	_ = 	snop  }
0x5: {  	_ = 	snop  }
0x6: {  	_ = 	snop  }
0x7: {  	_ = 	snop  }
__scs_overlays_trampoline_lowered:
0x8: {  	[smem:$0x3FAA] =	sst s0  }
0x9: {  	[smem:$0x3FAB] =	sst s1  }
0xa: {  	[smem:$0x3FAC] =	sst s2  }
0xb: {  	[smem:$0x3FAD] =	sst s3  }
0xc: {  	[smem:$0x3FAE] =	sst s4  }
0xd: {  	[smem:$0x3FAF] =	sst s5  }
0xe: {  	[smem:$0x3FB0] =	sst s6  }
0xf: {  	[smem:$0x3FB1] =	sst s7  }
0x10: {  	[smem:$0x3FB2] =	sst s8  }
0x11: {  	[smem:$0x3FB3] =	sst s9;
	s0 =	simm.s32 @!p0 $0x0  }
0x12: {  	s1 =	sld [smem:$0x3F99];
	s0 =	simm.s32 @p0 $0x1  }
0x13: {  	[smem:$0x3FB4] =	sst s0;
	s0 =	simm.s32 @!p1 $0x0  }
0x14: {  	s2 =	sld [smem:$0x3F98];
	s0 =	simm.s32 @p1 $0x1  }
0x15: {  	[smem:$0x3FB5] =	sst s0;
	s0 =	simm.s32 @!p2 $0x0  }
0x16: {  	s3 =	sld [smem:$0x3FDB];
	s0 =	simm.s32 @p2 $0x1  }
0x17: {  	s4 =	simm.s32 $0x1BF5;
	[smem:$0x3FB7] =	sst s0  }
0x18: {  	s0 =	sld [smem:$0x3F9A];
	_ =	swait.ge [sflag:s4], $0x0  }
0x19: {  	s7 =	sld [smem:$0x3F9B]  }
0x1a: {  	s8 =	sadd.s32 $0xFFFFE003, lr  }
0x1b: {  	s9 =	sadd.s32 $0xFFFFFEF7, lr;
	s5 =	simm.s32 $0xFFFFFFFF;
	p2 =	slt.u32 s8, $0xFFFFF086  }
0x1c: {  	p1 =	slt.u32 s9, $0xF7A;
	s5 =	simm.s32 @!p2 $0x0  }
0x1d: {  	s5 =	simm.s32 @p1 $0x1;
	p0 =	seq.s32 s7, s2  }
0x1e: {  	s7 =	smul.u32 @!p0 $0xF7A, s2;
	p2 =	seq.s32 @!p0 s5, $0x0  }
0x1f: {  	s9 =	smul.u32 $0xF7A, s1;
	s8 =	simm.s32 @!p0 $0x1BF5;
	p2 =	por !p2, p0  }
0x20: {  	[sflag:s8] =	ssyncset.s32 @!p0 $0xFFFFF086;
	s6 =	sadd.s32 @!p0 s3, s7;
	s7 =	simm.s32 @!p0 $0x108  }
0x21: {  	s3 =	sadd.s32 s3, s9;
	s6 =	sadd.s32 @!p0 $0x88, s6;
	s7 =	simm.s32 @p2 $0x1082  }
0x22: {  	[simem:s7], [sflag:s8] =	dma.local @!p0 [hbm:s6], $0xF7A  }
0x23: {  	s9 =	sor.u32 $0xD0000000, s2;
	s6 =	simm.s32 $0x108;
	_ =	swait.ge @!p0 [sflag:s8], $0x0  }
0x24: {  	s3 =	sadd.s32 $0x88, s3;
	s6 =	simm.s32 @!p1 $0x1082;
	[sflag:s4] =	ssyncset.s32 $0xFFFFF086  }
0x25: {  	[simem:s6], [sflag:s4] =	dma.local [hbm:s3], $0xF7A  }
0x26: {  	[smem:$0x3F9B] =	sst s1;
	(tag) =	ssettag s2;
	_ =	strace s9  }
0x27: {  	s1 =	sld [smem:$0x3FAB]  }
0x28: {  	s2 =	sld [smem:$0x3FAC]  }
0x29: {  	s4 =	sld [smem:$0x3FAE]  }
0x2a: {  	p0 =	seq.s32 s5, $0x0;
	s5 =	sld [smem:$0x3FAF]  }
0x2b: {  	s6 =	sld [smem:$0x3FB0]  }
0x2c: {  	s7 =	sld [smem:$0x3FB1]  }
0x2d: {  	s3 =	simm.s32 $0x108;
	s8 =	sld [smem:$0x3FB2]  }
0x2e: {  	s3 =	simm.s32 @!p0 $0x1082;
	s9 =	sld [smem:$0x3FB3]  }
0x2f: {  	lr =	sadd.s32 s0, s3;
	s0 =	sld [smem:$0x3FAA]  }
0x30: {  	s3 =	sld [smem:$0x3FAD]  }
0x31: {  	[smem:$0x3FB6] =	sst s10  }
0x32: {  	s10 =	sld [smem:$0x3FB4];
	_ =	sdelay $0x3  }
0x33: {  	p0 =	seq.s32 s10, $0x1;
	s10 =	sld [smem:$0x3FB6];
	_ =	sdelay $0x3  }
0x34: {  	[smem:$0x3FB6] =	sst s10  }
0x35: {  	s10 =	sld [smem:$0x3FB5];
	_ =	sdelay $0x3  }
0x36: {  	p1 =	seq.s32 s10, $0x1;
	s10 =	sld [smem:$0x3FB6];
	_ =	sdelay $0x3  }
0x37: {  	[smem:$0x3FB6] =	sst s10  }
0x38: {  	s10 =	sld [smem:$0x3FB7]  }
0x39: {  	_ = 	snop;
	(pc) =	sbr.ind lr, $3  }
0x3a: {  	_ = 	snop  }
0x3b: {  	_ = 	snop  }
0x3c: {  	p2 =	seq.s32 s10, $0x1;
	s10 =	sld [smem:$0x3FB6]  }
0x3d: {  	_ =	shalt  }
0x3e: {  	_ =	shalt  }
0x3f: {  	_ =	shalt  }
0x40: {  	_ =	shalt  }
0x41: {  	_ =	shalt  }
0x42: {  	_ =	shalt  }
0x43: {  	_ =	shalt  }
0x44: {  	_ =	shalt  }
0x45: {  	_ =	shalt  }
0x46: {  	_ =	shalt  }
0x47: {  	_ =	shalt  }
0x48: {  	_ =	shalt  }
0x49: {  	_ =	shalt  }
0x4a: {  	_ =	shalt  }
0x4b: {  	_ =	shalt  }
0x4c: {  	_ =	shalt  }
0x4d: {  	_ =	shalt  }
0x4e: {  	_ =	shalt  }
0x4f: {  	_ =	shalt  }
0x50: {  	_ =	shalt  }
0x51: {  	_ =	shalt  }
0x52: {  	_ =	shalt  }
0x53: {  	_ =	shalt  }
0x54: {  	_ =	shalt  }
0x55: {  	_ =	shalt  }
0x56: {  	_ =	shalt  }
0x57: {  	_ =	shalt  }
0x58: {  	_ =	shalt  }
0x59: {  	_ =	shalt  }
0x5a: {  	_ =	shalt  }
0x5b: {  	_ =	shalt  }
0x5c: {  	_ =	shalt  }
0x5d: {  	_ =	shalt  }
0x5e: {  	_ =	shalt  }
0x5f: {  	_ =	shalt  }
0x60: {  	_ =	shalt  }
0x61: {  	_ =	shalt  }
0x62: {  	_ =	shalt  }
0x63: {  	_ =	shalt  }
0x64: {  	_ =	shalt  }
0x65: {  	_ =	shalt  }
0x66: {  	_ =	shalt  }
0x67: {  	_ =	shalt  }
0x68: {  	_ =	shalt  }
0x69: {  	_ =	shalt  }
0x6a: {  	_ =	shalt  }
0x6b: {  	_ =	shalt  }
0x6c: {  	_ =	shalt  }
0x6d: {  	_ =	shalt  }
0x6e: {  	_ =	shalt  }
0x6f: {  	_ =	shalt  }
0x70: {  	_ =	shalt  }
0x71: {  	_ =	shalt  }
0x72: {  	_ =	shalt  }
0x73: {  	_ =	shalt  }
0x74: {  	_ =	shalt  }
0x75: {  	_ =	shalt  }
0x76: {  	_ =	shalt  }
0x77: {  	_ =	shalt  }
0x78: {  	_ =	shalt  }
0x79: {  	_ =	shalt  }
0x7a: {  	_ =	shalt  }
0x7b: {  	_ =	shalt  }
0x7c: {  	_ =	shalt  }
0x7d: {  	_ =	shalt  }
0x7e: {  	_ =	shalt  }
0x7f: {  	_ =	shalt  }
0x80: {  	_ =	shalt  }
0x81: {  	_ =	shalt  }
0x82: {  	_ =	shalt  }
0x83: {  	_ =	shalt  }
0x84: {  	_ =	shalt  }
0x85: {  	_ =	shalt  }
0x86: {  	_ =	shalt  }
0x87: {  	_ =	shalt  }
.Lfunc_end0:
.L_simem_size_0:
called_computation.1_lowered:
.L_overlay_start_0:
0x88: {  	s2 =	sld [smem:$0x3FD9]  }
0x89: {  	s3 =	sld [smem:$0x3FFE];
	_ =	sdelay $0x1  }
0x8a: {  	s1 =	srdreg.scid  }
0x8b: {  	s0 =	sand.u32 $0x1, s1  }
0x8c: {  	s16 =	sshll.u32 s0, $0xA;
	s2 =	sadd.s32 s3, s2  }
0x8d: {  	s2 =	sadd.s32 s2, s16  }
0x8e: {  	[smem:$0x3FC2] =	sst s2  }
0x8f: {  	_ = 	snop  }
0x90: {  	(tm) =	ssettm $0x1  }
0x91: {  	s17 =	sld [smem:$0x3FFB];
	_ =	sdelay $0x3  }
0x92: {  	_ =	strace s17  }
0x93: {  	s2 =	sld [smem:$0x3FFC];
	_ =	sdelay $0x3  }
0x94: {  	_ =	strace s2  }
0x95: {  	s2 =	sld [smem:$0x3FFD];
	_ =	sdelay $0x3  }
0x96: {  	_ =	strace s2  }
0x97: {  	_ =	strace $0x8FFFFFFF  }
0x98: {  	s18 =	sld [smem:$0x3FDB];
	_ =	sdelay $0x1  }
0x99: {  	s19 =	simm.s32 $_scs_section_size  }
0x9a: {  	s4 =	simm.s32 $_size__tile_overlayer_lowered;
	s5 =	simm.s32 $_tile_overlayer_lowered  }
0x9b: {  	s22 =	simm.s32 $0x1BFF;
	s21 =	sshll.u32 s5, $0x1;
	s2 =	sadd.s32 s19, s18  }
0x9c: {  	s6 =	simm.s32 $0x0;
	s20 =	sshll.u32 s4, $0x1;
	s4 =	sadd.s32 s21, s2  }
0x9d: {  	[timem:s6], [sflag:s22] =	dma.local [hbm:s4], s20  }
0x9e: {  	_ =	swait.ge [sflag:s22], s20  }
0x9f: {  	s3 =	ssub.s32 $0x0, s20;
	[sflag:s22] =	ssyncset.done $0x0  }
0xa0: {  	[sflag:s22] =	ssyncadd.s32 s3;
	_ =	sdelay $0x1  }
0xa1: {  	s23 =	simm.s32 $0x1B8B  }
0xa2: {  	_ =	swait.ge [sflag:s23], $0x1  }
0xa3: {  	[sflag:s23] =	ssyncset.done $0x0  }
0xa4: {  	s25 =	simm.s32 $0x1B8E;
	s24 =	sld [smem:$0x3FFE];
	[sflag:s23] =	ssyncadd.s32 $0xFFFFFFFF  }
0xa5: {  	s26 =	simm.s32 $execute0_lowered;
	[smem:$0x3FD2] =	sst s25  }
0xa6: {  	s4 =	sshll.u32 s26, $0x1;
	_ =	strace $0x80000049;
	[dreg:$0x1] =	wrdreg $0xFFFFFFFF  }
0xa7: {  	s28 =	simm.s32 $_size_execute0_lowered;
	s2 =	sadd.s32 s2, s4;
	[dreg:$0x0] =	wrdreg $0x0  }
0xa8: {  	s4 =	sshll.u32 s28, $0x1;
	[dreg:$0x2] =	wrdreg s2  }
0xa9: {  	[dreg:$0x3] =	wrdreg s4  }
0xaa: {  	[dreg:$0x4] =	wrdreg $0xC0  }
0xab: {  	_ =	task [dreg:s6], $0x5FFFF  }
0xac: {  	[dreg:$0x1] =	wrdreg $0xFFFFFFFF  }
0xad: {  	[dreg:$0x0] =	wrdreg $0x60  }
0xae: {  	[dreg:$0x2] =	wrdreg s24  }
0xaf: {  	[dreg:$0x3] =	wrdreg $0xA500  }
0xb0: {  	[dreg:$0x4] =	wrdreg $0x9  }
0xb1: {  	_ =	task.clear_ibuf [dreg:s6], $0x5FFFF;
	_ =	strace $0x90000049  }
0xb2: {  	s29 =	simm.s32 $0x9;
	_ =	strace $0x8000004B  }
0xb3: {  	_ =	swait.ge [sflag:s29], $0x1  }
0xb4: {  	[sflag:s29] =	ssyncadd.s32 $0xFFFFFFFF  }
0xb5: {  	_ =	strace $0x9000004B  }
0xb6: {  	_ =	sfence  }
0xb7: {  	s30 =	sld [smem:$0x0];
	_ =	sdelay $0x2  }
0xb8: {  	s31 =	sshll.u32 s1, $0xD;
	s1 =	sshrl.u32 s1, $0x2  }
0xb9: {  	s3 =	sand.u32 $0x4000, s31;
	s1 =	sadd.s32 s1, s30  }
0xba: {  	s0 =	sor.u32 s3, s0;
	s1 =	sshll.u32 s1, $0x11  }
0xbb: {  	s0 =	sor.u32 s1, s0  }
0xbc: {  	s0 =	sadd.s32 $0x8F2B, s0  }
0xbd: {  	[sflag:s0] =	ssyncadd.remote.s32 $0x1  }
0xbe: {  	_ =	sfence.sel $0xFFFF  }
0xbf: {  	[dreg:$0x0] =	wrdreg $0xFFFFFFFF;
	(pc) =	sbr.abs _section_cstart, $3  }
0xc0: {  	[dreg:$0x1] =	wrdreg $0xFFFFFFFF  }
0xc1: {  	_ =	task.clear_ibuf [dreg:s6], $0x2FFFF;
	_ =	strace $0x9FFFFFFF  }
0xc2: {  	(tm) =	ssettm $0x7FFFFFFF  }
0xc3: {  	_ =	shalt  }
tec
execute0_lowered:
.L_overlay_start_1:
0x0: {  	(tag) =	ssettag $0x1  }
0x1: {  	s0 =	srdreg.scid;
	s8 =	stileid.u32  }
0x2: {  	s0 =	sand.u32 $0x1, s0;
	s3 =	smul.u32 $0x2710, s8  }
0x3: {  	s1 =	smul.u32 $0x27100, s0  }
0x4: {  	s5 =	rddreg [dreg:$0x0]  }
0x5: {  	s2 =	rddreg [dreg:$0x1];
	s1 =	sadd.s32 s3, s1;
	s3 =	simm.s32 $0x0  }
0x6: {  	s23 =	simm.s32 $0x50;
	[smem:$0x7FF] =	sst s3  }
0x7: {  	s24 =	simm.s32 $0x78;
	_ =	strace $0x8000004A;
	[dreg:$0x5] =	wrdreg s23  }
0x8: {  	s25 =	simm.s32 $0xA0;
	[dreg:$0x6] =	wrdreg s24  }
0x9: {  	s26 =	simm.s32 $0x410;
	[dreg:$0x7] =	wrdreg s25  }
0xa: {  	s6 =	simm.s32 $0x438;
	[dreg:$0x8] =	wrdreg s26  }
0xb: {  	s7 =	simm.s32 $0xF0;
	[dreg:$0xa] =	wrdreg s6  }
0xc: {  	s9 =	simm.s32 $0x460;
	[dreg:$0xb] =	wrdreg s7  }
0xd: {  	s10 =	simm.s32 $0x118;
	[dreg:$0xc] =	wrdreg s9  }
0xe: {  	s11 =	simm.s32 $0x488;
	[dreg:$0xd] =	wrdreg s10  }
0xf: {  	s12 =	simm.s32 $0x140;
	[dreg:$0xe] =	wrdreg s11  }
0x10: {  	s13 =	simm.s32 $0x4B0;
	[dreg:$0xf] =	wrdreg s12  }
0x11: {  	s14 =	simm.s32 $0x168;
	[dreg:$0x10] =	wrdreg s13  }
0x12: {  	s15 =	simm.s32 $0x4D8;
	[dreg:$0x11] =	wrdreg s14  }
0x13: {  	s16 =	simm.s32 $0x190;
	s17 =	simm.s32 $0x500;
	[dreg:$0x12] =	wrdreg s15  }
0x14: {  	s18 =	simm.s32 $0x1B8;
	s20 =	simm.s32 $0x528;
	[dreg:$0x13] =	wrdreg s16  }
0x15: {  	s21 =	simm.s32 $0x1E0;
	s28 =	simm.s32 $0xA;
	[dreg:$0x14] =	wrdreg s17  }
0x16: {  	s29 =	simm.s32 $0x708;
	s30 =	simm.s32 $0x3C0;
	[dreg:$0x15] =	wrdreg s18  }
0x17: {  	s31 =	simm.s32 $0x730;
	s1 =	sshrl.u32 s1, $0x3;
	[dreg:$0x16] =	wrdreg s20  }
0x18: {  	s1 =	sadd.s32 s1, s5;
	[dreg:$0x17] =	wrdreg s21;
	s23 =	simm.s32 $0x550  }
0x19: {  	s6 =	smul.u32 $0x138800, s0;
	s24 =	simm.s32 $0x208;
	[dreg:$0x18] =	wrdreg s23  }
0x1a: {  	s7 =	smul.u32 $0x13880, s8;
	s26 =	simm.s32 $0x578;
	[dreg:$0x19] =	wrdreg s24  }
0x1b: {  	s25 =	smul.u32 $0x4E200, s8;
	s8 =	simm.s32 $0x5A0;
	[dreg:$0x1a] =	wrdreg s26  }
0x1c: {  	s0 =	ssub.s32 $0x2, s0;
	s9 =	simm.s32 $0x258;
	[dreg:$0x1c] =	wrdreg s8  }
0x1d: {  	s10 =	simm.s32 $0x5C8;
	s11 =	simm.s32 $0x280;
	[dreg:$0x1d] =	wrdreg s9  }
0x1e: {  	s12 =	simm.s32 $0x5F0;
	s13 =	simm.s32 $0x2A8;
	[dreg:$0x1e] =	wrdreg s10  }
0x1f: {  	s14 =	simm.s32 $0x618;
	s15 =	simm.s32 $0x2D0;
	[dreg:$0x1f] =	wrdreg s11  }
0x20: {  	s16 =	simm.s32 $0x640;
	s17 =	simm.s32 $0x2F8;
	[smem:$0x7EF] =	sst s12  }
0x21: {  	s18 =	simm.s32 $0x668;
	s20 =	simm.s32 $0x690;
	[smem:$0x7F0] =	sst s13  }
0x22: {  	s21 =	simm.s32 $0x348;
	s4 =	sadd.s32 $0x2000, s1;
	[smem:$0x7F1] =	sst s14  }
0x23: {  	s1 =	sadd.s32 $0xBE00, s1;
	s19 =	sshrl.u32 s0, $0x1;
	[smem:$0x7F2] =	sst s15  }
0x24: {  	s9 =	simm.s32 $0xB;
	s10 =	simm.s32 $0x3E8;
	[smem:$0x7F3] =	sst s16  }
0x25: {  	s11 =	simm.s32 $0x28;
	s12 =	simm.s32 $0x142D0;
	[smem:$0x7F4] =	sst s17  }
0x26: {  	s13 =	simm.s32 $0x156D0;
	s14 =	simm.s32 $0x16AD0;
	[smem:$0x7F5] =	sst s18  }
0x27: {  	s15 =	simm.s32 $0x17ED0;
	s16 =	simm.s32 $0x192D0;
	[smem:$0x7F7] =	sst s20  }
0x28: {  	s17 =	simm.s32 $0x1;
	s18 =	simm.s32 $0x2;
	[smem:$0x7F8] =	sst s21  }
0x29: {  	s20 =	simm.s32 $0x3;
	s21 =	simm.s32 $0x7;
	[dreg:$0x3] =	wrdreg s4  }
0x2a: {  	s23 =	simm.s32 $0x370;
	s24 =	simm.s32 $0x6E0;
	[dreg:$0x4] =	wrdreg s1  }
0x2b: {  	s26 =	simm.s32 $0x398;
	s8 =	simm.s32 $0x0;
	[smem:$0x7FA] =	sst s23  }
0x2c: {  	s4 =	simm.s32 $0xC8;
	s6 =	sadd.s32 s7, s6;
	[smem:$0x7FB] =	sst s24  }
0x2d: {  	s23 =	simm.s32 $0x8;
	[smem:$0x7FC] =	sst s26;
	s24 =	simm.s32 $0x5  }
0x2e: {  	s26 =	simm.s32 $0x9;
	s1 =	simm.s32 $0x758;
	s6 =	sshrl.u32 s6, $0x3  }
0x2f: {  	[dreg:$0x9] =	wrdreg s4;
	s4 =	sadd.s32 $0x15C00, s5;
	s5 =	sadd.s32 s6, s5  }
0x30: {  	s6 =	ssub.s32 s0, s19;
	s0 =	sadd.s32 s7, s2;
	s7 =	simm.s32 $0x230  }
0x31: {  	s19 =	simm.s32 $0x320;
	s22 =	sadd.s32 $0x8B000, s5;
	[dreg:$0x1b] =	wrdreg s7  }
0x32: {  	s6 =	smax.u32 s6, $0x1;
	s5 =	sshrl.u32 s25, $0x2;
	[smem:$0x7F6] =	sst s19  }
0x33: {  	s25 =	simm.s32 $0x7D0;
	s19 =	simm.s32 $0x6;
	[smem:$0x7ED] =	sst s22  }
0x34: {  	s0 =	sshrl.u32 s0, $0x3;
	[smem:$0x7EE] =	sst s6;
	s7 =	sadd.s32 s5, s2  }
0x35: {  	s22 =	simm.s32 $0x6B8;
	[smem:$0x7FD] =	sst s0;
	s0 =	simm.s32 $0x780  }
0x36: {  	v0 =	vimm.f32 $0.0e+00;
	s5 =	simm.s32 $0x7A8;
	[smem:$0x7F9] =	sst s22;
	s22 =	simm.s32 $0x4  }
.LBB2_1:
0x37: {  	[tilespmem:$0x7D0] =	vst v0  }
0x38: {  	[tilespmem:$0x7E0] =	vst v0  }
0x39: {  	[tilespmem:$0x7F0] =	vst v0  }
0x3a: {  	[tilespmem:$0x800] =	vst v0  }
0x3b: {  	[tilespmem:$0x810] =	vst v0  }
0x3c: {  	[tilespmem:$0x820] =	vst v0  }
0x3d: {  	[tilespmem:$0x830] =	vst v0  }
0x3e: {  	[tilespmem:$0x840] =	vst v0  }
0x3f: {  	[tilespmem:$0x850] =	vst v0  }
0x40: {  	[tilespmem:$0x860] =	vst v0  }
0x41: {  	[tilespmem:$0x870] =	vst v0  }
0x42: {  	[tilespmem:$0x880] =	vst v0  }
0x43: {  	[tilespmem:$0x890] =	vst v0  }
0x44: {  	[tilespmem:$0x8A0] =	vst v0  }
0x45: {  	[tilespmem:$0x8B0] =	vst v0  }
0x46: {  	[tilespmem:$0x8C0] =	vst v0  }
0x47: {  	[tilespmem:$0x8D0] =	vst v0  }
0x48: {  	[tilespmem:$0x8E0] =	vst v0  }
0x49: {  	[tilespmem:$0x8F0] =	vst v0  }
0x4a: {  	[tilespmem:$0x900] =	vst v0  }
0x4b: {  	[tilespmem:$0x910] =	vst v0  }
0x4c: {  	[tilespmem:$0x920] =	vst v0  }
0x4d: {  	[tilespmem:$0x930] =	vst v0  }
0x4e: {  	[tilespmem:$0x940] =	vst v0  }
0x4f: {  	[tilespmem:$0x950] =	vst v0  }
0x50: {  	[tilespmem:$0x960] =	vst v0  }
0x51: {  	[tilespmem:$0x970] =	vst v0  }
0x52: {  	[tilespmem:$0x980] =	vst v0  }
0x53: {  	[tilespmem:$0x990] =	vst v0  }
0x54: {  	[tilespmem:$0x9A0] =	vst v0  }
0x55: {  	[tilespmem:$0x9B0] =	vst v0  }
0x56: {  	[tilespmem:$0x9C0] =	vst v0  }
0x57: {  	[tilespmem:$0x9D0] =	vst v0  }
0x58: {  	[tilespmem:$0x9E0] =	vst v0  }
0x59: {  	[tilespmem:$0x9F0] =	vst v0  }
0x5a: {  	[tilespmem:$0xA00] =	vst v0  }
0x5b: {  	[tilespmem:$0xA10] =	vst v0  }
0x5c: {  	[tilespmem:$0xA20] =	vst v0  }
0x5d: {  	[tilespmem:$0xA30] =	vst v0  }
0x5e: {  	[smem:$0x7EC] =	sst s8;
	[tilespmem:$0xA40] =	vst v0;
	s6 =	sadd.s32 $0x0, s7  }
0x5f: {  	[spmem:s6] =	stream.linear.scatter [tilespmem:s25], [sflag:$0xB], $0x280, $0x38;
	[tilespmem:$0x1A6D0] =	vst v63  }
0x60: {  	s6 =	simm.s32 $0xA00;
	_ =	swait.ge [sflag:s9], $0x280  }
.LBB2_2:
0x61: {  	s8 =	sshra.s32 s6, $0x2;
	[sflag:s9] =	ssyncset.done $0x0;
	p0 =	sne.s32 s6, $0x4D800  }
.Ltmp0:
0x62: {  	s8 =	sadd.s32 s8, s7;
	[sflag:s9] =	ssyncadd.s32 $0xFFFFFD80;
	(pc) =	sbr.rel @p0 .LBB2_2-.Ltmp0, $3  }
0x63: {  	[spmem:s8] =	stream.linear.scatter [tilespmem:s25], [sflag:$0xB], $0x280, $0x38;
	[tilespmem:$0x1A6D0] =	vst v63  }
0x64: {  	s6 =	sadd.s32 $0xA00, s6;
	_ =	sdelay $0x1  }
0x65: {  	_ =	swait.ge [sflag:s9], $0x280  }
0x66: {  	[sflag:s9] =	ssyncset.done $0x0  }
0x67: {  	[sflag:s9] =	ssyncadd.s32 $0xFFFFFD80  }
0x68: {  	[bflag:$0x0] =	sbarrier.arrive $0xFFFF  }
0x69: {  	s6 =	rddreg [dreg:$0x4]  }
0x6a: {  	s6 =	sadd.s32 $0x0, s6  }
0x6b: {  	[tilespmem:s3], [sflag:$0xB] =	stream.linear.gather [hbm4b:s6+s3], $0x3E8, $0x38;
	[tilespmem:$0x1A6D0] =	vst v63  }
0x6c: {  	_ =	swait.ge [sflag:s9], $0x3E8  }
0x6d: {  	s8 =	rddreg [dreg:$0x3];
	[sflag:s9] =	ssyncset.done $0x0  }
0x6e: {  	[sflag:s9] =	ssyncadd.s32 $0xFFFFFC18;
	s6 =	sadd.s32 $0x0, s8  }
0x6f: {  	[tilespmem:s10], [sflag:$0xB] =	stream.linear.gather [hbm4b:s6+s3], $0x3E8, $0x38;
	[tilespmem:$0x1A6D0] =	vst v63  }
0x70: {  	_ =	swait.ge [sflag:s9], $0x3E8  }
0x71: {  	[sflag:s9] =	ssyncset.done $0x0  }
0x72: {  	[sflag:s9] =	ssyncadd.s32 $0xFFFFFC18  }
0x73: {  	[tilespmem:s12], [sflag:$0x1] =	stream.indirect.gather [hbm4b:s4+s11], $0x80, s3, s11, $0xb8;
	[tilespmem:$0x1A6D0] =	vst v63  }
0x74: {  	_ = 	snop  }
0x75: {  	[tilespmem:s13], [sflag:$0x2] =	stream.indirect.gather [hbm4b:s4+s11], $0x80, s11, s11, $0xb8;
	[tilespmem:$0x1A6D0] =	vst v63  }
0x76: {  	s25 =	rddreg [dreg:$0x5]  }
0x77: {  	[tilespmem:s14], [sflag:$0x3] =	stream.indirect.gather [hbm4b:s4+s11], $0x80, s25, s11, $0xb8;
	[tilespmem:$0x1A6D0] =	vst v63  }
0x78: {  	s8 =	rddreg [dreg:$0x6]  }
0x79: {  	[tilespmem:s15], [sflag:$0x4] =	stream.indirect.gather [hbm4b:s4+s11], $0x80, s8, s11, $0xb8;
	[tilespmem:$0x1A6D0] =	vst v63  }
0x7a: {  	s25 =	rddreg [dreg:$0x7]  }
0x7b: {  	[tilespmem:s16], [sflag:$0x5] =	stream.indirect.gather [hbm4b:s4+s11], $0x80, s25, s11, $0xb8;
	[tilespmem:$0x1A6D0] =	vst v63  }
0x7c: {  	_ =	swait.ge [sflag:s17], $0x1400  }
0x7d: {  	[sflag:s17] =	ssyncset.done $0x0  }
0x7e: {  	[sflag:s17] =	ssyncadd.s32 $0xFFFFEC00  }
0x7f: {  	[spmem:s2] =	stream.indirect.scatter.add.f32 [tilespmem:s12], [sflag:$0x6], $0x80, s10, s11, $0xb8;
	[tilespmem:$0x1A6D0] =	vst v63  }
0x80: {  	_ =	swait.ge [sflag:s18], $0x1400  }
0x81: {  	[sflag:s18] =	ssyncset.done $0x0  }
0x82: {  	s8 =	rddreg [dreg:$0x8];
	[sflag:s18] =	ssyncadd.s32 $0xFFFFEC00  }
0x83: {  	[spmem:s2] =	stream.indirect.scatter.add.f32 [tilespmem:s13], [sflag:$0x7], $0x80, s8, s11, $0xb8;
	[tilespmem:$0x1A6D0] =	vst v63  }
0x84: {  	_ =	swait.ge [sflag:s19], $0x1400  }
0x85: {  	[sflag:s19] =	ssyncset.done $0x0  }
0x86: {  	s25 =	rddreg [dreg:$0x9];
	[sflag:s19] =	ssyncadd.s32 $0xFFFFEC00  }
0x87: {  	[tilespmem:s12], [sflag:$0x1] =	stream.indirect.gather [hbm4b:s4+s11], $0x80, s25, s11, $0xb8;
	[tilespmem:$0x1A6D0] =	vst v63  }
0x88: {  	_ =	swait.ge [sflag:s20], $0x1400  }
0x89: {  	[sflag:s20] =	ssyncset.done $0x0  }
0x8a: {  	s8 =	rddreg [dreg:$0xa];
	[sflag:s20] =	ssyncadd.s32 $0xFFFFEC00  }
0x8b: {  	[spmem:s2] =	stream.indirect.scatter.add.f32 [tilespmem:s14], [sflag:$0x8], $0x80, s8, s11, $0xb8;
	[tilespmem:$0x1A6D0] =	vst v63  }
0x8c: {  	_ =	swait.ge [sflag:s21], $0x1400  }
0x8d: {  	[sflag:s21] =	ssyncset.done $0x0  }
0x8e: {  	s25 =	rddreg [dreg:$0xb];
	[sflag:s21] =	ssyncadd.s32 $0xFFFFEC00  }
0x8f: {  	[tilespmem:s13], [sflag:$0x2] =	stream.indirect.gather [hbm4b:s4+s11], $0x80, s25, s11, $0xb8;
	[tilespmem:$0x1A6D0] =	vst v63  }
0x90: {  	_ =	swait.ge [sflag:s22], $0x1400  }
0x91: {  	[sflag:s22] =	ssyncset.done $0x0  }
0x92: {  	s8 =	rddreg [dreg:$0xc];
	[sflag:s22] =	ssyncadd.s32 $0xFFFFEC00  }
0x93: {  	[spmem:s2] =	stream.indirect.scatter.add.f32 [tilespmem:s15], [sflag:$0x9], $0x80, s8, s11, $0xb8;
	[tilespmem:$0x1A6D0] =	vst v63  }
0x94: {  	_ =	swait.ge [sflag:s23], $0x1400  }
0x95: {  	[sflag:s23] =	ssyncset.done $0x0  }
0x96: {  	s25 =	rddreg [dreg:$0xd];
	[sflag:s23] =	ssyncadd.s32 $0xFFFFEC00  }
0x97: {  	[tilespmem:s14], [sflag:$0x3] =	stream.indirect.gather [hbm4b:s4+s11], $0x80, s25, s11, $0xb8;
	[tilespmem:$0x1A6D0] =	vst v63  }
0x98: {  	_ =	swait.ge [sflag:s24], $0x1400  }
0x99: {  	[sflag:s24] =	ssyncset.done $0x0  }
0x9a: {  	s8 =	rddreg [dreg:$0xe];
	[sflag:s24] =	ssyncadd.s32 $0xFFFFEC00  }
0x9b: {  	[spmem:s2] =	stream.indirect.scatter.add.f32 [tilespmem:s16], [sflag:$0xA], $0x80, s8, s11, $0xb8;
	[tilespmem:$0x1A6D0] =	vst v63  }
0x9c: {  	_ =	swait.ge [sflag:s26], $0x1400  }
0x9d: {  	[sflag:s26] =	ssyncset.done $0x0  }
0x9e: {  	s25 =	rddreg [dreg:$0xf];
	[sflag:s26] =	ssyncadd.s32 $0xFFFFEC00  }
0x9f: {  	[tilespmem:s15], [sflag:$0x4] =	stream.indirect.gather [hbm4b:s4+s11], $0x80, s25, s11, $0xb8;
	[tilespmem:$0x1A6D0] =	vst v63  }
0xa0: {  	_ =	swait.ge [sflag:s17], $0x1400  }
0xa1: {  	[sflag:s17] =	ssyncset.done $0x0  }
0xa2: {  	s8 =	rddreg [dreg:$0x10];
	[sflag:s17] =	ssyncadd.s32 $0xFFFFEC00  }
0xa3: {  	[spmem:s2] =	stream.indirect.scatter.add.f32 [tilespmem:s12], [sflag:$0x6], $0x80, s8, s11, $0xb8;
	[tilespmem:$0x1A6D0] =	vst v63  }
0xa4: {  	_ =	swait.ge [sflag:s28], $0x1400  }
0xa5: {  	[sflag:s28] =	ssyncset.done $0x0  }
0xa6: {  	s25 =	rddreg [dreg:$0x11];
	[sflag:s28] =	ssyncadd.s32 $0xFFFFEC00  }
0xa7: {  	[tilespmem:s16], [sflag:$0x5] =	stream.indirect.gather [hbm4b:s4+s11], $0x80, s25, s11, $0xb8;
	[tilespmem:$0x1A6D0] =	vst v63  }
0xa8: {  	_ =	swait.ge [sflag:s18], $0x1400  }
0xa9: {  	[sflag:s18] =	ssyncset.done $0x0  }
0xaa: {  	s8 =	rddreg [dreg:$0x12];
	[sflag:s18] =	ssyncadd.s32 $0xFFFFEC00  }
0xab: {  	[spmem:s2] =	stream.indirect.scatter.add.f32 [tilespmem:s13], [sflag:$0x7], $0x80, s8, s11, $0xb8;
	[tilespmem:$0x1A6D0] =	vst v63  }
0xac: {  	_ =	swait.ge [sflag:s19], $0x1400  }
0xad: {  	[sflag:s19] =	ssyncset.done $0x0  }
0xae: {  	s25 =	rddreg [dreg:$0x13];
	[sflag:s19] =	ssyncadd.s32 $0xFFFFEC00  }
0xaf: {  	[tilespmem:s12], [sflag:$0x1] =	stream.indirect.gather [hbm4b:s4+s11], $0x80, s25, s11, $0xb8;
	[tilespmem:$0x1A6D0] =	vst v63  }
0xb0: {  	_ =	swait.ge [sflag:s20], $0x1400  }
0xb1: {  	[sflag:s20] =	ssyncset.done $0x0  }
0xb2: {  	s8 =	rddreg [dreg:$0x14];
	[sflag:s20] =	ssyncadd.s32 $0xFFFFEC00  }
0xb3: {  	[spmem:s2] =	stream.indirect.scatter.add.f32 [tilespmem:s14], [sflag:$0x8], $0x80, s8, s11, $0xb8;
	[tilespmem:$0x1A6D0] =	vst v63  }
0xb4: {  	_ =	swait.ge [sflag:s21], $0x1400  }
0xb5: {  	[sflag:s21] =	ssyncset.done $0x0  }
0xb6: {  	s25 =	rddreg [dreg:$0x15];
	[sflag:s21] =	ssyncadd.s32 $0xFFFFEC00  }
0xb7: {  	[tilespmem:s13], [sflag:$0x2] =	stream.indirect.gather [hbm4b:s4+s11], $0x80, s25, s11, $0xb8;
	[tilespmem:$0x1A6D0] =	vst v63  }
0xb8: {  	_ =	swait.ge [sflag:s22], $0x1400  }
0xb9: {  	[sflag:s22] =	ssyncset.done $0x0  }
0xba: {  	s8 =	rddreg [dreg:$0x16];
	[sflag:s22] =	ssyncadd.s32 $0xFFFFEC00  }
0xbb: {  	[spmem:s2] =	stream.indirect.scatter.add.f32 [tilespmem:s15], [sflag:$0x9], $0x80, s8, s11, $0xb8;
	[tilespmem:$0x1A6D0] =	vst v63  }
0xbc: {  	_ =	swait.ge [sflag:s23], $0x1400  }
0xbd: {  	[sflag:s23] =	ssyncset.done $0x0  }
0xbe: {  	s25 =	rddreg [dreg:$0x17];
	[sflag:s23] =	ssyncadd.s32 $0xFFFFEC00  }
0xbf: {  	[tilespmem:s14], [sflag:$0x3] =	stream.indirect.gather [hbm4b:s4+s11], $0x80, s25, s11, $0xb8;
	[tilespmem:$0x1A6D0] =	vst v63  }
0xc0: {  	_ =	swait.ge [sflag:s24], $0x1400  }
0xc1: {  	[sflag:s24] =	ssyncset.done $0x0  }
0xc2: {  	s8 =	rddreg [dreg:$0x18];
	[sflag:s24] =	ssyncadd.s32 $0xFFFFEC00  }
0xc3: {  	[spmem:s2] =	stream.indirect.scatter.add.f32 [tilespmem:s16], [sflag:$0xA], $0x80, s8, s11, $0xb8;
	[tilespmem:$0x1A6D0] =	vst v63  }
0xc4: {  	_ =	swait.ge [sflag:s26], $0x1400  }
0xc5: {  	[sflag:s26] =	ssyncset.done $0x0  }
0xc6: {  	s25 =	rddreg [dreg:$0x19];
	[sflag:s26] =	ssyncadd.s32 $0xFFFFEC00  }
0xc7: {  	[tilespmem:s15], [sflag:$0x4] =	stream.indirect.gather [hbm4b:s4+s11], $0x80, s25, s11, $0xb8;
	[tilespmem:$0x1A6D0] =	vst v63  }
0xc8: {  	_ =	swait.ge [sflag:s17], $0x1400  }
0xc9: {  	[sflag:s17] =	ssyncset.done $0x0  }
0xca: {  	s8 =	rddreg [dreg:$0x1a];
	[sflag:s17] =	ssyncadd.s32 $0xFFFFEC00  }
0xcb: {  	[spmem:s2] =	stream.indirect.scatter.add.f32 [tilespmem:s12], [sflag:$0x6], $0x80, s8, s11, $0xb8;
	[tilespmem:$0x1A6D0] =	vst v63  }
0xcc: {  	_ =	swait.ge [sflag:s28], $0x1400  }
0xcd: {  	[sflag:s28] =	ssyncset.done $0x0  }
0xce: {  	s25 =	rddreg [dreg:$0x1b];
	[sflag:s28] =	ssyncadd.s32 $0xFFFFEC00  }
0xcf: {  	[tilespmem:s16], [sflag:$0x5] =	stream.indirect.gather [hbm4b:s4+s11], $0x80, s25, s11, $0xb8;
	[tilespmem:$0x1A6D0] =	vst v63  }
0xd0: {  	_ =	swait.ge [sflag:s18], $0x1400  }
0xd1: {  	[sflag:s18] =	ssyncset.done $0x0  }
0xd2: {  	s8 =	rddreg [dreg:$0x1c];
	[sflag:s18] =	ssyncadd.s32 $0xFFFFEC00  }
0xd3: {  	[spmem:s2] =	stream.indirect.scatter.add.f32 [tilespmem:s13], [sflag:$0x7], $0x80, s8, s11, $0xb8;
	[tilespmem:$0x1A6D0] =	vst v63  }
0xd4: {  	_ =	swait.ge [sflag:s19], $0x1400  }
0xd5: {  	[sflag:s19] =	ssyncset.done $0x0  }
0xd6: {  	s25 =	rddreg [dreg:$0x1d];
	[sflag:s19] =	ssyncadd.s32 $0xFFFFEC00  }
0xd7: {  	[tilespmem:s12], [sflag:$0x1] =	stream.indirect.gather [hbm4b:s4+s11], $0x80, s25, s11, $0xb8;
	[tilespmem:$0x1A6D0] =	vst v63  }
0xd8: {  	_ =	swait.ge [sflag:s20], $0x1400  }
0xd9: {  	[sflag:s20] =	ssyncset.done $0x0  }
0xda: {  	s8 =	rddreg [dreg:$0x1e];
	[sflag:s20] =	ssyncadd.s32 $0xFFFFEC00  }
0xdb: {  	[spmem:s2] =	stream.indirect.scatter.add.f32 [tilespmem:s14], [sflag:$0x8], $0x80, s8, s11, $0xb8;
	[tilespmem:$0x1A6D0] =	vst v63  }
0xdc: {  	_ =	swait.ge [sflag:s21], $0x1400  }
0xdd: {  	[sflag:s21] =	ssyncset.done $0x0  }
0xde: {  	s25 =	rddreg [dreg:$0x1f];
	[sflag:s21] =	ssyncadd.s32 $0xFFFFEC00  }
0xdf: {  	[tilespmem:s13], [sflag:$0x2] =	stream.indirect.gather [hbm4b:s4+s11], $0x80, s25, s11, $0xb8;
	[tilespmem:$0x1A6D0] =	vst v63  }
0xe0: {  	_ =	swait.ge [sflag:s22], $0x1400  }
0xe1: {  	s8 =	sld [smem:$0x7EF]  }
0xe2: {  	[sflag:s22] =	ssyncset.done $0x0  }
0xe3: {  	[sflag:s22] =	ssyncadd.s32 $0xFFFFEC00  }
0xe4: {  	[spmem:s2] =	stream.indirect.scatter.add.f32 [tilespmem:s15], [sflag:$0x9], $0x80, s8, s11, $0xb8;
	[tilespmem:$0x1A6D0] =	vst v63  }
0xe5: {  	_ =	swait.ge [sflag:s23], $0x1400  }
0xe6: {  	s25 =	sld [smem:$0x7F0]  }
0xe7: {  	[sflag:s23] =	ssyncset.done $0x0  }
0xe8: {  	[sflag:s23] =	ssyncadd.s32 $0xFFFFEC00  }
0xe9: {  	[tilespmem:s14], [sflag:$0x3] =	stream.indirect.gather [hbm4b:s4+s11], $0x80, s25, s11, $0xb8;
	[tilespmem:$0x1A6D0] =	vst v63  }
0xea: {  	_ =	swait.ge [sflag:s24], $0x1400  }
0xeb: {  	s8 =	sld [smem:$0x7F1]  }
0xec: {  	[sflag:s24] =	ssyncset.done $0x0  }
0xed: {  	[sflag:s24] =	ssyncadd.s32 $0xFFFFEC00  }
0xee: {  	[spmem:s2] =	stream.indirect.scatter.add.f32 [tilespmem:s16], [sflag:$0xA], $0x80, s8, s11, $0xb8;
	[tilespmem:$0x1A6D0] =	vst v63  }
0xef: {  	_ =	swait.ge [sflag:s26], $0x1400  }
0xf0: {  	s25 =	sld [smem:$0x7F2]  }
0xf1: {  	[sflag:s26] =	ssyncset.done $0x0  }
0xf2: {  	[sflag:s26] =	ssyncadd.s32 $0xFFFFEC00  }
0xf3: {  	[tilespmem:s15], [sflag:$0x4] =	stream.indirect.gather [hbm4b:s4+s11], $0x80, s25, s11, $0xb8;
	[tilespmem:$0x1A6D0] =	vst v63  }
0xf4: {  	_ =	swait.ge [sflag:s17], $0x1400  }
0xf5: {  	s8 =	sld [smem:$0x7F3]  }
0xf6: {  	[sflag:s17] =	ssyncset.done $0x0  }
0xf7: {  	[sflag:s17] =	ssyncadd.s32 $0xFFFFEC00  }
0xf8: {  	[spmem:s2] =	stream.indirect.scatter.add.f32 [tilespmem:s12], [sflag:$0x6], $0x80, s8, s11, $0xb8;
	[tilespmem:$0x1A6D0] =	vst v63  }
0xf9: {  	_ =	swait.ge [sflag:s28], $0x1400  }
0xfa: {  	s25 =	sld [smem:$0x7F4]  }
0xfb: {  	[sflag:s28] =	ssyncset.done $0x0  }
0xfc: {  	[sflag:s28] =	ssyncadd.s32 $0xFFFFEC00  }
0xfd: {  	[tilespmem:s16], [sflag:$0x5] =	stream.indirect.gather [hbm4b:s4+s11], $0x80, s25, s11, $0xb8;
	[tilespmem:$0x1A6D0] =	vst v63  }
0xfe: {  	_ =	swait.ge [sflag:s18], $0x1400  }
0xff: {  	s8 =	sld [smem:$0x7F5]  }
0x100: {  	[sflag:s18] =	ssyncset.done $0x0  }
0x101: {  	[sflag:s18] =	ssyncadd.s32 $0xFFFFEC00  }
0x102: {  	[spmem:s2] =	stream.indirect.scatter.add.f32 [tilespmem:s13], [sflag:$0x7], $0x80, s8, s11, $0xb8;
	[tilespmem:$0x1A6D0] =	vst v63  }
0x103: {  	_ =	swait.ge [sflag:s19], $0x1400  }
0x104: {  	s25 =	sld [smem:$0x7F6]  }
0x105: {  	[sflag:s19] =	ssyncset.done $0x0  }
0x106: {  	[sflag:s19] =	ssyncadd.s32 $0xFFFFEC00  }
0x107: {  	[tilespmem:s12], [sflag:$0x1] =	stream.indirect.gather [hbm4b:s4+s11], $0x80, s25, s11, $0xb8;
	[tilespmem:$0x1A6D0] =	vst v63  }
0x108: {  	_ =	swait.ge [sflag:s20], $0x1400  }
0x109: {  	s8 =	sld [smem:$0x7F7]  }
0x10a: {  	[sflag:s20] =	ssyncset.done $0x0  }
0x10b: {  	[sflag:s20] =	ssyncadd.s32 $0xFFFFEC00  }
0x10c: {  	[spmem:s2] =	stream.indirect.scatter.add.f32 [tilespmem:s14], [sflag:$0x8], $0x80, s8, s11, $0xb8;
	[tilespmem:$0x1A6D0] =	vst v63  }
0x10d: {  	_ =	swait.ge [sflag:s21], $0x1400  }
0x10e: {  	s25 =	sld [smem:$0x7F8]  }
0x10f: {  	[sflag:s21] =	ssyncset.done $0x0  }
0x110: {  	[sflag:s21] =	ssyncadd.s32 $0xFFFFEC00  }
0x111: {  	[tilespmem:s13], [sflag:$0x2] =	stream.indirect.gather [hbm4b:s4+s11], $0x80, s25, s11, $0xb8;
	[tilespmem:$0x1A6D0] =	vst v63  }
0x112: {  	_ =	swait.ge [sflag:s22], $0x1400  }
0x113: {  	s8 =	sld [smem:$0x7F9]  }
0x114: {  	[sflag:s22] =	ssyncset.done $0x0  }
0x115: {  	[sflag:s22] =	ssyncadd.s32 $0xFFFFEC00  }
0x116: {  	[spmem:s2] =	stream.indirect.scatter.add.f32 [tilespmem:s15], [sflag:$0x9], $0x80, s8, s11, $0xb8;
	[tilespmem:$0x1A6D0] =	vst v63  }
0x117: {  	_ =	swait.ge [sflag:s23], $0x1400  }
0x118: {  	s25 =	sld [smem:$0x7FA]  }
0x119: {  	[sflag:s23] =	ssyncset.done $0x0  }
0x11a: {  	[sflag:s23] =	ssyncadd.s32 $0xFFFFEC00  }
0x11b: {  	[tilespmem:s14], [sflag:$0x3] =	stream.indirect.gather [hbm4b:s4+s11], $0x80, s25, s11, $0xb8;
	[tilespmem:$0x1A6D0] =	vst v63  }
0x11c: {  	_ =	swait.ge [sflag:s24], $0x1400  }
0x11d: {  	s8 =	sld [smem:$0x7FB]  }
0x11e: {  	[sflag:s24] =	ssyncset.done $0x0  }
0x11f: {  	[sflag:s24] =	ssyncadd.s32 $0xFFFFEC00  }
0x120: {  	[spmem:s2] =	stream.indirect.scatter.add.f32 [tilespmem:s16], [sflag:$0xA], $0x80, s8, s11, $0xb8;
	[tilespmem:$0x1A6D0] =	vst v63  }
0x121: {  	_ =	swait.ge [sflag:s26], $0x1400  }
0x122: {  	s25 =	sld [smem:$0x7FC]  }
0x123: {  	[sflag:s26] =	ssyncset.done $0x0  }
0x124: {  	[sflag:s26] =	ssyncadd.s32 $0xFFFFEC00  }
0x125: {  	[tilespmem:s15], [sflag:$0x4] =	stream.indirect.gather [hbm4b:s4+s11], $0x80, s25, s11, $0xb8;
	[tilespmem:$0x1A6D0] =	vst v63  }
0x126: {  	_ =	swait.ge [sflag:s17], $0x1400  }
0x127: {  	[sflag:s17] =	ssyncset.done $0x0  }
0x128: {  	[sflag:s17] =	ssyncadd.s32 $0xFFFFEC00  }
0x129: {  	[spmem:s2] =	stream.indirect.scatter.add.f32 [tilespmem:s12], [sflag:$0x6], $0x80, s29, s11, $0xb8;
	[tilespmem:$0x1A6D0] =	vst v63  }
0x12a: {  	_ =	swait.ge [sflag:s28], $0x1400  }
0x12b: {  	[sflag:s28] =	ssyncset.done $0x0  }
0x12c: {  	[sflag:s28] =	ssyncadd.s32 $0xFFFFEC00  }
0x12d: {  	[tilespmem:s16], [sflag:$0x5] =	stream.indirect.gather [hbm4b:s4+s11], $0x80, s30, s11, $0xb8;
	[tilespmem:$0x1A6D0] =	vst v63  }
0x12e: {  	_ =	swait.ge [sflag:s18], $0x1400  }
0x12f: {  	[sflag:s18] =	ssyncset.done $0x0  }
0x130: {  	[sflag:s18] =	ssyncadd.s32 $0xFFFFEC00  }
0x131: {  	[spmem:s2] =	stream.indirect.scatter.add.f32 [tilespmem:s13], [sflag:$0x7], $0x80, s31, s11, $0xb8;
	[tilespmem:$0x1A6D0] =	vst v63  }
0x132: {  	_ =	swait.ge [sflag:s19], $0x1400  }
0x133: {  	[sflag:s19] =	ssyncset.done $0x0  }
0x134: {  	[sflag:s19] =	ssyncadd.s32 $0xFFFFEC00  }
0x135: {  	_ =	swait.ge [sflag:s20], $0x1400  }
0x136: {  	[sflag:s20] =	ssyncset.done $0x0  }
0x137: {  	[sflag:s20] =	ssyncadd.s32 $0xFFFFEC00  }
0x138: {  	[spmem:s2] =	stream.indirect.scatter.add.f32 [tilespmem:s14], [sflag:$0x8], $0x80, s1, s11, $0xb8;
	[tilespmem:$0x1A6D0] =	vst v63  }
0x139: {  	_ =	swait.ge [sflag:s21], $0x1400  }
0x13a: {  	[sflag:s21] =	ssyncset.done $0x0  }
0x13b: {  	[sflag:s21] =	ssyncadd.s32 $0xFFFFEC00  }
0x13c: {  	_ =	swait.ge [sflag:s22], $0x1400  }
0x13d: {  	[sflag:s22] =	ssyncset.done $0x0  }
0x13e: {  	[sflag:s22] =	ssyncadd.s32 $0xFFFFEC00  }
0x13f: {  	[spmem:s2] =	stream.indirect.scatter.add.f32 [tilespmem:s15], [sflag:$0x9], $0x80, s0, s11, $0xb8;
	[tilespmem:$0x1A6D0] =	vst v63  }
0x140: {  	_ =	swait.ge [sflag:s23], $0x1400  }
0x141: {  	[sflag:s23] =	ssyncset.done $0x0  }
0x142: {  	[sflag:s23] =	ssyncadd.s32 $0xFFFFEC00  }
0x143: {  	_ =	swait.ge [sflag:s24], $0x1400  }
0x144: {  	[sflag:s24] =	ssyncset.done $0x0  }
0x145: {  	[sflag:s24] =	ssyncadd.s32 $0xFFFFEC00  }
0x146: {  	[spmem:s2] =	stream.indirect.scatter.add.f32 [tilespmem:s16], [sflag:$0xA], $0x80, s5, s11, $0xb8;
	[tilespmem:$0x1A6D0] =	vst v63  }
0x147: {  	_ =	swait.ge [sflag:s26], $0x1400  }
0x148: {  	[sflag:s26] =	ssyncset.done $0x0  }
0x149: {  	[sflag:s26] =	ssyncadd.s32 $0xFFFFEC00  }
0x14a: {  	s6 =	simm.s32 $0xFA;
	_ =	swait.ge [sflag:s28], $0x1400  }
0x14b: {  	s25 =	simm.s32 $0x7D;
	s8 =	rddreg [dreg:$0x4];
	[sflag:s28] =	ssyncset.done $0x0  }
.LBB2_4:
0x14c: {  	[sflag:s28] =	ssyncadd.s32 $0xFFFFEC00;
	s8 =	sadd.s32 s25, s8  }
0x14d: {  	[tilespmem:s3], [sflag:$0xB] =	stream.linear.gather [hbm4b:s8+s3], $0x3E8, $0x38;
	[tilespmem:$0x1A6D0] =	vst v63  }
0x14e: {  	_ =	swait.ge [sflag:s9], $0x3E8  }
0x14f: {  	s8 =	rddreg [dreg:$0x3];
	[sflag:s9] =	ssyncset.done $0x0  }
0x150: {  	[sflag:s9] =	ssyncadd.s32 $0xFFFFFC18;
	s8 =	sadd.s32 s25, s8  }
0x151: {  	[tilespmem:s10], [sflag:$0xB] =	stream.linear.gather [hbm4b:s8+s3], $0x3E8, $0x38;
	[tilespmem:$0x1A6D0] =	vst v63  }
0x152: {  	_ =	swait.ge [sflag:s9], $0x3E8  }
0x153: {  	[sflag:s9] =	ssyncset.done $0x0  }
0x154: {  	[sflag:s9] =	ssyncadd.s32 $0xFFFFFC18  }
0x155: {  	[tilespmem:s12], [sflag:$0x1] =	stream.indirect.gather [hbm4b:s4+s11], $0x80, s3, s11, $0xb8;
	[tilespmem:$0x1A6D0] =	vst v63  }
0x156: {  	_ = 	snop  }
0x157: {  	[tilespmem:s13], [sflag:$0x2] =	stream.indirect.gather [hbm4b:s4+s11], $0x80, s11, s11, $0xb8;
	[tilespmem:$0x1A6D0] =	vst v63  }
0x158: {  	s29 =	smov.u32 s6;
	s8 =	rddreg [dreg:$0x5]  }
0x159: {  	[tilespmem:s14], [sflag:$0x3] =	stream.indirect.gather [hbm4b:s4+s11], $0x80, s8, s11, $0xb8;
	[tilespmem:$0x1A6D0] =	vst v63  }
0x15a: {  	s25 =	smov.u32 s29;
	s29 =	rddreg [dreg:$0x6]  }
0x15b: {  	[tilespmem:s15], [sflag:$0x4] =	stream.indirect.gather [hbm4b:s4+s11], $0x80, s29, s11, $0xb8;
	[tilespmem:$0x1A6D0] =	vst v63  }
0x15c: {  	s8 =	rddreg [dreg:$0x7]  }
0x15d: {  	[tilespmem:s16], [sflag:$0x5] =	stream.indirect.gather [hbm4b:s4+s11], $0x80, s8, s11, $0xb8;
	[tilespmem:$0x1A6D0] =	vst v63  }
0x15e: {  	_ =	swait.ge [sflag:s17], $0x1400  }
0x15f: {  	[sflag:s17] =	ssyncset.done $0x0  }
0x160: {  	[sflag:s17] =	ssyncadd.s32 $0xFFFFEC00  }
0x161: {  	[spmem:s2] =	stream.indirect.scatter.add.f32 [tilespmem:s12], [sflag:$0x6], $0x80, s10, s11, $0xb8;
	[tilespmem:$0x1A6D0] =	vst v63  }
0x162: {  	_ =	swait.ge [sflag:s18], $0x1400  }
0x163: {  	[sflag:s18] =	ssyncset.done $0x0  }
0x164: {  	s8 =	rddreg [dreg:$0x8];
	[sflag:s18] =	ssyncadd.s32 $0xFFFFEC00  }
0x165: {  	[spmem:s2] =	stream.indirect.scatter.add.f32 [tilespmem:s13], [sflag:$0x7], $0x80, s8, s11, $0xb8;
	[tilespmem:$0x1A6D0] =	vst v63  }
0x166: {  	_ =	swait.ge [sflag:s19], $0x1400  }
0x167: {  	[sflag:s19] =	ssyncset.done $0x0  }
0x168: {  	s8 =	rddreg [dreg:$0x9];
	[sflag:s19] =	ssyncadd.s32 $0xFFFFEC00  }
0x169: {  	[tilespmem:s12], [sflag:$0x1] =	stream.indirect.gather [hbm4b:s4+s11], $0x80, s8, s11, $0xb8;
	[tilespmem:$0x1A6D0] =	vst v63  }
0x16a: {  	_ =	swait.ge [sflag:s20], $0x1400  }
0x16b: {  	[sflag:s20] =	ssyncset.done $0x0  }
0x16c: {  	s8 =	rddreg [dreg:$0xa];
	[sflag:s20] =	ssyncadd.s32 $0xFFFFEC00  }
0x16d: {  	[spmem:s2] =	stream.indirect.scatter.add.f32 [tilespmem:s14], [sflag:$0x8], $0x80, s8, s11, $0xb8;
	[tilespmem:$0x1A6D0] =	vst v63  }
0x16e: {  	_ =	swait.ge [sflag:s21], $0x1400  }
0x16f: {  	[sflag:s21] =	ssyncset.done $0x0  }
0x170: {  	s8 =	rddreg [dreg:$0xb];
	[sflag:s21] =	ssyncadd.s32 $0xFFFFEC00  }
0x171: {  	[tilespmem:s13], [sflag:$0x2] =	stream.indirect.gather [hbm4b:s4+s11], $0x80, s8, s11, $0xb8;
	[tilespmem:$0x1A6D0] =	vst v63  }
0x172: {  	_ =	swait.ge [sflag:s22], $0x1400  }
0x173: {  	[sflag:s22] =	ssyncset.done $0x0  }
0x174: {  	s8 =	rddreg [dreg:$0xc];
	[sflag:s22] =	ssyncadd.s32 $0xFFFFEC00  }
0x175: {  	[spmem:s2] =	stream.indirect.scatter.add.f32 [tilespmem:s15], [sflag:$0x9], $0x80, s8, s11, $0xb8;
	[tilespmem:$0x1A6D0] =	vst v63  }
0x176: {  	_ =	swait.ge [sflag:s23], $0x1400  }
0x177: {  	[sflag:s23] =	ssyncset.done $0x0  }
0x178: {  	s8 =	rddreg [dreg:$0xd];
	[sflag:s23] =	ssyncadd.s32 $0xFFFFEC00  }
0x179: {  	[tilespmem:s14], [sflag:$0x3] =	stream.indirect.gather [hbm4b:s4+s11], $0x80, s8, s11, $0xb8;
	[tilespmem:$0x1A6D0] =	vst v63  }
0x17a: {  	_ =	swait.ge [sflag:s24], $0x1400  }
0x17b: {  	[sflag:s24] =	ssyncset.done $0x0  }
0x17c: {  	s8 =	rddreg [dreg:$0xe];
	[sflag:s24] =	ssyncadd.s32 $0xFFFFEC00  }
0x17d: {  	[spmem:s2] =	stream.indirect.scatter.add.f32 [tilespmem:s16], [sflag:$0xA], $0x80, s8, s11, $0xb8;
	[tilespmem:$0x1A6D0] =	vst v63  }
0x17e: {  	_ =	swait.ge [sflag:s26], $0x1400  }
0x17f: {  	[sflag:s26] =	ssyncset.done $0x0  }
0x180: {  	s8 =	rddreg [dreg:$0xf];
	[sflag:s26] =	ssyncadd.s32 $0xFFFFEC00  }
0x181: {  	[tilespmem:s15], [sflag:$0x4] =	stream.indirect.gather [hbm4b:s4+s11], $0x80, s8, s11, $0xb8;
	[tilespmem:$0x1A6D0] =	vst v63  }
0x182: {  	_ =	swait.ge [sflag:s17], $0x1400  }
0x183: {  	[sflag:s17] =	ssyncset.done $0x0  }
0x184: {  	s8 =	rddreg [dreg:$0x10];
	[sflag:s17] =	ssyncadd.s32 $0xFFFFEC00  }
0x185: {  	[spmem:s2] =	stream.indirect.scatter.add.f32 [tilespmem:s12], [sflag:$0x6], $0x80, s8, s11, $0xb8;
	[tilespmem:$0x1A6D0] =	vst v63  }
0x186: {  	_ =	swait.ge [sflag:s28], $0x1400  }
0x187: {  	[sflag:s28] =	ssyncset.done $0x0  }
0x188: {  	s8 =	rddreg [dreg:$0x11];
	[sflag:s28] =	ssyncadd.s32 $0xFFFFEC00  }
0x189: {  	[tilespmem:s16], [sflag:$0x5] =	stream.indirect.gather [hbm4b:s4+s11], $0x80, s8, s11, $0xb8;
	[tilespmem:$0x1A6D0] =	vst v63  }
0x18a: {  	_ =	swait.ge [sflag:s18], $0x1400  }
0x18b: {  	[sflag:s18] =	ssyncset.done $0x0  }
0x18c: {  	s8 =	rddreg [dreg:$0x12];
	[sflag:s18] =	ssyncadd.s32 $0xFFFFEC00  }
0x18d: {  	[spmem:s2] =	stream.indirect.scatter.add.f32 [tilespmem:s13], [sflag:$0x7], $0x80, s8, s11, $0xb8;
	[tilespmem:$0x1A6D0] =	vst v63  }
0x18e: {  	_ =	swait.ge [sflag:s19], $0x1400  }
0x18f: {  	[sflag:s19] =	ssyncset.done $0x0  }
0x190: {  	s8 =	rddreg [dreg:$0x13];
	[sflag:s19] =	ssyncadd.s32 $0xFFFFEC00  }
0x191: {  	[tilespmem:s12], [sflag:$0x1] =	stream.indirect.gather [hbm4b:s4+s11], $0x80, s8, s11, $0xb8;
	[tilespmem:$0x1A6D0] =	vst v63  }
0x192: {  	_ =	swait.ge [sflag:s20], $0x1400  }
0x193: {  	[sflag:s20] =	ssyncset.done $0x0  }
0x194: {  	s8 =	rddreg [dreg:$0x14];
	[sflag:s20] =	ssyncadd.s32 $0xFFFFEC00  }
0x195: {  	[spmem:s2] =	stream.indirect.scatter.add.f32 [tilespmem:s14], [sflag:$0x8], $0x80, s8, s11, $0xb8;
	[tilespmem:$0x1A6D0] =	vst v63  }
0x196: {  	_ =	swait.ge [sflag:s21], $0x1400  }
0x197: {  	[sflag:s21] =	ssyncset.done $0x0  }
0x198: {  	s8 =	rddreg [dreg:$0x15];
	[sflag:s21] =	ssyncadd.s32 $0xFFFFEC00  }
0x199: {  	[tilespmem:s13], [sflag:$0x2] =	stream.indirect.gather [hbm4b:s4+s11], $0x80, s8, s11, $0xb8;
	[tilespmem:$0x1A6D0] =	vst v63  }
0x19a: {  	_ =	swait.ge [sflag:s22], $0x1400  }
0x19b: {  	[sflag:s22] =	ssyncset.done $0x0  }
0x19c: {  	s8 =	rddreg [dreg:$0x16];
	[sflag:s22] =	ssyncadd.s32 $0xFFFFEC00  }
0x19d: {  	[spmem:s2] =	stream.indirect.scatter.add.f32 [tilespmem:s15], [sflag:$0x9], $0x80, s8, s11, $0xb8;
	[tilespmem:$0x1A6D0] =	vst v63  }
0x19e: {  	_ =	swait.ge [sflag:s23], $0x1400  }
0x19f: {  	[sflag:s23] =	ssyncset.done $0x0  }
0x1a0: {  	s8 =	rddreg [dreg:$0x17];
	[sflag:s23] =	ssyncadd.s32 $0xFFFFEC00  }
0x1a1: {  	[tilespmem:s14], [sflag:$0x3] =	stream.indirect.gather [hbm4b:s4+s11], $0x80, s8, s11, $0xb8;
	[tilespmem:$0x1A6D0] =	vst v63  }
0x1a2: {  	_ =	swait.ge [sflag:s24], $0x1400  }
0x1a3: {  	[sflag:s24] =	ssyncset.done $0x0  }
0x1a4: {  	s8 =	rddreg [dreg:$0x18];
	[sflag:s24] =	ssyncadd.s32 $0xFFFFEC00  }
0x1a5: {  	[spmem:s2] =	stream.indirect.scatter.add.f32 [tilespmem:s16], [sflag:$0xA], $0x80, s8, s11, $0xb8;
	[tilespmem:$0x1A6D0] =	vst v63  }
0x1a6: {  	_ =	swait.ge [sflag:s26], $0x1400  }
0x1a7: {  	[sflag:s26] =	ssyncset.done $0x0  }
0x1a8: {  	s8 =	rddreg [dreg:$0x19];
	[sflag:s26] =	ssyncadd.s32 $0xFFFFEC00  }
0x1a9: {  	[tilespmem:s15], [sflag:$0x4] =	stream.indirect.gather [hbm4b:s4+s11], $0x80, s8, s11, $0xb8;
	[tilespmem:$0x1A6D0] =	vst v63  }
0x1aa: {  	_ =	swait.ge [sflag:s17], $0x1400  }
0x1ab: {  	[sflag:s17] =	ssyncset.done $0x0  }
0x1ac: {  	s8 =	rddreg [dreg:$0x1a];
	[sflag:s17] =	ssyncadd.s32 $0xFFFFEC00  }
0x1ad: {  	[spmem:s2] =	stream.indirect.scatter.add.f32 [tilespmem:s12], [sflag:$0x6], $0x80, s8, s11, $0xb8;
	[tilespmem:$0x1A6D0] =	vst v63  }
0x1ae: {  	_ =	swait.ge [sflag:s28], $0x1400  }
0x1af: {  	[sflag:s28] =	ssyncset.done $0x0  }
0x1b0: {  	s8 =	rddreg [dreg:$0x1b];
	[sflag:s28] =	ssyncadd.s32 $0xFFFFEC00  }
0x1b1: {  	[tilespmem:s16], [sflag:$0x5] =	stream.indirect.gather [hbm4b:s4+s11], $0x80, s8, s11, $0xb8;
	[tilespmem:$0x1A6D0] =	vst v63  }
0x1b2: {  	_ =	swait.ge [sflag:s18], $0x1400  }
0x1b3: {  	[sflag:s18] =	ssyncset.done $0x0  }
0x1b4: {  	s8 =	rddreg [dreg:$0x1c];
	[sflag:s18] =	ssyncadd.s32 $0xFFFFEC00  }
0x1b5: {  	[spmem:s2] =	stream.indirect.scatter.add.f32 [tilespmem:s13], [sflag:$0x7], $0x80, s8, s11, $0xb8;
	[tilespmem:$0x1A6D0] =	vst v63  }
0x1b6: {  	_ =	swait.ge [sflag:s19], $0x1400  }
0x1b7: {  	[sflag:s19] =	ssyncset.done $0x0  }
0x1b8: {  	s8 =	rddreg [dreg:$0x1d];
	[sflag:s19] =	ssyncadd.s32 $0xFFFFEC00  }
0x1b9: {  	[tilespmem:s12], [sflag:$0x1] =	stream.indirect.gather [hbm4b:s4+s11], $0x80, s8, s11, $0xb8;
	[tilespmem:$0x1A6D0] =	vst v63  }
0x1ba: {  	_ =	swait.ge [sflag:s20], $0x1400  }
0x1bb: {  	[sflag:s20] =	ssyncset.done $0x0  }
0x1bc: {  	s8 =	rddreg [dreg:$0x1e];
	[sflag:s20] =	ssyncadd.s32 $0xFFFFEC00  }
0x1bd: {  	[spmem:s2] =	stream.indirect.scatter.add.f32 [tilespmem:s14], [sflag:$0x8], $0x80, s8, s11, $0xb8;
	[tilespmem:$0x1A6D0] =	vst v63  }
0x1be: {  	_ =	swait.ge [sflag:s21], $0x1400  }
0x1bf: {  	[sflag:s21] =	ssyncset.done $0x0  }
0x1c0: {  	s8 =	rddreg [dreg:$0x1f];
	[sflag:s21] =	ssyncadd.s32 $0xFFFFEC00  }
0x1c1: {  	[tilespmem:s13], [sflag:$0x2] =	stream.indirect.gather [hbm4b:s4+s11], $0x80, s8, s11, $0xb8;
	[tilespmem:$0x1A6D0] =	vst v63  }
0x1c2: {  	_ =	swait.ge [sflag:s22], $0x1400  }
0x1c3: {  	s8 =	sld [smem:$0x7EF]  }
0x1c4: {  	[sflag:s22] =	ssyncset.done $0x0  }
0x1c5: {  	[sflag:s22] =	ssyncadd.s32 $0xFFFFEC00  }
0x1c6: {  	[spmem:s2] =	stream.indirect.scatter.add.f32 [tilespmem:s15], [sflag:$0x9], $0x80, s8, s11, $0xb8;
	[tilespmem:$0x1A6D0] =	vst v63  }
0x1c7: {  	_ =	swait.ge [sflag:s23], $0x1400  }
0x1c8: {  	s8 =	sld [smem:$0x7F0]  }
0x1c9: {  	[sflag:s23] =	ssyncset.done $0x0  }
0x1ca: {  	[sflag:s23] =	ssyncadd.s32 $0xFFFFEC00  }
0x1cb: {  	[tilespmem:s14], [sflag:$0x3] =	stream.indirect.gather [hbm4b:s4+s11], $0x80, s8, s11, $0xb8;
	[tilespmem:$0x1A6D0] =	vst v63  }
0x1cc: {  	_ =	swait.ge [sflag:s24], $0x1400  }
0x1cd: {  	s8 =	sld [smem:$0x7F1]  }
0x1ce: {  	[sflag:s24] =	ssyncset.done $0x0  }
0x1cf: {  	[sflag:s24] =	ssyncadd.s32 $0xFFFFEC00  }
0x1d0: {  	[spmem:s2] =	stream.indirect.scatter.add.f32 [tilespmem:s16], [sflag:$0xA], $0x80, s8, s11, $0xb8;
	[tilespmem:$0x1A6D0] =	vst v63  }
0x1d1: {  	_ =	swait.ge [sflag:s26], $0x1400  }
0x1d2: {  	s8 =	sld [smem:$0x7F2]  }
0x1d3: {  	[sflag:s26] =	ssyncset.done $0x0  }
0x1d4: {  	[sflag:s26] =	ssyncadd.s32 $0xFFFFEC00  }
0x1d5: {  	[tilespmem:s15], [sflag:$0x4] =	stream.indirect.gather [hbm4b:s4+s11], $0x80, s8, s11, $0xb8;
	[tilespmem:$0x1A6D0] =	vst v63  }
0x1d6: {  	_ =	swait.ge [sflag:s17], $0x1400  }
0x1d7: {  	s8 =	sld [smem:$0x7F3]  }
0x1d8: {  	[sflag:s17] =	ssyncset.done $0x0  }
0x1d9: {  	[sflag:s17] =	ssyncadd.s32 $0xFFFFEC00  }
0x1da: {  	[spmem:s2] =	stream.indirect.scatter.add.f32 [tilespmem:s12], [sflag:$0x6], $0x80, s8, s11, $0xb8;
	[tilespmem:$0x1A6D0] =	vst v63  }
0x1db: {  	_ =	swait.ge [sflag:s28], $0x1400  }
0x1dc: {  	s8 =	sld [smem:$0x7F4]  }
0x1dd: {  	[sflag:s28] =	ssyncset.done $0x0  }
0x1de: {  	[sflag:s28] =	ssyncadd.s32 $0xFFFFEC00  }
0x1df: {  	[tilespmem:s16], [sflag:$0x5] =	stream.indirect.gather [hbm4b:s4+s11], $0x80, s8, s11, $0xb8;
	[tilespmem:$0x1A6D0] =	vst v63  }
0x1e0: {  	_ =	swait.ge [sflag:s18], $0x1400  }
0x1e1: {  	s8 =	sld [smem:$0x7F5]  }
0x1e2: {  	[sflag:s18] =	ssyncset.done $0x0  }
0x1e3: {  	[sflag:s18] =	ssyncadd.s32 $0xFFFFEC00  }
0x1e4: {  	[spmem:s2] =	stream.indirect.scatter.add.f32 [tilespmem:s13], [sflag:$0x7], $0x80, s8, s11, $0xb8;
	[tilespmem:$0x1A6D0] =	vst v63  }
0x1e5: {  	_ =	swait.ge [sflag:s19], $0x1400  }
0x1e6: {  	s8 =	sld [smem:$0x7F6]  }
0x1e7: {  	[sflag:s19] =	ssyncset.done $0x0  }
0x1e8: {  	[sflag:s19] =	ssyncadd.s32 $0xFFFFEC00  }
0x1e9: {  	[tilespmem:s12], [sflag:$0x1] =	stream.indirect.gather [hbm4b:s4+s11], $0x80, s8, s11, $0xb8;
	[tilespmem:$0x1A6D0] =	vst v63  }
0x1ea: {  	_ =	swait.ge [sflag:s20], $0x1400  }
0x1eb: {  	s8 =	sld [smem:$0x7F7]  }
0x1ec: {  	[sflag:s20] =	ssyncset.done $0x0  }
0x1ed: {  	[sflag:s20] =	ssyncadd.s32 $0xFFFFEC00  }
0x1ee: {  	[spmem:s2] =	stream.indirect.scatter.add.f32 [tilespmem:s14], [sflag:$0x8], $0x80, s8, s11, $0xb8;
	[tilespmem:$0x1A6D0] =	vst v63  }
0x1ef: {  	_ =	swait.ge [sflag:s21], $0x1400  }
0x1f0: {  	s8 =	sld [smem:$0x7F8]  }
0x1f1: {  	[sflag:s21] =	ssyncset.done $0x0  }
0x1f2: {  	[sflag:s21] =	ssyncadd.s32 $0xFFFFEC00  }
0x1f3: {  	[tilespmem:s13], [sflag:$0x2] =	stream.indirect.gather [hbm4b:s4+s11], $0x80, s8, s11, $0xb8;
	[tilespmem:$0x1A6D0] =	vst v63  }
0x1f4: {  	_ =	swait.ge [sflag:s22], $0x1400  }
0x1f5: {  	s8 =	sld [smem:$0x7F9]  }
0x1f6: {  	[sflag:s22] =	ssyncset.done $0x0  }
0x1f7: {  	[sflag:s22] =	ssyncadd.s32 $0xFFFFEC00  }
0x1f8: {  	[spmem:s2] =	stream.indirect.scatter.add.f32 [tilespmem:s15], [sflag:$0x9], $0x80, s8, s11, $0xb8;
	[tilespmem:$0x1A6D0] =	vst v63  }
0x1f9: {  	_ =	swait.ge [sflag:s23], $0x1400  }
0x1fa: {  	s8 =	sld [smem:$0x7FA]  }
0x1fb: {  	[sflag:s23] =	ssyncset.done $0x0  }
0x1fc: {  	[sflag:s23] =	ssyncadd.s32 $0xFFFFEC00  }
0x1fd: {  	[tilespmem:s14], [sflag:$0x3] =	stream.indirect.gather [hbm4b:s4+s11], $0x80, s8, s11, $0xb8;
	[tilespmem:$0x1A6D0] =	vst v63  }
0x1fe: {  	_ =	swait.ge [sflag:s24], $0x1400  }
0x1ff: {  	s8 =	sld [smem:$0x7FB]  }
0x200: {  	[sflag:s24] =	ssyncset.done $0x0  }
0x201: {  	[sflag:s24] =	ssyncadd.s32 $0xFFFFEC00  }
0x202: {  	[spmem:s2] =	stream.indirect.scatter.add.f32 [tilespmem:s16], [sflag:$0xA], $0x80, s8, s11, $0xb8;
	[tilespmem:$0x1A6D0] =	vst v63  }
0x203: {  	_ =	swait.ge [sflag:s26], $0x1400  }
0x204: {  	s8 =	sld [smem:$0x7FC]  }
0x205: {  	[sflag:s26] =	ssyncset.done $0x0  }
0x206: {  	[sflag:s26] =	ssyncadd.s32 $0xFFFFEC00  }
0x207: {  	[tilespmem:s15], [sflag:$0x4] =	stream.indirect.gather [hbm4b:s4+s11], $0x80, s8, s11, $0xb8;
	[tilespmem:$0x1A6D0] =	vst v63  }
0x208: {  	_ =	swait.ge [sflag:s17], $0x1400  }
0x209: {  	[sflag:s17] =	ssyncset.done $0x0  }
0x20a: {  	s29 =	simm.s32 $0x708;
	[sflag:s17] =	ssyncadd.s32 $0xFFFFEC00  }
0x20b: {  	[spmem:s2] =	stream.indirect.scatter.add.f32 [tilespmem:s12], [sflag:$0x6], $0x80, s29, s11, $0xb8;
	[tilespmem:$0x1A6D0] =	vst v63  }
0x20c: {  	_ =	swait.ge [sflag:s28], $0x1400  }
0x20d: {  	[sflag:s28] =	ssyncset.done $0x0  }
0x20e: {  	[sflag:s28] =	ssyncadd.s32 $0xFFFFEC00  }
0x20f: {  	[tilespmem:s16], [sflag:$0x5] =	stream.indirect.gather [hbm4b:s4+s11], $0x80, s30, s11, $0xb8;
	[tilespmem:$0x1A6D0] =	vst v63  }
0x210: {  	_ =	swait.ge [sflag:s18], $0x1400  }
0x211: {  	[sflag:s18] =	ssyncset.done $0x0  }
0x212: {  	[sflag:s18] =	ssyncadd.s32 $0xFFFFEC00  }
0x213: {  	[spmem:s2] =	stream.indirect.scatter.add.f32 [tilespmem:s13], [sflag:$0x7], $0x80, s31, s11, $0xb8;
	[tilespmem:$0x1A6D0] =	vst v63  }
0x214: {  	_ =	swait.ge [sflag:s19], $0x1400  }
0x215: {  	[sflag:s19] =	ssyncset.done $0x0  }
0x216: {  	[sflag:s19] =	ssyncadd.s32 $0xFFFFEC00  }
0x217: {  	_ =	swait.ge [sflag:s20], $0x1400  }
0x218: {  	[sflag:s20] =	ssyncset.done $0x0  }
0x219: {  	[sflag:s20] =	ssyncadd.s32 $0xFFFFEC00  }
0x21a: {  	[spmem:s2] =	stream.indirect.scatter.add.f32 [tilespmem:s14], [sflag:$0x8], $0x80, s1, s11, $0xb8;
	[tilespmem:$0x1A6D0] =	vst v63  }
0x21b: {  	_ =	swait.ge [sflag:s21], $0x1400  }
0x21c: {  	[sflag:s21] =	ssyncset.done $0x0  }
0x21d: {  	[sflag:s21] =	ssyncadd.s32 $0xFFFFEC00  }
0x21e: {  	_ =	swait.ge [sflag:s22], $0x1400  }
0x21f: {  	[sflag:s22] =	ssyncset.done $0x0  }
0x220: {  	[sflag:s22] =	ssyncadd.s32 $0xFFFFEC00  }
0x221: {  	[spmem:s2] =	stream.indirect.scatter.add.f32 [tilespmem:s15], [sflag:$0x9], $0x80, s0, s11, $0xb8;
	[tilespmem:$0x1A6D0] =	vst v63  }
0x222: {  	_ =	swait.ge [sflag:s23], $0x1400  }
0x223: {  	[sflag:s23] =	ssyncset.done $0x0  }
0x224: {  	[sflag:s23] =	ssyncadd.s32 $0xFFFFEC00  }
0x225: {  	_ =	swait.ge [sflag:s24], $0x1400  }
0x226: {  	[sflag:s24] =	ssyncset.done $0x0  }
0x227: {  	p0 =	sne.s32 s6, $0x465;
	[sflag:s24] =	ssyncadd.s32 $0xFFFFEC00  }
0x228: {  	[spmem:s2] =	stream.indirect.scatter.add.f32 [tilespmem:s16], [sflag:$0xA], $0x80, s5, s11, $0xb8;
	[tilespmem:$0x1A6D0] =	vst v63  }
.Ltmp1:
0x229: {  	_ =	swait.ge [sflag:s26], $0x1400;
	(pc) =	sbr.rel @p0 .LBB2_4-.Ltmp1, $4  }
0x22a: {  	[sflag:s26] =	ssyncset.done $0x0  }
0x22b: {  	[sflag:s26] =	ssyncadd.s32 $0xFFFFEC00  }
0x22c: {  	_ =	swait.ge [sflag:s28], $0x1400  }
0x22d: {  	s6 =	sadd.s32 $0x7D, s6;
	s8 =	rddreg [dreg:$0x4];
	[sflag:s28] =	ssyncset.done $0x0  }
0x22e: {  	[sflag:s28] =	ssyncadd.s32 $0xFFFFEC00;
	s6 =	sadd.s32 s25, s8  }
0x22f: {  	[tilespmem:s3], [sflag:$0xB] =	stream.linear.gather [hbm4b:s6+s3], $0x3E8, $0x38;
	[tilespmem:$0x1A6D0] =	vst v63  }
0x230: {  	_ =	swait.ge [sflag:s9], $0x3E8  }
0x231: {  	s8 =	rddreg [dreg:$0x3];
	[sflag:s9] =	ssyncset.done $0x0  }
0x232: {  	[sflag:s9] =	ssyncadd.s32 $0xFFFFFC18;
	s6 =	sadd.s32 s25, s8  }
0x233: {  	[tilespmem:s10], [sflag:$0xB] =	stream.linear.gather [hbm4b:s6+s3], $0x3E8, $0x38;
	[tilespmem:$0x1A6D0] =	vst v63  }
0x234: {  	_ =	swait.ge [sflag:s9], $0x3E8  }
0x235: {  	[sflag:s9] =	ssyncset.done $0x0  }
0x236: {  	[sflag:s9] =	ssyncadd.s32 $0xFFFFFC18  }
0x237: {  	[tilespmem:s12], [sflag:$0x1] =	stream.indirect.gather [hbm4b:s4+s11], $0x80, s3, s11, $0xb8;
	[tilespmem:$0x1A6D0] =	vst v63  }
0x238: {  	_ = 	snop  }
0x239: {  	[tilespmem:s13], [sflag:$0x2] =	stream.indirect.gather [hbm4b:s4+s11], $0x80, s11, s11, $0xb8;
	[tilespmem:$0x1A6D0] =	vst v63  }
0x23a: {  	s25 =	rddreg [dreg:$0x5]  }
0x23b: {  	[tilespmem:s14], [sflag:$0x3] =	stream.indirect.gather [hbm4b:s4+s11], $0x80, s25, s11, $0xb8;
	[tilespmem:$0x1A6D0] =	vst v63  }
0x23c: {  	s8 =	rddreg [dreg:$0x6]  }
0x23d: {  	[tilespmem:s15], [sflag:$0x4] =	stream.indirect.gather [hbm4b:s4+s11], $0x80, s8, s11, $0xb8;
	[tilespmem:$0x1A6D0] =	vst v63  }
0x23e: {  	s25 =	rddreg [dreg:$0x7]  }
0x23f: {  	[tilespmem:s16], [sflag:$0x5] =	stream.indirect.gather [hbm4b:s4+s11], $0x80, s25, s11, $0xb8;
	[tilespmem:$0x1A6D0] =	vst v63  }
0x240: {  	_ =	swait.ge [sflag:s17], $0x1400  }
0x241: {  	[sflag:s17] =	ssyncset.done $0x0  }
0x242: {  	[sflag:s17] =	ssyncadd.s32 $0xFFFFEC00  }
0x243: {  	[spmem:s2] =	stream.indirect.scatter.add.f32 [tilespmem:s12], [sflag:$0x6], $0x80, s10, s11, $0xb8;
	[tilespmem:$0x1A6D0] =	vst v63  }
0x244: {  	_ =	swait.ge [sflag:s18], $0x1400  }
0x245: {  	[sflag:s18] =	ssyncset.done $0x0  }
0x246: {  	s25 =	rddreg [dreg:$0x8];
	[sflag:s18] =	ssyncadd.s32 $0xFFFFEC00  }
0x247: {  	[spmem:s2] =	stream.indirect.scatter.add.f32 [tilespmem:s13], [sflag:$0x7], $0x80, s25, s11, $0xb8;
	[tilespmem:$0x1A6D0] =	vst v63  }
0x248: {  	_ =	swait.ge [sflag:s19], $0x1400  }
0x249: {  	[sflag:s19] =	ssyncset.done $0x0  }
0x24a: {  	s8 =	rddreg [dreg:$0x9];
	[sflag:s19] =	ssyncadd.s32 $0xFFFFEC00  }
0x24b: {  	[tilespmem:s12], [sflag:$0x1] =	stream.indirect.gather [hbm4b:s4+s11], $0x80, s8, s11, $0xb8;
	[tilespmem:$0x1A6D0] =	vst v63  }
0x24c: {  	_ =	swait.ge [sflag:s20], $0x1400  }
0x24d: {  	[sflag:s20] =	ssyncset.done $0x0  }
0x24e: {  	s25 =	rddreg [dreg:$0xa];
	[sflag:s20] =	ssyncadd.s32 $0xFFFFEC00  }
0x24f: {  	[spmem:s2] =	stream.indirect.scatter.add.f32 [tilespmem:s14], [sflag:$0x8], $0x80, s25, s11, $0xb8;
	[tilespmem:$0x1A6D0] =	vst v63  }
0x250: {  	_ =	swait.ge [sflag:s21], $0x1400  }
0x251: {  	[sflag:s21] =	ssyncset.done $0x0  }
0x252: {  	s8 =	rddreg [dreg:$0xb];
	[sflag:s21] =	ssyncadd.s32 $0xFFFFEC00  }
0x253: {  	[tilespmem:s13], [sflag:$0x2] =	stream.indirect.gather [hbm4b:s4+s11], $0x80, s8, s11, $0xb8;
	[tilespmem:$0x1A6D0] =	vst v63  }
0x254: {  	_ =	swait.ge [sflag:s22], $0x1400  }
0x255: {  	[sflag:s22] =	ssyncset.done $0x0  }
0x256: {  	s25 =	rddreg [dreg:$0xc];
	[sflag:s22] =	ssyncadd.s32 $0xFFFFEC00  }
0x257: {  	[spmem:s2] =	stream.indirect.scatter.add.f32 [tilespmem:s15], [sflag:$0x9], $0x80, s25, s11, $0xb8;
	[tilespmem:$0x1A6D0] =	vst v63  }
0x258: {  	_ =	swait.ge [sflag:s23], $0x1400  }
0x259: {  	[sflag:s23] =	ssyncset.done $0x0  }
0x25a: {  	s8 =	rddreg [dreg:$0xd];
	[sflag:s23] =	ssyncadd.s32 $0xFFFFEC00  }
0x25b: {  	[tilespmem:s14], [sflag:$0x3] =	stream.indirect.gather [hbm4b:s4+s11], $0x80, s8, s11, $0xb8;
	[tilespmem:$0x1A6D0] =	vst v63  }
0x25c: {  	_ =	swait.ge [sflag:s24], $0x1400  }
0x25d: {  	[sflag:s24] =	ssyncset.done $0x0  }
0x25e: {  	s25 =	rddreg [dreg:$0xe];
	[sflag:s24] =	ssyncadd.s32 $0xFFFFEC00  }
0x25f: {  	[spmem:s2] =	stream.indirect.scatter.add.f32 [tilespmem:s16], [sflag:$0xA], $0x80, s25, s11, $0xb8;
	[tilespmem:$0x1A6D0] =	vst v63  }
0x260: {  	_ =	swait.ge [sflag:s26], $0x1400  }
0x261: {  	[sflag:s26] =	ssyncset.done $0x0  }
0x262: {  	s8 =	rddreg [dreg:$0xf];
	[sflag:s26] =	ssyncadd.s32 $0xFFFFEC00  }
0x263: {  	[tilespmem:s15], [sflag:$0x4] =	stream.indirect.gather [hbm4b:s4+s11], $0x80, s8, s11, $0xb8;
	[tilespmem:$0x1A6D0] =	vst v63  }
0x264: {  	_ =	swait.ge [sflag:s17], $0x1400  }
0x265: {  	[sflag:s17] =	ssyncset.done $0x0  }
0x266: {  	s25 =	rddreg [dreg:$0x10];
	[sflag:s17] =	ssyncadd.s32 $0xFFFFEC00  }
0x267: {  	[spmem:s2] =	stream.indirect.scatter.add.f32 [tilespmem:s12], [sflag:$0x6], $0x80, s25, s11, $0xb8;
	[tilespmem:$0x1A6D0] =	vst v63  }
0x268: {  	_ =	swait.ge [sflag:s28], $0x1400  }
0x269: {  	[sflag:s28] =	ssyncset.done $0x0  }
0x26a: {  	s8 =	rddreg [dreg:$0x11];
	[sflag:s28] =	ssyncadd.s32 $0xFFFFEC00  }
0x26b: {  	[tilespmem:s16], [sflag:$0x5] =	stream.indirect.gather [hbm4b:s4+s11], $0x80, s8, s11, $0xb8;
	[tilespmem:$0x1A6D0] =	vst v63  }
0x26c: {  	_ =	swait.ge [sflag:s18], $0x1400  }
0x26d: {  	[sflag:s18] =	ssyncset.done $0x0  }
0x26e: {  	s25 =	rddreg [dreg:$0x12];
	[sflag:s18] =	ssyncadd.s32 $0xFFFFEC00  }
0x26f: {  	[spmem:s2] =	stream.indirect.scatter.add.f32 [tilespmem:s13], [sflag:$0x7], $0x80, s25, s11, $0xb8;
	[tilespmem:$0x1A6D0] =	vst v63  }
0x270: {  	_ =	swait.ge [sflag:s19], $0x1400  }
0x271: {  	[sflag:s19] =	ssyncset.done $0x0  }
0x272: {  	s8 =	rddreg [dreg:$0x13];
	[sflag:s19] =	ssyncadd.s32 $0xFFFFEC00  }
0x273: {  	[tilespmem:s12], [sflag:$0x1] =	stream.indirect.gather [hbm4b:s4+s11], $0x80, s8, s11, $0xb8;
	[tilespmem:$0x1A6D0] =	vst v63  }
0x274: {  	_ =	swait.ge [sflag:s20], $0x1400  }
0x275: {  	[sflag:s20] =	ssyncset.done $0x0  }
0x276: {  	s25 =	rddreg [dreg:$0x14];
	[sflag:s20] =	ssyncadd.s32 $0xFFFFEC00  }
0x277: {  	[spmem:s2] =	stream.indirect.scatter.add.f32 [tilespmem:s14], [sflag:$0x8], $0x80, s25, s11, $0xb8;
	[tilespmem:$0x1A6D0] =	vst v63  }
0x278: {  	_ =	swait.ge [sflag:s21], $0x1400  }
0x279: {  	[sflag:s21] =	ssyncset.done $0x0  }
0x27a: {  	s8 =	rddreg [dreg:$0x15];
	[sflag:s21] =	ssyncadd.s32 $0xFFFFEC00  }
0x27b: {  	[tilespmem:s13], [sflag:$0x2] =	stream.indirect.gather [hbm4b:s4+s11], $0x80, s8, s11, $0xb8;
	[tilespmem:$0x1A6D0] =	vst v63  }
0x27c: {  	_ =	swait.ge [sflag:s22], $0x1400  }
0x27d: {  	[sflag:s22] =	ssyncset.done $0x0  }
0x27e: {  	s25 =	rddreg [dreg:$0x16];
	[sflag:s22] =	ssyncadd.s32 $0xFFFFEC00  }
0x27f: {  	[spmem:s2] =	stream.indirect.scatter.add.f32 [tilespmem:s15], [sflag:$0x9], $0x80, s25, s11, $0xb8;
	[tilespmem:$0x1A6D0] =	vst v63  }
0x280: {  	_ =	swait.ge [sflag:s23], $0x1400  }
0x281: {  	[sflag:s23] =	ssyncset.done $0x0  }
0x282: {  	s8 =	rddreg [dreg:$0x17];
	[sflag:s23] =	ssyncadd.s32 $0xFFFFEC00  }
0x283: {  	[tilespmem:s14], [sflag:$0x3] =	stream.indirect.gather [hbm4b:s4+s11], $0x80, s8, s11, $0xb8;
	[tilespmem:$0x1A6D0] =	vst v63  }
0x284: {  	_ =	swait.ge [sflag:s24], $0x1400  }
0x285: {  	[sflag:s24] =	ssyncset.done $0x0  }
0x286: {  	s25 =	rddreg [dreg:$0x18];
	[sflag:s24] =	ssyncadd.s32 $0xFFFFEC00  }
0x287: {  	[spmem:s2] =	stream.indirect.scatter.add.f32 [tilespmem:s16], [sflag:$0xA], $0x80, s25, s11, $0xb8;
	[tilespmem:$0x1A6D0] =	vst v63  }
0x288: {  	_ =	swait.ge [sflag:s26], $0x1400  }
0x289: {  	[sflag:s26] =	ssyncset.done $0x0  }
0x28a: {  	s8 =	rddreg [dreg:$0x19];
	[sflag:s26] =	ssyncadd.s32 $0xFFFFEC00  }
0x28b: {  	[tilespmem:s15], [sflag:$0x4] =	stream.indirect.gather [hbm4b:s4+s11], $0x80, s8, s11, $0xb8;
	[tilespmem:$0x1A6D0] =	vst v63  }
0x28c: {  	_ =	swait.ge [sflag:s17], $0x1400  }
0x28d: {  	[sflag:s17] =	ssyncset.done $0x0  }
0x28e: {  	s25 =	rddreg [dreg:$0x1a];
	[sflag:s17] =	ssyncadd.s32 $0xFFFFEC00  }
0x28f: {  	[spmem:s2] =	stream.indirect.scatter.add.f32 [tilespmem:s12], [sflag:$0x6], $0x80, s25, s11, $0xb8;
	[tilespmem:$0x1A6D0] =	vst v63  }
0x290: {  	_ =	swait.ge [sflag:s28], $0x1400  }
0x291: {  	[sflag:s28] =	ssyncset.done $0x0  }
0x292: {  	s8 =	rddreg [dreg:$0x1b];
	[sflag:s28] =	ssyncadd.s32 $0xFFFFEC00  }
0x293: {  	[tilespmem:s16], [sflag:$0x5] =	stream.indirect.gather [hbm4b:s4+s11], $0x80, s8, s11, $0xb8;
	[tilespmem:$0x1A6D0] =	vst v63  }
0x294: {  	_ =	swait.ge [sflag:s18], $0x1400  }
0x295: {  	[sflag:s18] =	ssyncset.done $0x0  }
0x296: {  	s25 =	rddreg [dreg:$0x1c];
	[sflag:s18] =	ssyncadd.s32 $0xFFFFEC00  }
0x297: {  	[spmem:s2] =	stream.indirect.scatter.add.f32 [tilespmem:s13], [sflag:$0x7], $0x80, s25, s11, $0xb8;
	[tilespmem:$0x1A6D0] =	vst v63  }
0x298: {  	_ =	swait.ge [sflag:s19], $0x1400  }
0x299: {  	[sflag:s19] =	ssyncset.done $0x0  }
0x29a: {  	s8 =	rddreg [dreg:$0x1d];
	[sflag:s19] =	ssyncadd.s32 $0xFFFFEC00  }
0x29b: {  	[tilespmem:s12], [sflag:$0x1] =	stream.indirect.gather [hbm4b:s4+s11], $0x80, s8, s11, $0xb8;
	[tilespmem:$0x1A6D0] =	vst v63  }
0x29c: {  	_ =	swait.ge [sflag:s20], $0x1400  }
0x29d: {  	[sflag:s20] =	ssyncset.done $0x0  }
0x29e: {  	s25 =	rddreg [dreg:$0x1e];
	[sflag:s20] =	ssyncadd.s32 $0xFFFFEC00  }
0x29f: {  	[spmem:s2] =	stream.indirect.scatter.add.f32 [tilespmem:s14], [sflag:$0x8], $0x80, s25, s11, $0xb8;
	[tilespmem:$0x1A6D0] =	vst v63  }
0x2a0: {  	_ =	swait.ge [sflag:s21], $0x1400  }
0x2a1: {  	[sflag:s21] =	ssyncset.done $0x0  }
0x2a2: {  	s8 =	rddreg [dreg:$0x1f];
	[sflag:s21] =	ssyncadd.s32 $0xFFFFEC00  }
0x2a3: {  	[tilespmem:s13], [sflag:$0x2] =	stream.indirect.gather [hbm4b:s4+s11], $0x80, s8, s11, $0xb8;
	[tilespmem:$0x1A6D0] =	vst v63  }
0x2a4: {  	_ =	swait.ge [sflag:s22], $0x1400  }
0x2a5: {  	s25 =	sld [smem:$0x7EF]  }
0x2a6: {  	[sflag:s22] =	ssyncset.done $0x0  }
0x2a7: {  	[sflag:s22] =	ssyncadd.s32 $0xFFFFEC00  }
0x2a8: {  	[spmem:s2] =	stream.indirect.scatter.add.f32 [tilespmem:s15], [sflag:$0x9], $0x80, s25, s11, $0xb8;
	[tilespmem:$0x1A6D0] =	vst v63  }
0x2a9: {  	_ =	swait.ge [sflag:s23], $0x1400  }
0x2aa: {  	s8 =	sld [smem:$0x7F0]  }
0x2ab: {  	[sflag:s23] =	ssyncset.done $0x0  }
0x2ac: {  	[sflag:s23] =	ssyncadd.s32 $0xFFFFEC00  }
0x2ad: {  	[tilespmem:s14], [sflag:$0x3] =	stream.indirect.gather [hbm4b:s4+s11], $0x80, s8, s11, $0xb8;
	[tilespmem:$0x1A6D0] =	vst v63  }
0x2ae: {  	_ =	swait.ge [sflag:s24], $0x1400  }
0x2af: {  	s25 =	sld [smem:$0x7F1]  }
0x2b0: {  	[sflag:s24] =	ssyncset.done $0x0  }
0x2b1: {  	[sflag:s24] =	ssyncadd.s32 $0xFFFFEC00  }
0x2b2: {  	[spmem:s2] =	stream.indirect.scatter.add.f32 [tilespmem:s16], [sflag:$0xA], $0x80, s25, s11, $0xb8;
	[tilespmem:$0x1A6D0] =	vst v63  }
0x2b3: {  	_ =	swait.ge [sflag:s26], $0x1400  }
0x2b4: {  	s8 =	sld [smem:$0x7F2]  }
0x2b5: {  	[sflag:s26] =	ssyncset.done $0x0  }
0x2b6: {  	[sflag:s26] =	ssyncadd.s32 $0xFFFFEC00  }
0x2b7: {  	[tilespmem:s15], [sflag:$0x4] =	stream.indirect.gather [hbm4b:s4+s11], $0x80, s8, s11, $0xb8;
	[tilespmem:$0x1A6D0] =	vst v63  }
0x2b8: {  	_ =	swait.ge [sflag:s17], $0x1400  }
0x2b9: {  	s25 =	sld [smem:$0x7F3]  }
0x2ba: {  	[sflag:s17] =	ssyncset.done $0x0  }
0x2bb: {  	[sflag:s17] =	ssyncadd.s32 $0xFFFFEC00  }
0x2bc: {  	[spmem:s2] =	stream.indirect.scatter.add.f32 [tilespmem:s12], [sflag:$0x6], $0x80, s25, s11, $0xb8;
	[tilespmem:$0x1A6D0] =	vst v63  }
0x2bd: {  	_ =	swait.ge [sflag:s28], $0x1400  }
0x2be: {  	s8 =	sld [smem:$0x7F4]  }
0x2bf: {  	[sflag:s28] =	ssyncset.done $0x0  }
0x2c0: {  	[sflag:s28] =	ssyncadd.s32 $0xFFFFEC00  }
0x2c1: {  	[tilespmem:s16], [sflag:$0x5] =	stream.indirect.gather [hbm4b:s4+s11], $0x80, s8, s11, $0xb8;
	[tilespmem:$0x1A6D0] =	vst v63  }
0x2c2: {  	_ =	swait.ge [sflag:s18], $0x1400  }
0x2c3: {  	s25 =	sld [smem:$0x7F5]  }
0x2c4: {  	[sflag:s18] =	ssyncset.done $0x0  }
0x2c5: {  	[sflag:s18] =	ssyncadd.s32 $0xFFFFEC00  }
0x2c6: {  	[spmem:s2] =	stream.indirect.scatter.add.f32 [tilespmem:s13], [sflag:$0x7], $0x80, s25, s11, $0xb8;
	[tilespmem:$0x1A6D0] =	vst v63  }
0x2c7: {  	_ =	swait.ge [sflag:s19], $0x1400  }
0x2c8: {  	s8 =	sld [smem:$0x7F6]  }
0x2c9: {  	[sflag:s19] =	ssyncset.done $0x0  }
0x2ca: {  	[sflag:s19] =	ssyncadd.s32 $0xFFFFEC00  }
0x2cb: {  	[tilespmem:s12], [sflag:$0x1] =	stream.indirect.gather [hbm4b:s4+s11], $0x80, s8, s11, $0xb8;
	[tilespmem:$0x1A6D0] =	vst v63  }
0x2cc: {  	_ =	swait.ge [sflag:s20], $0x1400  }
0x2cd: {  	s25 =	sld [smem:$0x7F7]  }
0x2ce: {  	[sflag:s20] =	ssyncset.done $0x0  }
0x2cf: {  	[sflag:s20] =	ssyncadd.s32 $0xFFFFEC00  }
0x2d0: {  	[spmem:s2] =	stream.indirect.scatter.add.f32 [tilespmem:s14], [sflag:$0x8], $0x80, s25, s11, $0xb8;
	[tilespmem:$0x1A6D0] =	vst v63  }
0x2d1: {  	_ =	swait.ge [sflag:s21], $0x1400  }
0x2d2: {  	s8 =	sld [smem:$0x7F8]  }
0x2d3: {  	[sflag:s21] =	ssyncset.done $0x0  }
0x2d4: {  	[sflag:s21] =	ssyncadd.s32 $0xFFFFEC00  }
0x2d5: {  	[tilespmem:s13], [sflag:$0x2] =	stream.indirect.gather [hbm4b:s4+s11], $0x80, s8, s11, $0xb8;
	[tilespmem:$0x1A6D0] =	vst v63  }
0x2d6: {  	_ =	swait.ge [sflag:s22], $0x1400  }
0x2d7: {  	s25 =	sld [smem:$0x7F9]  }
0x2d8: {  	[sflag:s22] =	ssyncset.done $0x0  }
0x2d9: {  	[sflag:s22] =	ssyncadd.s32 $0xFFFFEC00  }
0x2da: {  	[spmem:s2] =	stream.indirect.scatter.add.f32 [tilespmem:s15], [sflag:$0x9], $0x80, s25, s11, $0xb8;
	[tilespmem:$0x1A6D0] =	vst v63  }
0x2db: {  	_ =	swait.ge [sflag:s23], $0x1400  }
0x2dc: {  	s8 =	sld [smem:$0x7FA]  }
0x2dd: {  	[sflag:s23] =	ssyncset.done $0x0  }
0x2de: {  	[sflag:s23] =	ssyncadd.s32 $0xFFFFEC00  }
0x2df: {  	[tilespmem:s14], [sflag:$0x3] =	stream.indirect.gather [hbm4b:s4+s11], $0x80, s8, s11, $0xb8;
	[tilespmem:$0x1A6D0] =	vst v63  }
0x2e0: {  	_ =	swait.ge [sflag:s24], $0x1400  }
0x2e1: {  	s25 =	sld [smem:$0x7FB]  }
0x2e2: {  	[sflag:s24] =	ssyncset.done $0x0  }
0x2e3: {  	[sflag:s24] =	ssyncadd.s32 $0xFFFFEC00  }
0x2e4: {  	[spmem:s2] =	stream.indirect.scatter.add.f32 [tilespmem:s16], [sflag:$0xA], $0x80, s25, s11, $0xb8;
	[tilespmem:$0x1A6D0] =	vst v63  }
0x2e5: {  	_ =	swait.ge [sflag:s26], $0x1400  }
0x2e6: {  	s8 =	sld [smem:$0x7FC]  }
0x2e7: {  	[sflag:s26] =	ssyncset.done $0x0  }
0x2e8: {  	[sflag:s26] =	ssyncadd.s32 $0xFFFFEC00  }
0x2e9: {  	[tilespmem:s15], [sflag:$0x4] =	stream.indirect.gather [hbm4b:s4+s11], $0x80, s8, s11, $0xb8;
	[tilespmem:$0x1A6D0] =	vst v63  }
0x2ea: {  	_ =	swait.ge [sflag:s17], $0x1400  }
0x2eb: {  	[sflag:s17] =	ssyncset.done $0x0  }
0x2ec: {  	[sflag:s17] =	ssyncadd.s32 $0xFFFFEC00  }
0x2ed: {  	[spmem:s2] =	stream.indirect.scatter.add.f32 [tilespmem:s12], [sflag:$0x6], $0x80, s29, s11, $0xb8;
	[tilespmem:$0x1A6D0] =	vst v63  }
0x2ee: {  	_ =	swait.ge [sflag:s28], $0x1400  }
0x2ef: {  	[sflag:s28] =	ssyncset.done $0x0  }
0x2f0: {  	[sflag:s28] =	ssyncadd.s32 $0xFFFFEC00  }
0x2f1: {  	[tilespmem:s16], [sflag:$0x5] =	stream.indirect.gather [hbm4b:s4+s11], $0x80, s30, s11, $0xb8;
	[tilespmem:$0x1A6D0] =	vst v63  }
0x2f2: {  	_ =	swait.ge [sflag:s18], $0x1400  }
0x2f3: {  	[sflag:s18] =	ssyncset.done $0x0  }
0x2f4: {  	[sflag:s18] =	ssyncadd.s32 $0xFFFFEC00  }
0x2f5: {  	[spmem:s2] =	stream.indirect.scatter.add.f32 [tilespmem:s13], [sflag:$0x7], $0x80, s31, s11, $0xb8;
	[tilespmem:$0x1A6D0] =	vst v63  }
0x2f6: {  	_ =	swait.ge [sflag:s19], $0x1400  }
0x2f7: {  	[sflag:s19] =	ssyncset.done $0x0  }
0x2f8: {  	[sflag:s19] =	ssyncadd.s32 $0xFFFFEC00  }
0x2f9: {  	_ =	swait.ge [sflag:s20], $0x1400  }
0x2fa: {  	[sflag:s20] =	ssyncset.done $0x0  }
0x2fb: {  	[sflag:s20] =	ssyncadd.s32 $0xFFFFEC00  }
0x2fc: {  	[spmem:s2] =	stream.indirect.scatter.add.f32 [tilespmem:s14], [sflag:$0x8], $0x80, s1, s11, $0xb8;
	[tilespmem:$0x1A6D0] =	vst v63  }
0x2fd: {  	_ =	swait.ge [sflag:s21], $0x1400  }
0x2fe: {  	[sflag:s21] =	ssyncset.done $0x0  }
0x2ff: {  	[sflag:s21] =	ssyncadd.s32 $0xFFFFEC00  }
0x300: {  	_ =	swait.ge [sflag:s22], $0x1400  }
0x301: {  	[sflag:s22] =	ssyncset.done $0x0  }
0x302: {  	[sflag:s22] =	ssyncadd.s32 $0xFFFFEC00  }
0x303: {  	[spmem:s2] =	stream.indirect.scatter.add.f32 [tilespmem:s15], [sflag:$0x9], $0x80, s0, s11, $0xb8;
	[tilespmem:$0x1A6D0] =	vst v63  }
0x304: {  	_ =	swait.ge [sflag:s23], $0x1400  }
0x305: {  	[sflag:s23] =	ssyncset.done $0x0  }
0x306: {  	[sflag:s23] =	ssyncadd.s32 $0xFFFFEC00  }
0x307: {  	_ =	swait.ge [sflag:s24], $0x1400  }
0x308: {  	[sflag:s24] =	ssyncset.done $0x0  }
0x309: {  	[sflag:s24] =	ssyncadd.s32 $0xFFFFEC00  }
0x30a: {  	[spmem:s2] =	stream.indirect.scatter.add.f32 [tilespmem:s16], [sflag:$0xA], $0x80, s5, s11, $0xb8;
	[tilespmem:$0x1A6D0] =	vst v63  }
0x30b: {  	_ =	swait.ge [sflag:s26], $0x1400  }
0x30c: {  	[sflag:s26] =	ssyncset.done $0x0  }
0x30d: {  	[sflag:s26] =	ssyncadd.s32 $0xFFFFEC00  }
0x30e: {  	_ =	swait.ge [sflag:s28], $0x1400  }
0x30f: {  	[sflag:s28] =	ssyncset.done $0x0  }
0x310: {  	[sflag:s28] =	ssyncadd.s32 $0xFFFFEC00  }
0x311: {  	[bflag:$0x0] =	sbarrier.arrive $0xFFFF  }
0x312: {  	s25 =	stileid.u32;
	s8 =	sld [smem:$0x7ED]  }
0x313: {  	s6 =	sshll.u32 s25, $0x6;
	s25 =	sld [smem:$0x7FD];
	_ =	sdelay $0x1  }
0x314: {  	s6 =	sor.u32 $0x1C0B, s6  }
0x315: {  	[hbm:s8], [sflag:s6] =	dma.local [spmem:s25], $0x2710  }
0x316: {  	_ =	swait.ge [sflag:s9], $0x2710  }
0x317: {  	s6 =	sld [smem:$0x7EC]  }
0x318: {  	s25 =	sld [smem:$0x7EE];
	_ =	sdelay $0x1  }
0x319: {  	s8 =	sadd.s32 $0x1, s6  }
0x31a: {  	p0 =	sne.s32 s8, s25  }
.Ltmp2:
0x31b: {  	_ = 	snop;
	(pc) =	sbr.rel @p0 .LBB2_1-.Ltmp2, $3  }
0x31c: {  	_ =	sdelay $0x1  }
0x31d: {  	[sflag:s9] =	ssyncset.done $0x0  }
0x31e: {  	[sflag:s9] =	ssyncadd.s32 $0xFFFFD8F0;
	s25 =	simm.s32 $0x7D0  }
0x31f: {  	_ =	sfence.sel $0x180000  }
0x320: {  	[bflag:$0x0] =	sbarrier.arrive $0xFFFF  }
0x321: {  	_ =	strace $0x9000004A  }
0x322: {  	s0 =	stileid.u32;
	[bflag:$0x2] =	sbarrier.arrive $0xFFFF  }
0x323: {  	p0 =	sne.s32 s0, $0x0;
	s0 =	rddreg [dreg:$0x2]  }
0x324: {  	s0 =	sadd.s32 @!p0 $0x100000, s0  }
0x325: {  	[sflag:s0] =	ssyncadd.tile.s32 @!p0 $0x1;
	_ =	shalt  }
.Lfunc_end2:
_tile_overlayer_lowered:
.L_overlay_start_2:
0x326: {  	(tag) =	ssettag $0x2  }
0x327: {  	s0 =	rddreg [dreg:$0x0];
	s2 =	stileid.u32  }
0x328: {  	s1 =	rddreg [dreg:$0x1];
	p0 =	sne.s32 s2, $0x0  }
0x329: {  	s3 =	rddreg [dreg:$0x2];
	[bflag:$0x3] =	sbarrier.arrive $0xFFFF;
	s2 =	simm.s32 @!p0 $0x1C0B  }
0x32a: {  	[timem:s3], [sflag:s2] =	dma.local @!p0 [hbm:s0], s1  }
0x32b: {  	s0 =	simm.s32 @!p0 $0xB  }
0x32c: {  	_ =	swait.ge @!p0 [sflag:s0], s1  }
0x32d: {  	s1 =	ssub.s32 @!p0 $0x0, s1;
	[sflag:s0] =	ssyncset.done @!p0 $0x0  }
0x32e: {  	[sflag:s0] =	ssyncadd.s32 @!p0 s1  }
0x32f: {  	[bflag:$0x3] =	sbarrier.arrive $0xFFFF  }
0x330: {  	_ =	shalt  }

// kernel: kernel.14.cloned.1.call-start
scs
__scs_entry_jumppad:
0x0: {  	(pc) =	sbr.rel $0x88, $3  }
0x1: {  	(tag) =	ssettag $0x0;
	lr =	simm.s32 $0x1  }
0x2: {  	[smem:$0x3F9B] =	sst lr;
	_ =	strace $0xD0000000  }
0x3: {  	_ = 	snop  }
0x4: {  	_ = 	snop  }
0x5: {  	_ = 	snop  }
0x6: {  	_ = 	snop  }
0x7: {  	_ = 	snop  }
__scs_overlays_trampoline_lowered:
0x8: {  	[smem:$0x3FAA] =	sst s0  }
0x9: {  	[smem:$0x3FAB] =	sst s1  }
0xa: {  	[smem:$0x3FAC] =	sst s2  }
0xb: {  	[smem:$0x3FAD] =	sst s3  }
0xc: {  	[smem:$0x3FAE] =	sst s4  }
0xd: {  	[smem:$0x3FAF] =	sst s5  }
0xe: {  	[smem:$0x3FB0] =	sst s6  }
0xf: {  	[smem:$0x3FB1] =	sst s7  }
0x10: {  	[smem:$0x3FB2] =	sst s8  }
0x11: {  	[smem:$0x3FB3] =	sst s9;
	s0 =	simm.s32 @!p0 $0x0  }
0x12: {  	s1 =	sld [smem:$0x3F99];
	s0 =	simm.s32 @p0 $0x1  }
0x13: {  	[smem:$0x3FB4] =	sst s0;
	s0 =	simm.s32 @!p1 $0x0  }
0x14: {  	s2 =	sld [smem:$0x3F98];
	s0 =	simm.s32 @p1 $0x1  }
0x15: {  	[smem:$0x3FB5] =	sst s0;
	s0 =	simm.s32 @!p2 $0x0  }
0x16: {  	s3 =	sld [smem:$0x3FDB];
	s0 =	simm.s32 @p2 $0x1  }
0x17: {  	s4 =	simm.s32 $0x1BF5;
	[smem:$0x3FB7] =	sst s0  }
0x18: {  	s0 =	sld [smem:$0x3F9A];
	_ =	swait.ge [sflag:s4], $0x0  }
0x19: {  	s7 =	sld [smem:$0x3F9B]  }
0x1a: {  	s8 =	sadd.s32 $0xFFFFE003, lr  }
0x1b: {  	s9 =	sadd.s32 $0xFFFFFEF7, lr;
	s5 =	simm.s32 $0xFFFFFFFF;
	p2 =	slt.u32 s8, $0xFFFFF086  }
0x1c: {  	p1 =	slt.u32 s9, $0xF7A;
	s5 =	simm.s32 @!p2 $0x0  }
0x1d: {  	s5 =	simm.s32 @p1 $0x1;
	p0 =	seq.s32 s7, s2  }
0x1e: {  	s7 =	smul.u32 @!p0 $0xF7A, s2;
	p2 =	seq.s32 @!p0 s5, $0x0  }
0x1f: {  	s9 =	smul.u32 $0xF7A, s1;
	s8 =	simm.s32 @!p0 $0x1BF5;
	p2 =	por !p2, p0  }
0x20: {  	[sflag:s8] =	ssyncset.s32 @!p0 $0xFFFFF086;
	s6 =	sadd.s32 @!p0 s3, s7;
	s7 =	simm.s32 @!p0 $0x108  }
0x21: {  	s3 =	sadd.s32 s3, s9;
	s6 =	sadd.s32 @!p0 $0x88, s6;
	s7 =	simm.s32 @p2 $0x1082  }
0x22: {  	[simem:s7], [sflag:s8] =	dma.local @!p0 [hbm:s6], $0xF7A  }
0x23: {  	s9 =	sor.u32 $0xD0000000, s2;
	s6 =	simm.s32 $0x108;
	_ =	swait.ge @!p0 [sflag:s8], $0x0  }
0x24: {  	s3 =	sadd.s32 $0x88, s3;
	s6 =	simm.s32 @!p1 $0x1082;
	[sflag:s4] =	ssyncset.s32 $0xFFFFF086  }
0x25: {  	[simem:s6], [sflag:s4] =	dma.local [hbm:s3], $0xF7A  }
0x26: {  	[smem:$0x3F9B] =	sst s1;
	(tag) =	ssettag s2;
	_ =	strace s9  }
0x27: {  	s1 =	sld [smem:$0x3FAB]  }
0x28: {  	s2 =	sld [smem:$0x3FAC]  }
0x29: {  	s4 =	sld [smem:$0x3FAE]  }
0x2a: {  	p0 =	seq.s32 s5, $0x0;
	s5 =	sld [smem:$0x3FAF]  }
0x2b: {  	s6 =	sld [smem:$0x3FB0]  }
0x2c: {  	s7 =	sld [smem:$0x3FB1]  }
0x2d: {  	s3 =	simm.s32 $0x108;
	s8 =	sld [smem:$0x3FB2]  }
0x2e: {  	s3 =	simm.s32 @!p0 $0x1082;
	s9 =	sld [smem:$0x3FB3]  }
0x2f: {  	lr =	sadd.s32 s0, s3;
	s0 =	sld [smem:$0x3FAA]  }
0x30: {  	s3 =	sld [smem:$0x3FAD]  }
0x31: {  	[smem:$0x3FB6] =	sst s10  }
0x32: {  	s10 =	sld [smem:$0x3FB4];
	_ =	sdelay $0x3  }
0x33: {  	p0 =	seq.s32 s10, $0x1;
	s10 =	sld [smem:$0x3FB6];
	_ =	sdelay $0x3  }
0x34: {  	[smem:$0x3FB6] =	sst s10  }
0x35: {  	s10 =	sld [smem:$0x3FB5];
	_ =	sdelay $0x3  }
0x36: {  	p1 =	seq.s32 s10, $0x1;
	s10 =	sld [smem:$0x3FB6];
	_ =	sdelay $0x3  }
0x37: {  	[smem:$0x3FB6] =	sst s10  }
0x38: {  	s10 =	sld [smem:$0x3FB7]  }
0x39: {  	_ = 	snop;
	(pc) =	sbr.ind lr, $3  }
0x3a: {  	_ = 	snop  }
0x3b: {  	_ = 	snop  }
0x3c: {  	p2 =	seq.s32 s10, $0x1;
	s10 =	sld [smem:$0x3FB6]  }
0x3d: {  	_ =	shalt  }
0x3e: {  	_ =	shalt  }
0x3f: {  	_ =	shalt  }
0x40: {  	_ =	shalt  }
0x41: {  	_ =	shalt  }
0x42: {  	_ =	shalt  }
0x43: {  	_ =	shalt  }
0x44: {  	_ =	shalt  }
0x45: {  	_ =	shalt  }
0x46: {  	_ =	shalt  }
0x47: {  	_ =	shalt  }
0x48: {  	_ =	shalt  }
0x49: {  	_ =	shalt  }
0x4a: {  	_ =	shalt  }
0x4b: {  	_ =	shalt  }
0x4c: {  	_ =	shalt  }
0x4d: {  	_ =	shalt  }
0x4e: {  	_ =	shalt  }
0x4f: {  	_ =	shalt  }
0x50: {  	_ =	shalt  }
0x51: {  	_ =	shalt  }
0x52: {  	_ =	shalt  }
0x53: {  	_ =	shalt  }
0x54: {  	_ =	shalt  }
0x55: {  	_ =	shalt  }
0x56: {  	_ =	shalt  }
0x57: {  	_ =	shalt  }
0x58: {  	_ =	shalt  }
0x59: {  	_ =	shalt  }
0x5a: {  	_ =	shalt  }
0x5b: {  	_ =	shalt  }
0x5c: {  	_ =	shalt  }
0x5d: {  	_ =	shalt  }
0x5e: {  	_ =	shalt  }
0x5f: {  	_ =	shalt  }
0x60: {  	_ =	shalt  }
0x61: {  	_ =	shalt  }
0x62: {  	_ =	shalt  }
0x63: {  	_ =	shalt  }
0x64: {  	_ =	shalt  }
0x65: {  	_ =	shalt  }
0x66: {  	_ =	shalt  }
0x67: {  	_ =	shalt  }
0x68: {  	_ =	shalt  }
0x69: {  	_ =	shalt  }
0x6a: {  	_ =	shalt  }
0x6b: {  	_ =	shalt  }
0x6c: {  	_ =	shalt  }
0x6d: {  	_ =	shalt  }
0x6e: {  	_ =	shalt  }
0x6f: {  	_ =	shalt  }
0x70: {  	_ =	shalt  }
0x71: {  	_ =	shalt  }
0x72: {  	_ =	shalt  }
0x73: {  	_ =	shalt  }
0x74: {  	_ =	shalt  }
0x75: {  	_ =	shalt  }
0x76: {  	_ =	shalt  }
0x77: {  	_ =	shalt  }
0x78: {  	_ =	shalt  }
0x79: {  	_ =	shalt  }
0x7a: {  	_ =	shalt  }
0x7b: {  	_ =	shalt  }
0x7c: {  	_ =	shalt  }
0x7d: {  	_ =	shalt  }
0x7e: {  	_ =	shalt  }
0x7f: {  	_ =	shalt  }
0x80: {  	_ =	shalt  }
0x81: {  	_ =	shalt  }
0x82: {  	_ =	shalt  }
0x83: {  	_ =	shalt  }
0x84: {  	_ =	shalt  }
0x85: {  	_ =	shalt  }
0x86: {  	_ =	shalt  }
0x87: {  	_ =	shalt  }
.Lfunc_end0:
.L_simem_size_0:
called_computation.2_lowered:
.L_overlay_start_0:
0x88: {  	s2 =	sld [smem:$0x3FD9]  }
0x89: {  	s3 =	sld [smem:$0x3FFE];
	_ =	sdelay $0x1  }
0x8a: {  	s1 =	srdreg.scid  }
0x8b: {  	s0 =	sand.u32 $0x1, s1  }
0x8c: {  	s16 =	sshll.u32 s0, $0xA;
	s2 =	sadd.s32 s3, s2  }
0x8d: {  	s2 =	sadd.s32 s2, s16  }
0x8e: {  	[smem:$0x3FC2] =	sst s2  }
0x8f: {  	_ = 	snop  }
0x90: {  	(tm) =	ssettm $0x1  }
0x91: {  	s17 =	sld [smem:$0x3FFB];
	_ =	sdelay $0x3  }
0x92: {  	_ =	strace s17  }
0x93: {  	s2 =	sld [smem:$0x3FFC];
	_ =	sdelay $0x3  }
0x94: {  	_ =	strace s2  }
0x95: {  	s2 =	sld [smem:$0x3FFD];
	_ =	sdelay $0x3  }
0x96: {  	_ =	strace s2  }
0x97: {  	_ =	strace $0x8FFFFFFF  }
0x98: {  	s18 =	sld [smem:$0x3FDB];
	_ =	sdelay $0x1  }
0x99: {  	s19 =	simm.s32 $_scs_section_size  }
0x9a: {  	s4 =	simm.s32 $_size__tile_overlayer_lowered;
	s5 =	simm.s32 $_tile_overlayer_lowered  }
0x9b: {  	s22 =	simm.s32 $0x1BFF;
	s21 =	sshll.u32 s5, $0x1;
	s2 =	sadd.s32 s19, s18  }
0x9c: {  	s6 =	simm.s32 $0x0;
	s20 =	sshll.u32 s4, $0x1;
	s4 =	sadd.s32 s21, s2  }
0x9d: {  	[timem:s6], [sflag:s22] =	dma.local [hbm:s4], s20  }
0x9e: {  	_ =	swait.ge [sflag:s22], s20  }
0x9f: {  	s3 =	ssub.s32 $0x0, s20;
	[sflag:s22] =	ssyncset.done $0x0  }
0xa0: {  	[sflag:s22] =	ssyncadd.s32 s3;
	_ =	sdelay $0x1  }
0xa1: {  	s23 =	simm.s32 $0x1B8B  }
0xa2: {  	_ =	swait.ge [sflag:s23], $0x1  }
0xa3: {  	[sflag:s23] =	ssyncset.done $0x0  }
0xa4: {  	s25 =	simm.s32 $0x1B8E;
	s24 =	sld [smem:$0x3FFE];
	[sflag:s23] =	ssyncadd.s32 $0xFFFFFFFF  }
0xa5: {  	s26 =	simm.s32 $execute0_lowered;
	[smem:$0x3FD2] =	sst s25  }
0xa6: {  	s4 =	sshll.u32 s26, $0x1;
	_ =	strace $0x8000004C;
	[dreg:$0x1] =	wrdreg $0xFFFFFFFF  }
0xa7: {  	s28 =	simm.s32 $_size_execute0_lowered;
	s2 =	sadd.s32 s2, s4;
	[dreg:$0x0] =	wrdreg $0x0  }
0xa8: {  	s4 =	sshll.u32 s28, $0x1;
	[dreg:$0x2] =	wrdreg s2  }
0xa9: {  	[dreg:$0x3] =	wrdreg s4  }
0xaa: {  	[dreg:$0x4] =	wrdreg $0xC0  }
0xab: {  	_ =	task [dreg:s6], $0x5FFFF  }
0xac: {  	[dreg:$0x1] =	wrdreg $0xFFFFFFFF  }
0xad: {  	[dreg:$0x0] =	wrdreg $0x60  }
0xae: {  	[dreg:$0x2] =	wrdreg s24  }
0xaf: {  	[dreg:$0x3] =	wrdreg $0x38900  }
0xb0: {  	[dreg:$0x4] =	wrdreg $0x9  }
0xb1: {  	_ =	task.clear_ibuf [dreg:s6], $0x5FFFF;
	_ =	strace $0x9000004C  }
0xb2: {  	s29 =	simm.s32 $0x9;
	_ =	strace $0x8000004E  }
0xb3: {  	_ =	swait.ge [sflag:s29], $0x1  }
0xb4: {  	[sflag:s29] =	ssyncadd.s32 $0xFFFFFFFF  }
0xb5: {  	_ =	strace $0x9000004E  }
0xb6: {  	_ =	sfence  }
0xb7: {  	s30 =	sld [smem:$0x0];
	_ =	sdelay $0x2  }
0xb8: {  	s31 =	sshll.u32 s1, $0xD;
	s1 =	sshrl.u32 s1, $0x2  }
0xb9: {  	s3 =	sand.u32 $0x4000, s31;
	s1 =	sadd.s32 s1, s30  }
0xba: {  	s0 =	sor.u32 s3, s0;
	s1 =	sshll.u32 s1, $0x11  }
0xbb: {  	s0 =	sor.u32 s1, s0  }
0xbc: {  	s0 =	sadd.s32 $0x8F2B, s0  }
0xbd: {  	[sflag:s0] =	ssyncadd.remote.s32 $0x1  }
0xbe: {  	_ =	sfence.sel $0xFFFF  }
0xbf: {  	[dreg:$0x0] =	wrdreg $0xFFFFFFFF;
	(pc) =	sbr.abs _section_cstart, $3  }
0xc0: {  	[dreg:$0x1] =	wrdreg $0xFFFFFFFF  }
0xc1: {  	_ =	task.clear_ibuf [dreg:s6], $0x2FFFF;
	_ =	strace $0x9FFFFFFF  }
0xc2: {  	(tm) =	ssettm $0x7FFFFFFF  }
0xc3: {  	_ =	shalt  }
tec
execute0_lowered:
.L_overlay_start_1:
0x0: {  	(tag) =	ssettag $0x1  }
0x1: {  	s0 =	rddreg [dreg:$0x0]  }
0x2: {  	s1 =	rddreg [dreg:$0x1];
	s2 =	srdreg.scid  }
0x3: {  	s3 =	simm.s32 $0x0;
	s10 =	stileid.u32;
	s14 =	simm.s32 $0x5  }
0x4: {  	s15 =	simm.s32 $0x37F0;
	s16 =	simm.s32 $0x2710;
	s17 =	simm.s32 $0x2EE0  }
0x5: {  	s18 =	simm.s32 $0x50;
	s19 =	simm.s32 $0x36B0;
	s20 =	simm.s32 $0x2F30  }
0x6: {  	s21 =	simm.s32 $0x3700;
	s22 =	simm.s32 $0x2F80;
	s23 =	simm.s32 $0x3750  }
0x7: {  	s24 =	simm.s32 $0x2FD0;
	s28 =	simm.s32 $0x1;
	s29 =	simm.s32 $0x2  }
0x8: {  	s30 =	simm.s32 $0x3;
	s31 =	simm.s32 $0x4;
	s9 =	smul.u32 $0x280, s10  }
0x9: {  	s2 =	sand.u32 $0x1, s2;
	[smem:$0x7FF] =	sst s3;
	s8 =	smul.u32 $0xA00, s10  }
0xa: {  	s5 =	sadd.s32 $0x15C00, s0;
	s6 =	sadd.s32 $0x2000, s0;
	s4 =	smul.u32 $0x2800, s2  }
0xb: {  	_ =	strace $0x8000004D;
	[dreg:$0x3] =	wrdreg s5;
	s5 =	sadd.s32 $0xBE00, s0  }
0xc: {  	s7 =	ssub.s32 $0x2, s2;
	s2 =	sshll.u32 s2, $0x4;
	s4 =	sadd.s32 s9, s4  }
0xd: {  	s26 =	sshrl.u32 s7, $0x1;
	s2 =	sor.u32 s10, s2;
	s4 =	sshrl.u32 s4, $0x3  }
0xe: {  	s10 =	sshrl.u32 s8, $0x2;
	s11 =	sadd.s32 s9, s1;
	s0 =	sadd.s32 s4, s0  }
0xf: {  	s8 =	smul.u32 $0x2710, s2;
	s4 =	ssub.s32 s7, s26;
	s0 =	sadd.s32 $0x16200, s0  }
0x10: {  	s7 =	sadd.s32 s10, s1;
	s25 =	smax.u32 s4, $0x1;
	[dreg:$0x4] =	wrdreg s0  }
0x11: {  	s2 =	simm.s32 $0x0;
	s26 =	sadd.s32 $0xA0, s7;
	[dreg:$0x5] =	wrdreg s25  }
0x12: {  	s12 =	sadd.s32 $0x140, s7;
	s13 =	sadd.s32 $0x1E0, s7;
	[dreg:$0x6] =	wrdreg s26  }
0x13: {  	v0 =	vimm.f32 $0.0e+00;
	s25 =	sshrl.u32 s11, $0x3;
	s26 =	simm.s32 $0x37A0;
	s0 =	simm.s32 $0x3660  }
.LBB2_1:
0x14: {  	[tilespmem:$0x37F0] =	vst v0  }
0x15: {  	[tilespmem:$0x3800] =	vst v0  }
0x16: {  	[tilespmem:$0x3810] =	vst v0  }
0x17: {  	[tilespmem:$0x3820] =	vst v0  }
0x18: {  	[tilespmem:$0x3830] =	vst v0  }
0x19: {  	[tilespmem:$0x3840] =	vst v0  }
0x1a: {  	[tilespmem:$0x3850] =	vst v0  }
0x1b: {  	[tilespmem:$0x3860] =	vst v0  }
0x1c: {  	[tilespmem:$0x3870] =	vst v0  }
0x1d: {  	[tilespmem:$0x3880] =	vst v0;
	s4 =	rddreg [dreg:$0x3]  }
0x1e: {  	[tilespmem:s3], [sflag:$0x5] =	stream.linear.gather [hbm4b:s4+s3], $0x2710, $0x38;
	[tilespmem:$0x3B10] =	vst v63  }
0x1f: {  	_ =	swait.ge [sflag:s14], $0x2710  }
0x20: {  	[sflag:s14] =	ssyncset.done $0x0  }
0x21: {  	[sflag:s14] =	ssyncadd.s32 $0xFFFFD8F0  }
0x22: {  	[spmem:s7] =	stream.linear.scatter [tilespmem:s15], [sflag:$0x5], $0xA0, $0x38;
	[tilespmem:$0x3B10] =	vst v63  }
0x23: {  	_ =	swait.ge [sflag:s14], $0xA0  }
0x24: {  	[sflag:s14] =	ssyncset.done $0x0  }
0x25: {  	s11 =	rddreg [dreg:$0x6];
	[sflag:s14] =	ssyncadd.s32 $0xFFFFFF60  }
0x26: {  	[spmem:s11] =	stream.linear.scatter [tilespmem:s15], [sflag:$0x5], $0xA0, $0x38;
	[tilespmem:$0x3B10] =	vst v63  }
0x27: {  	_ =	swait.ge [sflag:s14], $0xA0  }
0x28: {  	[sflag:s14] =	ssyncset.done $0x0  }
0x29: {  	[sflag:s14] =	ssyncadd.s32 $0xFFFFFF60  }
0x2a: {  	[spmem:s12] =	stream.linear.scatter [tilespmem:s15], [sflag:$0x5], $0xA0, $0x38;
	[tilespmem:$0x3B10] =	vst v63  }
0x2b: {  	_ =	swait.ge [sflag:s14], $0xA0  }
0x2c: {  	[sflag:s14] =	ssyncset.done $0x0  }
0x2d: {  	[sflag:s14] =	ssyncadd.s32 $0xFFFFFF60  }
0x2e: {  	[spmem:s13] =	stream.linear.scatter [tilespmem:s15], [sflag:$0x5], $0xA0, $0x38;
	[tilespmem:$0x3B10] =	vst v63  }
0x2f: {  	_ =	swait.ge [sflag:s14], $0xA0  }
0x30: {  	[sflag:s14] =	ssyncset.done $0x0  }
0x31: {  	[sflag:s14] =	ssyncadd.s32 $0xFFFFFF60  }
0x32: {  	s4 =	simm.s32 $0x0;
	[bflag:$0x0] =	sbarrier.arrive $0xFFFF  }
.LBB2_2:
0x33: {  	s9 =	smul.u32 $0x7D0, s4;
	_ =	sdelay $0x1  }
0x34: {  	s9 =	sadd.s32 s8, s9  }
0x35: {  	s10 =	sshrl.u32 s9, $0x3  }
0x36: {  	s9 =	simm.s32 $0x0;
	s11 =	sadd.s32 s5, s10  }
0x37: {  	[tilespmem:s16], [sflag:$0x5] =	stream.linear.gather [hbm4b:s11+s9], $0x7D0, $0x38;
	[tilespmem:$0x3B10] =	vst v63  }
0x38: {  	_ =	swait.ge [sflag:s14], $0x7D0  }
0x39: {  	[sflag:s14] =	ssyncset.done $0x0  }
0x3a: {  	s10 =	sadd.s32 s6, s10;
	[sflag:s14] =	ssyncadd.s32 $0xFFFFF830  }
0x3b: {  	[tilespmem:s17], [sflag:$0x5] =	stream.linear.gather [hbm4b:s10+s9], $0x7D0, $0x38;
	[tilespmem:$0x3B10] =	vst v63  }
0x3c: {  	_ =	swait.ge [sflag:s14], $0x7D0  }
0x3d: {  	[sflag:s14] =	ssyncset.done $0x0  }
0x3e: {  	[sflag:s14] =	ssyncadd.s32 $0xFFFFF830  }
0x3f: {  	v1 =	vld [tilespmem:$0x2710];
	_ =	sdelay $0x5  }
0x40: {  	v2 =	vld [tilespmem:$0x2720];
	_ =	sdelay $0x1  }
0x41: {  	v1 =	vld.idx.msk [tilespmem:v1+s9+$0x0], $0xffff;
	_ =	sdelay $0x3  }
0x42: {  	v3 =	vld [tilespmem:$0x2730]  }
0x43: {  	[tilespmem:$0x36B0] =	vst v1  }
0x44: {  	v1 =	vld.idx.msk [tilespmem:v2+s9+$0x0], $0xffff;
	_ =	sdelay $0x3  }
0x45: {  	v2 =	vld [tilespmem:$0x2740]  }
0x46: {  	[tilespmem:$0x36C0] =	vst v1  }
0x47: {  	v1 =	vld.idx.msk [tilespmem:v3+s9+$0x0], $0xffff;
	_ =	sdelay $0x3  }
0x48: {  	v3 =	vld [tilespmem:$0x2750]  }
0x49: {  	[tilespmem:$0x36D0] =	vst v1  }
0x4a: {  	v1 =	vld.idx.msk [tilespmem:v2+s9+$0x0], $0xffff;
	_ =	sdelay $0x4  }
0x4b: {  	[tilespmem:$0x36E0] =	vst v1  }
0x4c: {  	v1 =	vld.idx.msk [tilespmem:v3+s9+$0x0], $0xffff;
	_ =	sdelay $0x4  }
0x4d: {  	[tilespmem:$0x36F0] =	vst v1  }
0x4e: {  	[spmem:s1] =	stream.indirect.scatter.add.f32 [tilespmem:s19], [sflag:$0x1], $0x1, s17, s18, $0xb8;
	[tilespmem:$0x3B10] =	vst v63  }
0x4f: {  	v1 =	vld [tilespmem:$0x2760];
	_ =	sdelay $0x5  }
0x50: {  	v2 =	vld [tilespmem:$0x2770];
	_ =	sdelay $0x1  }
0x51: {  	v1 =	vld.idx.msk [tilespmem:v1+s9+$0x0], $0xffff;
	_ =	sdelay $0x3  }
0x52: {  	v3 =	vld [tilespmem:$0x2780]  }
0x53: {  	[tilespmem:$0x3700] =	vst v1  }
0x54: {  	v1 =	vld.idx.msk [tilespmem:v2+s9+$0x0], $0xffff;
	_ =	sdelay $0x3  }
0x55: {  	v2 =	vld [tilespmem:$0x2790]  }
0x56: {  	[tilespmem:$0x3710] =	vst v1  }
0x57: {  	v1 =	vld.idx.msk [tilespmem:v3+s9+$0x0], $0xffff;
	_ =	sdelay $0x3  }
0x58: {  	v3 =	vld [tilespmem:$0x27A0]  }
0x59: {  	[tilespmem:$0x3720] =	vst v1  }
0x5a: {  	v1 =	vld.idx.msk [tilespmem:v2+s9+$0x0], $0xffff;
	_ =	sdelay $0x4  }
0x5b: {  	[tilespmem:$0x3730] =	vst v1  }
0x5c: {  	v1 =	vld.idx.msk [tilespmem:v3+s9+$0x0], $0xffff;
	_ =	sdelay $0x4  }
0x5d: {  	[tilespmem:$0x3740] =	vst v1  }
0x5e: {  	[spmem:s1] =	stream.indirect.scatter.add.f32 [tilespmem:s21], [sflag:$0x2], $0x1, s20, s18, $0xb8;
	[tilespmem:$0x3B10] =	vst v63  }
0x5f: {  	v1 =	vld [tilespmem:$0x27B0];
	_ =	sdelay $0x5  }
0x60: {  	v2 =	vld [tilespmem:$0x27C0];
	_ =	sdelay $0x1  }
0x61: {  	v1 =	vld.idx.msk [tilespmem:v1+s9+$0x0], $0xffff;
	_ =	sdelay $0x3  }
0x62: {  	v3 =	vld [tilespmem:$0x27D0]  }
0x63: {  	[tilespmem:$0x3750] =	vst v1  }
0x64: {  	v1 =	vld.idx.msk [tilespmem:v2+s9+$0x0], $0xffff;
	_ =	sdelay $0x3  }
0x65: {  	v2 =	vld [tilespmem:$0x27E0]  }
0x66: {  	[tilespmem:$0x3760] =	vst v1  }
0x67: {  	v1 =	vld.idx.msk [tilespmem:v3+s9+$0x0], $0xffff;
	_ =	sdelay $0x3  }
0x68: {  	v3 =	vld [tilespmem:$0x27F0]  }
0x69: {  	[tilespmem:$0x3770] =	vst v1  }
0x6a: {  	v1 =	vld.idx.msk [tilespmem:v2+s9+$0x0], $0xffff;
	_ =	sdelay $0x4  }
0x6b: {  	[tilespmem:$0x3780] =	vst v1  }
0x6c: {  	v1 =	vld.idx.msk [tilespmem:v3+s9+$0x0], $0xffff;
	_ =	sdelay $0x4  }
0x6d: {  	[tilespmem:$0x3790] =	vst v1  }
0x6e: {  	[spmem:s1] =	stream.indirect.scatter.add.f32 [tilespmem:s23], [sflag:$0x3], $0x1, s22, s18, $0xb8;
	[tilespmem:$0x3B10] =	vst v63  }
0x6f: {  	v1 =	vld [tilespmem:$0x2800];
	_ =	sdelay $0x5  }
0x70: {  	v2 =	vld [tilespmem:$0x2810];
	_ =	sdelay $0x1  }
0x71: {  	v1 =	vld.idx.msk [tilespmem:v1+s9+$0x0], $0xffff;
	_ =	sdelay $0x3  }
0x72: {  	v3 =	vld [tilespmem:$0x2820]  }
0x73: {  	[tilespmem:$0x37A0] =	vst v1  }
0x74: {  	v1 =	vld.idx.msk [tilespmem:v2+s9+$0x0], $0xffff;
	_ =	sdelay $0x3  }
0x75: {  	v2 =	vld [tilespmem:$0x2830]  }
0x76: {  	[tilespmem:$0x37B0] =	vst v1  }
0x77: {  	v1 =	vld.idx.msk [tilespmem:v3+s9+$0x0], $0xffff;
	_ =	sdelay $0x3  }
0x78: {  	v3 =	vld [tilespmem:$0x2840]  }
0x79: {  	[tilespmem:$0x37C0] =	vst v1  }
0x7a: {  	v1 =	vld.idx.msk [tilespmem:v2+s9+$0x0], $0xffff;
	_ =	sdelay $0x4  }
0x7b: {  	[tilespmem:$0x37D0] =	vst v1  }
0x7c: {  	v1 =	vld.idx.msk [tilespmem:v3+s9+$0x0], $0xffff;
	_ =	sdelay $0x4  }
0x7d: {  	[tilespmem:$0x37E0] =	vst v1  }
0x7e: {  	[spmem:s1] =	stream.indirect.scatter.add.f32 [tilespmem:s26], [sflag:$0x4], $0x1, s24, s18, $0xb8;
	[tilespmem:$0x3B10] =	vst v63  }
.LBB2_3:
0x7f: {  	_ =	swait.ge [sflag:s28], $0x50  }
0x80: {  	[sflag:s28] =	ssyncset.done $0x0  }
0x81: {  	s10 =	sshra.s32 s9, $0x2;
	[sflag:s28] =	ssyncadd.s32 $0xFFFFFFB0  }
0x82: {  	v1 =	vld [tilespmem:s10+$0x2850];
	_ =	sdelay $0x7  }
0x83: {  	v1 =	vld.idx.msk [tilespmem:v1+s3+$0x0], $0xffff;
	_ =	sdelay $0x4  }
0x84: {  	[tilespmem:$0x36B0] =	vst v1  }
0x85: {  	v1 =	vld [tilespmem:s10+$0x2860];
	_ =	sdelay $0x7  }
0x86: {  	v1 =	vld.idx.msk [tilespmem:v1+s3+$0x0], $0xffff;
	_ =	sdelay $0x4  }
0x87: {  	[tilespmem:$0x36C0] =	vst v1  }
0x88: {  	v1 =	vld [tilespmem:s10+$0x2870];
	_ =	sdelay $0x7  }
0x89: {  	v1 =	vld.idx.msk [tilespmem:v1+s3+$0x0], $0xffff;
	_ =	sdelay $0x4  }
0x8a: {  	[tilespmem:$0x36D0] =	vst v1  }
0x8b: {  	v1 =	vld [tilespmem:s10+$0x2880];
	_ =	sdelay $0x7  }
0x8c: {  	v1 =	vld.idx.msk [tilespmem:v1+s3+$0x0], $0xffff;
	_ =	sdelay $0x4  }
0x8d: {  	[tilespmem:$0x36E0] =	vst v1  }
0x8e: {  	v1 =	vld [tilespmem:s10+$0x2890];
	_ =	sdelay $0x7  }
0x8f: {  	v1 =	vld.idx.msk [tilespmem:v1+s3+$0x0], $0xffff;
	_ =	sdelay $0x4  }
0x90: {  	s11 =	sadd.s32 $0x3020, s10;
	[tilespmem:$0x36F0] =	vst v1  }
0x91: {  	[spmem:s1] =	stream.indirect.scatter.add.f32 [tilespmem:s19], [sflag:$0x1], $0x1, s11, s18, $0xb8;
	[tilespmem:$0x3B10] =	vst v63  }
0x92: {  	_ =	swait.ge [sflag:s29], $0x50  }
0x93: {  	[sflag:s29] =	ssyncset.done $0x0  }
0x94: {  	[sflag:s29] =	ssyncadd.s32 $0xFFFFFFB0  }
0x95: {  	v1 =	vld [tilespmem:s10+$0x28A0];
	_ =	sdelay $0x7  }
0x96: {  	v1 =	vld.idx.msk [tilespmem:v1+s3+$0x0], $0xffff;
	_ =	sdelay $0x4  }
0x97: {  	[tilespmem:$0x3700] =	vst v1  }
0x98: {  	v1 =	vld [tilespmem:s10+$0x28B0];
	_ =	sdelay $0x7  }
0x99: {  	v1 =	vld.idx.msk [tilespmem:v1+s3+$0x0], $0xffff;
	_ =	sdelay $0x4  }
0x9a: {  	[tilespmem:$0x3710] =	vst v1  }
0x9b: {  	v1 =	vld [tilespmem:s10+$0x28C0];
	_ =	sdelay $0x7  }
0x9c: {  	v1 =	vld.idx.msk [tilespmem:v1+s3+$0x0], $0xffff;
	_ =	sdelay $0x4  }
0x9d: {  	[tilespmem:$0x3720] =	vst v1  }
0x9e: {  	v1 =	vld [tilespmem:s10+$0x28D0];
	_ =	sdelay $0x7  }
0x9f: {  	v1 =	vld.idx.msk [tilespmem:v1+s3+$0x0], $0xffff;
	_ =	sdelay $0x4  }
0xa0: {  	[tilespmem:$0x3730] =	vst v1  }
0xa1: {  	v1 =	vld [tilespmem:s10+$0x28E0];
	_ =	sdelay $0x7  }
0xa2: {  	v1 =	vld.idx.msk [tilespmem:v1+s3+$0x0], $0xffff;
	_ =	sdelay $0x4  }
0xa3: {  	s11 =	sadd.s32 $0x3070, s10;
	[tilespmem:$0x3740] =	vst v1  }
0xa4: {  	[spmem:s1] =	stream.indirect.scatter.add.f32 [tilespmem:s21], [sflag:$0x2], $0x1, s11, s18, $0xb8;
	[tilespmem:$0x3B10] =	vst v63  }
0xa5: {  	_ =	swait.ge [sflag:s30], $0x50  }
0xa6: {  	[sflag:s30] =	ssyncset.done $0x0  }
0xa7: {  	[sflag:s30] =	ssyncadd.s32 $0xFFFFFFB0  }
0xa8: {  	v1 =	vld [tilespmem:s10+$0x28F0];
	_ =	sdelay $0x7  }
0xa9: {  	v1 =	vld.idx.msk [tilespmem:v1+s3+$0x0], $0xffff;
	_ =	sdelay $0x4  }
0xaa: {  	[tilespmem:$0x3750] =	vst v1  }
0xab: {  	v1 =	vld [tilespmem:s10+$0x2900];
	_ =	sdelay $0x7  }
0xac: {  	v1 =	vld.idx.msk [tilespmem:v1+s3+$0x0], $0xffff;
	_ =	sdelay $0x4  }
0xad: {  	[tilespmem:$0x3760] =	vst v1  }
0xae: {  	v1 =	vld [tilespmem:s10+$0x2910];
	_ =	sdelay $0x7  }
0xaf: {  	v1 =	vld.idx.msk [tilespmem:v1+s3+$0x0], $0xffff;
	_ =	sdelay $0x4  }
0xb0: {  	[tilespmem:$0x3770] =	vst v1  }
0xb1: {  	v1 =	vld [tilespmem:s10+$0x2920];
	_ =	sdelay $0x7  }
0xb2: {  	v1 =	vld.idx.msk [tilespmem:v1+s3+$0x0], $0xffff;
	_ =	sdelay $0x4  }
0xb3: {  	[tilespmem:$0x3780] =	vst v1  }
0xb4: {  	v1 =	vld [tilespmem:s10+$0x2930];
	_ =	sdelay $0x7  }
0xb5: {  	v1 =	vld.idx.msk [tilespmem:v1+s3+$0x0], $0xffff;
	_ =	sdelay $0x4  }
0xb6: {  	s11 =	sadd.s32 $0x30C0, s10;
	[tilespmem:$0x3790] =	vst v1  }
0xb7: {  	[spmem:s1] =	stream.indirect.scatter.add.f32 [tilespmem:s23], [sflag:$0x3], $0x1, s11, s18, $0xb8;
	[tilespmem:$0x3B10] =	vst v63  }
0xb8: {  	_ =	swait.ge [sflag:s31], $0x50  }
0xb9: {  	[sflag:s31] =	ssyncset.done $0x0  }
0xba: {  	[sflag:s31] =	ssyncadd.s32 $0xFFFFFFB0  }
0xbb: {  	v1 =	vld [tilespmem:s10+$0x2940];
	_ =	sdelay $0x7  }
0xbc: {  	v1 =	vld.idx.msk [tilespmem:v1+s3+$0x0], $0xffff;
	_ =	sdelay $0x4  }
0xbd: {  	[tilespmem:$0x37A0] =	vst v1  }
0xbe: {  	v1 =	vld [tilespmem:s10+$0x2950];
	_ =	sdelay $0x7  }
0xbf: {  	v1 =	vld.idx.msk [tilespmem:v1+s3+$0x0], $0xffff;
	_ =	sdelay $0x4  }
0xc0: {  	[tilespmem:$0x37B0] =	vst v1  }
0xc1: {  	v1 =	vld [tilespmem:s10+$0x2960];
	_ =	sdelay $0x7  }
0xc2: {  	v1 =	vld.idx.msk [tilespmem:v1+s3+$0x0], $0xffff;
	_ =	sdelay $0x4  }
0xc3: {  	[tilespmem:$0x37C0] =	vst v1  }
0xc4: {  	v1 =	vld [tilespmem:s10+$0x2970];
	_ =	sdelay $0x7  }
0xc5: {  	v1 =	vld.idx.msk [tilespmem:v1+s3+$0x0], $0xffff;
	_ =	sdelay $0x4  }
0xc6: {  	[tilespmem:$0x37D0] =	vst v1  }
0xc7: {  	v1 =	vld [tilespmem:s10+$0x2980];
	_ =	sdelay $0x7  }
0xc8: {  	v1 =	vld.idx.msk [tilespmem:v1+s3+$0x0], $0xffff  }
0xc9: {  	p0 =	sne.s32 s9, $0x1400  }
.Ltmp0:
0xca: {  	_ = 	snop;
	(pc) =	sbr.rel @p0 .LBB2_3-.Ltmp0, $3  }
0xcb: {  	_ =	sdelay $0x1  }
0xcc: {  	s9 =	sadd.s32 $0x500, s9;
	s10 =	sadd.s32 $0x3110, s10;
	[tilespmem:$0x37E0] =	vst v1  }
0xcd: {  	[spmem:s1] =	stream.indirect.scatter.add.f32 [tilespmem:s26], [sflag:$0x4], $0x1, s10, s18, $0xb8;
	[tilespmem:$0x3B10] =	vst v63  }
0xce: {  	_ =	swait.ge [sflag:s28], $0x50  }
0xcf: {  	[sflag:s28] =	ssyncset.done $0x0  }
0xd0: {  	[sflag:s28] =	ssyncadd.s32 $0xFFFFFFB0  }
0xd1: {  	v1 =	vld [tilespmem:$0x2E90];
	_ =	sdelay $0x5  }
0xd2: {  	v2 =	vld [tilespmem:$0x2EA0];
	_ =	sdelay $0x1  }
0xd3: {  	v1 =	vld.idx.msk [tilespmem:v1+s3+$0x0], $0xffff;
	_ =	sdelay $0x3  }
0xd4: {  	v3 =	vld [tilespmem:$0x2EB0]  }
0xd5: {  	[tilespmem:$0x36B0] =	vst v1  }
0xd6: {  	v1 =	vld.idx.msk [tilespmem:v2+s3+$0x0], $0xffff;
	_ =	sdelay $0x3  }
0xd7: {  	v2 =	vld [tilespmem:$0x2EC0]  }
0xd8: {  	[tilespmem:$0x36C0] =	vst v1  }
0xd9: {  	v1 =	vld.idx.msk [tilespmem:v3+s3+$0x0], $0xffff;
	_ =	sdelay $0x3  }
0xda: {  	v3 =	vld [tilespmem:$0x2ED0]  }
0xdb: {  	[tilespmem:$0x36D0] =	vst v1  }
0xdc: {  	v1 =	vld.idx.msk [tilespmem:v2+s3+$0x0], $0xffff;
	_ =	sdelay $0x4  }
0xdd: {  	[tilespmem:$0x36E0] =	vst v1  }
0xde: {  	v1 =	vld.idx.msk [tilespmem:v3+s3+$0x0], $0xffff;
	_ =	sdelay $0x4  }
0xdf: {  	[tilespmem:$0x36F0] =	vst v1  }
0xe0: {  	[spmem:s1] =	stream.indirect.scatter.add.f32 [tilespmem:s19], [sflag:$0x1], $0x1, s0, s18, $0xb8;
	[tilespmem:$0x3B10] =	vst v63  }
0xe1: {  	_ =	swait.ge [sflag:s29], $0x50  }
0xe2: {  	[sflag:s29] =	ssyncset.done $0x0  }
0xe3: {  	[sflag:s29] =	ssyncadd.s32 $0xFFFFFFB0  }
0xe4: {  	_ =	swait.ge [sflag:s30], $0x50  }
0xe5: {  	[sflag:s30] =	ssyncset.done $0x0  }
0xe6: {  	s4 =	sadd.s32 $0x1, s4;
	[sflag:s30] =	ssyncadd.s32 $0xFFFFFFB0  }
0xe7: {  	p0 =	sne.s32 s4, $0x5;
	_ =	swait.ge [sflag:s31], $0x50  }
.Ltmp1:
0xe8: {  	[sflag:s31] =	ssyncset.done $0x0;
	(pc) =	sbr.rel @p0 .LBB2_2-.Ltmp1, $4  }
0xe9: {  	[sflag:s31] =	ssyncadd.s32 $0xFFFFFFB0  }
0xea: {  	_ =	swait.ge [sflag:s28], $0x50  }
0xeb: {  	[sflag:s28] =	ssyncset.done $0x0  }
0xec: {  	[sflag:s28] =	ssyncadd.s32 $0xFFFFFFB0  }
0xed: {  	s4 =	stileid.u32  }
0xee: {  	[bflag:$0x0] =	sbarrier.arrive $0xFFFF;
	s4 =	sshll.u32 s4, $0x6  }
0xef: {  	s9 =	rddreg [dreg:$0x4];
	s4 =	sor.u32 $0x1C05, s4  }
0xf0: {  	[hbm:s9], [sflag:s4] =	dma.local [spmem:s25], $0x50  }
0xf1: {  	_ =	swait.ge [sflag:s14], $0x50  }
0xf2: {  	s2 =	sadd.s32 $0x1, s2;
	s11 =	rddreg [dreg:$0x5]  }
0xf3: {  	p0 =	sne.s32 s2, s11  }
.Ltmp2:
0xf4: {  	_ = 	snop;
	(pc) =	sbr.rel @p0 .LBB2_1-.Ltmp2, $3  }
0xf5: {  	_ =	sdelay $0x1  }
0xf6: {  	[sflag:s14] =	ssyncset.done $0x0  }
0xf7: {  	[sflag:s14] =	ssyncadd.s32 $0xFFFFFFB0  }
0xf8: {  	_ =	sfence.sel $0x180000  }
0xf9: {  	[bflag:$0x0] =	sbarrier.arrive $0xFFFF  }
0xfa: {  	_ =	strace $0x9000004D  }
0xfb: {  	s0 =	stileid.u32;
	[bflag:$0x2] =	sbarrier.arrive $0xFFFF  }
0xfc: {  	p0 =	sne.s32 s0, $0x0;
	s0 =	rddreg [dreg:$0x2]  }
0xfd: {  	s0 =	sadd.s32 @!p0 $0x100000, s0  }
0xfe: {  	[sflag:s0] =	ssyncadd.tile.s32 @!p0 $0x1;
	_ =	shalt  }
.Lfunc_end2:
_tile_overlayer_lowered:
.L_overlay_start_2:
0xff: {  	(tag) =	ssettag $0x2  }
0x100: {  	s0 =	rddreg [dreg:$0x0];
	s2 =	stileid.u32  }
0x101: {  	s1 =	rddreg [dreg:$0x1];
	p0 =	sne.s32 s2, $0x0  }
0x102: {  	s3 =	rddreg [dreg:$0x2];
	[bflag:$0x3] =	sbarrier.arrive $0xFFFF;
	s2 =	simm.s32 @!p0 $0x1C05  }
0x103: {  	[timem:s3], [sflag:s2] =	dma.local @!p0 [hbm:s0], s1  }
0x104: {  	s0 =	simm.s32 @!p0 $0x5  }
0x105: {  	_ =	swait.ge @!p0 [sflag:s0], s1  }
0x106: {  	s1 =	ssub.s32 @!p0 $0x0, s1;
	[sflag:s0] =	ssyncset.done @!p0 $0x0  }
0x107: {  	[sflag:s0] =	ssyncadd.s32 @!p0 s1  }
0x108: {  	[bflag:$0x3] =	sbarrier.arrive $0xFFFF  }
0x109: {  	_ =	shalt  }

// kernel: kernel.8.cloned.1.call-start
scs
__scs_entry_jumppad:
0x0: {  	(pc) =	sbr.rel $0x88, $3  }
0x1: {  	(tag) =	ssettag $0x0;
	lr =	simm.s32 $0x1  }
0x2: {  	[smem:$0x3F9B] =	sst lr;
	_ =	strace $0xD0000000  }
0x3: {  	_ = 	snop  }
0x4: {  	_ = 	snop  }
0x5: {  	_ = 	snop  }
0x6: {  	_ = 	snop  }
0x7: {  	_ = 	snop  }
__scs_overlays_trampoline_lowered:
0x8: {  	[smem:$0x3FAA] =	sst s0  }
0x9: {  	[smem:$0x3FAB] =	sst s1  }
0xa: {  	[smem:$0x3FAC] =	sst s2  }
0xb: {  	[smem:$0x3FAD] =	sst s3  }
0xc: {  	[smem:$0x3FAE] =	sst s4  }
0xd: {  	[smem:$0x3FAF] =	sst s5  }
0xe: {  	[smem:$0x3FB0] =	sst s6  }
0xf: {  	[smem:$0x3FB1] =	sst s7  }
0x10: {  	[smem:$0x3FB2] =	sst s8  }
0x11: {  	[smem:$0x3FB3] =	sst s9;
	s0 =	simm.s32 @!p0 $0x0  }
0x12: {  	s1 =	sld [smem:$0x3F99];
	s0 =	simm.s32 @p0 $0x1  }
0x13: {  	[smem:$0x3FB4] =	sst s0;
	s0 =	simm.s32 @!p1 $0x0  }
0x14: {  	s2 =	sld [smem:$0x3F98];
	s0 =	simm.s32 @p1 $0x1  }
0x15: {  	[smem:$0x3FB5] =	sst s0;
	s0 =	simm.s32 @!p2 $0x0  }
0x16: {  	s3 =	sld [smem:$0x3FDB];
	s0 =	simm.s32 @p2 $0x1  }
0x17: {  	s4 =	simm.s32 $0x1BF5;
	[smem:$0x3FB7] =	sst s0  }
0x18: {  	s0 =	sld [smem:$0x3F9A];
	_ =	swait.ge [sflag:s4], $0x0  }
0x19: {  	s7 =	sld [smem:$0x3F9B]  }
0x1a: {  	s8 =	sadd.s32 $0xFFFFE003, lr  }
0x1b: {  	s9 =	sadd.s32 $0xFFFFFEF7, lr;
	s5 =	simm.s32 $0xFFFFFFFF;
	p2 =	slt.u32 s8, $0xFFFFF086  }
0x1c: {  	p1 =	slt.u32 s9, $0xF7A;
	s5 =	simm.s32 @!p2 $0x0  }
0x1d: {  	s5 =	simm.s32 @p1 $0x1;
	p0 =	seq.s32 s7, s2  }
0x1e: {  	s7 =	smul.u32 @!p0 $0xF7A, s2;
	p2 =	seq.s32 @!p0 s5, $0x0  }
0x1f: {  	s9 =	smul.u32 $0xF7A, s1;
	s8 =	simm.s32 @!p0 $0x1BF5;
	p2 =	por !p2, p0  }
0x20: {  	[sflag:s8] =	ssyncset.s32 @!p0 $0xFFFFF086;
	s6 =	sadd.s32 @!p0 s3, s7;
	s7 =	simm.s32 @!p0 $0x108  }
0x21: {  	s3 =	sadd.s32 s3, s9;
	s6 =	sadd.s32 @!p0 $0x88, s6;
	s7 =	simm.s32 @p2 $0x1082  }
0x22: {  	[simem:s7], [sflag:s8] =	dma.local @!p0 [hbm:s6], $0xF7A  }
0x23: {  	s9 =	sor.u32 $0xD0000000, s2;
	s6 =	simm.s32 $0x108;
	_ =	swait.ge @!p0 [sflag:s8], $0x0  }
0x24: {  	s3 =	sadd.s32 $0x88, s3;
	s6 =	simm.s32 @!p1 $0x1082;
	[sflag:s4] =	ssyncset.s32 $0xFFFFF086  }
0x25: {  	[simem:s6], [sflag:s4] =	dma.local [hbm:s3], $0xF7A  }
0x26: {  	[smem:$0x3F9B] =	sst s1;
	(tag) =	ssettag s2;
	_ =	strace s9  }
0x27: {  	s1 =	sld [smem:$0x3FAB]  }
0x28: {  	s2 =	sld [smem:$0x3FAC]  }
0x29: {  	s4 =	sld [smem:$0x3FAE]  }
0x2a: {  	p0 =	seq.s32 s5, $0x0;
	s5 =	sld [smem:$0x3FAF]  }
0x2b: {  	s6 =	sld [smem:$0x3FB0]  }
0x2c: {  	s7 =	sld [smem:$0x3FB1]  }
0x2d: {  	s3 =	simm.s32 $0x108;
	s8 =	sld [smem:$0x3FB2]  }
0x2e: {  	s3 =	simm.s32 @!p0 $0x1082;
	s9 =	sld [smem:$0x3FB3]  }
0x2f: {  	lr =	sadd.s32 s0, s3;
	s0 =	sld [smem:$0x3FAA]  }
0x30: {  	s3 =	sld [smem:$0x3FAD]  }
0x31: {  	[smem:$0x3FB6] =	sst s10  }
0x32: {  	s10 =	sld [smem:$0x3FB4];
	_ =	sdelay $0x3  }
0x33: {  	p0 =	seq.s32 s10, $0x1;
	s10 =	sld [smem:$0x3FB6];
	_ =	sdelay $0x3  }
0x34: {  	[smem:$0x3FB6] =	sst s10  }
0x35: {  	s10 =	sld [smem:$0x3FB5];
	_ =	sdelay $0x3  }
0x36: {  	p1 =	seq.s32 s10, $0x1;
	s10 =	sld [smem:$0x3FB6];
	_ =	sdelay $0x3  }
0x37: {  	[smem:$0x3FB6] =	sst s10  }
0x38: {  	s10 =	sld [smem:$0x3FB7]  }
0x39: {  	_ = 	snop;
	(pc) =	sbr.ind lr, $3  }
0x3a: {  	_ = 	snop  }
0x3b: {  	_ = 	snop  }
0x3c: {  	p2 =	seq.s32 s10, $0x1;
	s10 =	sld [smem:$0x3FB6]  }
0x3d: {  	_ =	shalt  }
0x3e: {  	_ =	shalt  }
0x3f: {  	_ =	shalt  }
0x40: {  	_ =	shalt  }
0x41: {  	_ =	shalt  }
0x42: {  	_ =	shalt  }
0x43: {  	_ =	shalt  }
0x44: {  	_ =	shalt  }
0x45: {  	_ =	shalt  }
0x46: {  	_ =	shalt  }
0x47: {  	_ =	shalt  }
0x48: {  	_ =	shalt  }
0x49: {  	_ =	shalt  }
0x4a: {  	_ =	shalt  }
0x4b: {  	_ =	shalt  }
0x4c: {  	_ =	shalt  }
0x4d: {  	_ =	shalt  }
0x4e: {  	_ =	shalt  }
0x4f: {  	_ =	shalt  }
0x50: {  	_ =	shalt  }
0x51: {  	_ =	shalt  }
0x52: {  	_ =	shalt  }
0x53: {  	_ =	shalt  }
0x54: {  	_ =	shalt  }
0x55: {  	_ =	shalt  }
0x56: {  	_ =	shalt  }
0x57: {  	_ =	shalt  }
0x58: {  	_ =	shalt  }
0x59: {  	_ =	shalt  }
0x5a: {  	_ =	shalt  }
0x5b: {  	_ =	shalt  }
0x5c: {  	_ =	shalt  }
0x5d: {  	_ =	shalt  }
0x5e: {  	_ =	shalt  }
0x5f: {  	_ =	shalt  }
0x60: {  	_ =	shalt  }
0x61: {  	_ =	shalt  }
0x62: {  	_ =	shalt  }
0x63: {  	_ =	shalt  }
0x64: {  	_ =	shalt  }
0x65: {  	_ =	shalt  }
0x66: {  	_ =	shalt  }
0x67: {  	_ =	shalt  }
0x68: {  	_ =	shalt  }
0x69: {  	_ =	shalt  }
0x6a: {  	_ =	shalt  }
0x6b: {  	_ =	shalt  }
0x6c: {  	_ =	shalt  }
0x6d: {  	_ =	shalt  }
0x6e: {  	_ =	shalt  }
0x6f: {  	_ =	shalt  }
0x70: {  	_ =	shalt  }
0x71: {  	_ =	shalt  }
0x72: {  	_ =	shalt  }
0x73: {  	_ =	shalt  }
0x74: {  	_ =	shalt  }
0x75: {  	_ =	shalt  }
0x76: {  	_ =	shalt  }
0x77: {  	_ =	shalt  }
0x78: {  	_ =	shalt  }
0x79: {  	_ =	shalt  }
0x7a: {  	_ =	shalt  }
0x7b: {  	_ =	shalt  }
0x7c: {  	_ =	shalt  }
0x7d: {  	_ =	shalt  }
0x7e: {  	_ =	shalt  }
0x7f: {  	_ =	shalt  }
0x80: {  	_ =	shalt  }
0x81: {  	_ =	shalt  }
0x82: {  	_ =	shalt  }
0x83: {  	_ =	shalt  }
0x84: {  	_ =	shalt  }
0x85: {  	_ =	shalt  }
0x86: {  	_ =	shalt  }
0x87: {  	_ =	shalt  }
.Lfunc_end0:
.L_simem_size_0:
called_computation_lowered:
.L_overlay_start_0:
0x88: {  	s2 =	sld [smem:$0x3FD9]  }
0x89: {  	s3 =	sld [smem:$0x3FFE];
	_ =	sdelay $0x1  }
0x8a: {  	s1 =	srdreg.scid  }
0x8b: {  	s0 =	sand.u32 $0x1, s1  }
0x8c: {  	s16 =	sshll.u32 s0, $0xA;
	s2 =	sadd.s32 s3, s2  }
0x8d: {  	s2 =	sadd.s32 s2, s16  }
0x8e: {  	[smem:$0x3FC2] =	sst s2  }
0x8f: {  	_ = 	snop  }
0x90: {  	(tm) =	ssettm $0x1  }
0x91: {  	s17 =	sld [smem:$0x3FFB];
	_ =	sdelay $0x3  }
0x92: {  	_ =	strace s17  }
0x93: {  	s2 =	sld [smem:$0x3FFC];
	_ =	sdelay $0x3  }
0x94: {  	_ =	strace s2  }
0x95: {  	s2 =	sld [smem:$0x3FFD];
	_ =	sdelay $0x3  }
0x96: {  	_ =	strace s2  }
0x97: {  	_ =	strace $0x8FFFFFFF  }
0x98: {  	s18 =	sld [smem:$0x3FDB];
	_ =	sdelay $0x1  }
0x99: {  	s19 =	simm.s32 $_scs_section_size  }
0x9a: {  	s4 =	simm.s32 $_size__tile_overlayer_lowered;
	s5 =	simm.s32 $_tile_overlayer_lowered  }
0x9b: {  	s22 =	simm.s32 $0x1BFF;
	s21 =	sshll.u32 s5, $0x1;
	s2 =	sadd.s32 s19, s18  }
0x9c: {  	s6 =	simm.s32 $0x0;
	s20 =	sshll.u32 s4, $0x1;
	s4 =	sadd.s32 s21, s2  }
0x9d: {  	[timem:s6], [sflag:s22] =	dma.local [hbm:s4], s20  }
0x9e: {  	_ =	swait.ge [sflag:s22], s20  }
0x9f: {  	s3 =	ssub.s32 $0x0, s20;
	[sflag:s22] =	ssyncset.done $0x0  }
0xa0: {  	[sflag:s22] =	ssyncadd.s32 s3;
	_ =	sdelay $0x1  }
0xa1: {  	s23 =	simm.s32 $0x1B8B  }
0xa2: {  	_ =	swait.ge [sflag:s23], $0x1  }
0xa3: {  	[sflag:s23] =	ssyncset.done $0x0  }
0xa4: {  	s25 =	simm.s32 $0x1B8E;
	s24 =	sld [smem:$0x3FFE];
	[sflag:s23] =	ssyncadd.s32 $0xFFFFFFFF  }
0xa5: {  	s26 =	simm.s32 $execute0_lowered;
	[smem:$0x3FD2] =	sst s25  }
0xa6: {  	s4 =	sshll.u32 s26, $0x1;
	_ =	strace $0x80000046;
	[dreg:$0x1] =	wrdreg $0xFFFFFFFF  }
0xa7: {  	s28 =	simm.s32 $_size_execute0_lowered;
	s2 =	sadd.s32 s2, s4;
	[dreg:$0x0] =	wrdreg $0x0  }
0xa8: {  	s4 =	sshll.u32 s28, $0x1;
	[dreg:$0x2] =	wrdreg s2  }
0xa9: {  	[dreg:$0x3] =	wrdreg s4  }
0xaa: {  	[dreg:$0x4] =	wrdreg $0xC0  }
0xab: {  	_ =	task [dreg:s6], $0x5FFFF  }
0xac: {  	[dreg:$0x1] =	wrdreg $0xFFFFFFFF  }
0xad: {  	[dreg:$0x0] =	wrdreg $0x60  }
0xae: {  	[dreg:$0x2] =	wrdreg s24  }
0xaf: {  	[dreg:$0x3] =	wrdreg $0x10900  }
0xb0: {  	[dreg:$0x4] =	wrdreg $0x9  }
0xb1: {  	_ =	task.clear_ibuf [dreg:s6], $0x5FFFF;
	_ =	strace $0x90000046  }
0xb2: {  	s29 =	simm.s32 $0x9;
	_ =	strace $0x80000048  }
0xb3: {  	_ =	swait.ge [sflag:s29], $0x1  }
0xb4: {  	[sflag:s29] =	ssyncadd.s32 $0xFFFFFFFF  }
0xb5: {  	_ =	strace $0x90000048  }
0xb6: {  	_ =	sfence  }
0xb7: {  	s30 =	sld [smem:$0x0];
	_ =	sdelay $0x2  }
0xb8: {  	s31 =	sshll.u32 s1, $0xD;
	s1 =	sshrl.u32 s1, $0x2  }
0xb9: {  	s3 =	sand.u32 $0x4000, s31;
	s1 =	sadd.s32 s1, s30  }
0xba: {  	s0 =	sor.u32 s3, s0;
	s1 =	sshll.u32 s1, $0x11  }
0xbb: {  	s0 =	sor.u32 s1, s0  }
0xbc: {  	s0 =	sadd.s32 $0x8F2B, s0  }
0xbd: {  	[sflag:s0] =	ssyncadd.remote.s32 $0x1  }
0xbe: {  	_ =	sfence.sel $0xFFFF  }
0xbf: {  	[dreg:$0x0] =	wrdreg $0xFFFFFFFF;
	(pc) =	sbr.abs _section_cstart, $3  }
0xc0: {  	[dreg:$0x1] =	wrdreg $0xFFFFFFFF  }
0xc1: {  	_ =	task.clear_ibuf [dreg:s6], $0x2FFFF;
	_ =	strace $0x9FFFFFFF  }
0xc2: {  	(tm) =	ssettm $0x7FFFFFFF  }
0xc3: {  	_ =	shalt  }
tec
execute0_lowered:
.L_overlay_start_1:
0x0: {  	(tag) =	ssettag $0x1  }
0x1: {  	s0 =	srdreg.scid;
	s7 =	stileid.u32  }
0x2: {  	s0 =	sand.u32 $0x1, s0;
	s3 =	smul.u32 $0x2710, s7  }
0x3: {  	s1 =	smul.u32 $0x27100, s0  }
0x4: {  	s4 =	rddreg [dreg:$0x0]  }
0x5: {  	s2 =	rddreg [dreg:$0x1];
	s1 =	sadd.s32 s3, s1;
	s3 =	simm.s32 $0x0  }
0x6: {  	s18 =	simm.s32 $0x820;
	[smem:$0x7FF] =	sst s3  }
0x7: {  	s19 =	simm.s32 $0xA0;
	_ =	strace $0x80000047;
	[dreg:$0x5] =	wrdreg s18  }
0x8: {  	s20 =	simm.s32 $0x870;
	[dreg:$0x6] =	wrdreg s19  }
0x9: {  	s21 =	simm.s32 $0xF0;
	[dreg:$0x7] =	wrdreg s20  }
0xa: {  	s22 =	simm.s32 $0x8C0;
	[dreg:$0x8] =	wrdreg s21  }
0xb: {  	s23 =	simm.s32 $0x140;
	[dreg:$0x9] =	wrdreg s22  }
0xc: {  	s24 =	simm.s32 $0x910;
	[dreg:$0xa] =	wrdreg s23  }
0xd: {  	s26 =	simm.s32 $0x190;
	[dreg:$0xb] =	wrdreg s24  }
0xe: {  	s8 =	simm.s32 $0x960;
	[dreg:$0xc] =	wrdreg s26  }
0xf: {  	s9 =	simm.s32 $0x1E0;
	[dreg:$0xd] =	wrdreg s8  }
0x10: {  	s10 =	simm.s32 $0x9B0;
	[dreg:$0xe] =	wrdreg s9  }
0x11: {  	s11 =	simm.s32 $0x230;
	[dreg:$0xf] =	wrdreg s10  }
0x12: {  	s12 =	simm.s32 $0xA00;
	[dreg:$0x10] =	wrdreg s11  }
0x13: {  	s13 =	simm.s32 $0x280;
	s15 =	simm.s32 $0xA50;
	[dreg:$0x11] =	wrdreg s12  }
0x14: {  	s25 =	smul.u32 $0x5000, s0;
	s0 =	ssub.s32 $0x2, s0;
	[dreg:$0x12] =	wrdreg s13  }
0x15: {  	s16 =	simm.s32 $0x2D0;
	s14 =	sshrl.u32 s0, $0x1;
	[dreg:$0x13] =	wrdreg s15  }
0x16: {  	s17 =	simm.s32 $0xAA0;
	s0 =	ssub.s32 s0, s14;
	[dreg:$0x14] =	wrdreg s16  }
0x17: {  	s0 =	smax.u32 s0, $0x1;
	[dreg:$0x15] =	wrdreg s17  }
0x18: {  	s14 =	simm.s32 $0x4B0;
	[smem:$0x7EA] =	sst s0  }
0x19: {  	s19 =	simm.s32 $0x320;
	[smem:$0x7F1] =	sst s14  }
0x1a: {  	s20 =	simm.s32 $0xAF0;
	[dreg:$0x16] =	wrdreg s19  }
0x1b: {  	s21 =	simm.s32 $0x370;
	[dreg:$0x17] =	wrdreg s20  }
0x1c: {  	s22 =	simm.s32 $0xB40;
	[dreg:$0x18] =	wrdreg s21  }
0x1d: {  	s28 =	simm.s32 $0x4;
	s23 =	simm.s32 $0x3C0;
	[dreg:$0x19] =	wrdreg s22  }
0x1e: {  	s29 =	simm.s32 $0x9;
	s24 =	simm.s32 $0xB90;
	[dreg:$0x1a] =	wrdreg s23  }
0x1f: {  	s30 =	simm.s32 $0x5;
	s26 =	simm.s32 $0x410;
	[dreg:$0x1b] =	wrdreg s24  }
0x20: {  	s6 =	smul.u32 $0x500, s7;
	s8 =	simm.s32 $0xBE0;
	[dreg:$0x1c] =	wrdreg s26  }
0x21: {  	s7 =	smul.u32 $0x1400, s7;
	s10 =	simm.s32 $0x460;
	[dreg:$0x1d] =	wrdreg s8  }
0x22: {  	s1 =	sshrl.u32 s1, $0x3;
	s12 =	simm.s32 $0xC30;
	[dreg:$0x1e] =	wrdreg s10  }
0x23: {  	s1 =	sadd.s32 s1, s4;
	s16 =	simm.s32 $0xC80;
	[dreg:$0x1f] =	wrdreg s12  }
0x24: {  	s31 =	simm.s32 $0xA;
	s5 =	sadd.s32 $0x2000, s1;
	[smem:$0x7F4] =	sst s16  }
0x25: {  	s18 =	sshrl.u32 s7, $0x2;
	s1 =	sadd.s32 $0xBE00, s1;
	[dreg:$0x3] =	wrdreg s5  }
0x26: {  	s0 =	simm.s32 $0xE10;
	s7 =	sadd.s32 s18, s2;
	[dreg:$0x4] =	wrdreg s1  }
0x27: {  	s14 =	simm.s32 $0x0;
	s18 =	simm.s32 $0x500;
	[smem:$0x7F2] =	sst s7  }
0x28: {  	s19 =	simm.s32 $0xCD0;
	s16 =	simm.s32 $0xB;
	[smem:$0x7F5] =	sst s18  }
0x29: {  	s20 =	simm.s32 $0x550;
	s21 =	simm.s32 $0xD20;
	[smem:$0x7F6] =	sst s19  }
0x2a: {  	s22 =	simm.s32 $0x5A0;
	s23 =	simm.s32 $0xD70;
	[smem:$0x7F7] =	sst s20  }
0x2b: {  	s24 =	simm.s32 $0x5F0;
	s8 =	simm.s32 $0x6E0;
	[smem:$0x7F8] =	sst s21  }
0x2c: {  	s10 =	simm.s32 $0x730;
	s12 =	simm.s32 $0x780;
	[smem:$0x7F9] =	sst s22  }
0x2d: {  	s5 =	sadd.s32 s6, s25;
	s25 =	sadd.s32 $0xA0, s7;
	[smem:$0x7FA] =	sst s23  }
0x2e: {  	s9 =	sadd.s32 $0x1E0, s7;
	s11 =	sadd.s32 $0x280, s7;
	[smem:$0x7FB] =	sst s24  }
0x2f: {  	s13 =	sadd.s32 $0x320, s7;
	s15 =	sadd.s32 $0x3C0, s7;
	[smem:$0x7EB] =	sst s25  }
0x30: {  	s17 =	sadd.s32 $0x460, s7;
	s18 =	simm.s32 $0x50;
	[smem:$0x7ED] =	sst s9  }
0x31: {  	s19 =	simm.s32 $0xFA0;
	s20 =	simm.s32 $0x1;
	[smem:$0x7EE] =	sst s11  }
0x32: {  	s21 =	simm.s32 $0x6;
	s22 =	simm.s32 $0x2;
	[smem:$0x7EF] =	sst s13  }
0x33: {  	s23 =	simm.s32 $0x7;
	s24 =	simm.s32 $0x3;
	[smem:$0x7F0] =	sst s15  }
0x34: {  	s1 =	simm.s32 $0x640;
	s5 =	sshrl.u32 s5, $0x3;
	[smem:$0x7F3] =	sst s17  }
0x35: {  	s17 =	simm.s32 $0x7D0;
	s25 =	simm.s32 $0xDC0;
	s9 =	simm.s32 $0xEB0  }
0x36: {  	s11 =	simm.s32 $0xF00;
	s13 =	simm.s32 $0xF50;
	s4 =	sadd.s32 s5, s4  }
0x37: {  	s5 =	sadd.s32 $0x2800, s2;
	[smem:$0x7FC] =	sst s25;
	s4 =	sadd.s32 $0x15C00, s4  }
0x38: {  	[smem:$0x7E9] =	sst s4;
	s4 =	sadd.s32 s6, s2;
	s6 =	sadd.s32 $0x140, s7  }
0x39: {  	s7 =	simm.s32 $0xE60;
	[smem:$0x7EC] =	sst s6;
	s26 =	sshrl.u32 s4, $0x3  }
0x3a: {  	v0 =	vimm.f32 $1.000000000e+00;
	v1 =	vimm.f32 $0.0e+00;
	s6 =	simm.s32 $0x690;
	[smem:$0x7FD] =	sst s26;
	s26 =	simm.s32 $0x8  }
.LBB2_1:
0x3b: {  	[tilespmem:$0xFA0] =	vst v0  }
0x3c: {  	[tilespmem:$0xFB0] =	vst v0  }
0x3d: {  	[tilespmem:$0xFC0] =	vst v0  }
0x3e: {  	[tilespmem:$0xFD0] =	vst v0  }
0x3f: {  	[tilespmem:$0xFE0] =	vst v0  }
0x40: {  	[tilespmem:$0xFF0] =	vst v1  }
0x41: {  	[tilespmem:$0x1000] =	vst v1  }
0x42: {  	[tilespmem:$0x1010] =	vst v1  }
0x43: {  	[tilespmem:$0x1020] =	vst v1  }
0x44: {  	[tilespmem:$0x1030] =	vst v1  }
0x45: {  	[tilespmem:$0x1040] =	vst v1  }
0x46: {  	[tilespmem:$0x1050] =	vst v1  }
0x47: {  	[tilespmem:$0x1060] =	vst v1;
	s4 =	sld [smem:$0x7F2]  }
0x48: {  	[tilespmem:$0x1070] =	vst v1  }
0x49: {  	[smem:$0x7E8] =	sst s14;
	[tilespmem:$0x1080] =	vst v1;
	s14 =	simm.s32 $0xFF0  }
0x4a: {  	[spmem:s4] =	stream.linear.scatter [tilespmem:s14], [sflag:$0xB], $0xA0, $0x38;
	[tilespmem:$0x1590] =	vst v63  }
0x4b: {  	_ =	swait.ge [sflag:s16], $0xA0  }
0x4c: {  	s25 =	sld [smem:$0x7EB]  }
0x4d: {  	[sflag:s16] =	ssyncset.done $0x0  }
0x4e: {  	[sflag:s16] =	ssyncadd.s32 $0xFFFFFF60  }
0x4f: {  	[spmem:s25] =	stream.linear.scatter [tilespmem:s14], [sflag:$0xB], $0xA0, $0x38;
	[tilespmem:$0x1590] =	vst v63  }
0x50: {  	_ =	swait.ge [sflag:s16], $0xA0  }
0x51: {  	s15 =	sld [smem:$0x7EC]  }
0x52: {  	[sflag:s16] =	ssyncset.done $0x0  }
0x53: {  	[sflag:s16] =	ssyncadd.s32 $0xFFFFFF60  }
0x54: {  	[spmem:s15] =	stream.linear.scatter [tilespmem:s14], [sflag:$0xB], $0xA0, $0x38;
	[tilespmem:$0x1590] =	vst v63  }
0x55: {  	_ =	swait.ge [sflag:s16], $0xA0  }
0x56: {  	s25 =	sld [smem:$0x7ED]  }
0x57: {  	[sflag:s16] =	ssyncset.done $0x0  }
0x58: {  	[sflag:s16] =	ssyncadd.s32 $0xFFFFFF60  }
0x59: {  	[spmem:s25] =	stream.linear.scatter [tilespmem:s14], [sflag:$0xB], $0xA0, $0x38;
	[tilespmem:$0x1590] =	vst v63  }
0x5a: {  	_ =	swait.ge [sflag:s16], $0xA0  }
0x5b: {  	s15 =	sld [smem:$0x7EE]  }
0x5c: {  	[sflag:s16] =	ssyncset.done $0x0  }
0x5d: {  	[sflag:s16] =	ssyncadd.s32 $0xFFFFFF60  }
0x5e: {  	[spmem:s15] =	stream.linear.scatter [tilespmem:s14], [sflag:$0xB], $0xA0, $0x38;
	[tilespmem:$0x1590] =	vst v63  }
0x5f: {  	_ =	swait.ge [sflag:s16], $0xA0  }
0x60: {  	s25 =	sld [smem:$0x7EF]  }
0x61: {  	[sflag:s16] =	ssyncset.done $0x0  }
0x62: {  	[sflag:s16] =	ssyncadd.s32 $0xFFFFFF60  }
0x63: {  	[spmem:s25] =	stream.linear.scatter [tilespmem:s14], [sflag:$0xB], $0xA0, $0x38;
	[tilespmem:$0x1590] =	vst v63  }
0x64: {  	_ =	swait.ge [sflag:s16], $0xA0  }
0x65: {  	s15 =	sld [smem:$0x7F0]  }
0x66: {  	[sflag:s16] =	ssyncset.done $0x0  }
0x67: {  	[sflag:s16] =	ssyncadd.s32 $0xFFFFFF60  }
0x68: {  	[spmem:s15] =	stream.linear.scatter [tilespmem:s14], [sflag:$0xB], $0xA0, $0x38;
	[tilespmem:$0x1590] =	vst v63  }
0x69: {  	_ =	swait.ge [sflag:s16], $0xA0  }
0x6a: {  	s25 =	sld [smem:$0x7F3]  }
0x6b: {  	[sflag:s16] =	ssyncset.done $0x0  }
0x6c: {  	[sflag:s16] =	ssyncadd.s32 $0xFFFFFF60  }
0x6d: {  	[spmem:s25] =	stream.linear.scatter [tilespmem:s14], [sflag:$0xB], $0xA0, $0x38;
	[tilespmem:$0x1590] =	vst v63  }
0x6e: {  	_ =	swait.ge [sflag:s16], $0xA0  }
0x6f: {  	[sflag:s16] =	ssyncset.done $0x0  }
0x70: {  	[sflag:s16] =	ssyncadd.s32 $0xFFFFFF60  }
0x71: {  	[bflag:$0x0] =	sbarrier.arrive $0xFFFF  }
0x72: {  	s15 =	rddreg [dreg:$0x4]  }
0x73: {  	s4 =	sadd.s32 $0x0, s15  }
0x74: {  	[tilespmem:s3], [sflag:$0xB] =	stream.linear.gather [hbm4b:s4+s3], $0x7D0, $0x38;
	[tilespmem:$0x1590] =	vst v63  }
0x75: {  	_ =	swait.ge [sflag:s16], $0x7D0  }
0x76: {  	s25 =	rddreg [dreg:$0x3];
	[sflag:s16] =	ssyncset.done $0x0  }
0x77: {  	[sflag:s16] =	ssyncadd.s32 $0xFFFFF830;
	s4 =	sadd.s32 $0x0, s25  }
0x78: {  	[tilespmem:s17], [sflag:$0xB] =	stream.linear.gather [hbm4b:s4+s3], $0x7D0, $0x38;
	[tilespmem:$0x1590] =	vst v63  }
0x79: {  	_ =	swait.ge [sflag:s16], $0x7D0  }
0x7a: {  	[sflag:s16] =	ssyncset.done $0x0  }
0x7b: {  	[sflag:s16] =	ssyncadd.s32 $0xFFFFF830  }
0x7c: {  	[spmem:s2] =	stream.indirect.scatter.add.f32 [tilespmem:s19], [sflag:$0x1], $0x1, s3, s18, $0xb8;
	[tilespmem:$0x1590] =	vst v63  }
0x7d: {  	_ = 	snop  }
0x7e: {  	[spmem:s5] =	stream.indirect.scatter.add.f32 [tilespmem:s19], [sflag:$0x6], $0x1, s17, s18, $0xb8;
	[tilespmem:$0x1590] =	vst v63  }
0x7f: {  	_ = 	snop  }
0x80: {  	[spmem:s2] =	stream.indirect.scatter.add.f32 [tilespmem:s19], [sflag:$0x2], $0x1, s18, s18, $0xb8;
	[tilespmem:$0x1590] =	vst v63  }
0x81: {  	s14 =	rddreg [dreg:$0x5]  }
0x82: {  	[spmem:s5] =	stream.indirect.scatter.add.f32 [tilespmem:s19], [sflag:$0x7], $0x1, s14, s18, $0xb8;
	[tilespmem:$0x1590] =	vst v63  }
0x83: {  	s15 =	rddreg [dreg:$0x6]  }
0x84: {  	[spmem:s2] =	stream.indirect.scatter.add.f32 [tilespmem:s19], [sflag:$0x3], $0x1, s15, s18, $0xb8;
	[tilespmem:$0x1590] =	vst v63  }
0x85: {  	s25 =	rddreg [dreg:$0x7]  }
0x86: {  	[spmem:s5] =	stream.indirect.scatter.add.f32 [tilespmem:s19], [sflag:$0x8], $0x1, s25, s18, $0xb8;
	[tilespmem:$0x1590] =	vst v63  }
0x87: {  	s14 =	rddreg [dreg:$0x8]  }
0x88: {  	[spmem:s2] =	stream.indirect.scatter.add.f32 [tilespmem:s19], [sflag:$0x4], $0x1, s14, s18, $0xb8;
	[tilespmem:$0x1590] =	vst v63  }
0x89: {  	s25 =	rddreg [dreg:$0x9]  }
0x8a: {  	[spmem:s5] =	stream.indirect.scatter.add.f32 [tilespmem:s19], [sflag:$0x9], $0x1, s25, s18, $0xb8;
	[tilespmem:$0x1590] =	vst v63  }
0x8b: {  	s14 =	rddreg [dreg:$0xa]  }
0x8c: {  	[spmem:s2] =	stream.indirect.scatter.add.f32 [tilespmem:s19], [sflag:$0x5], $0x1, s14, s18, $0xb8;
	[tilespmem:$0x1590] =	vst v63  }
0x8d: {  	s25 =	rddreg [dreg:$0xb]  }
0x8e: {  	[spmem:s5] =	stream.indirect.scatter.add.f32 [tilespmem:s19], [sflag:$0xA], $0x1, s25, s18, $0xb8;
	[tilespmem:$0x1590] =	vst v63  }
0x8f: {  	_ =	swait.ge [sflag:s20], $0x50  }
0x90: {  	[sflag:s20] =	ssyncset.done $0x0  }
0x91: {  	s14 =	rddreg [dreg:$0xc];
	[sflag:s20] =	ssyncadd.s32 $0xFFFFFFB0  }
0x92: {  	[spmem:s2] =	stream.indirect.scatter.add.f32 [tilespmem:s19], [sflag:$0x1], $0x1, s14, s18, $0xb8;
	[tilespmem:$0x1590] =	vst v63  }
0x93: {  	_ =	swait.ge [sflag:s21], $0x50  }
0x94: {  	[sflag:s21] =	ssyncset.done $0x0  }
0x95: {  	s15 =	rddreg [dreg:$0xd];
	[sflag:s21] =	ssyncadd.s32 $0xFFFFFFB0  }
0x96: {  	[spmem:s5] =	stream.indirect.scatter.add.f32 [tilespmem:s19], [sflag:$0x6], $0x1, s15, s18, $0xb8;
	[tilespmem:$0x1590] =	vst v63  }
0x97: {  	_ =	swait.ge [sflag:s22], $0x50  }
0x98: {  	[sflag:s22] =	ssyncset.done $0x0  }
0x99: {  	s25 =	rddreg [dreg:$0xe];
	[sflag:s22] =	ssyncadd.s32 $0xFFFFFFB0  }
0x9a: {  	[spmem:s2] =	stream.indirect.scatter.add.f32 [tilespmem:s19], [sflag:$0x2], $0x1, s25, s18, $0xb8;
	[tilespmem:$0x1590] =	vst v63  }
0x9b: {  	_ =	swait.ge [sflag:s23], $0x50  }
0x9c: {  	[sflag:s23] =	ssyncset.done $0x0  }
0x9d: {  	s14 =	rddreg [dreg:$0xf];
	[sflag:s23] =	ssyncadd.s32 $0xFFFFFFB0  }
0x9e: {  	[spmem:s5] =	stream.indirect.scatter.add.f32 [tilespmem:s19], [sflag:$0x7], $0x1, s14, s18, $0xb8;
	[tilespmem:$0x1590] =	vst v63  }
0x9f: {  	_ =	swait.ge [sflag:s24], $0x50  }
0xa0: {  	[sflag:s24] =	ssyncset.done $0x0  }
0xa1: {  	s15 =	rddreg [dreg:$0x10];
	[sflag:s24] =	ssyncadd.s32 $0xFFFFFFB0  }
0xa2: {  	[spmem:s2] =	stream.indirect.scatter.add.f32 [tilespmem:s19], [sflag:$0x3], $0x1, s15, s18, $0xb8;
	[tilespmem:$0x1590] =	vst v63  }
0xa3: {  	_ =	swait.ge [sflag:s26], $0x50  }
0xa4: {  	[sflag:s26] =	ssyncset.done $0x0  }
0xa5: {  	s25 =	rddreg [dreg:$0x11];
	[sflag:s26] =	ssyncadd.s32 $0xFFFFFFB0  }
0xa6: {  	[spmem:s5] =	stream.indirect.scatter.add.f32 [tilespmem:s19], [sflag:$0x8], $0x1, s25, s18, $0xb8;
	[tilespmem:$0x1590] =	vst v63  }
0xa7: {  	_ =	swait.ge [sflag:s28], $0x50  }
0xa8: {  	[sflag:s28] =	ssyncset.done $0x0  }
0xa9: {  	s14 =	rddreg [dreg:$0x12];
	[sflag:s28] =	ssyncadd.s32 $0xFFFFFFB0  }
0xaa: {  	[spmem:s2] =	stream.indirect.scatter.add.f32 [tilespmem:s19], [sflag:$0x4], $0x1, s14, s18, $0xb8;
	[tilespmem:$0x1590] =	vst v63  }
0xab: {  	_ =	swait.ge [sflag:s29], $0x50  }
0xac: {  	[sflag:s29] =	ssyncset.done $0x0  }
0xad: {  	s15 =	rddreg [dreg:$0x13];
	[sflag:s29] =	ssyncadd.s32 $0xFFFFFFB0  }
0xae: {  	[spmem:s5] =	stream.indirect.scatter.add.f32 [tilespmem:s19], [sflag:$0x9], $0x1, s15, s18, $0xb8;
	[tilespmem:$0x1590] =	vst v63  }
0xaf: {  	_ =	swait.ge [sflag:s30], $0x50  }
0xb0: {  	[sflag:s30] =	ssyncset.done $0x0  }
0xb1: {  	s25 =	rddreg [dreg:$0x14];
	[sflag:s30] =	ssyncadd.s32 $0xFFFFFFB0  }
0xb2: {  	[spmem:s2] =	stream.indirect.scatter.add.f32 [tilespmem:s19], [sflag:$0x5], $0x1, s25, s18, $0xb8;
	[tilespmem:$0x1590] =	vst v63  }
0xb3: {  	_ =	swait.ge [sflag:s31], $0x50  }
0xb4: {  	[sflag:s31] =	ssyncset.done $0x0  }
0xb5: {  	s14 =	rddreg [dreg:$0x15];
	[sflag:s31] =	ssyncadd.s32 $0xFFFFFFB0  }
0xb6: {  	[spmem:s5] =	stream.indirect.scatter.add.f32 [tilespmem:s19], [sflag:$0xA], $0x1, s14, s18, $0xb8;
	[tilespmem:$0x1590] =	vst v63  }
0xb7: {  	_ =	swait.ge [sflag:s20], $0x50  }
0xb8: {  	[sflag:s20] =	ssyncset.done $0x0  }
0xb9: {  	s15 =	rddreg [dreg:$0x16];
	[sflag:s20] =	ssyncadd.s32 $0xFFFFFFB0  }
0xba: {  	[spmem:s2] =	stream.indirect.scatter.add.f32 [tilespmem:s19], [sflag:$0x1], $0x1, s15, s18, $0xb8;
	[tilespmem:$0x1590] =	vst v63  }
0xbb: {  	_ =	swait.ge [sflag:s21], $0x50  }
0xbc: {  	[sflag:s21] =	ssyncset.done $0x0  }
0xbd: {  	s25 =	rddreg [dreg:$0x17];
	[sflag:s21] =	ssyncadd.s32 $0xFFFFFFB0  }
0xbe: {  	[spmem:s5] =	stream.indirect.scatter.add.f32 [tilespmem:s19], [sflag:$0x6], $0x1, s25, s18, $0xb8;
	[tilespmem:$0x1590] =	vst v63  }
0xbf: {  	_ =	swait.ge [sflag:s22], $0x50  }
0xc0: {  	[sflag:s22] =	ssyncset.done $0x0  }
0xc1: {  	s14 =	rddreg [dreg:$0x18];
	[sflag:s22] =	ssyncadd.s32 $0xFFFFFFB0  }
0xc2: {  	[spmem:s2] =	stream.indirect.scatter.add.f32 [tilespmem:s19], [sflag:$0x2], $0x1, s14, s18, $0xb8;
	[tilespmem:$0x1590] =	vst v63  }
0xc3: {  	_ =	swait.ge [sflag:s23], $0x50  }
0xc4: {  	[sflag:s23] =	ssyncset.done $0x0  }
0xc5: {  	s15 =	rddreg [dreg:$0x19];
	[sflag:s23] =	ssyncadd.s32 $0xFFFFFFB0  }
0xc6: {  	[spmem:s5] =	stream.indirect.scatter.add.f32 [tilespmem:s19], [sflag:$0x7], $0x1, s15, s18, $0xb8;
	[tilespmem:$0x1590] =	vst v63  }
0xc7: {  	_ =	swait.ge [sflag:s24], $0x50  }
0xc8: {  	[sflag:s24] =	ssyncset.done $0x0  }
0xc9: {  	s25 =	rddreg [dreg:$0x1a];
	[sflag:s24] =	ssyncadd.s32 $0xFFFFFFB0  }
0xca: {  	[spmem:s2] =	stream.indirect.scatter.add.f32 [tilespmem:s19], [sflag:$0x3], $0x1, s25, s18, $0xb8;
	[tilespmem:$0x1590] =	vst v63  }
0xcb: {  	_ =	swait.ge [sflag:s26], $0x50  }
0xcc: {  	[sflag:s26] =	ssyncset.done $0x0  }
0xcd: {  	s14 =	rddreg [dreg:$0x1b];
	[sflag:s26] =	ssyncadd.s32 $0xFFFFFFB0  }
0xce: {  	[spmem:s5] =	stream.indirect.scatter.add.f32 [tilespmem:s19], [sflag:$0x8], $0x1, s14, s18, $0xb8;
	[tilespmem:$0x1590] =	vst v63  }
0xcf: {  	_ =	swait.ge [sflag:s28], $0x50  }
0xd0: {  	[sflag:s28] =	ssyncset.done $0x0  }
0xd1: {  	s15 =	rddreg [dreg:$0x1c];
	[sflag:s28] =	ssyncadd.s32 $0xFFFFFFB0  }
0xd2: {  	[spmem:s2] =	stream.indirect.scatter.add.f32 [tilespmem:s19], [sflag:$0x4], $0x1, s15, s18, $0xb8;
	[tilespmem:$0x1590] =	vst v63  }
0xd3: {  	_ =	swait.ge [sflag:s29], $0x50  }
0xd4: {  	[sflag:s29] =	ssyncset.done $0x0  }
0xd5: {  	s25 =	rddreg [dreg:$0x1d];
	[sflag:s29] =	ssyncadd.s32 $0xFFFFFFB0  }
0xd6: {  	[spmem:s5] =	stream.indirect.scatter.add.f32 [tilespmem:s19], [sflag:$0x9], $0x1, s25, s18, $0xb8;
	[tilespmem:$0x1590] =	vst v63  }
0xd7: {  	_ =	swait.ge [sflag:s30], $0x50  }
0xd8: {  	[sflag:s30] =	ssyncset.done $0x0  }
0xd9: {  	s14 =	rddreg [dreg:$0x1e];
	[sflag:s30] =	ssyncadd.s32 $0xFFFFFFB0  }
0xda: {  	[spmem:s2] =	stream.indirect.scatter.add.f32 [tilespmem:s19], [sflag:$0x5], $0x1, s14, s18, $0xb8;
	[tilespmem:$0x1590] =	vst v63  }
0xdb: {  	_ =	swait.ge [sflag:s31], $0x50  }
0xdc: {  	[sflag:s31] =	ssyncset.done $0x0  }
0xdd: {  	s15 =	rddreg [dreg:$0x1f];
	[sflag:s31] =	ssyncadd.s32 $0xFFFFFFB0  }
0xde: {  	[spmem:s5] =	stream.indirect.scatter.add.f32 [tilespmem:s19], [sflag:$0xA], $0x1, s15, s18, $0xb8;
	[tilespmem:$0x1590] =	vst v63  }
0xdf: {  	_ =	swait.ge [sflag:s20], $0x50  }
0xe0: {  	s25 =	sld [smem:$0x7F1]  }
0xe1: {  	[sflag:s20] =	ssyncset.done $0x0  }
0xe2: {  	[sflag:s20] =	ssyncadd.s32 $0xFFFFFFB0  }
0xe3: {  	[spmem:s2] =	stream.indirect.scatter.add.f32 [tilespmem:s19], [sflag:$0x1], $0x1, s25, s18, $0xb8;
	[tilespmem:$0x1590] =	vst v63  }
0xe4: {  	_ =	swait.ge [sflag:s21], $0x50  }
0xe5: {  	s14 =	sld [smem:$0x7F4]  }
0xe6: {  	[sflag:s21] =	ssyncset.done $0x0  }
0xe7: {  	[sflag:s21] =	ssyncadd.s32 $0xFFFFFFB0  }
0xe8: {  	[spmem:s5] =	stream.indirect.scatter.add.f32 [tilespmem:s19], [sflag:$0x6], $0x1, s14, s18, $0xb8;
	[tilespmem:$0x1590] =	vst v63  }
0xe9: {  	_ =	swait.ge [sflag:s22], $0x50  }
0xea: {  	s15 =	sld [smem:$0x7F5]  }
0xeb: {  	[sflag:s22] =	ssyncset.done $0x0  }
0xec: {  	[sflag:s22] =	ssyncadd.s32 $0xFFFFFFB0  }
0xed: {  	[spmem:s2] =	stream.indirect.scatter.add.f32 [tilespmem:s19], [sflag:$0x2], $0x1, s15, s18, $0xb8;
	[tilespmem:$0x1590] =	vst v63  }
0xee: {  	_ =	swait.ge [sflag:s23], $0x50  }
0xef: {  	s25 =	sld [smem:$0x7F6]  }
0xf0: {  	[sflag:s23] =	ssyncset.done $0x0  }
0xf1: {  	[sflag:s23] =	ssyncadd.s32 $0xFFFFFFB0  }
0xf2: {  	[spmem:s5] =	stream.indirect.scatter.add.f32 [tilespmem:s19], [sflag:$0x7], $0x1, s25, s18, $0xb8;
	[tilespmem:$0x1590] =	vst v63  }
0xf3: {  	_ =	swait.ge [sflag:s24], $0x50  }
0xf4: {  	s14 =	sld [smem:$0x7F7]  }
0xf5: {  	[sflag:s24] =	ssyncset.done $0x0  }
0xf6: {  	[sflag:s24] =	ssyncadd.s32 $0xFFFFFFB0  }
0xf7: {  	[spmem:s2] =	stream.indirect.scatter.add.f32 [tilespmem:s19], [sflag:$0x3], $0x1, s14, s18, $0xb8;
	[tilespmem:$0x1590] =	vst v63  }
0xf8: {  	_ =	swait.ge [sflag:s26], $0x50  }
0xf9: {  	s15 =	sld [smem:$0x7F8]  }
0xfa: {  	[sflag:s26] =	ssyncset.done $0x0  }
0xfb: {  	[sflag:s26] =	ssyncadd.s32 $0xFFFFFFB0  }
0xfc: {  	[spmem:s5] =	stream.indirect.scatter.add.f32 [tilespmem:s19], [sflag:$0x8], $0x1, s15, s18, $0xb8;
	[tilespmem:$0x1590] =	vst v63  }
0xfd: {  	_ =	swait.ge [sflag:s28], $0x50  }
0xfe: {  	s25 =	sld [smem:$0x7F9]  }
0xff: {  	[sflag:s28] =	ssyncset.done $0x0  }
0x100: {  	[sflag:s28] =	ssyncadd.s32 $0xFFFFFFB0  }
0x101: {  	[spmem:s2] =	stream.indirect.scatter.add.f32 [tilespmem:s19], [sflag:$0x4], $0x1, s25, s18, $0xb8;
	[tilespmem:$0x1590] =	vst v63  }
0x102: {  	_ =	swait.ge [sflag:s29], $0x50  }
0x103: {  	s14 =	sld [smem:$0x7FA]  }
0x104: {  	[sflag:s29] =	ssyncset.done $0x0  }
0x105: {  	[sflag:s29] =	ssyncadd.s32 $0xFFFFFFB0  }
0x106: {  	[spmem:s5] =	stream.indirect.scatter.add.f32 [tilespmem:s19], [sflag:$0x9], $0x1, s14, s18, $0xb8;
	[tilespmem:$0x1590] =	vst v63  }
0x107: {  	_ =	swait.ge [sflag:s30], $0x50  }
0x108: {  	s15 =	sld [smem:$0x7FB]  }
0x109: {  	[sflag:s30] =	ssyncset.done $0x0  }
0x10a: {  	[sflag:s30] =	ssyncadd.s32 $0xFFFFFFB0  }
0x10b: {  	[spmem:s2] =	stream.indirect.scatter.add.f32 [tilespmem:s19], [sflag:$0x5], $0x1, s15, s18, $0xb8;
	[tilespmem:$0x1590] =	vst v63  }
0x10c: {  	_ =	swait.ge [sflag:s31], $0x50  }
0x10d: {  	s25 =	sld [smem:$0x7FC]  }
0x10e: {  	[sflag:s31] =	ssyncset.done $0x0  }
0x10f: {  	[sflag:s31] =	ssyncadd.s32 $0xFFFFFFB0  }
0x110: {  	[spmem:s5] =	stream.indirect.scatter.add.f32 [tilespmem:s19], [sflag:$0xA], $0x1, s25, s18, $0xb8;
	[tilespmem:$0x1590] =	vst v63  }
0x111: {  	_ =	swait.ge [sflag:s20], $0x50  }
0x112: {  	[sflag:s20] =	ssyncset.done $0x0  }
0x113: {  	[sflag:s20] =	ssyncadd.s32 $0xFFFFFFB0  }
0x114: {  	[spmem:s2] =	stream.indirect.scatter.add.f32 [tilespmem:s19], [sflag:$0x1], $0x1, s1, s18, $0xb8;
	[tilespmem:$0x1590] =	vst v63  }
0x115: {  	_ =	swait.ge [sflag:s21], $0x50  }
0x116: {  	[sflag:s21] =	ssyncset.done $0x0  }
0x117: {  	[sflag:s21] =	ssyncadd.s32 $0xFFFFFFB0  }
0x118: {  	[spmem:s5] =	stream.indirect.scatter.add.f32 [tilespmem:s19], [sflag:$0x6], $0x1, s0, s18, $0xb8;
	[tilespmem:$0x1590] =	vst v63  }
0x119: {  	_ =	swait.ge [sflag:s22], $0x50  }
0x11a: {  	[sflag:s22] =	ssyncset.done $0x0  }
0x11b: {  	[sflag:s22] =	ssyncadd.s32 $0xFFFFFFB0  }
0x11c: {  	[spmem:s2] =	stream.indirect.scatter.add.f32 [tilespmem:s19], [sflag:$0x2], $0x1, s6, s18, $0xb8;
	[tilespmem:$0x1590] =	vst v63  }
0x11d: {  	_ =	swait.ge [sflag:s23], $0x50  }
0x11e: {  	[sflag:s23] =	ssyncset.done $0x0  }
0x11f: {  	[sflag:s23] =	ssyncadd.s32 $0xFFFFFFB0  }
0x120: {  	[spmem:s5] =	stream.indirect.scatter.add.f32 [tilespmem:s19], [sflag:$0x7], $0x1, s7, s18, $0xb8;
	[tilespmem:$0x1590] =	vst v63  }
0x121: {  	_ =	swait.ge [sflag:s24], $0x50  }
0x122: {  	[sflag:s24] =	ssyncset.done $0x0  }
0x123: {  	[sflag:s24] =	ssyncadd.s32 $0xFFFFFFB0  }
0x124: {  	[spmem:s2] =	stream.indirect.scatter.add.f32 [tilespmem:s19], [sflag:$0x3], $0x1, s8, s18, $0xb8;
	[tilespmem:$0x1590] =	vst v63  }
0x125: {  	_ =	swait.ge [sflag:s26], $0x50  }
0x126: {  	[sflag:s26] =	ssyncset.done $0x0  }
0x127: {  	[sflag:s26] =	ssyncadd.s32 $0xFFFFFFB0  }
0x128: {  	[spmem:s5] =	stream.indirect.scatter.add.f32 [tilespmem:s19], [sflag:$0x8], $0x1, s9, s18, $0xb8;
	[tilespmem:$0x1590] =	vst v63  }
0x129: {  	_ =	swait.ge [sflag:s28], $0x50  }
0x12a: {  	[sflag:s28] =	ssyncset.done $0x0  }
0x12b: {  	[sflag:s28] =	ssyncadd.s32 $0xFFFFFFB0  }
0x12c: {  	[spmem:s2] =	stream.indirect.scatter.add.f32 [tilespmem:s19], [sflag:$0x4], $0x1, s10, s18, $0xb8;
	[tilespmem:$0x1590] =	vst v63  }
0x12d: {  	_ =	swait.ge [sflag:s29], $0x50  }
0x12e: {  	[sflag:s29] =	ssyncset.done $0x0  }
0x12f: {  	[sflag:s29] =	ssyncadd.s32 $0xFFFFFFB0  }
0x130: {  	[spmem:s5] =	stream.indirect.scatter.add.f32 [tilespmem:s19], [sflag:$0x9], $0x1, s11, s18, $0xb8;
	[tilespmem:$0x1590] =	vst v63  }
0x131: {  	_ =	swait.ge [sflag:s30], $0x50  }
0x132: {  	[sflag:s30] =	ssyncset.done $0x0  }
0x133: {  	[sflag:s30] =	ssyncadd.s32 $0xFFFFFFB0  }
0x134: {  	[spmem:s2] =	stream.indirect.scatter.add.f32 [tilespmem:s19], [sflag:$0x5], $0x1, s12, s18, $0xb8;
	[tilespmem:$0x1590] =	vst v63  }
0x135: {  	_ =	swait.ge [sflag:s31], $0x50  }
0x136: {  	[sflag:s31] =	ssyncset.done $0x0  }
0x137: {  	[sflag:s31] =	ssyncadd.s32 $0xFFFFFFB0  }
0x138: {  	[spmem:s5] =	stream.indirect.scatter.add.f32 [tilespmem:s19], [sflag:$0xA], $0x1, s13, s18, $0xb8;
	[tilespmem:$0x1590] =	vst v63  }
0x139: {  	_ =	swait.ge [sflag:s20], $0x50  }
0x13a: {  	[sflag:s20] =	ssyncset.done $0x0  }
0x13b: {  	[sflag:s20] =	ssyncadd.s32 $0xFFFFFFB0  }
0x13c: {  	_ =	swait.ge [sflag:s22], $0x50  }
0x13d: {  	[sflag:s22] =	ssyncset.done $0x0  }
0x13e: {  	[sflag:s22] =	ssyncadd.s32 $0xFFFFFFB0  }
0x13f: {  	_ =	swait.ge [sflag:s24], $0x50  }
0x140: {  	[sflag:s24] =	ssyncset.done $0x0  }
0x141: {  	[sflag:s24] =	ssyncadd.s32 $0xFFFFFFB0  }
0x142: {  	_ =	swait.ge [sflag:s28], $0x50  }
0x143: {  	[sflag:s28] =	ssyncset.done $0x0  }
0x144: {  	[sflag:s28] =	ssyncadd.s32 $0xFFFFFFB0  }
0x145: {  	_ =	swait.ge [sflag:s30], $0x50  }
0x146: {  	[sflag:s30] =	ssyncset.done $0x0  }
0x147: {  	[sflag:s30] =	ssyncadd.s32 $0xFFFFFFB0  }
0x148: {  	_ =	swait.ge [sflag:s21], $0x50  }
0x149: {  	[sflag:s21] =	ssyncset.done $0x0  }
0x14a: {  	[sflag:s21] =	ssyncadd.s32 $0xFFFFFFB0  }
0x14b: {  	_ =	swait.ge [sflag:s23], $0x50  }
0x14c: {  	[sflag:s23] =	ssyncset.done $0x0  }
0x14d: {  	[sflag:s23] =	ssyncadd.s32 $0xFFFFFFB0  }
0x14e: {  	_ =	swait.ge [sflag:s26], $0x50  }
0x14f: {  	[sflag:s26] =	ssyncset.done $0x0  }
0x150: {  	[sflag:s26] =	ssyncadd.s32 $0xFFFFFFB0  }
0x151: {  	_ =	swait.ge [sflag:s29], $0x50  }
0x152: {  	[sflag:s29] =	ssyncset.done $0x0  }
0x153: {  	[sflag:s29] =	ssyncadd.s32 $0xFFFFFFB0  }
0x154: {  	s4 =	simm.s32 $0x1F4;
	_ =	swait.ge [sflag:s31], $0x50  }
0x155: {  	s25 =	simm.s32 $0xFA;
	s15 =	rddreg [dreg:$0x4];
	[sflag:s31] =	ssyncset.done $0x0  }
.LBB2_2:
0x156: {  	[sflag:s31] =	ssyncadd.s32 $0xFFFFFFB0;
	s15 =	sadd.s32 s25, s15  }
0x157: {  	[tilespmem:s3], [sflag:$0xB] =	stream.linear.gather [hbm4b:s15+s3], $0x7D0, $0x38;
	[tilespmem:$0x1590] =	vst v63  }
0x158: {  	_ =	swait.ge [sflag:s16], $0x7D0  }
0x159: {  	s15 =	rddreg [dreg:$0x3];
	[sflag:s16] =	ssyncset.done $0x0  }
0x15a: {  	[sflag:s16] =	ssyncadd.s32 $0xFFFFF830;
	s15 =	sadd.s32 s25, s15  }
0x15b: {  	[tilespmem:s17], [sflag:$0xB] =	stream.linear.gather [hbm4b:s15+s3], $0x7D0, $0x38;
	[tilespmem:$0x1590] =	vst v63  }
0x15c: {  	_ =	swait.ge [sflag:s16], $0x7D0  }
0x15d: {  	[sflag:s16] =	ssyncset.done $0x0  }
0x15e: {  	[sflag:s16] =	ssyncadd.s32 $0xFFFFF830  }
0x15f: {  	[spmem:s2] =	stream.indirect.scatter.add.f32 [tilespmem:s19], [sflag:$0x1], $0x1, s3, s18, $0xb8;
	[tilespmem:$0x1590] =	vst v63  }
0x160: {  	_ = 	snop  }
0x161: {  	[spmem:s5] =	stream.indirect.scatter.add.f32 [tilespmem:s19], [sflag:$0x6], $0x1, s17, s18, $0xb8;
	[tilespmem:$0x1590] =	vst v63  }
0x162: {  	s14 =	smov.u32 s4  }
0x163: {  	[spmem:s2] =	stream.indirect.scatter.add.f32 [tilespmem:s19], [sflag:$0x2], $0x1, s18, s18, $0xb8;
	[tilespmem:$0x1590] =	vst v63  }
0x164: {  	s25 =	smov.u32 s14;
	s14 =	rddreg [dreg:$0x5]  }
0x165: {  	[spmem:s5] =	stream.indirect.scatter.add.f32 [tilespmem:s19], [sflag:$0x7], $0x1, s14, s18, $0xb8;
	[tilespmem:$0x1590] =	vst v63  }
0x166: {  	s15 =	rddreg [dreg:$0x6]  }
0x167: {  	[spmem:s2] =	stream.indirect.scatter.add.f32 [tilespmem:s19], [sflag:$0x3], $0x1, s15, s18, $0xb8;
	[tilespmem:$0x1590] =	vst v63  }
0x168: {  	s14 =	rddreg [dreg:$0x7]  }
0x169: {  	[spmem:s5] =	stream.indirect.scatter.add.f32 [tilespmem:s19], [sflag:$0x8], $0x1, s14, s18, $0xb8;
	[tilespmem:$0x1590] =	vst v63  }
0x16a: {  	s15 =	rddreg [dreg:$0x8]  }
0x16b: {  	[spmem:s2] =	stream.indirect.scatter.add.f32 [tilespmem:s19], [sflag:$0x4], $0x1, s15, s18, $0xb8;
	[tilespmem:$0x1590] =	vst v63  }
0x16c: {  	s14 =	rddreg [dreg:$0x9]  }
0x16d: {  	[spmem:s5] =	stream.indirect.scatter.add.f32 [tilespmem:s19], [sflag:$0x9], $0x1, s14, s18, $0xb8;
	[tilespmem:$0x1590] =	vst v63  }
0x16e: {  	s15 =	rddreg [dreg:$0xa]  }
0x16f: {  	[spmem:s2] =	stream.indirect.scatter.add.f32 [tilespmem:s19], [sflag:$0x5], $0x1, s15, s18, $0xb8;
	[tilespmem:$0x1590] =	vst v63  }
0x170: {  	s14 =	rddreg [dreg:$0xb]  }
0x171: {  	[spmem:s5] =	stream.indirect.scatter.add.f32 [tilespmem:s19], [sflag:$0xA], $0x1, s14, s18, $0xb8;
	[tilespmem:$0x1590] =	vst v63  }
0x172: {  	_ =	swait.ge [sflag:s20], $0x50  }
0x173: {  	[sflag:s20] =	ssyncset.done $0x0  }
0x174: {  	s15 =	rddreg [dreg:$0xc];
	[sflag:s20] =	ssyncadd.s32 $0xFFFFFFB0  }
0x175: {  	[spmem:s2] =	stream.indirect.scatter.add.f32 [tilespmem:s19], [sflag:$0x1], $0x1, s15, s18, $0xb8;
	[tilespmem:$0x1590] =	vst v63  }
0x176: {  	_ =	swait.ge [sflag:s21], $0x50  }
0x177: {  	[sflag:s21] =	ssyncset.done $0x0  }
0x178: {  	s15 =	rddreg [dreg:$0xd];
	[sflag:s21] =	ssyncadd.s32 $0xFFFFFFB0  }
0x179: {  	[spmem:s5] =	stream.indirect.scatter.add.f32 [tilespmem:s19], [sflag:$0x6], $0x1, s15, s18, $0xb8;
	[tilespmem:$0x1590] =	vst v63  }
0x17a: {  	_ =	swait.ge [sflag:s22], $0x50  }
0x17b: {  	[sflag:s22] =	ssyncset.done $0x0  }
0x17c: {  	s15 =	rddreg [dreg:$0xe];
	[sflag:s22] =	ssyncadd.s32 $0xFFFFFFB0  }
0x17d: {  	[spmem:s2] =	stream.indirect.scatter.add.f32 [tilespmem:s19], [sflag:$0x2], $0x1, s15, s18, $0xb8;
	[tilespmem:$0x1590] =	vst v63  }
0x17e: {  	_ =	swait.ge [sflag:s23], $0x50  }
0x17f: {  	[sflag:s23] =	ssyncset.done $0x0  }
0x180: {  	s15 =	rddreg [dreg:$0xf];
	[sflag:s23] =	ssyncadd.s32 $0xFFFFFFB0  }
0x181: {  	[spmem:s5] =	stream.indirect.scatter.add.f32 [tilespmem:s19], [sflag:$0x7], $0x1, s15, s18, $0xb8;
	[tilespmem:$0x1590] =	vst v63  }
0x182: {  	_ =	swait.ge [sflag:s24], $0x50  }
0x183: {  	[sflag:s24] =	ssyncset.done $0x0  }
0x184: {  	s15 =	rddreg [dreg:$0x10];
	[sflag:s24] =	ssyncadd.s32 $0xFFFFFFB0  }
0x185: {  	[spmem:s2] =	stream.indirect.scatter.add.f32 [tilespmem:s19], [sflag:$0x3], $0x1, s15, s18, $0xb8;
	[tilespmem:$0x1590] =	vst v63  }
0x186: {  	_ =	swait.ge [sflag:s26], $0x50  }
0x187: {  	[sflag:s26] =	ssyncset.done $0x0  }
0x188: {  	s15 =	rddreg [dreg:$0x11];
	[sflag:s26] =	ssyncadd.s32 $0xFFFFFFB0  }
0x189: {  	[spmem:s5] =	stream.indirect.scatter.add.f32 [tilespmem:s19], [sflag:$0x8], $0x1, s15, s18, $0xb8;
	[tilespmem:$0x1590] =	vst v63  }
0x18a: {  	_ =	swait.ge [sflag:s28], $0x50  }
0x18b: {  	[sflag:s28] =	ssyncset.done $0x0  }
0x18c: {  	s15 =	rddreg [dreg:$0x12];
	[sflag:s28] =	ssyncadd.s32 $0xFFFFFFB0  }
0x18d: {  	[spmem:s2] =	stream.indirect.scatter.add.f32 [tilespmem:s19], [sflag:$0x4], $0x1, s15, s18, $0xb8;
	[tilespmem:$0x1590] =	vst v63  }
0x18e: {  	_ =	swait.ge [sflag:s29], $0x50  }
0x18f: {  	[sflag:s29] =	ssyncset.done $0x0  }
0x190: {  	s15 =	rddreg [dreg:$0x13];
	[sflag:s29] =	ssyncadd.s32 $0xFFFFFFB0  }
0x191: {  	[spmem:s5] =	stream.indirect.scatter.add.f32 [tilespmem:s19], [sflag:$0x9], $0x1, s15, s18, $0xb8;
	[tilespmem:$0x1590] =	vst v63  }
0x192: {  	_ =	swait.ge [sflag:s30], $0x50  }
0x193: {  	[sflag:s30] =	ssyncset.done $0x0  }
0x194: {  	s15 =	rddreg [dreg:$0x14];
	[sflag:s30] =	ssyncadd.s32 $0xFFFFFFB0  }
0x195: {  	[spmem:s2] =	stream.indirect.scatter.add.f32 [tilespmem:s19], [sflag:$0x5], $0x1, s15, s18, $0xb8;
	[tilespmem:$0x1590] =	vst v63  }
0x196: {  	_ =	swait.ge [sflag:s31], $0x50  }
0x197: {  	[sflag:s31] =	ssyncset.done $0x0  }
0x198: {  	s15 =	rddreg [dreg:$0x15];
	[sflag:s31] =	ssyncadd.s32 $0xFFFFFFB0  }
0x199: {  	[spmem:s5] =	stream.indirect.scatter.add.f32 [tilespmem:s19], [sflag:$0xA], $0x1, s15, s18, $0xb8;
	[tilespmem:$0x1590] =	vst v63  }
0x19a: {  	_ =	swait.ge [sflag:s20], $0x50  }
0x19b: {  	[sflag:s20] =	ssyncset.done $0x0  }
0x19c: {  	s15 =	rddreg [dreg:$0x16];
	[sflag:s20] =	ssyncadd.s32 $0xFFFFFFB0  }
0x19d: {  	[spmem:s2] =	stream.indirect.scatter.add.f32 [tilespmem:s19], [sflag:$0x1], $0x1, s15, s18, $0xb8;
	[tilespmem:$0x1590] =	vst v63  }
0x19e: {  	_ =	swait.ge [sflag:s21], $0x50  }
0x19f: {  	[sflag:s21] =	ssyncset.done $0x0  }
0x1a0: {  	s15 =	rddreg [dreg:$0x17];
	[sflag:s21] =	ssyncadd.s32 $0xFFFFFFB0  }
0x1a1: {  	[spmem:s5] =	stream.indirect.scatter.add.f32 [tilespmem:s19], [sflag:$0x6], $0x1, s15, s18, $0xb8;
	[tilespmem:$0x1590] =	vst v63  }
0x1a2: {  	_ =	swait.ge [sflag:s22], $0x50  }
0x1a3: {  	[sflag:s22] =	ssyncset.done $0x0  }
0x1a4: {  	s15 =	rddreg [dreg:$0x18];
	[sflag:s22] =	ssyncadd.s32 $0xFFFFFFB0  }
0x1a5: {  	[spmem:s2] =	stream.indirect.scatter.add.f32 [tilespmem:s19], [sflag:$0x2], $0x1, s15, s18, $0xb8;
	[tilespmem:$0x1590] =	vst v63  }
0x1a6: {  	_ =	swait.ge [sflag:s23], $0x50  }
0x1a7: {  	[sflag:s23] =	ssyncset.done $0x0  }
0x1a8: {  	s15 =	rddreg [dreg:$0x19];
	[sflag:s23] =	ssyncadd.s32 $0xFFFFFFB0  }
0x1a9: {  	[spmem:s5] =	stream.indirect.scatter.add.f32 [tilespmem:s19], [sflag:$0x7], $0x1, s15, s18, $0xb8;
	[tilespmem:$0x1590] =	vst v63  }
0x1aa: {  	_ =	swait.ge [sflag:s24], $0x50  }
0x1ab: {  	[sflag:s24] =	ssyncset.done $0x0  }
0x1ac: {  	s15 =	rddreg [dreg:$0x1a];
	[sflag:s24] =	ssyncadd.s32 $0xFFFFFFB0  }
0x1ad: {  	[spmem:s2] =	stream.indirect.scatter.add.f32 [tilespmem:s19], [sflag:$0x3], $0x1, s15, s18, $0xb8;
	[tilespmem:$0x1590] =	vst v63  }
0x1ae: {  	_ =	swait.ge [sflag:s26], $0x50  }
0x1af: {  	[sflag:s26] =	ssyncset.done $0x0  }
0x1b0: {  	s15 =	rddreg [dreg:$0x1b];
	[sflag:s26] =	ssyncadd.s32 $0xFFFFFFB0  }
0x1b1: {  	[spmem:s5] =	stream.indirect.scatter.add.f32 [tilespmem:s19], [sflag:$0x8], $0x1, s15, s18, $0xb8;
	[tilespmem:$0x1590] =	vst v63  }
0x1b2: {  	_ =	swait.ge [sflag:s28], $0x50  }
0x1b3: {  	[sflag:s28] =	ssyncset.done $0x0  }
0x1b4: {  	s15 =	rddreg [dreg:$0x1c];
	[sflag:s28] =	ssyncadd.s32 $0xFFFFFFB0  }
0x1b5: {  	[spmem:s2] =	stream.indirect.scatter.add.f32 [tilespmem:s19], [sflag:$0x4], $0x1, s15, s18, $0xb8;
	[tilespmem:$0x1590] =	vst v63  }
0x1b6: {  	_ =	swait.ge [sflag:s29], $0x50  }
0x1b7: {  	[sflag:s29] =	ssyncset.done $0x0  }
0x1b8: {  	s15 =	rddreg [dreg:$0x1d];
	[sflag:s29] =	ssyncadd.s32 $0xFFFFFFB0  }
0x1b9: {  	[spmem:s5] =	stream.indirect.scatter.add.f32 [tilespmem:s19], [sflag:$0x9], $0x1, s15, s18, $0xb8;
	[tilespmem:$0x1590] =	vst v63  }
0x1ba: {  	_ =	swait.ge [sflag:s30], $0x50  }
0x1bb: {  	[sflag:s30] =	ssyncset.done $0x0  }
0x1bc: {  	s15 =	rddreg [dreg:$0x1e];
	[sflag:s30] =	ssyncadd.s32 $0xFFFFFFB0  }
0x1bd: {  	[spmem:s2] =	stream.indirect.scatter.add.f32 [tilespmem:s19], [sflag:$0x5], $0x1, s15, s18, $0xb8;
	[tilespmem:$0x1590] =	vst v63  }
0x1be: {  	_ =	swait.ge [sflag:s31], $0x50  }
0x1bf: {  	[sflag:s31] =	ssyncset.done $0x0  }
0x1c0: {  	s15 =	rddreg [dreg:$0x1f];
	[sflag:s31] =	ssyncadd.s32 $0xFFFFFFB0  }
0x1c1: {  	[spmem:s5] =	stream.indirect.scatter.add.f32 [tilespmem:s19], [sflag:$0xA], $0x1, s15, s18, $0xb8;
	[tilespmem:$0x1590] =	vst v63  }
0x1c2: {  	_ =	swait.ge [sflag:s20], $0x50  }
0x1c3: {  	s15 =	sld [smem:$0x7F1]  }
0x1c4: {  	[sflag:s20] =	ssyncset.done $0x0  }
0x1c5: {  	[sflag:s20] =	ssyncadd.s32 $0xFFFFFFB0  }
0x1c6: {  	[spmem:s2] =	stream.indirect.scatter.add.f32 [tilespmem:s19], [sflag:$0x1], $0x1, s15, s18, $0xb8;
	[tilespmem:$0x1590] =	vst v63  }
0x1c7: {  	_ =	swait.ge [sflag:s21], $0x50  }
0x1c8: {  	s15 =	sld [smem:$0x7F4]  }
0x1c9: {  	[sflag:s21] =	ssyncset.done $0x0  }
0x1ca: {  	[sflag:s21] =	ssyncadd.s32 $0xFFFFFFB0  }
0x1cb: {  	[spmem:s5] =	stream.indirect.scatter.add.f32 [tilespmem:s19], [sflag:$0x6], $0x1, s15, s18, $0xb8;
	[tilespmem:$0x1590] =	vst v63  }
0x1cc: {  	_ =	swait.ge [sflag:s22], $0x50  }
0x1cd: {  	s15 =	sld [smem:$0x7F5]  }
0x1ce: {  	[sflag:s22] =	ssyncset.done $0x0  }
0x1cf: {  	[sflag:s22] =	ssyncadd.s32 $0xFFFFFFB0  }
0x1d0: {  	[spmem:s2] =	stream.indirect.scatter.add.f32 [tilespmem:s19], [sflag:$0x2], $0x1, s15, s18, $0xb8;
	[tilespmem:$0x1590] =	vst v63  }
0x1d1: {  	_ =	swait.ge [sflag:s23], $0x50  }
0x1d2: {  	s15 =	sld [smem:$0x7F6]  }
0x1d3: {  	[sflag:s23] =	ssyncset.done $0x0  }
0x1d4: {  	[sflag:s23] =	ssyncadd.s32 $0xFFFFFFB0  }
0x1d5: {  	[spmem:s5] =	stream.indirect.scatter.add.f32 [tilespmem:s19], [sflag:$0x7], $0x1, s15, s18, $0xb8;
	[tilespmem:$0x1590] =	vst v63  }
0x1d6: {  	_ =	swait.ge [sflag:s24], $0x50  }
0x1d7: {  	s15 =	sld [smem:$0x7F7]  }
0x1d8: {  	[sflag:s24] =	ssyncset.done $0x0  }
0x1d9: {  	[sflag:s24] =	ssyncadd.s32 $0xFFFFFFB0  }
0x1da: {  	[spmem:s2] =	stream.indirect.scatter.add.f32 [tilespmem:s19], [sflag:$0x3], $0x1, s15, s18, $0xb8;
	[tilespmem:$0x1590] =	vst v63  }
0x1db: {  	_ =	swait.ge [sflag:s26], $0x50  }
0x1dc: {  	s15 =	sld [smem:$0x7F8]  }
0x1dd: {  	[sflag:s26] =	ssyncset.done $0x0  }
0x1de: {  	[sflag:s26] =	ssyncadd.s32 $0xFFFFFFB0  }
0x1df: {  	[spmem:s5] =	stream.indirect.scatter.add.f32 [tilespmem:s19], [sflag:$0x8], $0x1, s15, s18, $0xb8;
	[tilespmem:$0x1590] =	vst v63  }
0x1e0: {  	_ =	swait.ge [sflag:s28], $0x50  }
0x1e1: {  	s15 =	sld [smem:$0x7F9]  }
0x1e2: {  	[sflag:s28] =	ssyncset.done $0x0  }
0x1e3: {  	[sflag:s28] =	ssyncadd.s32 $0xFFFFFFB0  }
0x1e4: {  	[spmem:s2] =	stream.indirect.scatter.add.f32 [tilespmem:s19], [sflag:$0x4], $0x1, s15, s18, $0xb8;
	[tilespmem:$0x1590] =	vst v63  }
0x1e5: {  	_ =	swait.ge [sflag:s29], $0x50  }
0x1e6: {  	s15 =	sld [smem:$0x7FA]  }
0x1e7: {  	[sflag:s29] =	ssyncset.done $0x0  }
0x1e8: {  	[sflag:s29] =	ssyncadd.s32 $0xFFFFFFB0  }
0x1e9: {  	[spmem:s5] =	stream.indirect.scatter.add.f32 [tilespmem:s19], [sflag:$0x9], $0x1, s15, s18, $0xb8;
	[tilespmem:$0x1590] =	vst v63  }
0x1ea: {  	_ =	swait.ge [sflag:s30], $0x50  }
0x1eb: {  	s15 =	sld [smem:$0x7FB]  }
0x1ec: {  	[sflag:s30] =	ssyncset.done $0x0  }
0x1ed: {  	[sflag:s30] =	ssyncadd.s32 $0xFFFFFFB0  }
0x1ee: {  	[spmem:s2] =	stream.indirect.scatter.add.f32 [tilespmem:s19], [sflag:$0x5], $0x1, s15, s18, $0xb8;
	[tilespmem:$0x1590] =	vst v63  }
0x1ef: {  	_ =	swait.ge [sflag:s31], $0x50  }
0x1f0: {  	s15 =	sld [smem:$0x7FC]  }
0x1f1: {  	[sflag:s31] =	ssyncset.done $0x0  }
0x1f2: {  	[sflag:s31] =	ssyncadd.s32 $0xFFFFFFB0  }
0x1f3: {  	[spmem:s5] =	stream.indirect.scatter.add.f32 [tilespmem:s19], [sflag:$0xA], $0x1, s15, s18, $0xb8;
	[tilespmem:$0x1590] =	vst v63  }
0x1f4: {  	_ =	swait.ge [sflag:s20], $0x50  }
0x1f5: {  	[sflag:s20] =	ssyncset.done $0x0  }
0x1f6: {  	[sflag:s20] =	ssyncadd.s32 $0xFFFFFFB0  }
0x1f7: {  	[spmem:s2] =	stream.indirect.scatter.add.f32 [tilespmem:s19], [sflag:$0x1], $0x1, s1, s18, $0xb8;
	[tilespmem:$0x1590] =	vst v63  }
0x1f8: {  	_ =	swait.ge [sflag:s21], $0x50  }
0x1f9: {  	[sflag:s21] =	ssyncset.done $0x0  }
0x1fa: {  	[sflag:s21] =	ssyncadd.s32 $0xFFFFFFB0  }
0x1fb: {  	[spmem:s5] =	stream.indirect.scatter.add.f32 [tilespmem:s19], [sflag:$0x6], $0x1, s0, s18, $0xb8;
	[tilespmem:$0x1590] =	vst v63  }
0x1fc: {  	_ =	swait.ge [sflag:s22], $0x50  }
0x1fd: {  	[sflag:s22] =	ssyncset.done $0x0  }
0x1fe: {  	[sflag:s22] =	ssyncadd.s32 $0xFFFFFFB0  }
0x1ff: {  	[spmem:s2] =	stream.indirect.scatter.add.f32 [tilespmem:s19], [sflag:$0x2], $0x1, s6, s18, $0xb8;
	[tilespmem:$0x1590] =	vst v63  }
0x200: {  	_ =	swait.ge [sflag:s23], $0x50  }
0x201: {  	[sflag:s23] =	ssyncset.done $0x0  }
0x202: {  	[sflag:s23] =	ssyncadd.s32 $0xFFFFFFB0  }
0x203: {  	[spmem:s5] =	stream.indirect.scatter.add.f32 [tilespmem:s19], [sflag:$0x7], $0x1, s7, s18, $0xb8;
	[tilespmem:$0x1590] =	vst v63  }
0x204: {  	_ =	swait.ge [sflag:s24], $0x50  }
0x205: {  	[sflag:s24] =	ssyncset.done $0x0  }
0x206: {  	[sflag:s24] =	ssyncadd.s32 $0xFFFFFFB0  }
0x207: {  	[spmem:s2] =	stream.indirect.scatter.add.f32 [tilespmem:s19], [sflag:$0x3], $0x1, s8, s18, $0xb8;
	[tilespmem:$0x1590] =	vst v63  }
0x208: {  	_ =	swait.ge [sflag:s26], $0x50  }
0x209: {  	[sflag:s26] =	ssyncset.done $0x0  }
0x20a: {  	[sflag:s26] =	ssyncadd.s32 $0xFFFFFFB0  }
0x20b: {  	[spmem:s5] =	stream.indirect.scatter.add.f32 [tilespmem:s19], [sflag:$0x8], $0x1, s9, s18, $0xb8;
	[tilespmem:$0x1590] =	vst v63  }
0x20c: {  	_ =	swait.ge [sflag:s28], $0x50  }
0x20d: {  	[sflag:s28] =	ssyncset.done $0x0  }
0x20e: {  	[sflag:s28] =	ssyncadd.s32 $0xFFFFFFB0  }
0x20f: {  	[spmem:s2] =	stream.indirect.scatter.add.f32 [tilespmem:s19], [sflag:$0x4], $0x1, s10, s18, $0xb8;
	[tilespmem:$0x1590] =	vst v63  }
0x210: {  	_ =	swait.ge [sflag:s29], $0x50  }
0x211: {  	[sflag:s29] =	ssyncset.done $0x0  }
0x212: {  	[sflag:s29] =	ssyncadd.s32 $0xFFFFFFB0  }
0x213: {  	[spmem:s5] =	stream.indirect.scatter.add.f32 [tilespmem:s19], [sflag:$0x9], $0x1, s11, s18, $0xb8;
	[tilespmem:$0x1590] =	vst v63  }
0x214: {  	_ =	swait.ge [sflag:s30], $0x50  }
0x215: {  	[sflag:s30] =	ssyncset.done $0x0  }
0x216: {  	[sflag:s30] =	ssyncadd.s32 $0xFFFFFFB0  }
0x217: {  	[spmem:s2] =	stream.indirect.scatter.add.f32 [tilespmem:s19], [sflag:$0x5], $0x1, s12, s18, $0xb8;
	[tilespmem:$0x1590] =	vst v63  }
0x218: {  	_ =	swait.ge [sflag:s31], $0x50  }
0x219: {  	[sflag:s31] =	ssyncset.done $0x0  }
0x21a: {  	[sflag:s31] =	ssyncadd.s32 $0xFFFFFFB0  }
0x21b: {  	[spmem:s5] =	stream.indirect.scatter.add.f32 [tilespmem:s19], [sflag:$0xA], $0x1, s13, s18, $0xb8;
	[tilespmem:$0x1590] =	vst v63  }
0x21c: {  	_ =	swait.ge [sflag:s20], $0x50  }
0x21d: {  	[sflag:s20] =	ssyncset.done $0x0  }
0x21e: {  	[sflag:s20] =	ssyncadd.s32 $0xFFFFFFB0  }
0x21f: {  	_ =	swait.ge [sflag:s22], $0x50  }
0x220: {  	[sflag:s22] =	ssyncset.done $0x0  }
0x221: {  	[sflag:s22] =	ssyncadd.s32 $0xFFFFFFB0  }
0x222: {  	_ =	swait.ge [sflag:s24], $0x50  }
0x223: {  	[sflag:s24] =	ssyncset.done $0x0  }
0x224: {  	[sflag:s24] =	ssyncadd.s32 $0xFFFFFFB0  }
0x225: {  	_ =	swait.ge [sflag:s28], $0x50  }
0x226: {  	[sflag:s28] =	ssyncset.done $0x0  }
0x227: {  	[sflag:s28] =	ssyncadd.s32 $0xFFFFFFB0  }
0x228: {  	_ =	swait.ge [sflag:s30], $0x50  }
0x229: {  	[sflag:s30] =	ssyncset.done $0x0  }
0x22a: {  	[sflag:s30] =	ssyncadd.s32 $0xFFFFFFB0  }
0x22b: {  	_ =	swait.ge [sflag:s21], $0x50  }
0x22c: {  	[sflag:s21] =	ssyncset.done $0x0  }
0x22d: {  	[sflag:s21] =	ssyncadd.s32 $0xFFFFFFB0  }
0x22e: {  	_ =	swait.ge [sflag:s23], $0x50  }
0x22f: {  	[sflag:s23] =	ssyncset.done $0x0  }
0x230: {  	[sflag:s23] =	ssyncadd.s32 $0xFFFFFFB0  }
0x231: {  	_ =	swait.ge [sflag:s26], $0x50  }
0x232: {  	[sflag:s26] =	ssyncset.done $0x0  }
0x233: {  	p0 =	sne.s32 s4, $0x3E8;
	[sflag:s26] =	ssyncadd.s32 $0xFFFFFFB0  }
.Ltmp0:
0x234: {  	_ =	swait.ge [sflag:s29], $0x50;
	(pc) =	sbr.rel @p0 .LBB2_2-.Ltmp0, $4  }
0x235: {  	[sflag:s29] =	ssyncset.done $0x0  }
0x236: {  	[sflag:s29] =	ssyncadd.s32 $0xFFFFFFB0  }
0x237: {  	_ =	swait.ge [sflag:s31], $0x50  }
0x238: {  	s4 =	sadd.s32 $0xFA, s4;
	s15 =	rddreg [dreg:$0x4];
	[sflag:s31] =	ssyncset.done $0x0  }
0x239: {  	[sflag:s31] =	ssyncadd.s32 $0xFFFFFFB0;
	s4 =	sadd.s32 s25, s15  }
0x23a: {  	[tilespmem:s3], [sflag:$0xB] =	stream.linear.gather [hbm4b:s4+s3], $0x7D0, $0x38;
	[tilespmem:$0x1590] =	vst v63  }
0x23b: {  	_ =	swait.ge [sflag:s16], $0x7D0  }
0x23c: {  	s14 =	rddreg [dreg:$0x3];
	[sflag:s16] =	ssyncset.done $0x0  }
0x23d: {  	[sflag:s16] =	ssyncadd.s32 $0xFFFFF830;
	s4 =	sadd.s32 s25, s14  }
0x23e: {  	[tilespmem:s17], [sflag:$0xB] =	stream.linear.gather [hbm4b:s4+s3], $0x7D0, $0x38;
	[tilespmem:$0x1590] =	vst v63  }
0x23f: {  	_ =	swait.ge [sflag:s16], $0x7D0  }
0x240: {  	[sflag:s16] =	ssyncset.done $0x0  }
0x241: {  	[sflag:s16] =	ssyncadd.s32 $0xFFFFF830  }
0x242: {  	[spmem:s2] =	stream.indirect.scatter.add.f32 [tilespmem:s19], [sflag:$0x1], $0x1, s3, s18, $0xb8;
	[tilespmem:$0x1590] =	vst v63  }
0x243: {  	_ = 	snop  }
0x244: {  	[spmem:s5] =	stream.indirect.scatter.add.f32 [tilespmem:s19], [sflag:$0x6], $0x1, s17, s18, $0xb8;
	[tilespmem:$0x1590] =	vst v63  }
0x245: {  	_ = 	snop  }
0x246: {  	[spmem:s2] =	stream.indirect.scatter.add.f32 [tilespmem:s19], [sflag:$0x2], $0x1, s18, s18, $0xb8;
	[tilespmem:$0x1590] =	vst v63  }
0x247: {  	s15 =	rddreg [dreg:$0x5]  }
0x248: {  	[spmem:s5] =	stream.indirect.scatter.add.f32 [tilespmem:s19], [sflag:$0x7], $0x1, s15, s18, $0xb8;
	[tilespmem:$0x1590] =	vst v63  }
0x249: {  	s14 =	rddreg [dreg:$0x6]  }
0x24a: {  	[spmem:s2] =	stream.indirect.scatter.add.f32 [tilespmem:s19], [sflag:$0x3], $0x1, s14, s18, $0xb8;
	[tilespmem:$0x1590] =	vst v63  }
0x24b: {  	s25 =	rddreg [dreg:$0x7]  }
0x24c: {  	[spmem:s5] =	stream.indirect.scatter.add.f32 [tilespmem:s19], [sflag:$0x8], $0x1, s25, s18, $0xb8;
	[tilespmem:$0x1590] =	vst v63  }
0x24d: {  	s15 =	rddreg [dreg:$0x8]  }
0x24e: {  	[spmem:s2] =	stream.indirect.scatter.add.f32 [tilespmem:s19], [sflag:$0x4], $0x1, s15, s18, $0xb8;
	[tilespmem:$0x1590] =	vst v63  }
0x24f: {  	s25 =	rddreg [dreg:$0x9]  }
0x250: {  	[spmem:s5] =	stream.indirect.scatter.add.f32 [tilespmem:s19], [sflag:$0x9], $0x1, s25, s18, $0xb8;
	[tilespmem:$0x1590] =	vst v63  }
0x251: {  	s15 =	rddreg [dreg:$0xa]  }
0x252: {  	[spmem:s2] =	stream.indirect.scatter.add.f32 [tilespmem:s19], [sflag:$0x5], $0x1, s15, s18, $0xb8;
	[tilespmem:$0x1590] =	vst v63  }
0x253: {  	s25 =	rddreg [dreg:$0xb]  }
0x254: {  	[spmem:s5] =	stream.indirect.scatter.add.f32 [tilespmem:s19], [sflag:$0xA], $0x1, s25, s18, $0xb8;
	[tilespmem:$0x1590] =	vst v63  }
0x255: {  	_ =	swait.ge [sflag:s20], $0x50  }
0x256: {  	[sflag:s20] =	ssyncset.done $0x0  }
0x257: {  	s14 =	rddreg [dreg:$0xc];
	[sflag:s20] =	ssyncadd.s32 $0xFFFFFFB0  }
0x258: {  	[spmem:s2] =	stream.indirect.scatter.add.f32 [tilespmem:s19], [sflag:$0x1], $0x1, s14, s18, $0xb8;
	[tilespmem:$0x1590] =	vst v63  }
0x259: {  	_ =	swait.ge [sflag:s21], $0x50  }
0x25a: {  	[sflag:s21] =	ssyncset.done $0x0  }
0x25b: {  	s15 =	rddreg [dreg:$0xd];
	[sflag:s21] =	ssyncadd.s32 $0xFFFFFFB0  }
0x25c: {  	[spmem:s5] =	stream.indirect.scatter.add.f32 [tilespmem:s19], [sflag:$0x6], $0x1, s15, s18, $0xb8;
	[tilespmem:$0x1590] =	vst v63  }
0x25d: {  	_ =	swait.ge [sflag:s22], $0x50  }
0x25e: {  	[sflag:s22] =	ssyncset.done $0x0  }
0x25f: {  	s25 =	rddreg [dreg:$0xe];
	[sflag:s22] =	ssyncadd.s32 $0xFFFFFFB0  }
0x260: {  	[spmem:s2] =	stream.indirect.scatter.add.f32 [tilespmem:s19], [sflag:$0x2], $0x1, s25, s18, $0xb8;
	[tilespmem:$0x1590] =	vst v63  }
0x261: {  	_ =	swait.ge [sflag:s23], $0x50  }
0x262: {  	[sflag:s23] =	ssyncset.done $0x0  }
0x263: {  	s14 =	rddreg [dreg:$0xf];
	[sflag:s23] =	ssyncadd.s32 $0xFFFFFFB0  }
0x264: {  	[spmem:s5] =	stream.indirect.scatter.add.f32 [tilespmem:s19], [sflag:$0x7], $0x1, s14, s18, $0xb8;
	[tilespmem:$0x1590] =	vst v63  }
0x265: {  	_ =	swait.ge [sflag:s24], $0x50  }
0x266: {  	[sflag:s24] =	ssyncset.done $0x0  }
0x267: {  	s15 =	rddreg [dreg:$0x10];
	[sflag:s24] =	ssyncadd.s32 $0xFFFFFFB0  }
0x268: {  	[spmem:s2] =	stream.indirect.scatter.add.f32 [tilespmem:s19], [sflag:$0x3], $0x1, s15, s18, $0xb8;
	[tilespmem:$0x1590] =	vst v63  }
0x269: {  	_ =	swait.ge [sflag:s26], $0x50  }
0x26a: {  	[sflag:s26] =	ssyncset.done $0x0  }
0x26b: {  	s25 =	rddreg [dreg:$0x11];
	[sflag:s26] =	ssyncadd.s32 $0xFFFFFFB0  }
0x26c: {  	[spmem:s5] =	stream.indirect.scatter.add.f32 [tilespmem:s19], [sflag:$0x8], $0x1, s25, s18, $0xb8;
	[tilespmem:$0x1590] =	vst v63  }
0x26d: {  	_ =	swait.ge [sflag:s28], $0x50  }
0x26e: {  	[sflag:s28] =	ssyncset.done $0x0  }
0x26f: {  	s14 =	rddreg [dreg:$0x12];
	[sflag:s28] =	ssyncadd.s32 $0xFFFFFFB0  }
0x270: {  	[spmem:s2] =	stream.indirect.scatter.add.f32 [tilespmem:s19], [sflag:$0x4], $0x1, s14, s18, $0xb8;
	[tilespmem:$0x1590] =	vst v63  }
0x271: {  	_ =	swait.ge [sflag:s29], $0x50  }
0x272: {  	[sflag:s29] =	ssyncset.done $0x0  }
0x273: {  	s15 =	rddreg [dreg:$0x13];
	[sflag:s29] =	ssyncadd.s32 $0xFFFFFFB0  }
0x274: {  	[spmem:s5] =	stream.indirect.scatter.add.f32 [tilespmem:s19], [sflag:$0x9], $0x1, s15, s18, $0xb8;
	[tilespmem:$0x1590] =	vst v63  }
0x275: {  	_ =	swait.ge [sflag:s30], $0x50  }
0x276: {  	[sflag:s30] =	ssyncset.done $0x0  }
0x277: {  	s25 =	rddreg [dreg:$0x14];
	[sflag:s30] =	ssyncadd.s32 $0xFFFFFFB0  }
0x278: {  	[spmem:s2] =	stream.indirect.scatter.add.f32 [tilespmem:s19], [sflag:$0x5], $0x1, s25, s18, $0xb8;
	[tilespmem:$0x1590] =	vst v63  }
0x279: {  	_ =	swait.ge [sflag:s31], $0x50  }
0x27a: {  	[sflag:s31] =	ssyncset.done $0x0  }
0x27b: {  	s14 =	rddreg [dreg:$0x15];
	[sflag:s31] =	ssyncadd.s32 $0xFFFFFFB0  }
0x27c: {  	[spmem:s5] =	stream.indirect.scatter.add.f32 [tilespmem:s19], [sflag:$0xA], $0x1, s14, s18, $0xb8;
	[tilespmem:$0x1590] =	vst v63  }
0x27d: {  	_ =	swait.ge [sflag:s20], $0x50  }
0x27e: {  	[sflag:s20] =	ssyncset.done $0x0  }
0x27f: {  	s15 =	rddreg [dreg:$0x16];
	[sflag:s20] =	ssyncadd.s32 $0xFFFFFFB0  }
0x280: {  	[spmem:s2] =	stream.indirect.scatter.add.f32 [tilespmem:s19], [sflag:$0x1], $0x1, s15, s18, $0xb8;
	[tilespmem:$0x1590] =	vst v63  }
0x281: {  	_ =	swait.ge [sflag:s21], $0x50  }
0x282: {  	[sflag:s21] =	ssyncset.done $0x0  }
0x283: {  	s25 =	rddreg [dreg:$0x17];
	[sflag:s21] =	ssyncadd.s32 $0xFFFFFFB0  }
0x284: {  	[spmem:s5] =	stream.indirect.scatter.add.f32 [tilespmem:s19], [sflag:$0x6], $0x1, s25, s18, $0xb8;
	[tilespmem:$0x1590] =	vst v63  }
0x285: {  	_ =	swait.ge [sflag:s22], $0x50  }
0x286: {  	[sflag:s22] =	ssyncset.done $0x0  }
0x287: {  	s14 =	rddreg [dreg:$0x18];
	[sflag:s22] =	ssyncadd.s32 $0xFFFFFFB0  }
0x288: {  	[spmem:s2] =	stream.indirect.scatter.add.f32 [tilespmem:s19], [sflag:$0x2], $0x1, s14, s18, $0xb8;
	[tilespmem:$0x1590] =	vst v63  }
0x289: {  	_ =	swait.ge [sflag:s23], $0x50  }
0x28a: {  	[sflag:s23] =	ssyncset.done $0x0  }
0x28b: {  	s15 =	rddreg [dreg:$0x19];
	[sflag:s23] =	ssyncadd.s32 $0xFFFFFFB0  }
0x28c: {  	[spmem:s5] =	stream.indirect.scatter.add.f32 [tilespmem:s19], [sflag:$0x7], $0x1, s15, s18, $0xb8;
	[tilespmem:$0x1590] =	vst v63  }
0x28d: {  	_ =	swait.ge [sflag:s24], $0x50  }
0x28e: {  	[sflag:s24] =	ssyncset.done $0x0  }
0x28f: {  	s25 =	rddreg [dreg:$0x1a];
	[sflag:s24] =	ssyncadd.s32 $0xFFFFFFB0  }
0x290: {  	[spmem:s2] =	stream.indirect.scatter.add.f32 [tilespmem:s19], [sflag:$0x3], $0x1, s25, s18, $0xb8;
	[tilespmem:$0x1590] =	vst v63  }
0x291: {  	_ =	swait.ge [sflag:s26], $0x50  }
0x292: {  	[sflag:s26] =	ssyncset.done $0x0  }
0x293: {  	s14 =	rddreg [dreg:$0x1b];
	[sflag:s26] =	ssyncadd.s32 $0xFFFFFFB0  }
0x294: {  	[spmem:s5] =	stream.indirect.scatter.add.f32 [tilespmem:s19], [sflag:$0x8], $0x1, s14, s18, $0xb8;
	[tilespmem:$0x1590] =	vst v63  }
0x295: {  	_ =	swait.ge [sflag:s28], $0x50  }
0x296: {  	[sflag:s28] =	ssyncset.done $0x0  }
0x297: {  	s15 =	rddreg [dreg:$0x1c];
	[sflag:s28] =	ssyncadd.s32 $0xFFFFFFB0  }
0x298: {  	[spmem:s2] =	stream.indirect.scatter.add.f32 [tilespmem:s19], [sflag:$0x4], $0x1, s15, s18, $0xb8;
	[tilespmem:$0x1590] =	vst v63  }
0x299: {  	_ =	swait.ge [sflag:s29], $0x50  }
0x29a: {  	[sflag:s29] =	ssyncset.done $0x0  }
0x29b: {  	s25 =	rddreg [dreg:$0x1d];
	[sflag:s29] =	ssyncadd.s32 $0xFFFFFFB0  }
0x29c: {  	[spmem:s5] =	stream.indirect.scatter.add.f32 [tilespmem:s19], [sflag:$0x9], $0x1, s25, s18, $0xb8;
	[tilespmem:$0x1590] =	vst v63  }
0x29d: {  	_ =	swait.ge [sflag:s30], $0x50  }
0x29e: {  	[sflag:s30] =	ssyncset.done $0x0  }
0x29f: {  	s14 =	rddreg [dreg:$0x1e];
	[sflag:s30] =	ssyncadd.s32 $0xFFFFFFB0  }
0x2a0: {  	[spmem:s2] =	stream.indirect.scatter.add.f32 [tilespmem:s19], [sflag:$0x5], $0x1, s14, s18, $0xb8;
	[tilespmem:$0x1590] =	vst v63  }
0x2a1: {  	_ =	swait.ge [sflag:s31], $0x50  }
0x2a2: {  	[sflag:s31] =	ssyncset.done $0x0  }
0x2a3: {  	s15 =	rddreg [dreg:$0x1f];
	[sflag:s31] =	ssyncadd.s32 $0xFFFFFFB0  }
0x2a4: {  	[spmem:s5] =	stream.indirect.scatter.add.f32 [tilespmem:s19], [sflag:$0xA], $0x1, s15, s18, $0xb8;
	[tilespmem:$0x1590] =	vst v63  }
0x2a5: {  	_ =	swait.ge [sflag:s20], $0x50  }
0x2a6: {  	s25 =	sld [smem:$0x7F1]  }
0x2a7: {  	[sflag:s20] =	ssyncset.done $0x0  }
0x2a8: {  	[sflag:s20] =	ssyncadd.s32 $0xFFFFFFB0  }
0x2a9: {  	[spmem:s2] =	stream.indirect.scatter.add.f32 [tilespmem:s19], [sflag:$0x1], $0x1, s25, s18, $0xb8;
	[tilespmem:$0x1590] =	vst v63  }
0x2aa: {  	_ =	swait.ge [sflag:s21], $0x50  }
0x2ab: {  	s14 =	sld [smem:$0x7F4]  }
0x2ac: {  	[sflag:s21] =	ssyncset.done $0x0  }
0x2ad: {  	[sflag:s21] =	ssyncadd.s32 $0xFFFFFFB0  }
0x2ae: {  	[spmem:s5] =	stream.indirect.scatter.add.f32 [tilespmem:s19], [sflag:$0x6], $0x1, s14, s18, $0xb8;
	[tilespmem:$0x1590] =	vst v63  }
0x2af: {  	_ =	swait.ge [sflag:s22], $0x50  }
0x2b0: {  	s15 =	sld [smem:$0x7F5]  }
0x2b1: {  	[sflag:s22] =	ssyncset.done $0x0  }
0x2b2: {  	[sflag:s22] =	ssyncadd.s32 $0xFFFFFFB0  }
0x2b3: {  	[spmem:s2] =	stream.indirect.scatter.add.f32 [tilespmem:s19], [sflag:$0x2], $0x1, s15, s18, $0xb8;
	[tilespmem:$0x1590] =	vst v63  }
0x2b4: {  	_ =	swait.ge [sflag:s23], $0x50  }
0x2b5: {  	s25 =	sld [smem:$0x7F6]  }
0x2b6: {  	[sflag:s23] =	ssyncset.done $0x0  }
0x2b7: {  	[sflag:s23] =	ssyncadd.s32 $0xFFFFFFB0  }
0x2b8: {  	[spmem:s5] =	stream.indirect.scatter.add.f32 [tilespmem:s19], [sflag:$0x7], $0x1, s25, s18, $0xb8;
	[tilespmem:$0x1590] =	vst v63  }
0x2b9: {  	_ =	swait.ge [sflag:s24], $0x50  }
0x2ba: {  	s14 =	sld [smem:$0x7F7]  }
0x2bb: {  	[sflag:s24] =	ssyncset.done $0x0  }
0x2bc: {  	[sflag:s24] =	ssyncadd.s32 $0xFFFFFFB0  }
0x2bd: {  	[spmem:s2] =	stream.indirect.scatter.add.f32 [tilespmem:s19], [sflag:$0x3], $0x1, s14, s18, $0xb8;
	[tilespmem:$0x1590] =	vst v63  }
0x2be: {  	_ =	swait.ge [sflag:s26], $0x50  }
0x2bf: {  	s15 =	sld [smem:$0x7F8]  }
0x2c0: {  	[sflag:s26] =	ssyncset.done $0x0  }
0x2c1: {  	[sflag:s26] =	ssyncadd.s32 $0xFFFFFFB0  }
0x2c2: {  	[spmem:s5] =	stream.indirect.scatter.add.f32 [tilespmem:s19], [sflag:$0x8], $0x1, s15, s18, $0xb8;
	[tilespmem:$0x1590] =	vst v63  }
0x2c3: {  	_ =	swait.ge [sflag:s28], $0x50  }
0x2c4: {  	s25 =	sld [smem:$0x7F9]  }
0x2c5: {  	[sflag:s28] =	ssyncset.done $0x0  }
0x2c6: {  	[sflag:s28] =	ssyncadd.s32 $0xFFFFFFB0  }
0x2c7: {  	[spmem:s2] =	stream.indirect.scatter.add.f32 [tilespmem:s19], [sflag:$0x4], $0x1, s25, s18, $0xb8;
	[tilespmem:$0x1590] =	vst v63  }
0x2c8: {  	_ =	swait.ge [sflag:s29], $0x50  }
0x2c9: {  	s14 =	sld [smem:$0x7FA]  }
0x2ca: {  	[sflag:s29] =	ssyncset.done $0x0  }
0x2cb: {  	[sflag:s29] =	ssyncadd.s32 $0xFFFFFFB0  }
0x2cc: {  	[spmem:s5] =	stream.indirect.scatter.add.f32 [tilespmem:s19], [sflag:$0x9], $0x1, s14, s18, $0xb8;
	[tilespmem:$0x1590] =	vst v63  }
0x2cd: {  	_ =	swait.ge [sflag:s30], $0x50  }
0x2ce: {  	s15 =	sld [smem:$0x7FB]  }
0x2cf: {  	[sflag:s30] =	ssyncset.done $0x0  }
0x2d0: {  	[sflag:s30] =	ssyncadd.s32 $0xFFFFFFB0  }
0x2d1: {  	[spmem:s2] =	stream.indirect.scatter.add.f32 [tilespmem:s19], [sflag:$0x5], $0x1, s15, s18, $0xb8;
	[tilespmem:$0x1590] =	vst v63  }
0x2d2: {  	_ =	swait.ge [sflag:s31], $0x50  }
0x2d3: {  	s25 =	sld [smem:$0x7FC]  }
0x2d4: {  	[sflag:s31] =	ssyncset.done $0x0  }
0x2d5: {  	[sflag:s31] =	ssyncadd.s32 $0xFFFFFFB0  }
0x2d6: {  	[spmem:s5] =	stream.indirect.scatter.add.f32 [tilespmem:s19], [sflag:$0xA], $0x1, s25, s18, $0xb8;
	[tilespmem:$0x1590] =	vst v63  }
0x2d7: {  	_ =	swait.ge [sflag:s20], $0x50  }
0x2d8: {  	[sflag:s20] =	ssyncset.done $0x0  }
0x2d9: {  	[sflag:s20] =	ssyncadd.s32 $0xFFFFFFB0  }
0x2da: {  	[spmem:s2] =	stream.indirect.scatter.add.f32 [tilespmem:s19], [sflag:$0x1], $0x1, s1, s18, $0xb8;
	[tilespmem:$0x1590] =	vst v63  }
0x2db: {  	_ =	swait.ge [sflag:s21], $0x50  }
0x2dc: {  	[sflag:s21] =	ssyncset.done $0x0  }
0x2dd: {  	[sflag:s21] =	ssyncadd.s32 $0xFFFFFFB0  }
0x2de: {  	[spmem:s5] =	stream.indirect.scatter.add.f32 [tilespmem:s19], [sflag:$0x6], $0x1, s0, s18, $0xb8;
	[tilespmem:$0x1590] =	vst v63  }
0x2df: {  	_ =	swait.ge [sflag:s22], $0x50  }
0x2e0: {  	[sflag:s22] =	ssyncset.done $0x0  }
0x2e1: {  	[sflag:s22] =	ssyncadd.s32 $0xFFFFFFB0  }
0x2e2: {  	[spmem:s2] =	stream.indirect.scatter.add.f32 [tilespmem:s19], [sflag:$0x2], $0x1, s6, s18, $0xb8;
	[tilespmem:$0x1590] =	vst v63  }
0x2e3: {  	_ =	swait.ge [sflag:s23], $0x50  }
0x2e4: {  	[sflag:s23] =	ssyncset.done $0x0  }
0x2e5: {  	[sflag:s23] =	ssyncadd.s32 $0xFFFFFFB0  }
0x2e6: {  	[spmem:s5] =	stream.indirect.scatter.add.f32 [tilespmem:s19], [sflag:$0x7], $0x1, s7, s18, $0xb8;
	[tilespmem:$0x1590] =	vst v63  }
0x2e7: {  	_ =	swait.ge [sflag:s24], $0x50  }
0x2e8: {  	[sflag:s24] =	ssyncset.done $0x0  }
0x2e9: {  	[sflag:s24] =	ssyncadd.s32 $0xFFFFFFB0  }
0x2ea: {  	[spmem:s2] =	stream.indirect.scatter.add.f32 [tilespmem:s19], [sflag:$0x3], $0x1, s8, s18, $0xb8;
	[tilespmem:$0x1590] =	vst v63  }
0x2eb: {  	_ =	swait.ge [sflag:s26], $0x50  }
0x2ec: {  	[sflag:s26] =	ssyncset.done $0x0  }
0x2ed: {  	[sflag:s26] =	ssyncadd.s32 $0xFFFFFFB0  }
0x2ee: {  	[spmem:s5] =	stream.indirect.scatter.add.f32 [tilespmem:s19], [sflag:$0x8], $0x1, s9, s18, $0xb8;
	[tilespmem:$0x1590] =	vst v63  }
0x2ef: {  	_ =	swait.ge [sflag:s28], $0x50  }
0x2f0: {  	[sflag:s28] =	ssyncset.done $0x0  }
0x2f1: {  	[sflag:s28] =	ssyncadd.s32 $0xFFFFFFB0  }
0x2f2: {  	[spmem:s2] =	stream.indirect.scatter.add.f32 [tilespmem:s19], [sflag:$0x4], $0x1, s10, s18, $0xb8;
	[tilespmem:$0x1590] =	vst v63  }
0x2f3: {  	_ =	swait.ge [sflag:s29], $0x50  }
0x2f4: {  	[sflag:s29] =	ssyncset.done $0x0  }
0x2f5: {  	[sflag:s29] =	ssyncadd.s32 $0xFFFFFFB0  }
0x2f6: {  	[spmem:s5] =	stream.indirect.scatter.add.f32 [tilespmem:s19], [sflag:$0x9], $0x1, s11, s18, $0xb8;
	[tilespmem:$0x1590] =	vst v63  }
0x2f7: {  	_ =	swait.ge [sflag:s30], $0x50  }
0x2f8: {  	[sflag:s30] =	ssyncset.done $0x0  }
0x2f9: {  	[sflag:s30] =	ssyncadd.s32 $0xFFFFFFB0  }
0x2fa: {  	[spmem:s2] =	stream.indirect.scatter.add.f32 [tilespmem:s19], [sflag:$0x5], $0x1, s12, s18, $0xb8;
	[tilespmem:$0x1590] =	vst v63  }
0x2fb: {  	_ =	swait.ge [sflag:s31], $0x50  }
0x2fc: {  	[sflag:s31] =	ssyncset.done $0x0  }
0x2fd: {  	[sflag:s31] =	ssyncadd.s32 $0xFFFFFFB0  }
0x2fe: {  	[spmem:s5] =	stream.indirect.scatter.add.f32 [tilespmem:s19], [sflag:$0xA], $0x1, s13, s18, $0xb8;
	[tilespmem:$0x1590] =	vst v63  }
0x2ff: {  	_ =	swait.ge [sflag:s20], $0x50  }
0x300: {  	[sflag:s20] =	ssyncset.done $0x0  }
0x301: {  	[sflag:s20] =	ssyncadd.s32 $0xFFFFFFB0  }
0x302: {  	_ =	swait.ge [sflag:s22], $0x50  }
0x303: {  	[sflag:s22] =	ssyncset.done $0x0  }
0x304: {  	[sflag:s22] =	ssyncadd.s32 $0xFFFFFFB0  }
0x305: {  	_ =	swait.ge [sflag:s24], $0x50  }
0x306: {  	[sflag:s24] =	ssyncset.done $0x0  }
0x307: {  	[sflag:s24] =	ssyncadd.s32 $0xFFFFFFB0  }
0x308: {  	_ =	swait.ge [sflag:s28], $0x50  }
0x309: {  	[sflag:s28] =	ssyncset.done $0x0  }
0x30a: {  	[sflag:s28] =	ssyncadd.s32 $0xFFFFFFB0  }
0x30b: {  	_ =	swait.ge [sflag:s30], $0x50  }
0x30c: {  	[sflag:s30] =	ssyncset.done $0x0  }
0x30d: {  	[sflag:s30] =	ssyncadd.s32 $0xFFFFFFB0  }
0x30e: {  	_ =	swait.ge [sflag:s21], $0x50  }
0x30f: {  	[sflag:s21] =	ssyncset.done $0x0  }
0x310: {  	[sflag:s21] =	ssyncadd.s32 $0xFFFFFFB0  }
0x311: {  	_ =	swait.ge [sflag:s23], $0x50  }
0x312: {  	[sflag:s23] =	ssyncset.done $0x0  }
0x313: {  	[sflag:s23] =	ssyncadd.s32 $0xFFFFFFB0  }
0x314: {  	_ =	swait.ge [sflag:s26], $0x50  }
0x315: {  	[sflag:s26] =	ssyncset.done $0x0  }
0x316: {  	[sflag:s26] =	ssyncadd.s32 $0xFFFFFFB0  }
0x317: {  	_ =	swait.ge [sflag:s29], $0x50  }
0x318: {  	[sflag:s29] =	ssyncset.done $0x0  }
0x319: {  	[sflag:s29] =	ssyncadd.s32 $0xFFFFFFB0  }
0x31a: {  	_ =	swait.ge [sflag:s31], $0x50  }
0x31b: {  	[sflag:s31] =	ssyncset.done $0x0  }
0x31c: {  	[sflag:s31] =	ssyncadd.s32 $0xFFFFFFB0  }
0x31d: {  	[bflag:$0x0] =	sbarrier.arrive $0xFFFF  }
0x31e: {  	s15 =	sld [smem:$0x7E9]  }
0x31f: {  	s14 =	stileid.u32;
	s25 =	sld [smem:$0x7FD]  }
0x320: {  	s4 =	sshll.u32 s14, $0x6  }
0x321: {  	s4 =	sor.u32 $0x1C0B, s4  }
0x322: {  	[hbm:s15], [sflag:s4] =	dma.local [spmem:s25], $0xA0  }
0x323: {  	_ =	swait.ge [sflag:s16], $0xA0  }
0x324: {  	s15 =	sld [smem:$0x7E8]  }
0x325: {  	s25 =	sld [smem:$0x7EA];
	_ =	sdelay $0x1  }
0x326: {  	s14 =	sadd.s32 $0x1, s15  }
0x327: {  	p0 =	sne.s32 s14, s25  }
.Ltmp1:
0x328: {  	_ = 	snop;
	(pc) =	sbr.rel @p0 .LBB2_1-.Ltmp1, $3  }
0x329: {  	_ =	sdelay $0x1  }
0x32a: {  	[sflag:s16] =	ssyncset.done $0x0  }
0x32b: {  	[sflag:s16] =	ssyncadd.s32 $0xFFFFFF60  }
0x32c: {  	_ =	sfence.sel $0x180000  }
0x32d: {  	[bflag:$0x0] =	sbarrier.arrive $0xFFFF  }
0x32e: {  	_ =	strace $0x90000047  }
0x32f: {  	s0 =	stileid.u32;
	[bflag:$0x2] =	sbarrier.arrive $0xFFFF  }
0x330: {  	p0 =	sne.s32 s0, $0x0;
	s0 =	rddreg [dreg:$0x2]  }
0x331: {  	s0 =	sadd.s32 @!p0 $0x100000, s0  }
0x332: {  	[sflag:s0] =	ssyncadd.tile.s32 @!p0 $0x1;
	_ =	shalt  }
.Lfunc_end2:
_tile_overlayer_lowered:
.L_overlay_start_2:
0x333: {  	(tag) =	ssettag $0x2  }
0x334: {  	s0 =	rddreg [dreg:$0x0];
	s2 =	stileid.u32  }
0x335: {  	s1 =	rddreg [dreg:$0x1];
	p0 =	sne.s32 s2, $0x0  }
0x336: {  	s3 =	rddreg [dreg:$0x2];
	[bflag:$0x3] =	sbarrier.arrive $0xFFFF;
	s2 =	simm.s32 @!p0 $0x1C0B  }
0x337: {  	[timem:s3], [sflag:s2] =	dma.local @!p0 [hbm:s0], s1  }
0x338: {  	s0 =	simm.s32 @!p0 $0xB  }
0x339: {  	_ =	swait.ge @!p0 [sflag:s0], s1  }
0x33a: {  	s1 =	ssub.s32 @!p0 $0x0, s1;
	[sflag:s0] =	ssyncset.done @!p0 $0x0  }
0x33b: {  	[sflag:s0] =	ssyncadd.s32 @!p0 s1  }
0x33c: {  	[bflag:$0x3] =	sbarrier.arrive $0xFFFF  }
0x33d: {  	_ =	shalt  }

</sc_bundles>
